<compile_context>
chip_gen: v7x
topology: tpu7x:2x2x1
jax: 0.10.2.dev20260603
libtpu: 0.0.44.dev20260713+nightly
codegen_flags: <defaults>
</compile_context>

<pallas_src>
import jax
import jax.numpy as jnp
from jax import lax
from jax.experimental import pallas as pl
from jax.experimental.pallas import tpu as pltpu
from jax.experimental.pallas import tpu_sc as plsc
from jax.experimental import layout as _layout

EMBED = 32
BATCH = 16384
NW = 32
PER_W = BATCH // NW
HALF = PER_W // 2
CHUNK = 128
ROW = 128
TBLK = 32768
QB = TBLK // 4
SH_T = TBLK.bit_length() - 1
SH_Q = QB.bit_length() - 1


def _mf_body(user_h, item_p_h, item_n_h, users_q, items_q, out_p_h, out_n_h,
             idx_u, idx_p, idx_n, qid_u, qid_p, qid_n,
             rows_u, rows_p, rows_n, out_p_v, out_n_v, sem):
    wid = lax.axis_index("s") * 2 + lax.axis_index("c")
    base = wid * PER_W
    lane = lax.iota(jnp.int32, 16)

    for half in range(2):
        hbase = base + half * HALF

        cps = [
            pltpu.make_async_copy(user_h.at[pl.ds(hbase, HALF)], idx_u, sem),
            pltpu.make_async_copy(item_p_h.at[pl.ds(hbase, HALF)], idx_p, sem),
            pltpu.make_async_copy(item_n_h.at[pl.ds(hbase, HALF)], idx_n, sem),
        ]
        for c in cps:
            c.start()
        for c in cps:
            c.wait()

        for src, dst in ((idx_u, qid_u), (idx_p, qid_p), (idx_n, qid_n)):
            for c in range(HALF // 16):
                sl = pl.ds(c * 16, 16)
                v = src[sl]
                dst[sl] = lax.shift_left(lax.shift_right_logical(v, SH_T), SH_Q) \
                    | (v & (QB - 1))

        gathers = []
        for j in range(HALF // CHUNK):
            sl = pl.ds(j * CHUNK, CHUNK)
            gathers.append(pltpu.make_async_copy(
                users_q.at[qid_u.at[sl]], rows_u.at[sl], sem))
            gathers.append(pltpu.make_async_copy(
                items_q.at[qid_p.at[sl]], rows_p.at[sl], sem))
            gathers.append(pltpu.make_async_copy(
                items_q.at[qid_n.at[sl]], rows_n.at[sl], sem))
        for g in gathers:
            g.start()
        for g in gathers:
            g.wait()

        def chunk_body(c, carry):
            sl = pl.ds(c * 16, 16)
            row = c * 16 + lane
            ph_u = lax.shift_left(lax.shift_right_logical(idx_u[sl], SH_Q) & 3, 5)
            ph_p = lax.shift_left(lax.shift_right_logical(idx_p[sl], SH_Q) & 3, 5)
            ph_n = lax.shift_left(lax.shift_right_logical(idx_n[sl], SH_Q) & 3, 5)
            acc_p = jnp.zeros((16,), jnp.float32)
            acc_n = jnp.zeros((16,), jnp.float32)
            for d in range(EMBED):
                rot = (lane + d) & (EMBED - 1)
                u = plsc.load_gather(rows_u, [row, ph_u + rot])
                p = plsc.load_gather(rows_p, [row, ph_p + rot])
                n = plsc.load_gather(rows_n, [row, ph_n + rot])
                acc_p = acc_p + u * p
                acc_n = acc_n + u * n
            out_sl = pl.ds(half * HALF + c * 16, 16)
            out_p_v[out_sl] = acc_p
            out_n_v[out_sl] = acc_n
            return carry

        lax.fori_loop(0, HALF // 16, chunk_body, 0)

    pltpu.sync_copy(out_p_v, out_p_h.at[pl.ds(base, PER_W)])
    pltpu.sync_copy(out_n_v, out_n_h.at[pl.ds(base, PER_W)])


@jax.jit
def _mf(user, item_p, item_n, users_q, items_q):
    mesh = plsc.VectorSubcoreMesh(core_axis_name="c", subcore_axis_name="s")
    f = pl.kernel(
        _mf_body,
        mesh=mesh,
        compiler_params=pltpu.CompilerParams(use_tc_tiling_on_sc=False,
                                             needs_layout_passes=False),
        out_type=(
            jax.ShapeDtypeStruct((BATCH,), jnp.float32),
            jax.ShapeDtypeStruct((BATCH,), jnp.float32),
        ),
        scratch_types=[
            pltpu.VMEM((HALF,), jnp.int32),
            pltpu.VMEM((HALF,), jnp.int32),
            pltpu.VMEM((HALF,), jnp.int32),
            pltpu.VMEM((HALF,), jnp.int32),
            pltpu.VMEM((HALF,), jnp.int32),
            pltpu.VMEM((HALF,), jnp.int32),
            pltpu.VMEM((HALF, ROW), jnp.float32),
            pltpu.VMEM((HALF, ROW), jnp.float32),
            pltpu.VMEM((HALF, ROW), jnp.float32),
            pltpu.VMEM((PER_W,), jnp.float32),
            pltpu.VMEM((PER_W,), jnp.float32),
            pltpu.SemaphoreType.DMA,
        ],
    )
    return f(user, item_p, item_n, users_q, items_q)


def _tp_body(u_ref, i_ref, uo_ref, io_ref):
    u = u_ref[...]
    i = i_ref[...]
    uo_ref[...] = jnp.concatenate(
        [u[:, QB * k:QB * (k + 1)] for k in range(4)], axis=0).T
    io_ref[...] = jnp.concatenate(
        [i[:, QB * k:QB * (k + 1)] for k in range(4)], axis=0).T


def _relayout(users_t, items_t):
    n = users_t.shape[1]
    nb = pl.cdiv(n, TBLK)
    out = jax.ShapeDtypeStruct((nb * QB, ROW), jnp.float32)
    return pl.pallas_call(
        _tp_body,
        grid=(nb,),
        in_specs=[pl.BlockSpec((EMBED, TBLK), lambda i: (0, i)),
                  pl.BlockSpec((EMBED, TBLK), lambda i: (0, i))],
        out_specs=[pl.BlockSpec((QB, ROW), lambda i: (i, 0)),
                   pl.BlockSpec((QB, ROW), lambda i: (i, 0))],
        out_shape=(out, out),
    )(users_t, items_t)


def _native_view(table):
    lay = _layout.Layout(major_to_minor=(0, 1), tiling=((8, 128),))
    return _layout.with_layout_constraint(table, lay).T


def kernel(user, item_p, item_n, users_table, items_table):
    users_q, items_q = _relayout(_native_view(users_table),
                                 _native_view(items_table))
    return _mf(user.astype(jnp.int32), item_p.astype(jnp.int32),
               item_n.astype(jnp.int32), users_q, items_q)

# --- scband reference (transcript-rebuilt; emitter-appended) ---
"""Pipeline reference for scband-mf-18459769438430 (READ-ONLY COPY).

The authoritative reference and input builder live on the scoring server;
editing this copy changes nothing except your own understanding.
"""

import jax, jax.numpy as jnp
import numpy as np
import math

NUM_USERS = 1000000
NUM_ITEMS = 1000000
EMBED = 32
BATCH = 16384


def setup_inputs(seed: int = 0) -> dict:
    key = jax.random.key(seed)
    k_u, k_i, k_user, k_p, k_n = jax.random.split(key, 5)
    stdv = 1.0 / math.sqrt(EMBED)
    users_table = jax.random.uniform(k_u, (NUM_USERS, EMBED), dtype=jnp.float32, minval=-stdv, maxval=stdv)
    items_table = jax.random.uniform(k_i, (NUM_ITEMS, EMBED), dtype=jnp.float32, minval=-stdv, maxval=stdv)
    user = jax.random.randint(k_user, (BATCH,), 0, NUM_USERS, dtype=jnp.int64 if jax.config.jax_enable_x64 else jnp.int32)
    item_p = jax.random.randint(k_p, (BATCH,), 0, NUM_ITEMS, dtype=user.dtype)
    item_n = jax.random.randint(k_n, (BATCH,), 0, NUM_ITEMS, dtype=user.dtype)
    return {"user": user, "item_p": item_p, "item_n": item_n, "users_table": users_table, "items_table": items_table}


def reference(user, item_p, item_n, users_table, items_table):
    u = jnp.take(users_table, user, axis=0)
    ip = jnp.take(items_table, item_p, axis=0)
    inn = jnp.take(items_table, item_n, axis=0)
    p_score = jnp.sum(u * ip, axis=1)
    n_score = jnp.sum(u * inn, axis=1)
    return (p_score, n_score)

if __name__ == "__main__":
    import jax
    _d = setup_inputs()
    print(jax.jit(kernel)(*tuple(_d.values())))

</pallas_src>

<mosaic_0001>
#map = affine_map<(d0, d1) -> (0)>
#map1 = affine_map<(d0, d1) -> (0, 0)>
module attributes {stable_mosaic.version = 14 : i64} {
  func.func @_mf_body(%arg0: i32, %arg1: i32, %arg2: memref<16384xi32, #tpu.memory_space<hbm>>, %arg3: memref<16384xi32, #tpu.memory_space<hbm>>, %arg4: memref<16384xi32, #tpu.memory_space<hbm>>, %arg5: memref<253952x128xf32, #tpu.memory_space<hbm>>, %arg6: memref<253952x128xf32, #tpu.memory_space<hbm>>, %arg7: memref<16384xf32, #tpu.memory_space<hbm>>, %arg8: memref<16384xf32, #tpu.memory_space<hbm>>, %arg9: memref<256xi32, #tpu.memory_space<vmem>>, %arg10: memref<256xi32, #tpu.memory_space<vmem>>, %arg11: memref<256xi32, #tpu.memory_space<vmem>>, %arg12: memref<256xi32, #tpu.memory_space<vmem>>, %arg13: memref<256xi32, #tpu.memory_space<vmem>>, %arg14: memref<256xi32, #tpu.memory_space<vmem>>, %arg15: memref<256x128xf32, #tpu.memory_space<vmem>>, %arg16: memref<256x128xf32, #tpu.memory_space<vmem>>, %arg17: memref<256x128xf32, #tpu.memory_space<vmem>>, %arg18: memref<512xf32, #tpu.memory_space<vmem>>, %arg19: memref<512xf32, #tpu.memory_space<vmem>>, %arg20: memref<!tpu.dma_semaphore, #tpu.memory_space<semaphore_mem>>) attributes {dimension_semantics = [#tpu.dimension_semantics<core_parallel>, #tpu.dimension_semantics<subcore_parallel>], iteration_bounds = array<i64: 2, 16>, scalar_prefetch = 0 : i64, scratch_operands = 12 : i64, tpu.core_type = #tpu.core_type<sc_vector_subcore>, window_params = [{transform_indices = #map}, {transform_indices = #map}, {transform_indices = #map}, {transform_indices = #map1}, {transform_indices = #map1}, {transform_indices = #map}, {transform_indices = #map}]} {
    %mul3A = arith.constant 2 : i32
    %mul3A_0 = arith.muli %arg1, %mul3A : i32
    %add3A = arith.addi %mul3A_0, %arg0 : i32
    %mul3A_1 = arith.constant 512 : i32
    %mul3A_2 = arith.muli %add3A, %mul3A_1 : i32
    %iota3A = tpu.iota {dimensions = array<i32: 0>} : vector<16xi32>
    %add3A_3 = arith.constant 0 : i32
    %add3A_4 = arith.addi %mul3A_2, %add3A_3 : i32
    %dma_start3A = tpu.memref_slice %arg2[%add3A_4] : memref<16384xi32, #tpu.memory_space<hbm>> -> memref<256xi32, #tpu.memory_space<hbm>>
    %dma_start3A_5 = tpu.memref_slice %arg2[%add3A_4] : memref<16384xi32, #tpu.memory_space<hbm>> -> memref<256xi32, #tpu.memory_space<hbm>>
    tpu.enqueue_dma source(%dma_start3A_5 : memref<256xi32, #tpu.memory_space<hbm>>) target(%arg9 : memref<256xi32, #tpu.memory_space<vmem>>) target_semaphore(%arg20 : memref<!tpu.dma_semaphore, #tpu.memory_space<semaphore_mem>>)
    %dma_start3A_6 = tpu.memref_slice %arg3[%add3A_4] : memref<16384xi32, #tpu.memory_space<hbm>> -> memref<256xi32, #tpu.memory_space<hbm>>
    %dma_start3A_7 = tpu.memref_slice %arg3[%add3A_4] : memref<16384xi32, #tpu.memory_space<hbm>> -> memref<256xi32, #tpu.memory_space<hbm>>
    tpu.enqueue_dma source(%dma_start3A_7 : memref<256xi32, #tpu.memory_space<hbm>>) target(%arg10 : memref<256xi32, #tpu.memory_space<vmem>>) target_semaphore(%arg20 : memref<!tpu.dma_semaphore, #tpu.memory_space<semaphore_mem>>)
    %dma_start3A_8 = tpu.memref_slice %arg4[%add3A_4] : memref<16384xi32, #tpu.memory_space<hbm>> -> memref<256xi32, #tpu.memory_space<hbm>>
    %dma_start3A_9 = tpu.memref_slice %arg4[%add3A_4] : memref<16384xi32, #tpu.memory_space<hbm>> -> memref<256xi32, #tpu.memory_space<hbm>>
    tpu.enqueue_dma source(%dma_start3A_9 : memref<256xi32, #tpu.memory_space<hbm>>) target(%arg11 : memref<256xi32, #tpu.memory_space<vmem>>) target_semaphore(%arg20 : memref<!tpu.dma_semaphore, #tpu.memory_space<semaphore_mem>>)
    %dma_wait3A = tpu.memref_slice %arg2[%add3A_4] : memref<16384xi32, #tpu.memory_space<hbm>> -> memref<256xi32, #tpu.memory_space<hbm>>
    %dma_wait3A_10 = tpu.memref_slice %arg2[%add3A_4] : memref<16384xi32, #tpu.memory_space<hbm>> -> memref<256xi32, #tpu.memory_space<hbm>>
    tpu.wait_dma2 semaphore(%arg20 : memref<!tpu.dma_semaphore, #tpu.memory_space<semaphore_mem>>) src(%dma_wait3A_10 : memref<256xi32, #tpu.memory_space<hbm>>) dst(%arg9 : memref<256xi32, #tpu.memory_space<vmem>>)
    %dma_wait3A_11 = tpu.memref_slice %arg3[%add3A_4] : memref<16384xi32, #tpu.memory_space<hbm>> -> memref<256xi32, #tpu.memory_space<hbm>>
    %dma_wait3A_12 = tpu.memref_slice %arg3[%add3A_4] : memref<16384xi32, #tpu.memory_space<hbm>> -> memref<256xi32, #tpu.memory_space<hbm>>
    tpu.wait_dma2 semaphore(%arg20 : memref<!tpu.dma_semaphore, #tpu.memory_space<semaphore_mem>>) src(%dma_wait3A_12 : memref<256xi32, #tpu.memory_space<hbm>>) dst(%arg10 : memref<256xi32, #tpu.memory_space<vmem>>)
    %dma_wait3A_13 = tpu.memref_slice %arg4[%add3A_4] : memref<16384xi32, #tpu.memory_space<hbm>> -> memref<256xi32, #tpu.memory_space<hbm>>
    %dma_wait3A_14 = tpu.memref_slice %arg4[%add3A_4] : memref<16384xi32, #tpu.memory_space<hbm>> -> memref<256xi32, #tpu.memory_space<hbm>>
    tpu.wait_dma2 semaphore(%arg20 : memref<!tpu.dma_semaphore, #tpu.memory_space<semaphore_mem>>) src(%dma_wait3A_14 : memref<256xi32, #tpu.memory_space<hbm>>) dst(%arg11 : memref<256xi32, #tpu.memory_space<vmem>>)
    %get3A = arith.constant 0 : index
    %get3A_15 = tpu.vector_load %arg9[%get3A] {strides = array<i32>} : memref<256xi32, #tpu.memory_space<vmem>>, vector<16xi32>,
    %shift_right_logical3A = arith.constant 15 : i32
    %shift_right_logical3A_16 = vector.broadcast %shift_right_logical3A : i32 to vector<16xi32>
    %shift_right_logical3A_17 = arith.shrui %get3A_15, %shift_right_logical3A_16 : vector<16xi32>
    %shift_left3A = arith.constant 13 : i32
    %shift_left3A_18 = vector.broadcast %shift_left3A : i32 to vector<16xi32>
    %shift_left3A_19 = arith.shli %shift_right_logical3A_17, %shift_left3A_18 : vector<16xi32>
    %and3A = arith.constant 8191 : i32
    %and3A_20 = vector.broadcast %and3A : i32 to vector<16xi32>
    %and3A_21 = arith.andi %get3A_15, %and3A_20 : vector<16xi32>
    %or3A = arith.ori %shift_left3A_19, %and3A_21 : vector<16xi32>
    %swap3A = arith.constant 0 : index
    %swap3A_22 = tpu.vector_load %arg12[%swap3A] {strides = array<i32>} : memref<256xi32, #tpu.memory_space<vmem>>, vector<16xi32>,
    tpu.vector_store %arg12[%swap3A], %or3A {strides = array<i32>} : memref<256xi32, #tpu.memory_space<vmem>>, vector<16xi32>,
    %get3A_23 = arith.constant 16 : index
    %get3A_24 = tpu.vector_load %arg9[%get3A_23] {strides = array<i32>} : memref<256xi32, #tpu.memory_space<vmem>>, vector<16xi32>,
    %shift_right_logical3A_25 = arith.constant 15 : i32
    %shift_right_logical3A_26 = vector.broadcast %shift_right_logical3A_25 : i32 to vector<16xi32>
    %shift_right_logical3A_27 = arith.shrui %get3A_24, %shift_right_logical3A_26 : vector<16xi32>
    %shift_left3A_28 = arith.constant 13 : i32
    %shift_left3A_29 = vector.broadcast %shift_left3A_28 : i32 to vector<16xi32>
    %shift_left3A_30 = arith.shli %shift_right_logical3A_27, %shift_left3A_29 : vector<16xi32>
    %and3A_31 = arith.constant 8191 : i32
    %and3A_32 = vector.broadcast %and3A_31 : i32 to vector<16xi32>
    %and3A_33 = arith.andi %get3A_24, %and3A_32 : vector<16xi32>
    %or3A_34 = arith.ori %shift_left3A_30, %and3A_33 : vector<16xi32>
    %swap3A_35 = arith.constant 16 : index
    %swap3A_36 = tpu.vector_load %arg12[%swap3A_35] {strides = array<i32>} : memref<256xi32, #tpu.memory_space<vmem>>, vector<16xi32>,
    tpu.vector_store %arg12[%swap3A_35], %or3A_34 {strides = array<i32>} : memref<256xi32, #tpu.memory_space<vmem>>, vector<16xi32>,
    %get3A_37 = arith.constant 32 : index
    %get3A_38 = tpu.vector_load %arg9[%get3A_37] {strides = array<i32>} : memref<256xi32, #tpu.memory_space<vmem>>, vector<16xi32>,
    %shift_right_logical3A_39 = arith.constant 15 : i32
    %shift_right_logical3A_40 = vector.broadcast %shift_right_logical3A_39 : i32 to vector<16xi32>
    %shift_right_logical3A_41 = arith.shrui %get3A_38, %shift_right_logical3A_40 : vector<16xi32>
    %shift_left3A_42 = arith.constant 13 : i32
    %shift_left3A_43 = vector.broadcast %shift_left3A_42 : i32 to vector<16xi32>
    %shift_left3A_44 = arith.shli %shift_right_logical3A_41, %shift_left3A_43 : vector<16xi32>
    %and3A_45 = arith.constant 8191 : i32
    %and3A_46 = vector.broadcast %and3A_45 : i32 to vector<16xi32>
    %and3A_47 = arith.andi %get3A_38, %and3A_46 : vector<16xi32>
    %or3A_48 = arith.ori %shift_left3A_44, %and3A_47 : vector<16xi32>
    %swap3A_49 = arith.constant 32 : index
    %swap3A_50 = tpu.vector_load %arg12[%swap3A_49] {strides = array<i32>} : memref<256xi32, #tpu.memory_space<vmem>>, vector<16xi32>,
    tpu.vector_store %arg12[%swap3A_49], %or3A_48 {strides = array<i32>} : memref<256xi32, #tpu.memory_space<vmem>>, vector<16xi32>,
    %get3A_51 = arith.constant 48 : index
    %get3A_52 = tpu.vector_load %arg9[%get3A_51] {strides = array<i32>} : memref<256xi32, #tpu.memory_space<vmem>>, vector<16xi32>,
    %shift_right_logical3A_53 = arith.constant 15 : i32
    %shift_right_logical3A_54 = vector.broadcast %shift_right_logical3A_53 : i32 to vector<16xi32>
    %shift_right_logical3A_55 = arith.shrui %get3A_52, %shift_right_logical3A_54 : vector<16xi32>
    %shift_left3A_56 = arith.constant 13 : i32
    %shift_left3A_57 = vector.broadcast %shift_left3A_56 : i32 to vector<16xi32>
    %shift_left3A_58 = arith.shli %shift_right_logical3A_55, %shift_left3A_57 : vector<16xi32>
    %and3A_59 = arith.constant 8191 : i32
    %and3A_60 = vector.broadcast %and3A_59 : i32 to vector<16xi32>
    %and3A_61 = arith.andi %get3A_52, %and3A_60 : vector<16xi32>
    %or3A_62 = arith.ori %shift_left3A_58, %and3A_61 : vector<16xi32>
    %swap3A_63 = arith.constant 48 : index
    %swap3A_64 = tpu.vector_load %arg12[%swap3A_63] {strides = array<i32>} : memref<256xi32, #tpu.memory_space<vmem>>, vector<16xi32>,
    tpu.vector_store %arg12[%swap3A_63], %or3A_62 {strides = array<i32>} : memref<256xi32, #tpu.memory_space<vmem>>, vector<16xi32>,
    %get3A_65 = arith.constant 64 : index
    %get3A_66 = tpu.vector_load %arg9[%get3A_65] {strides = array<i32>} : memref<256xi32, #tpu.memory_space<vmem>>, vector<16xi32>,
    %shift_right_logical3A_67 = arith.constant 15 : i32
    %shift_right_logical3A_68 = vector.broadcast %shift_right_logical3A_67 : i32 to vector<16xi32>
    %shift_right_logical3A_69 = arith.shrui %get3A_66, %shift_right_logical3A_68 : vector<16xi32>
    %shift_left3A_70 = arith.constant 13 : i32
    %shift_left3A_71 = vector.broadcast %shift_left3A_70 : i32 to vector<16xi32>
    %shift_left3A_72 = arith.shli %shift_right_logical3A_69, %shift_left3A_71 : vector<16xi32>
    %and3A_73 = arith.constant 8191 : i32
    %and3A_74 = vector.broadcast %and3A_73 : i32 to vector<16xi32>
    %and3A_75 = arith.andi %get3A_66, %and3A_74 : vector<16xi32>
    %or3A_76 = arith.ori %shift_left3A_72, %and3A_75 : vector<16xi32>
    %swap3A_77 = arith.constant 64 : index
    %swap3A_78 = tpu.vector_load %arg12[%swap3A_77] {strides = array<i32>} : memref<256xi32, #tpu.memory_space<vmem>>, vector<16xi32>,
    tpu.vector_store %arg12[%swap3A_77], %or3A_76 {strides = array<i32>} : memref<256xi32, #tpu.memory_space<vmem>>, vector<16xi32>,
    %get3A_79 = arith.constant 80 : index
    %get3A_80 = tpu.vector_load %arg9[%get3A_79] {strides = array<i32>} : memref<256xi32, #tpu.memory_space<vmem>>, vector<16xi32>,
    %shift_right_logical3A_81 = arith.constant 15 : i32
    %shift_right_logical3A_82 = vector.broadcast %shift_right_logical3A_81 : i32 to vector<16xi32>
    %shift_right_logical3A_83 = arith.shrui %get3A_80, %shift_right_logical3A_82 : vector<16xi32>
    %shift_left3A_84 = arith.constant 13 : i32
    %shift_left3A_85 = vector.broadcast %shift_left3A_84 : i32 to vector<16xi32>
    %shift_left3A_86 = arith.shli %shift_right_logical3A_83, %shift_left3A_85 : vector<16xi32>
    %and3A_87 = arith.constant 8191 : i32
    %and3A_88 = vector.broadcast %and3A_87 : i32 to vector<16xi32>
    %and3A_89 = arith.andi %get3A_80, %and3A_88 : vector<16xi32>
    %or3A_90 = arith.ori %shift_left3A_86, %and3A_89 : vector<16xi32>
    %swap3A_91 = arith.constant 80 : index
    %swap3A_92 = tpu.vector_load %arg12[%swap3A_91] {strides = array<i32>} : memref<256xi32, #tpu.memory_space<vmem>>, vector<16xi32>,
    tpu.vector_store %arg12[%swap3A_91], %or3A_90 {strides = array<i32>} : memref<256xi32, #tpu.memory_space<vmem>>, vector<16xi32>,
    %get3A_93 = arith.constant 96 : index
    %get3A_94 = tpu.vector_load %arg9[%get3A_93] {strides = array<i32>} : memref<256xi32, #tpu.memory_space<vmem>>, vector<16xi32>,
    %shift_right_logical3A_95 = arith.constant 15 : i32
    %shift_right_logical3A_96 = vector.broadcast %shift_right_logical3A_95 : i32 to vector<16xi32>
    %shift_right_logical3A_97 = arith.shrui %get3A_94, %shift_right_logical3A_96 : vector<16xi32>
    %shift_left3A_98 = arith.constant 13 : i32
    %shift_left3A_99 = vector.broadcast %shift_left3A_98 : i32 to vector<16xi32>
    %shift_left3A_100 = arith.shli %shift_right_logical3A_97, %shift_left3A_99 : vector<16xi32>
    %and3A_101 = arith.constant 8191 : i32
    %and3A_102 = vector.broadcast %and3A_101 : i32 to vector<16xi32>
    %and3A_103 = arith.andi %get3A_94, %and3A_102 : vector<16xi32>
    %or3A_104 = arith.ori %shift_left3A_100, %and3A_103 : vector<16xi32>
    %swap3A_105 = arith.constant 96 : index
    %swap3A_106 = tpu.vector_load %arg12[%swap3A_105] {strides = array<i32>} : memref<256xi32, #tpu.memory_space<vmem>>, vector<16xi32>,
    tpu.vector_store %arg12[%swap3A_105], %or3A_104 {strides = array<i32>} : memref<256xi32, #tpu.memory_space<vmem>>, vector<16xi32>,
    %get3A_107 = arith.constant 112 : index
    %get3A_108 = tpu.vector_load %arg9[%get3A_107] {strides = array<i32>} : memref<256xi32, #tpu.memory_space<vmem>>, vector<16xi32>,
    %shift_right_logical3A_109 = arith.constant 15 : i32
    %shift_right_logical3A_110 = vector.broadcast %shift_right_logical3A_109 : i32 to vector<16xi32>
    %shift_right_logical3A_111 = arith.shrui %get3A_108, %shift_right_logical3A_110 : vector<16xi32>
    %shift_left3A_112 = arith.constant 13 : i32
    %shift_left3A_113 = vector.broadcast %shift_left3A_112 : i32 to vector<16xi32>
    %shift_left3A_114 = arith.shli %shift_right_logical3A_111, %shift_left3A_113 : vector<16xi32>
    %and3A_115 = arith.constant 8191 : i32
    %and3A_116 = vector.broadcast %and3A_115 : i32 to vector<16xi32>
    %and3A_117 = arith.andi %get3A_108, %and3A_116 : vector<16xi32>
    %or3A_118 = arith.ori %shift_left3A_114, %and3A_117 : vector<16xi32>
    %swap3A_119 = arith.constant 112 : index
    %swap3A_120 = tpu.vector_load %arg12[%swap3A_119] {strides = array<i32>} : memref<256xi32, #tpu.memory_space<vmem>>, vector<16xi32>,
    tpu.vector_store %arg12[%swap3A_119], %or3A_118 {strides = array<i32>} : memref<256xi32, #tpu.memory_space<vmem>>, vector<16xi32>,
    %get3A_121 = arith.constant 128 : index
    %get3A_122 = tpu.vector_load %arg9[%get3A_121] {strides = array<i32>} : memref<256xi32, #tpu.memory_space<vmem>>, vector<16xi32>,
    %shift_right_logical3A_123 = arith.constant 15 : i32
    %shift_right_logical3A_124 = vector.broadcast %shift_right_logical3A_123 : i32 to vector<16xi32>
    %shift_right_logical3A_125 = arith.shrui %get3A_122, %shift_right_logical3A_124 : vector<16xi32>
    %shift_left3A_126 = arith.constant 13 : i32
    %shift_left3A_127 = vector.broadcast %shift_left3A_126 : i32 to vector<16xi32>
    %shift_left3A_128 = arith.shli %shift_right_logical3A_125, %shift_left3A_127 : vector<16xi32>
    %and3A_129 = arith.constant 8191 : i32
    %and3A_130 = vector.broadcast %and3A_129 : i32 to vector<16xi32>
    %and3A_131 = arith.andi %get3A_122, %and3A_130 : vector<16xi32>
    %or3A_132 = arith.ori %shift_left3A_128, %and3A_131 : vector<16xi32>
    %swap3A_133 = arith.constant 128 : index
    %swap3A_134 = tpu.vector_load %arg12[%swap3A_133] {strides = array<i32>} : memref<256xi32, #tpu.memory_space<vmem>>, vector<16xi32>,
    tpu.vector_store %arg12[%swap3A_133], %or3A_132 {strides = array<i32>} : memref<256xi32, #tpu.memory_space<vmem>>, vector<16xi32>,
    %get3A_135 = arith.constant 144 : index
    %get3A_136 = tpu.vector_load %arg9[%get3A_135] {strides = array<i32>} : memref<256xi32, #tpu.memory_space<vmem>>, vector<16xi32>,
    %shift_right_logical3A_137 = arith.constant 15 : i32
    %shift_right_logical3A_138 = vector.broadcast %shift_right_logical3A_137 : i32 to vector<16xi32>
    %shift_right_logical3A_139 = arith.shrui %get3A_136, %shift_right_logical3A_138 : vector<16xi32>
    %shift_left3A_140 = arith.constant 13 : i32
    %shift_left3A_141 = vector.broadcast %shift_left3A_140 : i32 to vector<16xi32>
    %shift_left3A_142 = arith.shli %shift_right_logical3A_139, %shift_left3A_141 : vector<16xi32>
    %and3A_143 = arith.constant 8191 : i32
    %and3A_144 = vector.broadcast %and3A_143 : i32 to vector<16xi32>
    %and3A_145 = arith.andi %get3A_136, %and3A_144 : vector<16xi32>
    %or3A_146 = arith.ori %shift_left3A_142, %and3A_145 : vector<16xi32>
    %swap3A_147 = arith.constant 144 : index
    %swap3A_148 = tpu.vector_load %arg12[%swap3A_147] {strides = array<i32>} : memref<256xi32, #tpu.memory_space<vmem>>, vector<16xi32>,
    tpu.vector_store %arg12[%swap3A_147], %or3A_146 {strides = array<i32>} : memref<256xi32, #tpu.memory_space<vmem>>, vector<16xi32>,
    %get3A_149 = arith.constant 160 : index
    %get3A_150 = tpu.vector_load %arg9[%get3A_149] {strides = array<i32>} : memref<256xi32, #tpu.memory_space<vmem>>, vector<16xi32>,
    %shift_right_logical3A_151 = arith.constant 15 : i32
    %shift_right_logical3A_152 = vector.broadcast %shift_right_logical3A_151 : i32 to vector<16xi32>
    %shift_right_logical3A_153 = arith.shrui %get3A_150, %shift_right_logical3A_152 : vector<16xi32>
    %shift_left3A_154 = arith.constant 13 : i32
    %shift_left3A_155 = vector.broadcast %shift_left3A_154 : i32 to vector<16xi32>
    %shift_left3A_156 = arith.shli %shift_right_logical3A_153, %shift_left3A_155 : vector<16xi32>
    %and3A_157 = arith.constant 8191 : i32
    %and3A_158 = vector.broadcast %and3A_157 : i32 to vector<16xi32>
    %and3A_159 = arith.andi %get3A_150, %and3A_158 : vector<16xi32>
    %or3A_160 = arith.ori %shift_left3A_156, %and3A_159 : vector<16xi32>
    %swap3A_161 = arith.constant 160 : index
    %swap3A_162 = tpu.vector_load %arg12[%swap3A_161] {strides = array<i32>} : memref<256xi32, #tpu.memory_space<vmem>>, vector<16xi32>,
    tpu.vector_store %arg12[%swap3A_161], %or3A_160 {strides = array<i32>} : memref<256xi32, #tpu.memory_space<vmem>>, vector<16xi32>,
    %get3A_163 = arith.constant 176 : index
    %get3A_164 = tpu.vector_load %arg9[%get3A_163] {strides = array<i32>} : memref<256xi32, #tpu.memory_space<vmem>>, vector<16xi32>,
    %shift_right_logical3A_165 = arith.constant 15 : i32
    %shift_right_logical3A_166 = vector.broadcast %shift_right_logical3A_165 : i32 to vector<16xi32>
    %shift_right_logical3A_167 = arith.shrui %get3A_164, %shift_right_logical3A_166 : vector<16xi32>
    %shift_left3A_168 = arith.constant 13 : i32
    %shift_left3A_169 = vector.broadcast %shift_left3A_168 : i32 to vector<16xi32>
    %shift_left3A_170 = arith.shli %shift_right_logical3A_167, %shift_left3A_169 : vector<16xi32>
    %and3A_171 = arith.constant 8191 : i32
    %and3A_172 = vector.broadcast %and3A_171 : i32 to vector<16xi32>
    %and3A_173 = arith.andi %get3A_164, %and3A_172 : vector<16xi32>
    %or3A_174 = arith.ori %shift_left3A_170, %and3A_173 : vector<16xi32>
    %swap3A_175 = arith.constant 176 : index
    %swap3A_176 = tpu.vector_load %arg12[%swap3A_175] {strides = array<i32>} : memref<256xi32, #tpu.memory_space<vmem>>, vector<16xi32>,
    tpu.vector_store %arg12[%swap3A_175], %or3A_174 {strides = array<i32>} : memref<256xi32, #tpu.memory_space<vmem>>, vector<16xi32>,
    %get3A_177 = arith.constant 192 : index
    %get3A_178 = tpu.vector_load %arg9[%get3A_177] {strides = array<i32>} : memref<256xi32, #tpu.memory_space<vmem>>, vector<16xi32>,
    %shift_right_logical3A_179 = arith.constant 15 : i32
    %shift_right_logical3A_180 = vector.broadcast %shift_right_logical3A_179 : i32 to vector<16xi32>
    %shift_right_logical3A_181 = arith.shrui %get3A_178, %shift_right_logical3A_180 : vector<16xi32>
    %shift_left3A_182 = arith.constant 13 : i32
    %shift_left3A_183 = vector.broadcast %shift_left3A_182 : i32 to vector<16xi32>
    %shift_left3A_184 = arith.shli %shift_right_logical3A_181, %shift_left3A_183 : vector<16xi32>
    %and3A_185 = arith.constant 8191 : i32
    %and3A_186 = vector.broadcast %and3A_185 : i32 to vector<16xi32>
    %and3A_187 = arith.andi %get3A_178, %and3A_186 : vector<16xi32>
    %or3A_188 = arith.ori %shift_left3A_184, %and3A_187 : vector<16xi32>
    %swap3A_189 = arith.constant 192 : index
    %swap3A_190 = tpu.vector_load %arg12[%swap3A_189] {strides = array<i32>} : memref<256xi32, #tpu.memory_space<vmem>>, vector<16xi32>,
    tpu.vector_store %arg12[%swap3A_189], %or3A_188 {strides = array<i32>} : memref<256xi32, #tpu.memory_space<vmem>>, vector<16xi32>,
    %get3A_191 = arith.constant 208 : index
    %get3A_192 = tpu.vector_load %arg9[%get3A_191] {strides = array<i32>} : memref<256xi32, #tpu.memory_space<vmem>>, vector<16xi32>,
    %shift_right_logical3A_193 = arith.constant 15 : i32
    %shift_right_logical3A_194 = vector.broadcast %shift_right_logical3A_193 : i32 to vector<16xi32>
    %shift_right_logical3A_195 = arith.shrui %get3A_192, %shift_right_logical3A_194 : vector<16xi32>
    %shift_left3A_196 = arith.constant 13 : i32
    %shift_left3A_197 = vector.broadcast %shift_left3A_196 : i32 to vector<16xi32>
    %shift_left3A_198 = arith.shli %shift_right_logical3A_195, %shift_left3A_197 : vector<16xi32>
    %and3A_199 = arith.constant 8191 : i32
    %and3A_200 = vector.broadcast %and3A_199 : i32 to vector<16xi32>
    %and3A_201 = arith.andi %get3A_192, %and3A_200 : vector<16xi32>
    %or3A_202 = arith.ori %shift_left3A_198, %and3A_201 : vector<16xi32>
    %swap3A_203 = arith.constant 208 : index
    %swap3A_204 = tpu.vector_load %arg12[%swap3A_203] {strides = array<i32>} : memref<256xi32, #tpu.memory_space<vmem>>, vector<16xi32>,
    tpu.vector_store %arg12[%swap3A_203], %or3A_202 {strides = array<i32>} : memref<256xi32, #tpu.memory_space<vmem>>, vector<16xi32>,
    %get3A_205 = arith.constant 224 : index
    %get3A_206 = tpu.vector_load %arg9[%get3A_205] {strides = array<i32>} : memref<256xi32, #tpu.memory_space<vmem>>, vector<16xi32>,
    %shift_right_logical3A_207 = arith.constant 15 : i32
    %shift_right_logical3A_208 = vector.broadcast %shift_right_logical3A_207 : i32 to vector<16xi32>
    %shift_right_logical3A_209 = arith.shrui %get3A_206, %shift_right_logical3A_208 : vector<16xi32>
    %shift_left3A_210 = arith.constant 13 : i32
    %shift_left3A_211 = vector.broadcast %shift_left3A_210 : i32 to vector<16xi32>
    %shift_left3A_212 = arith.shli %shift_right_logical3A_209, %shift_left3A_211 : vector<16xi32>
    %and3A_213 = arith.constant 8191 : i32
    %and3A_214 = vector.broadcast %and3A_213 : i32 to vector<16xi32>
    %and3A_215 = arith.andi %get3A_206, %and3A_214 : vector<16xi32>
    %or3A_216 = arith.ori %shift_left3A_212, %and3A_215 : vector<16xi32>
    %swap3A_217 = arith.constant 224 : index
    %swap3A_218 = tpu.vector_load %arg12[%swap3A_217] {strides = array<i32>} : memref<256xi32, #tpu.memory_space<vmem>>, vector<16xi32>,
    tpu.vector_store %arg12[%swap3A_217], %or3A_216 {strides = array<i32>} : memref<256xi32, #tpu.memory_space<vmem>>, vector<16xi32>,
    %get3A_219 = arith.constant 240 : index
    %get3A_220 = tpu.vector_load %arg9[%get3A_219] {strides = array<i32>} : memref<256xi32, #tpu.memory_space<vmem>>, vector<16xi32>,
    %shift_right_logical3A_221 = arith.constant 15 : i32
    %shift_right_logical3A_222 = vector.broadcast %shift_right_logical3A_221 : i32 to vector<16xi32>
    %shift_right_logical3A_223 = arith.shrui %get3A_220, %shift_right_logical3A_222 : vector<16xi32>
    %shift_left3A_224 = arith.constant 13 : i32
    %shift_left3A_225 = vector.broadcast %shift_left3A_224 : i32 to vector<16xi32>
    %shift_left3A_226 = arith.shli %shift_right_logical3A_223, %shift_left3A_225 : vector<16xi32>
    %and3A_227 = arith.constant 8191 : i32
    %and3A_228 = vector.broadcast %and3A_227 : i32 to vector<16xi32>
    %and3A_229 = arith.andi %get3A_220, %and3A_228 : vector<16xi32>
    %or3A_230 = arith.ori %shift_left3A_226, %and3A_229 : vector<16xi32>
    %swap3A_231 = arith.constant 240 : index
    %swap3A_232 = tpu.vector_load %arg12[%swap3A_231] {strides = array<i32>} : memref<256xi32, #tpu.memory_space<vmem>>, vector<16xi32>,
    tpu.vector_store %arg12[%swap3A_231], %or3A_230 {strides = array<i32>} : memref<256xi32, #tpu.memory_space<vmem>>, vector<16xi32>,
    %get3A_233 = arith.constant 0 : index
    %get3A_234 = tpu.vector_load %arg10[%get3A_233] {strides = array<i32>} : memref<256xi32, #tpu.memory_space<vmem>>, vector<16xi32>,
    %shift_right_logical3A_235 = arith.constant 15 : i32
    %shift_right_logical3A_236 = vector.broadcast %shift_right_logical3A_235 : i32 to vector<16xi32>
    %shift_right_logical3A_237 = arith.shrui %get3A_234, %shift_right_logical3A_236 : vector<16xi32>
    %shift_left3A_238 = arith.constant 13 : i32
    %shift_left3A_239 = vector.broadcast %shift_left3A_238 : i32 to vector<16xi32>
    %shift_left3A_240 = arith.shli %shift_right_logical3A_237, %shift_left3A_239 : vector<16xi32>
    %and3A_241 = arith.constant 8191 : i32
    %and3A_242 = vector.broadcast %and3A_241 : i32 to vector<16xi32>
    %and3A_243 = arith.andi %get3A_234, %and3A_242 : vector<16xi32>
    %or3A_244 = arith.ori %shift_left3A_240, %and3A_243 : vector<16xi32>
    %swap3A_245 = arith.constant 0 : index
    %swap3A_246 = tpu.vector_load %arg13[%swap3A_245] {strides = array<i32>} : memref<256xi32, #tpu.memory_space<vmem>>, vector<16xi32>,
    tpu.vector_store %arg13[%swap3A_245], %or3A_244 {strides = array<i32>} : memref<256xi32, #tpu.memory_space<vmem>>, vector<16xi32>,
    %get3A_247 = arith.constant 16 : index
    %get3A_248 = tpu.vector_load %arg10[%get3A_247] {strides = array<i32>} : memref<256xi32, #tpu.memory_space<vmem>>, vector<16xi32>,
    %shift_right_logical3A_249 = arith.constant 15 : i32
    %shift_right_logical3A_250 = vector.broadcast %shift_right_logical3A_249 : i32 to vector<16xi32>
    %shift_right_logical3A_251 = arith.shrui %get3A_248, %shift_right_logical3A_250 : vector<16xi32>
    %shift_left3A_252 = arith.constant 13 : i32
    %shift_left3A_253 = vector.broadcast %shift_left3A_252 : i32 to vector<16xi32>
    %shift_left3A_254 = arith.shli %shift_right_logical3A_251, %shift_left3A_253 : vector<16xi32>
    %and3A_255 = arith.constant 8191 : i32
    %and3A_256 = vector.broadcast %and3A_255 : i32 to vector<16xi32>
    %and3A_257 = arith.andi %get3A_248, %and3A_256 : vector<16xi32>
    %or3A_258 = arith.ori %shift_left3A_254, %and3A_257 : vector<16xi32>
    %swap3A_259 = arith.constant 16 : index
    %swap3A_260 = tpu.vector_load %arg13[%swap3A_259] {strides = array<i32>} : memref<256xi32, #tpu.memory_space<vmem>>, vector<16xi32>,
    tpu.vector_store %arg13[%swap3A_259], %or3A_258 {strides = array<i32>} : memref<256xi32, #tpu.memory_space<vmem>>, vector<16xi32>,
    %get3A_261 = arith.constant 32 : index
    %get3A_262 = tpu.vector_load %arg10[%get3A_261] {strides = array<i32>} : memref<256xi32, #tpu.memory_space<vmem>>, vector<16xi32>,
    %shift_right_logical3A_263 = arith.constant 15 : i32
    %shift_right_logical3A_264 = vector.broadcast %shift_right_logical3A_263 : i32 to vector<16xi32>
    %shift_right_logical3A_265 = arith.shrui %get3A_262, %shift_right_logical3A_264 : vector<16xi32>
    %shift_left3A_266 = arith.constant 13 : i32
    %shift_left3A_267 = vector.broadcast %shift_left3A_266 : i32 to vector<16xi32>
    %shift_left3A_268 = arith.shli %shift_right_logical3A_265, %shift_left3A_267 : vector<16xi32>
    %and3A_269 = arith.constant 8191 : i32
    %and3A_270 = vector.broadcast %and3A_269 : i32 to vector<16xi32>
    %and3A_271 = arith.andi %get3A_262, %and3A_270 : vector<16xi32>
    %or3A_272 = arith.ori %shift_left3A_268, %and3A_271 : vector<16xi32>
    %swap3A_273 = arith.constant 32 : index
    %swap3A_274 = tpu.vector_load %arg13[%swap3A_273] {strides = array<i32>} : memref<256xi32, #tpu.memory_space<vmem>>, vector<16xi32>,
    tpu.vector_store %arg13[%swap3A_273], %or3A_272 {strides = array<i32>} : memref<256xi32, #tpu.memory_space<vmem>>, vector<16xi32>,
    %get3A_275 = arith.constant 48 : index
    %get3A_276 = tpu.vector_load %arg10[%get3A_275] {strides = array<i32>} : memref<256xi32, #tpu.memory_space<vmem>>, vector<16xi32>,
    %shift_right_logical3A_277 = arith.constant 15 : i32
    %shift_right_logical3A_278 = vector.broadcast %shift_right_logical3A_277 : i32 to vector<16xi32>
    %shift_right_logical3A_279 = arith.shrui %get3A_276, %shift_right_logical3A_278 : vector<16xi32>
    %shift_left3A_280 = arith.constant 13 : i32
    %shift_left3A_281 = vector.broadcast %shift_left3A_280 : i32 to vector<16xi32>
    %shift_left3A_282 = arith.shli %shift_right_logical3A_279, %shift_left3A_281 : vector<16xi32>
    %and3A_283 = arith.constant 8191 : i32
    %and3A_284 = vector.broadcast %and3A_283 : i32 to vector<16xi32>
    %and3A_285 = arith.andi %get3A_276, %and3A_284 : vector<16xi32>
    %or3A_286 = arith.ori %shift_left3A_282, %and3A_285 : vector<16xi32>
    %swap3A_287 = arith.constant 48 : index
    %swap3A_288 = tpu.vector_load %arg13[%swap3A_287] {strides = array<i32>} : memref<256xi32, #tpu.memory_space<vmem>>, vector<16xi32>,
    tpu.vector_store %arg13[%swap3A_287], %or3A_286 {strides = array<i32>} : memref<256xi32, #tpu.memory_space<vmem>>, vector<16xi32>,
    %get3A_289 = arith.constant 64 : index
    %get3A_290 = tpu.vector_load %arg10[%get3A_289] {strides = array<i32>} : memref<256xi32, #tpu.memory_space<vmem>>, vector<16xi32>,
    %shift_right_logical3A_291 = arith.constant 15 : i32
    %shift_right_logical3A_292 = vector.broadcast %shift_right_logical3A_291 : i32 to vector<16xi32>
    %shift_right_logical3A_293 = arith.shrui %get3A_290, %shift_right_logical3A_292 : vector<16xi32>
    %shift_left3A_294 = arith.constant 13 : i32
    %shift_left3A_295 = vector.broadcast %shift_left3A_294 : i32 to vector<16xi32>
    %shift_left3A_296 = arith.shli %shift_right_logical3A_293, %shift_left3A_295 : vector<16xi32>
    %and3A_297 = arith.constant 8191 : i32
    %and3A_298 = vector.broadcast %and3A_297 : i32 to vector<16xi32>
    %and3A_299 = arith.andi %get3A_290, %and3A_298 : vector<16xi32>
    %or3A_300 = arith.ori %shift_left3A_296, %and3A_299 : vector<16xi32>
    %swap3A_301 = arith.constant 64 : index
    %swap3A_302 = tpu.vector_load %arg13[%swap3A_301] {strides = array<i32>} : memref<256xi32, #tpu.memory_space<vmem>>, vector<16xi32>,
    tpu.vector_store %arg13[%swap3A_301], %or3A_300 {strides = array<i32>} : memref<256xi32, #tpu.memory_space<vmem>>, vector<16xi32>,
    %get3A_303 = arith.constant 80 : index
    %get3A_304 = tpu.vector_load %arg10[%get3A_303] {strides = array<i32>} : memref<256xi32, #tpu.memory_space<vmem>>, vector<16xi32>,
    %shift_right_logical3A_305 = arith.constant 15 : i32
    %shift_right_logical3A_306 = vector.broadcast %shift_right_logical3A_305 : i32 to vector<16xi32>
    %shift_right_logical3A_307 = arith.shrui %get3A_304, %shift_right_logical3A_306 : vector<16xi32>
    %shift_left3A_308 = arith.constant 13 : i32
    %shift_left3A_309 = vector.broadcast %shift_left3A_308 : i32 to vector<16xi32>
    %shift_left3A_310 = arith.shli %shift_right_logical3A_307, %shift_left3A_309 : vector<16xi32>
    %and3A_311 = arith.constant 8191 : i32
    %and3A_312 = vector.broadcast %and3A_311 : i32 to vector<16xi32>
    %and3A_313 = arith.andi %get3A_304, %and3A_312 : vector<16xi32>
    %or3A_314 = arith.ori %shift_left3A_310, %and3A_313 : vector<16xi32>
    %swap3A_315 = arith.constant 80 : index
    %swap3A_316 = tpu.vector_load %arg13[%swap3A_315] {strides = array<i32>} : memref<256xi32, #tpu.memory_space<vmem>>, vector<16xi32>,
    tpu.vector_store %arg13[%swap3A_315], %or3A_314 {strides = array<i32>} : memref<256xi32, #tpu.memory_space<vmem>>, vector<16xi32>,
    %get3A_317 = arith.constant 96 : index
    %get3A_318 = tpu.vector_load %arg10[%get3A_317] {strides = array<i32>} : memref<256xi32, #tpu.memory_space<vmem>>, vector<16xi32>,
    %shift_right_logical3A_319 = arith.constant 15 : i32
    %shift_right_logical3A_320 = vector.broadcast %shift_right_logical3A_319 : i32 to vector<16xi32>
    %shift_right_logical3A_321 = arith.shrui %get3A_318, %shift_right_logical3A_320 : vector<16xi32>
    %shift_left3A_322 = arith.constant 13 : i32
    %shift_left3A_323 = vector.broadcast %shift_left3A_322 : i32 to vector<16xi32>
    %shift_left3A_324 = arith.shli %shift_right_logical3A_321, %shift_left3A_323 : vector<16xi32>
    %and3A_325 = arith.constant 8191 : i32
    %and3A_326 = vector.broadcast %and3A_325 : i32 to vector<16xi32>
    %and3A_327 = arith.andi %get3A_318, %and3A_326 : vector<16xi32>
    %or3A_328 = arith.ori %shift_left3A_324, %and3A_327 : vector<16xi32>
    %swap3A_329 = arith.constant 96 : index
    %swap3A_330 = tpu.vector_load %arg13[%swap3A_329] {strides = array<i32>} : memref<256xi32, #tpu.memory_space<vmem>>, vector<16xi32>,
    tpu.vector_store %arg13[%swap3A_329], %or3A_328 {strides = array<i32>} : memref<256xi32, #tpu.memory_space<vmem>>, vector<16xi32>,
    %get3A_331 = arith.constant 112 : index
    %get3A_332 = tpu.vector_load %arg10[%get3A_331] {strides = array<i32>} : memref<256xi32, #tpu.memory_space<vmem>>, vector<16xi32>,
    %shift_right_logical3A_333 = arith.constant 15 : i32
    %shift_right_logical3A_334 = vector.broadcast %shift_right_logical3A_333 : i32 to vector<16xi32>
    %shift_right_logical3A_335 = arith.shrui %get3A_332, %shift_right_logical3A_334 : vector<16xi32>
    %shift_left3A_336 = arith.constant 13 : i32
    %shift_left3A_337 = vector.broadcast %shift_left3A_336 : i32 to vector<16xi32>
    %shift_left3A_338 = arith.shli %shift_right_logical3A_335, %shift_left3A_337 : vector<16xi32>
    %and3A_339 = arith.constant 8191 : i32
    %and3A_340 = vector.broadcast %and3A_339 : i32 to vector<16xi32>
    %and3A_341 = arith.andi %get3A_332, %and3A_340 : vector<16xi32>
    %or3A_342 = arith.ori %shift_left3A_338, %and3A_341 : vector<16xi32>
    %swap3A_343 = arith.constant 112 : index
    %swap3A_344 = tpu.vector_load %arg13[%swap3A_343] {strides = array<i32>} : memref<256xi32, #tpu.memory_space<vmem>>, vector<16xi32>,
    tpu.vector_store %arg13[%swap3A_343], %or3A_342 {strides = array<i32>} : memref<256xi32, #tpu.memory_space<vmem>>, vector<16xi32>,
    %get3A_345 = arith.constant 128 : index
    %get3A_346 = tpu.vector_load %arg10[%get3A_345] {strides = array<i32>} : memref<256xi32, #tpu.memory_space<vmem>>, vector<16xi32>,
    %shift_right_logical3A_347 = arith.constant 15 : i32
    %shift_right_logical3A_348 = vector.broadcast %shift_right_logical3A_347 : i32 to vector<16xi32>
    %shift_right_logical3A_349 = arith.shrui %get3A_346, %shift_right_logical3A_348 : vector<16xi32>
    %shift_left3A_350 = arith.constant 13 : i32
    %shift_left3A_351 = vector.broadcast %shift_left3A_350 : i32 to vector<16xi32>
    %shift_left3A_352 = arith.shli %shift_right_logical3A_349, %shift_left3A_351 : vector<16xi32>
    %and3A_353 = arith.constant 8191 : i32
    %and3A_354 = vector.broadcast %and3A_353 : i32 to vector<16xi32>
    %and3A_355 = arith.andi %get3A_346, %and3A_354 : vector<16xi32>
    %or3A_356 = arith.ori %shift_left3A_352, %and3A_355 : vector<16xi32>
    %swap3A_357 = arith.constant 128 : index
    %swap3A_358 = tpu.vector_load %arg13[%swap3A_357] {strides = array<i32>} : memref<256xi32, #tpu.memory_space<vmem>>, vector<16xi32>,
    tpu.vector_store %arg13[%swap3A_357], %or3A_356 {strides = array<i32>} : memref<256xi32, #tpu.memory_space<vmem>>, vector<16xi32>,
    %get3A_359 = arith.constant 144 : index
    %get3A_360 = tpu.vector_load %arg10[%get3A_359] {strides = array<i32>} : memref<256xi32, #tpu.memory_space<vmem>>, vector<16xi32>,
    %shift_right_logical3A_361 = arith.constant 15 : i32
    %shift_right_logical3A_362 = vector.broadcast %shift_right_logical3A_361 : i32 to vector<16xi32>
    %shift_right_logical3A_363 = arith.shrui %get3A_360, %shift_right_logical3A_362 : vector<16xi32>
    %shift_left3A_364 = arith.constant 13 : i32
    %shift_left3A_365 = vector.broadcast %shift_left3A_364 : i32 to vector<16xi32>
    %shift_left3A_366 = arith.shli %shift_right_logical3A_363, %shift_left3A_365 : vector<16xi32>
    %and3A_367 = arith.constant 8191 : i32
    %and3A_368 = vector.broadcast %and3A_367 : i32 to vector<16xi32>
    %and3A_369 = arith.andi %get3A_360, %and3A_368 : vector<16xi32>
    %or3A_370 = arith.ori %shift_left3A_366, %and3A_369 : vector<16xi32>
    %swap3A_371 = arith.constant 144 : index
    %swap3A_372 = tpu.vector_load %arg13[%swap3A_371] {strides = array<i32>} : memref<256xi32, #tpu.memory_space<vmem>>, vector<16xi32>,
    tpu.vector_store %arg13[%swap3A_371], %or3A_370 {strides = array<i32>} : memref<256xi32, #tpu.memory_space<vmem>>, vector<16xi32>,
    %get3A_373 = arith.constant 160 : index
    %get3A_374 = tpu.vector_load %arg10[%get3A_373] {strides = array<i32>} : memref<256xi32, #tpu.memory_space<vmem>>, vector<16xi32>,
    %shift_right_logical3A_375 = arith.constant 15 : i32
    %shift_right_logical3A_376 = vector.broadcast %shift_right_logical3A_375 : i32 to vector<16xi32>
    %shift_right_logical3A_377 = arith.shrui %get3A_374, %shift_right_logical3A_376 : vector<16xi32>
    %shift_left3A_378 = arith.constant 13 : i32
    %shift_left3A_379 = vector.broadcast %shift_left3A_378 : i32 to vector<16xi32>
    %shift_left3A_380 = arith.shli %shift_right_logical3A_377, %shift_left3A_379 : vector<16xi32>
    %and3A_381 = arith.constant 8191 : i32
    %and3A_382 = vector.broadcast %and3A_381 : i32 to vector<16xi32>
    %and3A_383 = arith.andi %get3A_374, %and3A_382 : vector<16xi32>
    %or3A_384 = arith.ori %shift_left3A_380, %and3A_383 : vector<16xi32>
    %swap3A_385 = arith.constant 160 : index
    %swap3A_386 = tpu.vector_load %arg13[%swap3A_385] {strides = array<i32>} : memref<256xi32, #tpu.memory_space<vmem>>, vector<16xi32>,
    tpu.vector_store %arg13[%swap3A_385], %or3A_384 {strides = array<i32>} : memref<256xi32, #tpu.memory_space<vmem>>, vector<16xi32>,
    %get3A_387 = arith.constant 176 : index
    %get3A_388 = tpu.vector_load %arg10[%get3A_387] {strides = array<i32>} : memref<256xi32, #tpu.memory_space<vmem>>, vector<16xi32>,
    %shift_right_logical3A_389 = arith.constant 15 : i32
    %shift_right_logical3A_390 = vector.broadcast %shift_right_logical3A_389 : i32 to vector<16xi32>
    %shift_right_logical3A_391 = arith.shrui %get3A_388, %shift_right_logical3A_390 : vector<16xi32>
    %shift_left3A_392 = arith.constant 13 : i32
    %shift_left3A_393 = vector.broadcast %shift_left3A_392 : i32 to vector<16xi32>
    %shift_left3A_394 = arith.shli %shift_right_logical3A_391, %shift_left3A_393 : vector<16xi32>
    %and3A_395 = arith.constant 8191 : i32
    %and3A_396 = vector.broadcast %and3A_395 : i32 to vector<16xi32>
    %and3A_397 = arith.andi %get3A_388, %and3A_396 : vector<16xi32>
    %or3A_398 = arith.ori %shift_left3A_394, %and3A_397 : vector<16xi32>
    %swap3A_399 = arith.constant 176 : index
    %swap3A_400 = tpu.vector_load %arg13[%swap3A_399] {strides = array<i32>} : memref<256xi32, #tpu.memory_space<vmem>>, vector<16xi32>,
    tpu.vector_store %arg13[%swap3A_399], %or3A_398 {strides = array<i32>} : memref<256xi32, #tpu.memory_space<vmem>>, vector<16xi32>,
    %get3A_401 = arith.constant 192 : index
    %get3A_402 = tpu.vector_load %arg10[%get3A_401] {strides = array<i32>} : memref<256xi32, #tpu.memory_space<vmem>>, vector<16xi32>,
    %shift_right_logical3A_403 = arith.constant 15 : i32
    %shift_right_logical3A_404 = vector.broadcast %shift_right_logical3A_403 : i32 to vector<16xi32>
    %shift_right_logical3A_405 = arith.shrui %get3A_402, %shift_right_logical3A_404 : vector<16xi32>
    %shift_left3A_406 = arith.constant 13 : i32
    %shift_left3A_407 = vector.broadcast %shift_left3A_406 : i32 to vector<16xi32>
    %shift_left3A_408 = arith.shli %shift_right_logical3A_405, %shift_left3A_407 : vector<16xi32>
    %and3A_409 = arith.constant 8191 : i32
    %and3A_410 = vector.broadcast %and3A_409 : i32 to vector<16xi32>
    %and3A_411 = arith.andi %get3A_402, %and3A_410 : vector<16xi32>
    %or3A_412 = arith.ori %shift_left3A_408, %and3A_411 : vector<16xi32>
    %swap3A_413 = arith.constant 192 : index
    %swap3A_414 = tpu.vector_load %arg13[%swap3A_413] {strides = array<i32>} : memref<256xi32, #tpu.memory_space<vmem>>, vector<16xi32>,
    tpu.vector_store %arg13[%swap3A_413], %or3A_412 {strides = array<i32>} : memref<256xi32, #tpu.memory_space<vmem>>, vector<16xi32>,
    %get3A_415 = arith.constant 208 : index
    %get3A_416 = tpu.vector_load %arg10[%get3A_415] {strides = array<i32>} : memref<256xi32, #tpu.memory_space<vmem>>, vector<16xi32>,
    %shift_right_logical3A_417 = arith.constant 15 : i32
    %shift_right_logical3A_418 = vector.broadcast %shift_right_logical3A_417 : i32 to vector<16xi32>
    %shift_right_logical3A_419 = arith.shrui %get3A_416, %shift_right_logical3A_418 : vector<16xi32>
    %shift_left3A_420 = arith.constant 13 : i32
    %shift_left3A_421 = vector.broadcast %shift_left3A_420 : i32 to vector<16xi32>
    %shift_left3A_422 = arith.shli %shift_right_logical3A_419, %shift_left3A_421 : vector<16xi32>
    %and3A_423 = arith.constant 8191 : i32
    %and3A_424 = vector.broadcast %and3A_423 : i32 to vector<16xi32>
    %and3A_425 = arith.andi %get3A_416, %and3A_424 : vector<16xi32>
    %or3A_426 = arith.ori %shift_left3A_422, %and3A_425 : vector<16xi32>
    %swap3A_427 = arith.constant 208 : index
    %swap3A_428 = tpu.vector_load %arg13[%swap3A_427] {strides = array<i32>} : memref<256xi32, #tpu.memory_space<vmem>>, vector<16xi32>,
    tpu.vector_store %arg13[%swap3A_427], %or3A_426 {strides = array<i32>} : memref<256xi32, #tpu.memory_space<vmem>>, vector<16xi32>,
    %get3A_429 = arith.constant 224 : index
    %get3A_430 = tpu.vector_load %arg10[%get3A_429] {strides = array<i32>} : memref<256xi32, #tpu.memory_space<vmem>>, vector<16xi32>,
    %shift_right_logical3A_431 = arith.constant 15 : i32
    %shift_right_logical3A_432 = vector.broadcast %shift_right_logical3A_431 : i32 to vector<16xi32>
    %shift_right_logical3A_433 = arith.shrui %get3A_430, %shift_right_logical3A_432 : vector<16xi32>
    %shift_left3A_434 = arith.constant 13 : i32
    %shift_left3A_435 = vector.broadcast %shift_left3A_434 : i32 to vector<16xi32>
    %shift_left3A_436 = arith.shli %shift_right_logical3A_433, %shift_left3A_435 : vector<16xi32>
    %and3A_437 = arith.constant 8191 : i32
    %and3A_438 = vector.broadcast %and3A_437 : i32 to vector<16xi32>
    %and3A_439 = arith.andi %get3A_430, %and3A_438 : vector<16xi32>
    %or3A_440 = arith.ori %shift_left3A_436, %and3A_439 : vector<16xi32>
    %swap3A_441 = arith.constant 224 : index
    %swap3A_442 = tpu.vector_load %arg13[%swap3A_441] {strides = array<i32>} : memref<256xi32, #tpu.memory_space<vmem>>, vector<16xi32>,
    tpu.vector_store %arg13[%swap3A_441], %or3A_440 {strides = array<i32>} : memref<256xi32, #tpu.memory_space<vmem>>, vector<16xi32>,
    %get3A_443 = arith.constant 240 : index
    %get3A_444 = tpu.vector_load %arg10[%get3A_443] {strides = array<i32>} : memref<256xi32, #tpu.memory_space<vmem>>, vector<16xi32>,
    %shift_right_logical3A_445 = arith.constant 15 : i32
    %shift_right_logical3A_446 = vector.broadcast %shift_right_logical3A_445 : i32 to vector<16xi32>
    %shift_right_logical3A_447 = arith.shrui %get3A_444, %shift_right_logical3A_446 : vector<16xi32>
    %shift_left3A_448 = arith.constant 13 : i32
    %shift_left3A_449 = vector.broadcast %shift_left3A_448 : i32 to vector<16xi32>
    %shift_left3A_450 = arith.shli %shift_right_logical3A_447, %shift_left3A_449 : vector<16xi32>
    %and3A_451 = arith.constant 8191 : i32
    %and3A_452 = vector.broadcast %and3A_451 : i32 to vector<16xi32>
    %and3A_453 = arith.andi %get3A_444, %and3A_452 : vector<16xi32>
    %or3A_454 = arith.ori %shift_left3A_450, %and3A_453 : vector<16xi32>
    %swap3A_455 = arith.constant 240 : index
    %swap3A_456 = tpu.vector_load %arg13[%swap3A_455] {strides = array<i32>} : memref<256xi32, #tpu.memory_space<vmem>>, vector<16xi32>,
    tpu.vector_store %arg13[%swap3A_455], %or3A_454 {strides = array<i32>} : memref<256xi32, #tpu.memory_space<vmem>>, vector<16xi32>,
    %get3A_457 = arith.constant 0 : index
    %get3A_458 = tpu.vector_load %arg11[%get3A_457] {strides = array<i32>} : memref<256xi32, #tpu.memory_space<vmem>>, vector<16xi32>,
    %shift_right_logical3A_459 = arith.constant 15 : i32
    %shift_right_logical3A_460 = vector.broadcast %shift_right_logical3A_459 : i32 to vector<16xi32>
    %shift_right_logical3A_461 = arith.shrui %get3A_458, %shift_right_logical3A_460 : vector<16xi32>
    %shift_left3A_462 = arith.constant 13 : i32
    %shift_left3A_463 = vector.broadcast %shift_left3A_462 : i32 to vector<16xi32>
    %shift_left3A_464 = arith.shli %shift_right_logical3A_461, %shift_left3A_463 : vector<16xi32>
    %and3A_465 = arith.constant 8191 : i32
    %and3A_466 = vector.broadcast %and3A_465 : i32 to vector<16xi32>
    %and3A_467 = arith.andi %get3A_458, %and3A_466 : vector<16xi32>
    %or3A_468 = arith.ori %shift_left3A_464, %and3A_467 : vector<16xi32>
    %swap3A_469 = arith.constant 0 : index
    %swap3A_470 = tpu.vector_load %arg14[%swap3A_469] {strides = array<i32>} : memref<256xi32, #tpu.memory_space<vmem>>, vector<16xi32>,
    tpu.vector_store %arg14[%swap3A_469], %or3A_468 {strides = array<i32>} : memref<256xi32, #tpu.memory_space<vmem>>, vector<16xi32>,
    %get3A_471 = arith.constant 16 : index
    %get3A_472 = tpu.vector_load %arg11[%get3A_471] {strides = array<i32>} : memref<256xi32, #tpu.memory_space<vmem>>, vector<16xi32>,
    %shift_right_logical3A_473 = arith.constant 15 : i32
    %shift_right_logical3A_474 = vector.broadcast %shift_right_logical3A_473 : i32 to vector<16xi32>
    %shift_right_logical3A_475 = arith.shrui %get3A_472, %shift_right_logical3A_474 : vector<16xi32>
    %shift_left3A_476 = arith.constant 13 : i32
    %shift_left3A_477 = vector.broadcast %shift_left3A_476 : i32 to vector<16xi32>
    %shift_left3A_478 = arith.shli %shift_right_logical3A_475, %shift_left3A_477 : vector<16xi32>
    %and3A_479 = arith.constant 8191 : i32
    %and3A_480 = vector.broadcast %and3A_479 : i32 to vector<16xi32>
    %and3A_481 = arith.andi %get3A_472, %and3A_480 : vector<16xi32>
    %or3A_482 = arith.ori %shift_left3A_478, %and3A_481 : vector<16xi32>
    %swap3A_483 = arith.constant 16 : index
    %swap3A_484 = tpu.vector_load %arg14[%swap3A_483] {strides = array<i32>} : memref<256xi32, #tpu.memory_space<vmem>>, vector<16xi32>,
    tpu.vector_store %arg14[%swap3A_483], %or3A_482 {strides = array<i32>} : memref<256xi32, #tpu.memory_space<vmem>>, vector<16xi32>,
    %get3A_485 = arith.constant 32 : index
    %get3A_486 = tpu.vector_load %arg11[%get3A_485] {strides = array<i32>} : memref<256xi32, #tpu.memory_space<vmem>>, vector<16xi32>,
    %shift_right_logical3A_487 = arith.constant 15 : i32
    %shift_right_logical3A_488 = vector.broadcast %shift_right_logical3A_487 : i32 to vector<16xi32>
    %shift_right_logical3A_489 = arith.shrui %get3A_486, %shift_right_logical3A_488 : vector<16xi32>
    %shift_left3A_490 = arith.constant 13 : i32
    %shift_left3A_491 = vector.broadcast %shift_left3A_490 : i32 to vector<16xi32>
    %shift_left3A_492 = arith.shli %shift_right_logical3A_489, %shift_left3A_491 : vector<16xi32>
    %and3A_493 = arith.constant 8191 : i32
    %and3A_494 = vector.broadcast %and3A_493 : i32 to vector<16xi32>
    %and3A_495 = arith.andi %get3A_486, %and3A_494 : vector<16xi32>
    %or3A_496 = arith.ori %shift_left3A_492, %and3A_495 : vector<16xi32>
    %swap3A_497 = arith.constant 32 : index
    %swap3A_498 = tpu.vector_load %arg14[%swap3A_497] {strides = array<i32>} : memref<256xi32, #tpu.memory_space<vmem>>, vector<16xi32>,
    tpu.vector_store %arg14[%swap3A_497], %or3A_496 {strides = array<i32>} : memref<256xi32, #tpu.memory_space<vmem>>, vector<16xi32>,
    %get3A_499 = arith.constant 48 : index
    %get3A_500 = tpu.vector_load %arg11[%get3A_499] {strides = array<i32>} : memref<256xi32, #tpu.memory_space<vmem>>, vector<16xi32>,
    %shift_right_logical3A_501 = arith.constant 15 : i32
    %shift_right_logical3A_502 = vector.broadcast %shift_right_logical3A_501 : i32 to vector<16xi32>
    %shift_right_logical3A_503 = arith.shrui %get3A_500, %shift_right_logical3A_502 : vector<16xi32>
    %shift_left3A_504 = arith.constant 13 : i32
    %shift_left3A_505 = vector.broadcast %shift_left3A_504 : i32 to vector<16xi32>
    %shift_left3A_506 = arith.shli %shift_right_logical3A_503, %shift_left3A_505 : vector<16xi32>
    %and3A_507 = arith.constant 8191 : i32
    %and3A_508 = vector.broadcast %and3A_507 : i32 to vector<16xi32>
    %and3A_509 = arith.andi %get3A_500, %and3A_508 : vector<16xi32>
    %or3A_510 = arith.ori %shift_left3A_506, %and3A_509 : vector<16xi32>
    %swap3A_511 = arith.constant 48 : index
    %swap3A_512 = tpu.vector_load %arg14[%swap3A_511] {strides = array<i32>} : memref<256xi32, #tpu.memory_space<vmem>>, vector<16xi32>,
    tpu.vector_store %arg14[%swap3A_511], %or3A_510 {strides = array<i32>} : memref<256xi32, #tpu.memory_space<vmem>>, vector<16xi32>,
    %get3A_513 = arith.constant 64 : index
    %get3A_514 = tpu.vector_load %arg11[%get3A_513] {strides = array<i32>} : memref<256xi32, #tpu.memory_space<vmem>>, vector<16xi32>,
    %shift_right_logical3A_515 = arith.constant 15 : i32
    %shift_right_logical3A_516 = vector.broadcast %shift_right_logical3A_515 : i32 to vector<16xi32>
    %shift_right_logical3A_517 = arith.shrui %get3A_514, %shift_right_logical3A_516 : vector<16xi32>
    %shift_left3A_518 = arith.constant 13 : i32
    %shift_left3A_519 = vector.broadcast %shift_left3A_518 : i32 to vector<16xi32>
    %shift_left3A_520 = arith.shli %shift_right_logical3A_517, %shift_left3A_519 : vector<16xi32>
    %and3A_521 = arith.constant 8191 : i32
    %and3A_522 = vector.broadcast %and3A_521 : i32 to vector<16xi32>
    %and3A_523 = arith.andi %get3A_514, %and3A_522 : vector<16xi32>
    %or3A_524 = arith.ori %shift_left3A_520, %and3A_523 : vector<16xi32>
    %swap3A_525 = arith.constant 64 : index
    %swap3A_526 = tpu.vector_load %arg14[%swap3A_525] {strides = array<i32>} : memref<256xi32, #tpu.memory_space<vmem>>, vector<16xi32>,
    tpu.vector_store %arg14[%swap3A_525], %or3A_524 {strides = array<i32>} : memref<256xi32, #tpu.memory_space<vmem>>, vector<16xi32>,
    %get3A_527 = arith.constant 80 : index
    %get3A_528 = tpu.vector_load %arg11[%get3A_527] {strides = array<i32>} : memref<256xi32, #tpu.memory_space<vmem>>, vector<16xi32>,
    %shift_right_logical3A_529 = arith.constant 15 : i32
    %shift_right_logical3A_530 = vector.broadcast %shift_right_logical3A_529 : i32 to vector<16xi32>
    %shift_right_logical3A_531 = arith.shrui %get3A_528, %shift_right_logical3A_530 : vector<16xi32>
    %shift_left3A_532 = arith.constant 13 : i32
    %shift_left3A_533 = vector.broadcast %shift_left3A_532 : i32 to vector<16xi32>
    %shift_left3A_534 = arith.shli %shift_right_logical3A_531, %shift_left3A_533 : vector<16xi32>
    %and3A_535 = arith.constant 8191 : i32
    %and3A_536 = vector.broadcast %and3A_535 : i32 to vector<16xi32>
    %and3A_537 = arith.andi %get3A_528, %and3A_536 : vector<16xi32>
    %or3A_538 = arith.ori %shift_left3A_534, %and3A_537 : vector<16xi32>
    %swap3A_539 = arith.constant 80 : index
    %swap3A_540 = tpu.vector_load %arg14[%swap3A_539] {strides = array<i32>} : memref<256xi32, #tpu.memory_space<vmem>>, vector<16xi32>,
    tpu.vector_store %arg14[%swap3A_539], %or3A_538 {strides = array<i32>} : memref<256xi32, #tpu.memory_space<vmem>>, vector<16xi32>,
    %get3A_541 = arith.constant 96 : index
    %get3A_542 = tpu.vector_load %arg11[%get3A_541] {strides = array<i32>} : memref<256xi32, #tpu.memory_space<vmem>>, vector<16xi32>,
    %shift_right_logical3A_543 = arith.constant 15 : i32
    %shift_right_logical3A_544 = vector.broadcast %shift_right_logical3A_543 : i32 to vector<16xi32>
    %shift_right_logical3A_545 = arith.shrui %get3A_542, %shift_right_logical3A_544 : vector<16xi32>
    %shift_left3A_546 = arith.constant 13 : i32
    %shift_left3A_547 = vector.broadcast %shift_left3A_546 : i32 to vector<16xi32>
    %shift_left3A_548 = arith.shli %shift_right_logical3A_545, %shift_left3A_547 : vector<16xi32>
    %and3A_549 = arith.constant 8191 : i32
    %and3A_550 = vector.broadcast %and3A_549 : i32 to vector<16xi32>
    %and3A_551 = arith.andi %get3A_542, %and3A_550 : vector<16xi32>
    %or3A_552 = arith.ori %shift_left3A_548, %and3A_551 : vector<16xi32>
    %swap3A_553 = arith.constant 96 : index
    %swap3A_554 = tpu.vector_load %arg14[%swap3A_553] {strides = array<i32>} : memref<256xi32, #tpu.memory_space<vmem>>, vector<16xi32>,
    tpu.vector_store %arg14[%swap3A_553], %or3A_552 {strides = array<i32>} : memref<256xi32, #tpu.memory_space<vmem>>, vector<16xi32>,
    %get3A_555 = arith.constant 112 : index
    %get3A_556 = tpu.vector_load %arg11[%get3A_555] {strides = array<i32>} : memref<256xi32, #tpu.memory_space<vmem>>, vector<16xi32>,
    %shift_right_logical3A_557 = arith.constant 15 : i32
    %shift_right_logical3A_558 = vector.broadcast %shift_right_logical3A_557 : i32 to vector<16xi32>
    %shift_right_logical3A_559 = arith.shrui %get3A_556, %shift_right_logical3A_558 : vector<16xi32>
    %shift_left3A_560 = arith.constant 13 : i32
    %shift_left3A_561 = vector.broadcast %shift_left3A_560 : i32 to vector<16xi32>
    %shift_left3A_562 = arith.shli %shift_right_logical3A_559, %shift_left3A_561 : vector<16xi32>
    %and3A_563 = arith.constant 8191 : i32
    %and3A_564 = vector.broadcast %and3A_563 : i32 to vector<16xi32>
    %and3A_565 = arith.andi %get3A_556, %and3A_564 : vector<16xi32>
    %or3A_566 = arith.ori %shift_left3A_562, %and3A_565 : vector<16xi32>
    %swap3A_567 = arith.constant 112 : index
    %swap3A_568 = tpu.vector_load %arg14[%swap3A_567] {strides = array<i32>} : memref<256xi32, #tpu.memory_space<vmem>>, vector<16xi32>,
    tpu.vector_store %arg14[%swap3A_567], %or3A_566 {strides = array<i32>} : memref<256xi32, #tpu.memory_space<vmem>>, vector<16xi32>,
    %get3A_569 = arith.constant 128 : index
    %get3A_570 = tpu.vector_load %arg11[%get3A_569] {strides = array<i32>} : memref<256xi32, #tpu.memory_space<vmem>>, vector<16xi32>,
    %shift_right_logical3A_571 = arith.constant 15 : i32
    %shift_right_logical3A_572 = vector.broadcast %shift_right_logical3A_571 : i32 to vector<16xi32>
    %shift_right_logical3A_573 = arith.shrui %get3A_570, %shift_right_logical3A_572 : vector<16xi32>
    %shift_left3A_574 = arith.constant 13 : i32
    %shift_left3A_575 = vector.broadcast %shift_left3A_574 : i32 to vector<16xi32>
    %shift_left3A_576 = arith.shli %shift_right_logical3A_573, %shift_left3A_575 : vector<16xi32>
    %and3A_577 = arith.constant 8191 : i32
    %and3A_578 = vector.broadcast %and3A_577 : i32 to vector<16xi32>
    %and3A_579 = arith.andi %get3A_570, %and3A_578 : vector<16xi32>
    %or3A_580 = arith.ori %shift_left3A_576, %and3A_579 : vector<16xi32>
    %swap3A_581 = arith.constant 128 : index
    %swap3A_582 = tpu.vector_load %arg14[%swap3A_581] {strides = array<i32>} : memref<256xi32, #tpu.memory_space<vmem>>, vector<16xi32>,
    tpu.vector_store %arg14[%swap3A_581], %or3A_580 {strides = array<i32>} : memref<256xi32, #tpu.memory_space<vmem>>, vector<16xi32>,
    %get3A_583 = arith.constant 144 : index
    %get3A_584 = tpu.vector_load %arg11[%get3A_583] {strides = array<i32>} : memref<256xi32, #tpu.memory_space<vmem>>, vector<16xi32>,
    %shift_right_logical3A_585 = arith.constant 15 : i32
    %shift_right_logical3A_586 = vector.broadcast %shift_right_logical3A_585 : i32 to vector<16xi32>
    %shift_right_logical3A_587 = arith.shrui %get3A_584, %shift_right_logical3A_586 : vector<16xi32>
    %shift_left3A_588 = arith.constant 13 : i32
    %shift_left3A_589 = vector.broadcast %shift_left3A_588 : i32 to vector<16xi32>
    %shift_left3A_590 = arith.shli %shift_right_logical3A_587, %shift_left3A_589 : vector<16xi32>
    %and3A_591 = arith.constant 8191 : i32
    %and3A_592 = vector.broadcast %and3A_591 : i32 to vector<16xi32>
    %and3A_593 = arith.andi %get3A_584, %and3A_592 : vector<16xi32>
    %or3A_594 = arith.ori %shift_left3A_590, %and3A_593 : vector<16xi32>
    %swap3A_595 = arith.constant 144 : index
    %swap3A_596 = tpu.vector_load %arg14[%swap3A_595] {strides = array<i32>} : memref<256xi32, #tpu.memory_space<vmem>>, vector<16xi32>,
    tpu.vector_store %arg14[%swap3A_595], %or3A_594 {strides = array<i32>} : memref<256xi32, #tpu.memory_space<vmem>>, vector<16xi32>,
    %get3A_597 = arith.constant 160 : index
    %get3A_598 = tpu.vector_load %arg11[%get3A_597] {strides = array<i32>} : memref<256xi32, #tpu.memory_space<vmem>>, vector<16xi32>,
    %shift_right_logical3A_599 = arith.constant 15 : i32
    %shift_right_logical3A_600 = vector.broadcast %shift_right_logical3A_599 : i32 to vector<16xi32>
    %shift_right_logical3A_601 = arith.shrui %get3A_598, %shift_right_logical3A_600 : vector<16xi32>
    %shift_left3A_602 = arith.constant 13 : i32
    %shift_left3A_603 = vector.broadcast %shift_left3A_602 : i32 to vector<16xi32>
    %shift_left3A_604 = arith.shli %shift_right_logical3A_601, %shift_left3A_603 : vector<16xi32>
    %and3A_605 = arith.constant 8191 : i32
    %and3A_606 = vector.broadcast %and3A_605 : i32 to vector<16xi32>
    %and3A_607 = arith.andi %get3A_598, %and3A_606 : vector<16xi32>
    %or3A_608 = arith.ori %shift_left3A_604, %and3A_607 : vector<16xi32>
    %swap3A_609 = arith.constant 160 : index
    %swap3A_610 = tpu.vector_load %arg14[%swap3A_609] {strides = array<i32>} : memref<256xi32, #tpu.memory_space<vmem>>, vector<16xi32>,
    tpu.vector_store %arg14[%swap3A_609], %or3A_608 {strides = array<i32>} : memref<256xi32, #tpu.memory_space<vmem>>, vector<16xi32>,
    %get3A_611 = arith.constant 176 : index
    %get3A_612 = tpu.vector_load %arg11[%get3A_611] {strides = array<i32>} : memref<256xi32, #tpu.memory_space<vmem>>, vector<16xi32>,
    %shift_right_logical3A_613 = arith.constant 15 : i32
    %shift_right_logical3A_614 = vector.broadcast %shift_right_logical3A_613 : i32 to vector<16xi32>
    %shift_right_logical3A_615 = arith.shrui %get3A_612, %shift_right_logical3A_614 : vector<16xi32>
    %shift_left3A_616 = arith.constant 13 : i32
    %shift_left3A_617 = vector.broadcast %shift_left3A_616 : i32 to vector<16xi32>
    %shift_left3A_618 = arith.shli %shift_right_logical3A_615, %shift_left3A_617 : vector<16xi32>
    %and3A_619 = arith.constant 8191 : i32
    %and3A_620 = vector.broadcast %and3A_619 : i32 to vector<16xi32>
    %and3A_621 = arith.andi %get3A_612, %and3A_620 : vector<16xi32>
    %or3A_622 = arith.ori %shift_left3A_618, %and3A_621 : vector<16xi32>
    %swap3A_623 = arith.constant 176 : index
    %swap3A_624 = tpu.vector_load %arg14[%swap3A_623] {strides = array<i32>} : memref<256xi32, #tpu.memory_space<vmem>>, vector<16xi32>,
    tpu.vector_store %arg14[%swap3A_623], %or3A_622 {strides = array<i32>} : memref<256xi32, #tpu.memory_space<vmem>>, vector<16xi32>,
    %get3A_625 = arith.constant 192 : index
    %get3A_626 = tpu.vector_load %arg11[%get3A_625] {strides = array<i32>} : memref<256xi32, #tpu.memory_space<vmem>>, vector<16xi32>,
    %shift_right_logical3A_627 = arith.constant 15 : i32
    %shift_right_logical3A_628 = vector.broadcast %shift_right_logical3A_627 : i32 to vector<16xi32>
    %shift_right_logical3A_629 = arith.shrui %get3A_626, %shift_right_logical3A_628 : vector<16xi32>
    %shift_left3A_630 = arith.constant 13 : i32
    %shift_left3A_631 = vector.broadcast %shift_left3A_630 : i32 to vector<16xi32>
    %shift_left3A_632 = arith.shli %shift_right_logical3A_629, %shift_left3A_631 : vector<16xi32>
    %and3A_633 = arith.constant 8191 : i32
    %and3A_634 = vector.broadcast %and3A_633 : i32 to vector<16xi32>
    %and3A_635 = arith.andi %get3A_626, %and3A_634 : vector<16xi32>
    %or3A_636 = arith.ori %shift_left3A_632, %and3A_635 : vector<16xi32>
    %swap3A_637 = arith.constant 192 : index
    %swap3A_638 = tpu.vector_load %arg14[%swap3A_637] {strides = array<i32>} : memref<256xi32, #tpu.memory_space<vmem>>, vector<16xi32>,
    tpu.vector_store %arg14[%swap3A_637], %or3A_636 {strides = array<i32>} : memref<256xi32, #tpu.memory_space<vmem>>, vector<16xi32>,
    %get3A_639 = arith.constant 208 : index
    %get3A_640 = tpu.vector_load %arg11[%get3A_639] {strides = array<i32>} : memref<256xi32, #tpu.memory_space<vmem>>, vector<16xi32>,
    %shift_right_logical3A_641 = arith.constant 15 : i32
    %shift_right_logical3A_642 = vector.broadcast %shift_right_logical3A_641 : i32 to vector<16xi32>
    %shift_right_logical3A_643 = arith.shrui %get3A_640, %shift_right_logical3A_642 : vector<16xi32>
    %shift_left3A_644 = arith.constant 13 : i32
    %shift_left3A_645 = vector.broadcast %shift_left3A_644 : i32 to vector<16xi32>
    %shift_left3A_646 = arith.shli %shift_right_logical3A_643, %shift_left3A_645 : vector<16xi32>
    %and3A_647 = arith.constant 8191 : i32
    %and3A_648 = vector.broadcast %and3A_647 : i32 to vector<16xi32>
    %and3A_649 = arith.andi %get3A_640, %and3A_648 : vector<16xi32>
    %or3A_650 = arith.ori %shift_left3A_646, %and3A_649 : vector<16xi32>
    %swap3A_651 = arith.constant 208 : index
    %swap3A_652 = tpu.vector_load %arg14[%swap3A_651] {strides = array<i32>} : memref<256xi32, #tpu.memory_space<vmem>>, vector<16xi32>,
    tpu.vector_store %arg14[%swap3A_651], %or3A_650 {strides = array<i32>} : memref<256xi32, #tpu.memory_space<vmem>>, vector<16xi32>,
    %get3A_653 = arith.constant 224 : index
    %get3A_654 = tpu.vector_load %arg11[%get3A_653] {strides = array<i32>} : memref<256xi32, #tpu.memory_space<vmem>>, vector<16xi32>,
    %shift_right_logical3A_655 = arith.constant 15 : i32
    %shift_right_logical3A_656 = vector.broadcast %shift_right_logical3A_655 : i32 to vector<16xi32>
    %shift_right_logical3A_657 = arith.shrui %get3A_654, %shift_right_logical3A_656 : vector<16xi32>
    %shift_left3A_658 = arith.constant 13 : i32
    %shift_left3A_659 = vector.broadcast %shift_left3A_658 : i32 to vector<16xi32>
    %shift_left3A_660 = arith.shli %shift_right_logical3A_657, %shift_left3A_659 : vector<16xi32>
    %and3A_661 = arith.constant 8191 : i32
    %and3A_662 = vector.broadcast %and3A_661 : i32 to vector<16xi32>
    %and3A_663 = arith.andi %get3A_654, %and3A_662 : vector<16xi32>
    %or3A_664 = arith.ori %shift_left3A_660, %and3A_663 : vector<16xi32>
    %swap3A_665 = arith.constant 224 : index
    %swap3A_666 = tpu.vector_load %arg14[%swap3A_665] {strides = array<i32>} : memref<256xi32, #tpu.memory_space<vmem>>, vector<16xi32>,
    tpu.vector_store %arg14[%swap3A_665], %or3A_664 {strides = array<i32>} : memref<256xi32, #tpu.memory_space<vmem>>, vector<16xi32>,
    %get3A_667 = arith.constant 240 : index
    %get3A_668 = tpu.vector_load %arg11[%get3A_667] {strides = array<i32>} : memref<256xi32, #tpu.memory_space<vmem>>, vector<16xi32>,
    %shift_right_logical3A_669 = arith.constant 15 : i32
    %shift_right_logical3A_670 = vector.broadcast %shift_right_logical3A_669 : i32 to vector<16xi32>
    %shift_right_logical3A_671 = arith.shrui %get3A_668, %shift_right_logical3A_670 : vector<16xi32>
    %shift_left3A_672 = arith.constant 13 : i32
    %shift_left3A_673 = vector.broadcast %shift_left3A_672 : i32 to vector<16xi32>
    %shift_left3A_674 = arith.shli %shift_right_logical3A_671, %shift_left3A_673 : vector<16xi32>
    %and3A_675 = arith.constant 8191 : i32
    %and3A_676 = vector.broadcast %and3A_675 : i32 to vector<16xi32>
    %and3A_677 = arith.andi %get3A_668, %and3A_676 : vector<16xi32>
    %or3A_678 = arith.ori %shift_left3A_674, %and3A_677 : vector<16xi32>
    %swap3A_679 = arith.constant 240 : index
    %swap3A_680 = tpu.vector_load %arg14[%swap3A_679] {strides = array<i32>} : memref<256xi32, #tpu.memory_space<vmem>>, vector<16xi32>,
    tpu.vector_store %arg14[%swap3A_679], %or3A_678 {strides = array<i32>} : memref<256xi32, #tpu.memory_space<vmem>>, vector<16xi32>,
    %dma_start3A_681 = arith.constant 0 : i32
    %dma_start3A_682 = arith.constant 0 : i32
    %dma_start3A_683 = tpu.memref_slice %arg15[%dma_start3A_681, %dma_start3A_682] : memref<256x128xf32, #tpu.memory_space<vmem>> -> memref<128x128xf32, #tpu.memory_space<vmem>>
    %dma_start3A_684 = arith.constant 0 : i32
    %dma_start3A_685 = tpu.memref_slice %arg12[%dma_start3A_684] : memref<256xi32, #tpu.memory_space<vmem>> -> memref<128xi32, #tpu.memory_space<vmem>>
    %dma_start3A_686 = arith.constant 0 : i32
    %dma_start3A_687 = arith.constant 0 : i32
    %dma_start3A_688 = tpu.memref_slice %arg5[%dma_start3A_686, %dma_start3A_687] : memref<253952x128xf32, #tpu.memory_space<hbm>> -> memref<253952x128xf32, #tpu.memory_space<hbm>>
    tpu.enqueue_indirect_dma source(%dma_start3A_688 : memref<253952x128xf32, #tpu.memory_space<hbm>>) target(%dma_start3A_683 : memref<128x128xf32, #tpu.memory_space<vmem>>) offsets(%dma_start3A_685 : memref<128xi32, #tpu.memory_space<vmem>>) semaphore(%arg20 : memref<!tpu.dma_semaphore, #tpu.memory_space<semaphore_mem>>)
    %dma_start3A_689 = arith.constant 0 : i32
    %dma_start3A_690 = arith.constant 0 : i32
    %dma_start3A_691 = tpu.memref_slice %arg16[%dma_start3A_689, %dma_start3A_690] : memref<256x128xf32, #tpu.memory_space<vmem>> -> memref<128x128xf32, #tpu.memory_space<vmem>>
    %dma_start3A_692 = arith.constant 0 : i32
    %dma_start3A_693 = tpu.memref_slice %arg13[%dma_start3A_692] : memref<256xi32, #tpu.memory_space<vmem>> -> memref<128xi32, #tpu.memory_space<vmem>>
    %dma_start3A_694 = arith.constant 0 : i32
    %dma_start3A_695 = arith.constant 0 : i32
    %dma_start3A_696 = tpu.memref_slice %arg6[%dma_start3A_694, %dma_start3A_695] : memref<253952x128xf32, #tpu.memory_space<hbm>> -> memref<253952x128xf32, #tpu.memory_space<hbm>>
    tpu.enqueue_indirect_dma source(%dma_start3A_696 : memref<253952x128xf32, #tpu.memory_space<hbm>>) target(%dma_start3A_691 : memref<128x128xf32, #tpu.memory_space<vmem>>) offsets(%dma_start3A_693 : memref<128xi32, #tpu.memory_space<vmem>>) semaphore(%arg20 : memref<!tpu.dma_semaphore, #tpu.memory_space<semaphore_mem>>)
    %dma_start3A_697 = arith.constant 0 : i32
    %dma_start3A_698 = arith.constant 0 : i32
    %dma_start3A_699 = tpu.memref_slice %arg17[%dma_start3A_697, %dma_start3A_698] : memref<256x128xf32, #tpu.memory_space<vmem>> -> memref<128x128xf32, #tpu.memory_space<vmem>>
    %dma_start3A_700 = arith.constant 0 : i32
    %dma_start3A_701 = tpu.memref_slice %arg14[%dma_start3A_700] : memref<256xi32, #tpu.memory_space<vmem>> -> memref<128xi32, #tpu.memory_space<vmem>>
    %dma_start3A_702 = arith.constant 0 : i32
    %dma_start3A_703 = arith.constant 0 : i32
    %dma_start3A_704 = tpu.memref_slice %arg6[%dma_start3A_702, %dma_start3A_703] : memref<253952x128xf32, #tpu.memory_space<hbm>> -> memref<253952x128xf32, #tpu.memory_space<hbm>>
    tpu.enqueue_indirect_dma source(%dma_start3A_704 : memref<253952x128xf32, #tpu.memory_space<hbm>>) target(%dma_start3A_699 : memref<128x128xf32, #tpu.memory_space<vmem>>) offsets(%dma_start3A_701 : memref<128xi32, #tpu.memory_space<vmem>>) semaphore(%arg20 : memref<!tpu.dma_semaphore, #tpu.memory_space<semaphore_mem>>)
    %dma_start3A_705 = arith.constant 128 : i32
    %dma_start3A_706 = arith.constant 0 : i32
    %dma_start3A_707 = tpu.memref_slice %arg15[%dma_start3A_705, %dma_start3A_706] : memref<256x128xf32, #tpu.memory_space<vmem>> -> memref<128x128xf32, #tpu.memory_space<vmem>>
    %dma_start3A_708 = arith.constant 128 : i32
    %dma_start3A_709 = tpu.memref_slice %arg12[%dma_start3A_708] : memref<256xi32, #tpu.memory_space<vmem>> -> memref<128xi32, #tpu.memory_space<vmem>>
    %dma_start3A_710 = arith.constant 0 : i32
    %dma_start3A_711 = arith.constant 0 : i32
    %dma_start3A_712 = tpu.memref_slice %arg5[%dma_start3A_710, %dma_start3A_711] : memref<253952x128xf32, #tpu.memory_space<hbm>> -> memref<253952x128xf32, #tpu.memory_space<hbm>>
    tpu.enqueue_indirect_dma source(%dma_start3A_712 : memref<253952x128xf32, #tpu.memory_space<hbm>>) target(%dma_start3A_707 : memref<128x128xf32, #tpu.memory_space<vmem>>) offsets(%dma_start3A_709 : memref<128xi32, #tpu.memory_space<vmem>>) semaphore(%arg20 : memref<!tpu.dma_semaphore, #tpu.memory_space<semaphore_mem>>)
    %dma_start3A_713 = arith.constant 128 : i32
    %dma_start3A_714 = arith.constant 0 : i32
    %dma_start3A_715 = tpu.memref_slice %arg16[%dma_start3A_713, %dma_start3A_714] : memref<256x128xf32, #tpu.memory_space<vmem>> -> memref<128x128xf32, #tpu.memory_space<vmem>>
    %dma_start3A_716 = arith.constant 128 : i32
    %dma_start3A_717 = tpu.memref_slice %arg13[%dma_start3A_716] : memref<256xi32, #tpu.memory_space<vmem>> -> memref<128xi32, #tpu.memory_space<vmem>>
    %dma_start3A_718 = arith.constant 0 : i32
    %dma_start3A_719 = arith.constant 0 : i32
    %dma_start3A_720 = tpu.memref_slice %arg6[%dma_start3A_718, %dma_start3A_719] : memref<253952x128xf32, #tpu.memory_space<hbm>> -> memref<253952x128xf32, #tpu.memory_space<hbm>>
    tpu.enqueue_indirect_dma source(%dma_start3A_720 : memref<253952x128xf32, #tpu.memory_space<hbm>>) target(%dma_start3A_715 : memref<128x128xf32, #tpu.memory_space<vmem>>) offsets(%dma_start3A_717 : memref<128xi32, #tpu.memory_space<vmem>>) semaphore(%arg20 : memref<!tpu.dma_semaphore, #tpu.memory_space<semaphore_mem>>)
    %dma_start3A_721 = arith.constant 128 : i32
    %dma_start3A_722 = arith.constant 0 : i32
    %dma_start3A_723 = tpu.memref_slice %arg17[%dma_start3A_721, %dma_start3A_722] : memref<256x128xf32, #tpu.memory_space<vmem>> -> memref<128x128xf32, #tpu.memory_space<vmem>>
    %dma_start3A_724 = arith.constant 128 : i32
    %dma_start3A_725 = tpu.memref_slice %arg14[%dma_start3A_724] : memref<256xi32, #tpu.memory_space<vmem>> -> memref<128xi32, #tpu.memory_space<vmem>>
    %dma_start3A_726 = arith.constant 0 : i32
    %dma_start3A_727 = arith.constant 0 : i32
    %dma_start3A_728 = tpu.memref_slice %arg6[%dma_start3A_726, %dma_start3A_727] : memref<253952x128xf32, #tpu.memory_space<hbm>> -> memref<253952x128xf32, #tpu.memory_space<hbm>>
    tpu.enqueue_indirect_dma source(%dma_start3A_728 : memref<253952x128xf32, #tpu.memory_space<hbm>>) target(%dma_start3A_723 : memref<128x128xf32, #tpu.memory_space<vmem>>) offsets(%dma_start3A_725 : memref<128xi32, #tpu.memory_space<vmem>>) semaphore(%arg20 : memref<!tpu.dma_semaphore, #tpu.memory_space<semaphore_mem>>)
    %dma_wait3A_729 = arith.constant 0 : i32
    %dma_wait3A_730 = arith.constant 0 : i32
    %dma_wait3A_731 = tpu.memref_slice %arg15[%dma_wait3A_729, %dma_wait3A_730] : memref<256x128xf32, #tpu.memory_space<vmem>> -> memref<128x128xf32, #tpu.memory_space<vmem>>
    %dma_wait3A_732 = arith.constant 0 : i32
    %dma_wait3A_733 = tpu.memref_slice %arg12[%dma_wait3A_732] : memref<256xi32, #tpu.memory_space<vmem>> -> memref<128xi32, #tpu.memory_space<vmem>>
    %dma_wait3A_734 = arith.constant 0 : i32
    %dma_wait3A_735 = arith.constant 0 : i32
    %dma_wait3A_736 = tpu.memref_slice %arg5[%dma_wait3A_734, %dma_wait3A_735] : memref<253952x128xf32, #tpu.memory_space<hbm>> -> memref<253952x128xf32, #tpu.memory_space<hbm>>
    tpu.wait_indirect_dma semaphore(%arg20 : memref<!tpu.dma_semaphore, #tpu.memory_space<semaphore_mem>>) src(%dma_wait3A_736 : memref<253952x128xf32, #tpu.memory_space<hbm>>) dst(%dma_wait3A_731 : memref<128x128xf32, #tpu.memory_space<vmem>>)
    %dma_wait3A_737 = arith.constant 0 : i32
    %dma_wait3A_738 = arith.constant 0 : i32
    %dma_wait3A_739 = tpu.memref_slice %arg16[%dma_wait3A_737, %dma_wait3A_738] : memref<256x128xf32, #tpu.memory_space<vmem>> -> memref<128x128xf32, #tpu.memory_space<vmem>>
    %dma_wait3A_740 = arith.constant 0 : i32
    %dma_wait3A_741 = tpu.memref_slice %arg13[%dma_wait3A_740] : memref<256xi32, #tpu.memory_space<vmem>> -> memref<128xi32, #tpu.memory_space<vmem>>
    %dma_wait3A_742 = arith.constant 0 : i32
    %dma_wait3A_743 = arith.constant 0 : i32
    %dma_wait3A_744 = tpu.memref_slice %arg6[%dma_wait3A_742, %dma_wait3A_743] : memref<253952x128xf32, #tpu.memory_space<hbm>> -> memref<253952x128xf32, #tpu.memory_space<hbm>>
    tpu.wait_indirect_dma semaphore(%arg20 : memref<!tpu.dma_semaphore, #tpu.memory_space<semaphore_mem>>) src(%dma_wait3A_744 : memref<253952x128xf32, #tpu.memory_space<hbm>>) dst(%dma_wait3A_739 : memref<128x128xf32, #tpu.memory_space<vmem>>)
    %dma_wait3A_745 = arith.constant 0 : i32
    %dma_wait3A_746 = arith.constant 0 : i32
    %dma_wait3A_747 = tpu.memref_slice %arg17[%dma_wait3A_745, %dma_wait3A_746] : memref<256x128xf32, #tpu.memory_space<vmem>> -> memref<128x128xf32, #tpu.memory_space<vmem>>
    %dma_wait3A_748 = arith.constant 0 : i32
    %dma_wait3A_749 = tpu.memref_slice %arg14[%dma_wait3A_748] : memref<256xi32, #tpu.memory_space<vmem>> -> memref<128xi32, #tpu.memory_space<vmem>>
    %dma_wait3A_750 = arith.constant 0 : i32
    %dma_wait3A_751 = arith.constant 0 : i32
    %dma_wait3A_752 = tpu.memref_slice %arg6[%dma_wait3A_750, %dma_wait3A_751] : memref<253952x128xf32, #tpu.memory_space<hbm>> -> memref<253952x128xf32, #tpu.memory_space<hbm>>
    tpu.wait_indirect_dma semaphore(%arg20 : memref<!tpu.dma_semaphore, #tpu.memory_space<semaphore_mem>>) src(%dma_wait3A_752 : memref<253952x128xf32, #tpu.memory_space<hbm>>) dst(%dma_wait3A_747 : memref<128x128xf32, #tpu.memory_space<vmem>>)
    %dma_wait3A_753 = arith.constant 128 : i32
    %dma_wait3A_754 = arith.constant 0 : i32
    %dma_wait3A_755 = tpu.memref_slice %arg15[%dma_wait3A_753, %dma_wait3A_754] : memref<256x128xf32, #tpu.memory_space<vmem>> -> memref<128x128xf32, #tpu.memory_space<vmem>>
    %dma_wait3A_756 = arith.constant 128 : i32
    %dma_wait3A_757 = tpu.memref_slice %arg12[%dma_wait3A_756] : memref<256xi32, #tpu.memory_space<vmem>> -> memref<128xi32, #tpu.memory_space<vmem>>
    %dma_wait3A_758 = arith.constant 0 : i32
    %dma_wait3A_759 = arith.constant 0 : i32
    %dma_wait3A_760 = tpu.memref_slice %arg5[%dma_wait3A_758, %dma_wait3A_759] : memref<253952x128xf32, #tpu.memory_space<hbm>> -> memref<253952x128xf32, #tpu.memory_space<hbm>>
    tpu.wait_indirect_dma semaphore(%arg20 : memref<!tpu.dma_semaphore, #tpu.memory_space<semaphore_mem>>) src(%dma_wait3A_760 : memref<253952x128xf32, #tpu.memory_space<hbm>>) dst(%dma_wait3A_755 : memref<128x128xf32, #tpu.memory_space<vmem>>)
    %dma_wait3A_761 = arith.constant 128 : i32
    %dma_wait3A_762 = arith.constant 0 : i32
    %dma_wait3A_763 = tpu.memref_slice %arg16[%dma_wait3A_761, %dma_wait3A_762] : memref<256x128xf32, #tpu.memory_space<vmem>> -> memref<128x128xf32, #tpu.memory_space<vmem>>
    %dma_wait3A_764 = arith.constant 128 : i32
    %dma_wait3A_765 = tpu.memref_slice %arg13[%dma_wait3A_764] : memref<256xi32, #tpu.memory_space<vmem>> -> memref<128xi32, #tpu.memory_space<vmem>>
    %dma_wait3A_766 = arith.constant 0 : i32
    %dma_wait3A_767 = arith.constant 0 : i32
    %dma_wait3A_768 = tpu.memref_slice %arg6[%dma_wait3A_766, %dma_wait3A_767] : memref<253952x128xf32, #tpu.memory_space<hbm>> -> memref<253952x128xf32, #tpu.memory_space<hbm>>
    tpu.wait_indirect_dma semaphore(%arg20 : memref<!tpu.dma_semaphore, #tpu.memory_space<semaphore_mem>>) src(%dma_wait3A_768 : memref<253952x128xf32, #tpu.memory_space<hbm>>) dst(%dma_wait3A_763 : memref<128x128xf32, #tpu.memory_space<vmem>>)
    %dma_wait3A_769 = arith.constant 128 : i32
    %dma_wait3A_770 = arith.constant 0 : i32
    %dma_wait3A_771 = tpu.memref_slice %arg17[%dma_wait3A_769, %dma_wait3A_770] : memref<256x128xf32, #tpu.memory_space<vmem>> -> memref<128x128xf32, #tpu.memory_space<vmem>>
    %dma_wait3A_772 = arith.constant 128 : i32
    %dma_wait3A_773 = tpu.memref_slice %arg14[%dma_wait3A_772] : memref<256xi32, #tpu.memory_space<vmem>> -> memref<128xi32, #tpu.memory_space<vmem>>
    %dma_wait3A_774 = arith.constant 0 : i32
    %dma_wait3A_775 = arith.constant 0 : i32
    %dma_wait3A_776 = tpu.memref_slice %arg6[%dma_wait3A_774, %dma_wait3A_775] : memref<253952x128xf32, #tpu.memory_space<hbm>> -> memref<253952x128xf32, #tpu.memory_space<hbm>>
    tpu.wait_indirect_dma semaphore(%arg20 : memref<!tpu.dma_semaphore, #tpu.memory_space<semaphore_mem>>) src(%dma_wait3A_776 : memref<253952x128xf32, #tpu.memory_space<hbm>>) dst(%dma_wait3A_771 : memref<128x128xf32, #tpu.memory_space<vmem>>)
    %scan3A = arith.constant 0 : i32
    %scan3A_777 = arith.constant 0 : i32
    %scan3A_778 = arith.constant 16 : i32
    %scan3A_779 = arith.addi %scan3A_777, %scan3A_778 : i32
    %scan3A_780 = arith.constant 1 : i32
    scf.for %scan3A_1570 = %scan3A_777 to %scan3A_779 step %scan3A_780  : i32 {
      %mul3A_1571 = arith.constant 16 : i32
      %mul3A_1572 = arith.muli %scan3A_1570, %mul3A_1571 : i32
      %mul3A_1573 = arith.constant 16 : i32
      %mul3A_1574 = arith.muli %scan3A_1570, %mul3A_1573 : i32
      %add3A_1575 = vector.broadcast %mul3A_1574 : i32 to vector<16xi32>
      %add3A_1576 = arith.addi %add3A_1575, %iota3A : vector<16xi32>
      %get3A_1577 = arith.index_cast %mul3A_1572 : i32 to index
      %get3A_1578 = tpu.vector_load %arg9[%get3A_1577] {strides = array<i32>} : memref<256xi32, #tpu.memory_space<vmem>>, vector<16xi32>,
      %shift_right_logical3A_1579 = arith.constant 13 : i32
      %shift_right_logical3A_1580 = vector.broadcast %shift_right_logical3A_1579 : i32 to vector<16xi32>
      %shift_right_logical3A_1581 = arith.shrui %get3A_1578, %shift_right_logical3A_1580 : vector<16xi32>
      %and3A_1582 = arith.constant 3 : i32
      %and3A_1583 = vector.broadcast %and3A_1582 : i32 to vector<16xi32>
      %and3A_1584 = arith.andi %shift_right_logical3A_1581, %and3A_1583 : vector<16xi32>
      %shift_left3A_1585 = arith.constant 5 : i32
      %shift_left3A_1586 = vector.broadcast %shift_left3A_1585 : i32 to vector<16xi32>
      %shift_left3A_1587 = arith.shli %and3A_1584, %shift_left3A_1586 : vector<16xi32>
      %get3A_1588 = arith.index_cast %mul3A_1572 : i32 to index
      %get3A_1589 = tpu.vector_load %arg10[%get3A_1588] {strides = array<i32>} : memref<256xi32, #tpu.memory_space<vmem>>, vector<16xi32>,
      %shift_right_logical3A_1590 = arith.constant 13 : i32
      %shift_right_logical3A_1591 = vector.broadcast %shift_right_logical3A_1590 : i32 to vector<16xi32>
      %shift_right_logical3A_1592 = arith.shrui %get3A_1589, %shift_right_logical3A_1591 : vector<16xi32>
      %and3A_1593 = arith.constant 3 : i32
      %and3A_1594 = vector.broadcast %and3A_1593 : i32 to vector<16xi32>
      %and3A_1595 = arith.andi %shift_right_logical3A_1592, %and3A_1594 : vector<16xi32>
      %shift_left3A_1596 = arith.constant 5 : i32
      %shift_left3A_1597 = vector.broadcast %shift_left3A_1596 : i32 to vector<16xi32>
      %shift_left3A_1598 = arith.shli %and3A_1595, %shift_left3A_1597 : vector<16xi32>
      %get3A_1599 = arith.index_cast %mul3A_1572 : i32 to index
      %get3A_1600 = tpu.vector_load %arg11[%get3A_1599] {strides = array<i32>} : memref<256xi32, #tpu.memory_space<vmem>>, vector<16xi32>,
      %shift_right_logical3A_1601 = arith.constant 13 : i32
      %shift_right_logical3A_1602 = vector.broadcast %shift_right_logical3A_1601 : i32 to vector<16xi32>
      %shift_right_logical3A_1603 = arith.shrui %get3A_1600, %shift_right_logical3A_1602 : vector<16xi32>
      %and3A_1604 = arith.constant 3 : i32
      %and3A_1605 = vector.broadcast %and3A_1604 : i32 to vector<16xi32>
      %and3A_1606 = arith.andi %shift_right_logical3A_1603, %and3A_1605 : vector<16xi32>
      %shift_left3A_1607 = arith.constant 5 : i32
      %shift_left3A_1608 = vector.broadcast %shift_left3A_1607 : i32 to vector<16xi32>
      %shift_left3A_1609 = arith.shli %and3A_1606, %shift_left3A_1608 : vector<16xi32>
      %broadcast_in_dim3A = arith.constant 0.000000e+00 : f32
      %broadcast_in_dim3A_1610 = vector.broadcast %broadcast_in_dim3A : f32 to vector<16xf32>
      %broadcast_in_dim3A_1611 = arith.constant 0.000000e+00 : f32
      %broadcast_in_dim3A_1612 = vector.broadcast %broadcast_in_dim3A_1611 : f32 to vector<16xf32>
      %add3A_1613 = arith.constant 0 : i32
      %add3A_1614 = vector.broadcast %add3A_1613 : i32 to vector<16xi32>
      %add3A_1615 = arith.addi %iota3A, %add3A_1614 : vector<16xi32>
      %and3A_1616 = arith.constant 31 : i32
      %and3A_1617 = vector.broadcast %and3A_1616 : i32 to vector<16xi32>
      %and3A_1618 = arith.andi %add3A_1615, %and3A_1617 : vector<16xi32>
      %add3A_1619 = arith.addi %shift_left3A_1587, %and3A_1618 : vector<16xi32>
      %gather3A = tpu.vector_load_idx %arg15[%add3A_1576, %add3A_1619] : memref<256x128xf32, #tpu.memory_space<vmem>>[vector<16xi32>, vector<16xi32>], vector<16xf32>,
      %add3A_1620 = arith.addi %shift_left3A_1598, %and3A_1618 : vector<16xi32>
      %gather3A_1621 = tpu.vector_load_idx %arg16[%add3A_1576, %add3A_1620] : memref<256x128xf32, #tpu.memory_space<vmem>>[vector<16xi32>, vector<16xi32>], vector<16xf32>,
      %add3A_1622 = arith.addi %shift_left3A_1609, %and3A_1618 : vector<16xi32>
      %gather3A_1623 = tpu.vector_load_idx %arg17[%add3A_1576, %add3A_1622] : memref<256x128xf32, #tpu.memory_space<vmem>>[vector<16xi32>, vector<16xi32>], vector<16xf32>,
      %mul3A_1624 = arith.mulf %gather3A, %gather3A_1621 : vector<16xf32>
      %add3A_1625 = arith.addf %broadcast_in_dim3A_1610, %mul3A_1624 : vector<16xf32>
      %mul3A_1626 = arith.mulf %gather3A, %gather3A_1623 : vector<16xf32>
      %add3A_1627 = arith.addf %broadcast_in_dim3A_1612, %mul3A_1626 : vector<16xf32>
      %add3A_1628 = arith.constant 1 : i32
      %add3A_1629 = vector.broadcast %add3A_1628 : i32 to vector<16xi32>
      %add3A_1630 = arith.addi %iota3A, %add3A_1629 : vector<16xi32>
      %and3A_1631 = arith.constant 31 : i32
      %and3A_1632 = vector.broadcast %and3A_1631 : i32 to vector<16xi32>
      %and3A_1633 = arith.andi %add3A_1630, %and3A_1632 : vector<16xi32>
      %add3A_1634 = arith.addi %shift_left3A_1587, %and3A_1633 : vector<16xi32>
      %gather3A_1635 = tpu.vector_load_idx %arg15[%add3A_1576, %add3A_1634] : memref<256x128xf32, #tpu.memory_space<vmem>>[vector<16xi32>, vector<16xi32>], vector<16xf32>,
      %add3A_1636 = arith.addi %shift_left3A_1598, %and3A_1633 : vector<16xi32>
      %gather3A_1637 = tpu.vector_load_idx %arg16[%add3A_1576, %add3A_1636] : memref<256x128xf32, #tpu.memory_space<vmem>>[vector<16xi32>, vector<16xi32>], vector<16xf32>,
      %add3A_1638 = arith.addi %shift_left3A_1609, %and3A_1633 : vector<16xi32>
      %gather3A_1639 = tpu.vector_load_idx %arg17[%add3A_1576, %add3A_1638] : memref<256x128xf32, #tpu.memory_space<vmem>>[vector<16xi32>, vector<16xi32>], vector<16xf32>,
      %mul3A_1640 = arith.mulf %gather3A_1635, %gather3A_1637 : vector<16xf32>
      %add3A_1641 = arith.addf %add3A_1625, %mul3A_1640 : vector<16xf32>
      %mul3A_1642 = arith.mulf %gather3A_1635, %gather3A_1639 : vector<16xf32>
      %add3A_1643 = arith.addf %add3A_1627, %mul3A_1642 : vector<16xf32>
      %add3A_1644 = arith.constant 2 : i32
      %add3A_1645 = vector.broadcast %add3A_1644 : i32 to vector<16xi32>
      %add3A_1646 = arith.addi %iota3A, %add3A_1645 : vector<16xi32>
      %and3A_1647 = arith.constant 31 : i32
      %and3A_1648 = vector.broadcast %and3A_1647 : i32 to vector<16xi32>
      %and3A_1649 = arith.andi %add3A_1646, %and3A_1648 : vector<16xi32>
      %add3A_1650 = arith.addi %shift_left3A_1587, %and3A_1649 : vector<16xi32>
      %gather3A_1651 = tpu.vector_load_idx %arg15[%add3A_1576, %add3A_1650] : memref<256x128xf32, #tpu.memory_space<vmem>>[vector<16xi32>, vector<16xi32>], vector<16xf32>,
      %add3A_1652 = arith.addi %shift_left3A_1598, %and3A_1649 : vector<16xi32>
      %gather3A_1653 = tpu.vector_load_idx %arg16[%add3A_1576, %add3A_1652] : memref<256x128xf32, #tpu.memory_space<vmem>>[vector<16xi32>, vector<16xi32>], vector<16xf32>,
      %add3A_1654 = arith.addi %shift_left3A_1609, %and3A_1649 : vector<16xi32>
      %gather3A_1655 = tpu.vector_load_idx %arg17[%add3A_1576, %add3A_1654] : memref<256x128xf32, #tpu.memory_space<vmem>>[vector<16xi32>, vector<16xi32>], vector<16xf32>,
      %mul3A_1656 = arith.mulf %gather3A_1651, %gather3A_1653 : vector<16xf32>
      %add3A_1657 = arith.addf %add3A_1641, %mul3A_1656 : vector<16xf32>
      %mul3A_1658 = arith.mulf %gather3A_1651, %gather3A_1655 : vector<16xf32>
      %add3A_1659 = arith.addf %add3A_1643, %mul3A_1658 : vector<16xf32>
      %add3A_1660 = arith.constant 3 : i32
      %add3A_1661 = vector.broadcast %add3A_1660 : i32 to vector<16xi32>
      %add3A_1662 = arith.addi %iota3A, %add3A_1661 : vector<16xi32>
      %and3A_1663 = arith.constant 31 : i32
      %and3A_1664 = vector.broadcast %and3A_1663 : i32 to vector<16xi32>
      %and3A_1665 = arith.andi %add3A_1662, %and3A_1664 : vector<16xi32>
      %add3A_1666 = arith.addi %shift_left3A_1587, %and3A_1665 : vector<16xi32>
      %gather3A_1667 = tpu.vector_load_idx %arg15[%add3A_1576, %add3A_1666] : memref<256x128xf32, #tpu.memory_space<vmem>>[vector<16xi32>, vector<16xi32>], vector<16xf32>,
      %add3A_1668 = arith.addi %shift_left3A_1598, %and3A_1665 : vector<16xi32>
      %gather3A_1669 = tpu.vector_load_idx %arg16[%add3A_1576, %add3A_1668] : memref<256x128xf32, #tpu.memory_space<vmem>>[vector<16xi32>, vector<16xi32>], vector<16xf32>,
      %add3A_1670 = arith.addi %shift_left3A_1609, %and3A_1665 : vector<16xi32>
      %gather3A_1671 = tpu.vector_load_idx %arg17[%add3A_1576, %add3A_1670] : memref<256x128xf32, #tpu.memory_space<vmem>>[vector<16xi32>, vector<16xi32>], vector<16xf32>,
      %mul3A_1672 = arith.mulf %gather3A_1667, %gather3A_1669 : vector<16xf32>
      %add3A_1673 = arith.addf %add3A_1657, %mul3A_1672 : vector<16xf32>
      %mul3A_1674 = arith.mulf %gather3A_1667, %gather3A_1671 : vector<16xf32>
      %add3A_1675 = arith.addf %add3A_1659, %mul3A_1674 : vector<16xf32>
      %add3A_1676 = arith.constant 4 : i32
      %add3A_1677 = vector.broadcast %add3A_1676 : i32 to vector<16xi32>
      %add3A_1678 = arith.addi %iota3A, %add3A_1677 : vector<16xi32>
      %and3A_1679 = arith.constant 31 : i32
      %and3A_1680 = vector.broadcast %and3A_1679 : i32 to vector<16xi32>
      %and3A_1681 = arith.andi %add3A_1678, %and3A_1680 : vector<16xi32>
      %add3A_1682 = arith.addi %shift_left3A_1587, %and3A_1681 : vector<16xi32>
      %gather3A_1683 = tpu.vector_load_idx %arg15[%add3A_1576, %add3A_1682] : memref<256x128xf32, #tpu.memory_space<vmem>>[vector<16xi32>, vector<16xi32>], vector<16xf32>,
      %add3A_1684 = arith.addi %shift_left3A_1598, %and3A_1681 : vector<16xi32>
      %gather3A_1685 = tpu.vector_load_idx %arg16[%add3A_1576, %add3A_1684] : memref<256x128xf32, #tpu.memory_space<vmem>>[vector<16xi32>, vector<16xi32>], vector<16xf32>,
      %add3A_1686 = arith.addi %shift_left3A_1609, %and3A_1681 : vector<16xi32>
      %gather3A_1687 = tpu.vector_load_idx %arg17[%add3A_1576, %add3A_1686] : memref<256x128xf32, #tpu.memory_space<vmem>>[vector<16xi32>, vector<16xi32>], vector<16xf32>,
      %mul3A_1688 = arith.mulf %gather3A_1683, %gather3A_1685 : vector<16xf32>
      %add3A_1689 = arith.addf %add3A_1673, %mul3A_1688 : vector<16xf32>
      %mul3A_1690 = arith.mulf %gather3A_1683, %gather3A_1687 : vector<16xf32>
      %add3A_1691 = arith.addf %add3A_1675, %mul3A_1690 : vector<16xf32>
      %add3A_1692 = arith.constant 5 : i32
      %add3A_1693 = vector.broadcast %add3A_1692 : i32 to vector<16xi32>
      %add3A_1694 = arith.addi %iota3A, %add3A_1693 : vector<16xi32>
      %and3A_1695 = arith.constant 31 : i32
      %and3A_1696 = vector.broadcast %and3A_1695 : i32 to vector<16xi32>
      %and3A_1697 = arith.andi %add3A_1694, %and3A_1696 : vector<16xi32>
      %add3A_1698 = arith.addi %shift_left3A_1587, %and3A_1697 : vector<16xi32>
      %gather3A_1699 = tpu.vector_load_idx %arg15[%add3A_1576, %add3A_1698] : memref<256x128xf32, #tpu.memory_space<vmem>>[vector<16xi32>, vector<16xi32>], vector<16xf32>,
      %add3A_1700 = arith.addi %shift_left3A_1598, %and3A_1697 : vector<16xi32>
      %gather3A_1701 = tpu.vector_load_idx %arg16[%add3A_1576, %add3A_1700] : memref<256x128xf32, #tpu.memory_space<vmem>>[vector<16xi32>, vector<16xi32>], vector<16xf32>,
      %add3A_1702 = arith.addi %shift_left3A_1609, %and3A_1697 : vector<16xi32>
      %gather3A_1703 = tpu.vector_load_idx %arg17[%add3A_1576, %add3A_1702] : memref<256x128xf32, #tpu.memory_space<vmem>>[vector<16xi32>, vector<16xi32>], vector<16xf32>,
      %mul3A_1704 = arith.mulf %gather3A_1699, %gather3A_1701 : vector<16xf32>
      %add3A_1705 = arith.addf %add3A_1689, %mul3A_1704 : vector<16xf32>
      %mul3A_1706 = arith.mulf %gather3A_1699, %gather3A_1703 : vector<16xf32>
      %add3A_1707 = arith.addf %add3A_1691, %mul3A_1706 : vector<16xf32>
      %add3A_1708 = arith.constant 6 : i32
      %add3A_1709 = vector.broadcast %add3A_1708 : i32 to vector<16xi32>
      %add3A_1710 = arith.addi %iota3A, %add3A_1709 : vector<16xi32>
      %and3A_1711 = arith.constant 31 : i32
      %and3A_1712 = vector.broadcast %and3A_1711 : i32 to vector<16xi32>
      %and3A_1713 = arith.andi %add3A_1710, %and3A_1712 : vector<16xi32>
      %add3A_1714 = arith.addi %shift_left3A_1587, %and3A_1713 : vector<16xi32>
      %gather3A_1715 = tpu.vector_load_idx %arg15[%add3A_1576, %add3A_1714] : memref<256x128xf32, #tpu.memory_space<vmem>>[vector<16xi32>, vector<16xi32>], vector<16xf32>,
      %add3A_1716 = arith.addi %shift_left3A_1598, %and3A_1713 : vector<16xi32>
      %gather3A_1717 = tpu.vector_load_idx %arg16[%add3A_1576, %add3A_1716] : memref<256x128xf32, #tpu.memory_space<vmem>>[vector<16xi32>, vector<16xi32>], vector<16xf32>,
      %add3A_1718 = arith.addi %shift_left3A_1609, %and3A_1713 : vector<16xi32>
      %gather3A_1719 = tpu.vector_load_idx %arg17[%add3A_1576, %add3A_1718] : memref<256x128xf32, #tpu.memory_space<vmem>>[vector<16xi32>, vector<16xi32>], vector<16xf32>,
      %mul3A_1720 = arith.mulf %gather3A_1715, %gather3A_1717 : vector<16xf32>
      %add3A_1721 = arith.addf %add3A_1705, %mul3A_1720 : vector<16xf32>
      %mul3A_1722 = arith.mulf %gather3A_1715, %gather3A_1719 : vector<16xf32>
      %add3A_1723 = arith.addf %add3A_1707, %mul3A_1722 : vector<16xf32>
      %add3A_1724 = arith.constant 7 : i32
      %add3A_1725 = vector.broadcast %add3A_1724 : i32 to vector<16xi32>
      %add3A_1726 = arith.addi %iota3A, %add3A_1725 : vector<16xi32>
      %and3A_1727 = arith.constant 31 : i32
      %and3A_1728 = vector.broadcast %and3A_1727 : i32 to vector<16xi32>
      %and3A_1729 = arith.andi %add3A_1726, %and3A_1728 : vector<16xi32>
      %add3A_1730 = arith.addi %shift_left3A_1587, %and3A_1729 : vector<16xi32>
      %gather3A_1731 = tpu.vector_load_idx %arg15[%add3A_1576, %add3A_1730] : memref<256x128xf32, #tpu.memory_space<vmem>>[vector<16xi32>, vector<16xi32>], vector<16xf32>,
      %add3A_1732 = arith.addi %shift_left3A_1598, %and3A_1729 : vector<16xi32>
      %gather3A_1733 = tpu.vector_load_idx %arg16[%add3A_1576, %add3A_1732] : memref<256x128xf32, #tpu.memory_space<vmem>>[vector<16xi32>, vector<16xi32>], vector<16xf32>,
      %add3A_1734 = arith.addi %shift_left3A_1609, %and3A_1729 : vector<16xi32>
      %gather3A_1735 = tpu.vector_load_idx %arg17[%add3A_1576, %add3A_1734] : memref<256x128xf32, #tpu.memory_space<vmem>>[vector<16xi32>, vector<16xi32>], vector<16xf32>,
      %mul3A_1736 = arith.mulf %gather3A_1731, %gather3A_1733 : vector<16xf32>
      %add3A_1737 = arith.addf %add3A_1721, %mul3A_1736 : vector<16xf32>
      %mul3A_1738 = arith.mulf %gather3A_1731, %gather3A_1735 : vector<16xf32>
      %add3A_1739 = arith.addf %add3A_1723, %mul3A_1738 : vector<16xf32>
      %add3A_1740 = arith.constant 8 : i32
      %add3A_1741 = vector.broadcast %add3A_1740 : i32 to vector<16xi32>
      %add3A_1742 = arith.addi %iota3A, %add3A_1741 : vector<16xi32>
      %and3A_1743 = arith.constant 31 : i32
      %and3A_1744 = vector.broadcast %and3A_1743 : i32 to vector<16xi32>
      %and3A_1745 = arith.andi %add3A_1742, %and3A_1744 : vector<16xi32>
      %add3A_1746 = arith.addi %shift_left3A_1587, %and3A_1745 : vector<16xi32>
      %gather3A_1747 = tpu.vector_load_idx %arg15[%add3A_1576, %add3A_1746] : memref<256x128xf32, #tpu.memory_space<vmem>>[vector<16xi32>, vector<16xi32>], vector<16xf32>,
      %add3A_1748 = arith.addi %shift_left3A_1598, %and3A_1745 : vector<16xi32>
      %gather3A_1749 = tpu.vector_load_idx %arg16[%add3A_1576, %add3A_1748] : memref<256x128xf32, #tpu.memory_space<vmem>>[vector<16xi32>, vector<16xi32>], vector<16xf32>,
      %add3A_1750 = arith.addi %shift_left3A_1609, %and3A_1745 : vector<16xi32>
      %gather3A_1751 = tpu.vector_load_idx %arg17[%add3A_1576, %add3A_1750] : memref<256x128xf32, #tpu.memory_space<vmem>>[vector<16xi32>, vector<16xi32>], vector<16xf32>,
      %mul3A_1752 = arith.mulf %gather3A_1747, %gather3A_1749 : vector<16xf32>
      %add3A_1753 = arith.addf %add3A_1737, %mul3A_1752 : vector<16xf32>
      %mul3A_1754 = arith.mulf %gather3A_1747, %gather3A_1751 : vector<16xf32>
      %add3A_1755 = arith.addf %add3A_1739, %mul3A_1754 : vector<16xf32>
      %add3A_1756 = arith.constant 9 : i32
      %add3A_1757 = vector.broadcast %add3A_1756 : i32 to vector<16xi32>
      %add3A_1758 = arith.addi %iota3A, %add3A_1757 : vector<16xi32>
      %and3A_1759 = arith.constant 31 : i32
      %and3A_1760 = vector.broadcast %and3A_1759 : i32 to vector<16xi32>
      %and3A_1761 = arith.andi %add3A_1758, %and3A_1760 : vector<16xi32>
      %add3A_1762 = arith.addi %shift_left3A_1587, %and3A_1761 : vector<16xi32>
      %gather3A_1763 = tpu.vector_load_idx %arg15[%add3A_1576, %add3A_1762] : memref<256x128xf32, #tpu.memory_space<vmem>>[vector<16xi32>, vector<16xi32>], vector<16xf32>,
      %add3A_1764 = arith.addi %shift_left3A_1598, %and3A_1761 : vector<16xi32>
      %gather3A_1765 = tpu.vector_load_idx %arg16[%add3A_1576, %add3A_1764] : memref<256x128xf32, #tpu.memory_space<vmem>>[vector<16xi32>, vector<16xi32>], vector<16xf32>,
      %add3A_1766 = arith.addi %shift_left3A_1609, %and3A_1761 : vector<16xi32>
      %gather3A_1767 = tpu.vector_load_idx %arg17[%add3A_1576, %add3A_1766] : memref<256x128xf32, #tpu.memory_space<vmem>>[vector<16xi32>, vector<16xi32>], vector<16xf32>,
      %mul3A_1768 = arith.mulf %gather3A_1763, %gather3A_1765 : vector<16xf32>
      %add3A_1769 = arith.addf %add3A_1753, %mul3A_1768 : vector<16xf32>
      %mul3A_1770 = arith.mulf %gather3A_1763, %gather3A_1767 : vector<16xf32>
      %add3A_1771 = arith.addf %add3A_1755, %mul3A_1770 : vector<16xf32>
      %add3A_1772 = arith.constant 10 : i32
      %add3A_1773 = vector.broadcast %add3A_1772 : i32 to vector<16xi32>
      %add3A_1774 = arith.addi %iota3A, %add3A_1773 : vector<16xi32>
      %and3A_1775 = arith.constant 31 : i32
      %and3A_1776 = vector.broadcast %and3A_1775 : i32 to vector<16xi32>
      %and3A_1777 = arith.andi %add3A_1774, %and3A_1776 : vector<16xi32>
      %add3A_1778 = arith.addi %shift_left3A_1587, %and3A_1777 : vector<16xi32>
      %gather3A_1779 = tpu.vector_load_idx %arg15[%add3A_1576, %add3A_1778] : memref<256x128xf32, #tpu.memory_space<vmem>>[vector<16xi32>, vector<16xi32>], vector<16xf32>,
      %add3A_1780 = arith.addi %shift_left3A_1598, %and3A_1777 : vector<16xi32>
      %gather3A_1781 = tpu.vector_load_idx %arg16[%add3A_1576, %add3A_1780] : memref<256x128xf32, #tpu.memory_space<vmem>>[vector<16xi32>, vector<16xi32>], vector<16xf32>,
      %add3A_1782 = arith.addi %shift_left3A_1609, %and3A_1777 : vector<16xi32>
      %gather3A_1783 = tpu.vector_load_idx %arg17[%add3A_1576, %add3A_1782] : memref<256x128xf32, #tpu.memory_space<vmem>>[vector<16xi32>, vector<16xi32>], vector<16xf32>,
      %mul3A_1784 = arith.mulf %gather3A_1779, %gather3A_1781 : vector<16xf32>
      %add3A_1785 = arith.addf %add3A_1769, %mul3A_1784 : vector<16xf32>
      %mul3A_1786 = arith.mulf %gather3A_1779, %gather3A_1783 : vector<16xf32>
      %add3A_1787 = arith.addf %add3A_1771, %mul3A_1786 : vector<16xf32>
      %add3A_1788 = arith.constant 11 : i32
      %add3A_1789 = vector.broadcast %add3A_1788 : i32 to vector<16xi32>
      %add3A_1790 = arith.addi %iota3A, %add3A_1789 : vector<16xi32>
      %and3A_1791 = arith.constant 31 : i32
      %and3A_1792 = vector.broadcast %and3A_1791 : i32 to vector<16xi32>
      %and3A_1793 = arith.andi %add3A_1790, %and3A_1792 : vector<16xi32>
      %add3A_1794 = arith.addi %shift_left3A_1587, %and3A_1793 : vector<16xi32>
      %gather3A_1795 = tpu.vector_load_idx %arg15[%add3A_1576, %add3A_1794] : memref<256x128xf32, #tpu.memory_space<vmem>>[vector<16xi32>, vector<16xi32>], vector<16xf32>,
      %add3A_1796 = arith.addi %shift_left3A_1598, %and3A_1793 : vector<16xi32>
      %gather3A_1797 = tpu.vector_load_idx %arg16[%add3A_1576, %add3A_1796] : memref<256x128xf32, #tpu.memory_space<vmem>>[vector<16xi32>, vector<16xi32>], vector<16xf32>,
      %add3A_1798 = arith.addi %shift_left3A_1609, %and3A_1793 : vector<16xi32>
      %gather3A_1799 = tpu.vector_load_idx %arg17[%add3A_1576, %add3A_1798] : memref<256x128xf32, #tpu.memory_space<vmem>>[vector<16xi32>, vector<16xi32>], vector<16xf32>,
      %mul3A_1800 = arith.mulf %gather3A_1795, %gather3A_1797 : vector<16xf32>
      %add3A_1801 = arith.addf %add3A_1785, %mul3A_1800 : vector<16xf32>
      %mul3A_1802 = arith.mulf %gather3A_1795, %gather3A_1799 : vector<16xf32>
      %add3A_1803 = arith.addf %add3A_1787, %mul3A_1802 : vector<16xf32>
      %add3A_1804 = arith.constant 12 : i32
      %add3A_1805 = vector.broadcast %add3A_1804 : i32 to vector<16xi32>
      %add3A_1806 = arith.addi %iota3A, %add3A_1805 : vector<16xi32>
      %and3A_1807 = arith.constant 31 : i32
      %and3A_1808 = vector.broadcast %and3A_1807 : i32 to vector<16xi32>
      %and3A_1809 = arith.andi %add3A_1806, %and3A_1808 : vector<16xi32>
      %add3A_1810 = arith.addi %shift_left3A_1587, %and3A_1809 : vector<16xi32>
      %gather3A_1811 = tpu.vector_load_idx %arg15[%add3A_1576, %add3A_1810] : memref<256x128xf32, #tpu.memory_space<vmem>>[vector<16xi32>, vector<16xi32>], vector<16xf32>,
      %add3A_1812 = arith.addi %shift_left3A_1598, %and3A_1809 : vector<16xi32>
      %gather3A_1813 = tpu.vector_load_idx %arg16[%add3A_1576, %add3A_1812] : memref<256x128xf32, #tpu.memory_space<vmem>>[vector<16xi32>, vector<16xi32>], vector<16xf32>,
      %add3A_1814 = arith.addi %shift_left3A_1609, %and3A_1809 : vector<16xi32>
      %gather3A_1815 = tpu.vector_load_idx %arg17[%add3A_1576, %add3A_1814] : memref<256x128xf32, #tpu.memory_space<vmem>>[vector<16xi32>, vector<16xi32>], vector<16xf32>,
      %mul3A_1816 = arith.mulf %gather3A_1811, %gather3A_1813 : vector<16xf32>
      %add3A_1817 = arith.addf %add3A_1801, %mul3A_1816 : vector<16xf32>
      %mul3A_1818 = arith.mulf %gather3A_1811, %gather3A_1815 : vector<16xf32>
      %add3A_1819 = arith.addf %add3A_1803, %mul3A_1818 : vector<16xf32>
      %add3A_1820 = arith.constant 13 : i32
      %add3A_1821 = vector.broadcast %add3A_1820 : i32 to vector<16xi32>
      %add3A_1822 = arith.addi %iota3A, %add3A_1821 : vector<16xi32>
      %and3A_1823 = arith.constant 31 : i32
      %and3A_1824 = vector.broadcast %and3A_1823 : i32 to vector<16xi32>
      %and3A_1825 = arith.andi %add3A_1822, %and3A_1824 : vector<16xi32>
      %add3A_1826 = arith.addi %shift_left3A_1587, %and3A_1825 : vector<16xi32>
      %gather3A_1827 = tpu.vector_load_idx %arg15[%add3A_1576, %add3A_1826] : memref<256x128xf32, #tpu.memory_space<vmem>>[vector<16xi32>, vector<16xi32>], vector<16xf32>,
      %add3A_1828 = arith.addi %shift_left3A_1598, %and3A_1825 : vector<16xi32>
      %gather3A_1829 = tpu.vector_load_idx %arg16[%add3A_1576, %add3A_1828] : memref<256x128xf32, #tpu.memory_space<vmem>>[vector<16xi32>, vector<16xi32>], vector<16xf32>,
      %add3A_1830 = arith.addi %shift_left3A_1609, %and3A_1825 : vector<16xi32>
      %gather3A_1831 = tpu.vector_load_idx %arg17[%add3A_1576, %add3A_1830] : memref<256x128xf32, #tpu.memory_space<vmem>>[vector<16xi32>, vector<16xi32>], vector<16xf32>,
      %mul3A_1832 = arith.mulf %gather3A_1827, %gather3A_1829 : vector<16xf32>
      %add3A_1833 = arith.addf %add3A_1817, %mul3A_1832 : vector<16xf32>
      %mul3A_1834 = arith.mulf %gather3A_1827, %gather3A_1831 : vector<16xf32>
      %add3A_1835 = arith.addf %add3A_1819, %mul3A_1834 : vector<16xf32>
      %add3A_1836 = arith.constant 14 : i32
      %add3A_1837 = vector.broadcast %add3A_1836 : i32 to vector<16xi32>
      %add3A_1838 = arith.addi %iota3A, %add3A_1837 : vector<16xi32>
      %and3A_1839 = arith.constant 31 : i32
      %and3A_1840 = vector.broadcast %and3A_1839 : i32 to vector<16xi32>
      %and3A_1841 = arith.andi %add3A_1838, %and3A_1840 : vector<16xi32>
      %add3A_1842 = arith.addi %shift_left3A_1587, %and3A_1841 : vector<16xi32>
      %gather3A_1843 = tpu.vector_load_idx %arg15[%add3A_1576, %add3A_1842] : memref<256x128xf32, #tpu.memory_space<vmem>>[vector<16xi32>, vector<16xi32>], vector<16xf32>,
      %add3A_1844 = arith.addi %shift_left3A_1598, %and3A_1841 : vector<16xi32>
      %gather3A_1845 = tpu.vector_load_idx %arg16[%add3A_1576, %add3A_1844] : memref<256x128xf32, #tpu.memory_space<vmem>>[vector<16xi32>, vector<16xi32>], vector<16xf32>,
      %add3A_1846 = arith.addi %shift_left3A_1609, %and3A_1841 : vector<16xi32>
      %gather3A_1847 = tpu.vector_load_idx %arg17[%add3A_1576, %add3A_1846] : memref<256x128xf32, #tpu.memory_space<vmem>>[vector<16xi32>, vector<16xi32>], vector<16xf32>,
      %mul3A_1848 = arith.mulf %gather3A_1843, %gather3A_1845 : vector<16xf32>
      %add3A_1849 = arith.addf %add3A_1833, %mul3A_1848 : vector<16xf32>
      %mul3A_1850 = arith.mulf %gather3A_1843, %gather3A_1847 : vector<16xf32>
      %add3A_1851 = arith.addf %add3A_1835, %mul3A_1850 : vector<16xf32>
      %add3A_1852 = arith.constant 15 : i32
      %add3A_1853 = vector.broadcast %add3A_1852 : i32 to vector<16xi32>
      %add3A_1854 = arith.addi %iota3A, %add3A_1853 : vector<16xi32>
      %and3A_1855 = arith.constant 31 : i32
      %and3A_1856 = vector.broadcast %and3A_1855 : i32 to vector<16xi32>
      %and3A_1857 = arith.andi %add3A_1854, %and3A_1856 : vector<16xi32>
      %add3A_1858 = arith.addi %shift_left3A_1587, %and3A_1857 : vector<16xi32>
      %gather3A_1859 = tpu.vector_load_idx %arg15[%add3A_1576, %add3A_1858] : memref<256x128xf32, #tpu.memory_space<vmem>>[vector<16xi32>, vector<16xi32>], vector<16xf32>,
      %add3A_1860 = arith.addi %shift_left3A_1598, %and3A_1857 : vector<16xi32>
      %gather3A_1861 = tpu.vector_load_idx %arg16[%add3A_1576, %add3A_1860] : memref<256x128xf32, #tpu.memory_space<vmem>>[vector<16xi32>, vector<16xi32>], vector<16xf32>,
      %add3A_1862 = arith.addi %shift_left3A_1609, %and3A_1857 : vector<16xi32>
      %gather3A_1863 = tpu.vector_load_idx %arg17[%add3A_1576, %add3A_1862] : memref<256x128xf32, #tpu.memory_space<vmem>>[vector<16xi32>, vector<16xi32>], vector<16xf32>,
      %mul3A_1864 = arith.mulf %gather3A_1859, %gather3A_1861 : vector<16xf32>
      %add3A_1865 = arith.addf %add3A_1849, %mul3A_1864 : vector<16xf32>
      %mul3A_1866 = arith.mulf %gather3A_1859, %gather3A_1863 : vector<16xf32>
      %add3A_1867 = arith.addf %add3A_1851, %mul3A_1866 : vector<16xf32>
      %add3A_1868 = arith.constant 16 : i32
      %add3A_1869 = vector.broadcast %add3A_1868 : i32 to vector<16xi32>
      %add3A_1870 = arith.addi %iota3A, %add3A_1869 : vector<16xi32>
      %and3A_1871 = arith.constant 31 : i32
      %and3A_1872 = vector.broadcast %and3A_1871 : i32 to vector<16xi32>
      %and3A_1873 = arith.andi %add3A_1870, %and3A_1872 : vector<16xi32>
      %add3A_1874 = arith.addi %shift_left3A_1587, %and3A_1873 : vector<16xi32>
      %gather3A_1875 = tpu.vector_load_idx %arg15[%add3A_1576, %add3A_1874] : memref<256x128xf32, #tpu.memory_space<vmem>>[vector<16xi32>, vector<16xi32>], vector<16xf32>,
      %add3A_1876 = arith.addi %shift_left3A_1598, %and3A_1873 : vector<16xi32>
      %gather3A_1877 = tpu.vector_load_idx %arg16[%add3A_1576, %add3A_1876] : memref<256x128xf32, #tpu.memory_space<vmem>>[vector<16xi32>, vector<16xi32>], vector<16xf32>,
      %add3A_1878 = arith.addi %shift_left3A_1609, %and3A_1873 : vector<16xi32>
      %gather3A_1879 = tpu.vector_load_idx %arg17[%add3A_1576, %add3A_1878] : memref<256x128xf32, #tpu.memory_space<vmem>>[vector<16xi32>, vector<16xi32>], vector<16xf32>,
      %mul3A_1880 = arith.mulf %gather3A_1875, %gather3A_1877 : vector<16xf32>
      %add3A_1881 = arith.addf %add3A_1865, %mul3A_1880 : vector<16xf32>
      %mul3A_1882 = arith.mulf %gather3A_1875, %gather3A_1879 : vector<16xf32>
      %add3A_1883 = arith.addf %add3A_1867, %mul3A_1882 : vector<16xf32>
      %add3A_1884 = arith.constant 17 : i32
      %add3A_1885 = vector.broadcast %add3A_1884 : i32 to vector<16xi32>
      %add3A_1886 = arith.addi %iota3A, %add3A_1885 : vector<16xi32>
      %and3A_1887 = arith.constant 31 : i32
      %and3A_1888 = vector.broadcast %and3A_1887 : i32 to vector<16xi32>
      %and3A_1889 = arith.andi %add3A_1886, %and3A_1888 : vector<16xi32>
      %add3A_1890 = arith.addi %shift_left3A_1587, %and3A_1889 : vector<16xi32>
      %gather3A_1891 = tpu.vector_load_idx %arg15[%add3A_1576, %add3A_1890] : memref<256x128xf32, #tpu.memory_space<vmem>>[vector<16xi32>, vector<16xi32>], vector<16xf32>,
      %add3A_1892 = arith.addi %shift_left3A_1598, %and3A_1889 : vector<16xi32>
      %gather3A_1893 = tpu.vector_load_idx %arg16[%add3A_1576, %add3A_1892] : memref<256x128xf32, #tpu.memory_space<vmem>>[vector<16xi32>, vector<16xi32>], vector<16xf32>,
      %add3A_1894 = arith.addi %shift_left3A_1609, %and3A_1889 : vector<16xi32>
      %gather3A_1895 = tpu.vector_load_idx %arg17[%add3A_1576, %add3A_1894] : memref<256x128xf32, #tpu.memory_space<vmem>>[vector<16xi32>, vector<16xi32>], vector<16xf32>,
      %mul3A_1896 = arith.mulf %gather3A_1891, %gather3A_1893 : vector<16xf32>
      %add3A_1897 = arith.addf %add3A_1881, %mul3A_1896 : vector<16xf32>
      %mul3A_1898 = arith.mulf %gather3A_1891, %gather3A_1895 : vector<16xf32>
      %add3A_1899 = arith.addf %add3A_1883, %mul3A_1898 : vector<16xf32>
      %add3A_1900 = arith.constant 18 : i32
      %add3A_1901 = vector.broadcast %add3A_1900 : i32 to vector<16xi32>
      %add3A_1902 = arith.addi %iota3A, %add3A_1901 : vector<16xi32>
      %and3A_1903 = arith.constant 31 : i32
      %and3A_1904 = vector.broadcast %and3A_1903 : i32 to vector<16xi32>
      %and3A_1905 = arith.andi %add3A_1902, %and3A_1904 : vector<16xi32>
      %add3A_1906 = arith.addi %shift_left3A_1587, %and3A_1905 : vector<16xi32>
      %gather3A_1907 = tpu.vector_load_idx %arg15[%add3A_1576, %add3A_1906] : memref<256x128xf32, #tpu.memory_space<vmem>>[vector<16xi32>, vector<16xi32>], vector<16xf32>,
      %add3A_1908 = arith.addi %shift_left3A_1598, %and3A_1905 : vector<16xi32>
      %gather3A_1909 = tpu.vector_load_idx %arg16[%add3A_1576, %add3A_1908] : memref<256x128xf32, #tpu.memory_space<vmem>>[vector<16xi32>, vector<16xi32>], vector<16xf32>,
      %add3A_1910 = arith.addi %shift_left3A_1609, %and3A_1905 : vector<16xi32>
      %gather3A_1911 = tpu.vector_load_idx %arg17[%add3A_1576, %add3A_1910] : memref<256x128xf32, #tpu.memory_space<vmem>>[vector<16xi32>, vector<16xi32>], vector<16xf32>,
      %mul3A_1912 = arith.mulf %gather3A_1907, %gather3A_1909 : vector<16xf32>
      %add3A_1913 = arith.addf %add3A_1897, %mul3A_1912 : vector<16xf32>
      %mul3A_1914 = arith.mulf %gather3A_1907, %gather3A_1911 : vector<16xf32>
      %add3A_1915 = arith.addf %add3A_1899, %mul3A_1914 : vector<16xf32>
      %add3A_1916 = arith.constant 19 : i32
      %add3A_1917 = vector.broadcast %add3A_1916 : i32 to vector<16xi32>
      %add3A_1918 = arith.addi %iota3A, %add3A_1917 : vector<16xi32>
      %and3A_1919 = arith.constant 31 : i32
      %and3A_1920 = vector.broadcast %and3A_1919 : i32 to vector<16xi32>
      %and3A_1921 = arith.andi %add3A_1918, %and3A_1920 : vector<16xi32>
      %add3A_1922 = arith.addi %shift_left3A_1587, %and3A_1921 : vector<16xi32>
      %gather3A_1923 = tpu.vector_load_idx %arg15[%add3A_1576, %add3A_1922] : memref<256x128xf32, #tpu.memory_space<vmem>>[vector<16xi32>, vector<16xi32>], vector<16xf32>,
      %add3A_1924 = arith.addi %shift_left3A_1598, %and3A_1921 : vector<16xi32>
      %gather3A_1925 = tpu.vector_load_idx %arg16[%add3A_1576, %add3A_1924] : memref<256x128xf32, #tpu.memory_space<vmem>>[vector<16xi32>, vector<16xi32>], vector<16xf32>,
      %add3A_1926 = arith.addi %shift_left3A_1609, %and3A_1921 : vector<16xi32>
      %gather3A_1927 = tpu.vector_load_idx %arg17[%add3A_1576, %add3A_1926] : memref<256x128xf32, #tpu.memory_space<vmem>>[vector<16xi32>, vector<16xi32>], vector<16xf32>,
      %mul3A_1928 = arith.mulf %gather3A_1923, %gather3A_1925 : vector<16xf32>
      %add3A_1929 = arith.addf %add3A_1913, %mul3A_1928 : vector<16xf32>
      %mul3A_1930 = arith.mulf %gather3A_1923, %gather3A_1927 : vector<16xf32>
      %add3A_1931 = arith.addf %add3A_1915, %mul3A_1930 : vector<16xf32>
      %add3A_1932 = arith.constant 20 : i32
      %add3A_1933 = vector.broadcast %add3A_1932 : i32 to vector<16xi32>
      %add3A_1934 = arith.addi %iota3A, %add3A_1933 : vector<16xi32>
      %and3A_1935 = arith.constant 31 : i32
      %and3A_1936 = vector.broadcast %and3A_1935 : i32 to vector<16xi32>
      %and3A_1937 = arith.andi %add3A_1934, %and3A_1936 : vector<16xi32>
      %add3A_1938 = arith.addi %shift_left3A_1587, %and3A_1937 : vector<16xi32>
      %gather3A_1939 = tpu.vector_load_idx %arg15[%add3A_1576, %add3A_1938] : memref<256x128xf32, #tpu.memory_space<vmem>>[vector<16xi32>, vector<16xi32>], vector<16xf32>,
      %add3A_1940 = arith.addi %shift_left3A_1598, %and3A_1937 : vector<16xi32>
      %gather3A_1941 = tpu.vector_load_idx %arg16[%add3A_1576, %add3A_1940] : memref<256x128xf32, #tpu.memory_space<vmem>>[vector<16xi32>, vector<16xi32>], vector<16xf32>,
      %add3A_1942 = arith.addi %shift_left3A_1609, %and3A_1937 : vector<16xi32>
      %gather3A_1943 = tpu.vector_load_idx %arg17[%add3A_1576, %add3A_1942] : memref<256x128xf32, #tpu.memory_space<vmem>>[vector<16xi32>, vector<16xi32>], vector<16xf32>,
      %mul3A_1944 = arith.mulf %gather3A_1939, %gather3A_1941 : vector<16xf32>
      %add3A_1945 = arith.addf %add3A_1929, %mul3A_1944 : vector<16xf32>
      %mul3A_1946 = arith.mulf %gather3A_1939, %gather3A_1943 : vector<16xf32>
      %add3A_1947 = arith.addf %add3A_1931, %mul3A_1946 : vector<16xf32>
      %add3A_1948 = arith.constant 21 : i32
      %add3A_1949 = vector.broadcast %add3A_1948 : i32 to vector<16xi32>
      %add3A_1950 = arith.addi %iota3A, %add3A_1949 : vector<16xi32>
      %and3A_1951 = arith.constant 31 : i32
      %and3A_1952 = vector.broadcast %and3A_1951 : i32 to vector<16xi32>
      %and3A_1953 = arith.andi %add3A_1950, %and3A_1952 : vector<16xi32>
      %add3A_1954 = arith.addi %shift_left3A_1587, %and3A_1953 : vector<16xi32>
      %gather3A_1955 = tpu.vector_load_idx %arg15[%add3A_1576, %add3A_1954] : memref<256x128xf32, #tpu.memory_space<vmem>>[vector<16xi32>, vector<16xi32>], vector<16xf32>,
      %add3A_1956 = arith.addi %shift_left3A_1598, %and3A_1953 : vector<16xi32>
      %gather3A_1957 = tpu.vector_load_idx %arg16[%add3A_1576, %add3A_1956] : memref<256x128xf32, #tpu.memory_space<vmem>>[vector<16xi32>, vector<16xi32>], vector<16xf32>,
      %add3A_1958 = arith.addi %shift_left3A_1609, %and3A_1953 : vector<16xi32>
      %gather3A_1959 = tpu.vector_load_idx %arg17[%add3A_1576, %add3A_1958] : memref<256x128xf32, #tpu.memory_space<vmem>>[vector<16xi32>, vector<16xi32>], vector<16xf32>,
      %mul3A_1960 = arith.mulf %gather3A_1955, %gather3A_1957 : vector<16xf32>
      %add3A_1961 = arith.addf %add3A_1945, %mul3A_1960 : vector<16xf32>
      %mul3A_1962 = arith.mulf %gather3A_1955, %gather3A_1959 : vector<16xf32>
      %add3A_1963 = arith.addf %add3A_1947, %mul3A_1962 : vector<16xf32>
      %add3A_1964 = arith.constant 22 : i32
      %add3A_1965 = vector.broadcast %add3A_1964 : i32 to vector<16xi32>
      %add3A_1966 = arith.addi %iota3A, %add3A_1965 : vector<16xi32>
      %and3A_1967 = arith.constant 31 : i32
      %and3A_1968 = vector.broadcast %and3A_1967 : i32 to vector<16xi32>
      %and3A_1969 = arith.andi %add3A_1966, %and3A_1968 : vector<16xi32>
      %add3A_1970 = arith.addi %shift_left3A_1587, %and3A_1969 : vector<16xi32>
      %gather3A_1971 = tpu.vector_load_idx %arg15[%add3A_1576, %add3A_1970] : memref<256x128xf32, #tpu.memory_space<vmem>>[vector<16xi32>, vector<16xi32>], vector<16xf32>,
      %add3A_1972 = arith.addi %shift_left3A_1598, %and3A_1969 : vector<16xi32>
      %gather3A_1973 = tpu.vector_load_idx %arg16[%add3A_1576, %add3A_1972] : memref<256x128xf32, #tpu.memory_space<vmem>>[vector<16xi32>, vector<16xi32>], vector<16xf32>,
      %add3A_1974 = arith.addi %shift_left3A_1609, %and3A_1969 : vector<16xi32>
      %gather3A_1975 = tpu.vector_load_idx %arg17[%add3A_1576, %add3A_1974] : memref<256x128xf32, #tpu.memory_space<vmem>>[vector<16xi32>, vector<16xi32>], vector<16xf32>,
      %mul3A_1976 = arith.mulf %gather3A_1971, %gather3A_1973 : vector<16xf32>
      %add3A_1977 = arith.addf %add3A_1961, %mul3A_1976 : vector<16xf32>
      %mul3A_1978 = arith.mulf %gather3A_1971, %gather3A_1975 : vector<16xf32>
      %add3A_1979 = arith.addf %add3A_1963, %mul3A_1978 : vector<16xf32>
      %add3A_1980 = arith.constant 23 : i32
      %add3A_1981 = vector.broadcast %add3A_1980 : i32 to vector<16xi32>
      %add3A_1982 = arith.addi %iota3A, %add3A_1981 : vector<16xi32>
      %and3A_1983 = arith.constant 31 : i32
      %and3A_1984 = vector.broadcast %and3A_1983 : i32 to vector<16xi32>
      %and3A_1985 = arith.andi %add3A_1982, %and3A_1984 : vector<16xi32>
      %add3A_1986 = arith.addi %shift_left3A_1587, %and3A_1985 : vector<16xi32>
      %gather3A_1987 = tpu.vector_load_idx %arg15[%add3A_1576, %add3A_1986] : memref<256x128xf32, #tpu.memory_space<vmem>>[vector<16xi32>, vector<16xi32>], vector<16xf32>,
      %add3A_1988 = arith.addi %shift_left3A_1598, %and3A_1985 : vector<16xi32>
      %gather3A_1989 = tpu.vector_load_idx %arg16[%add3A_1576, %add3A_1988] : memref<256x128xf32, #tpu.memory_space<vmem>>[vector<16xi32>, vector<16xi32>], vector<16xf32>,
      %add3A_1990 = arith.addi %shift_left3A_1609, %and3A_1985 : vector<16xi32>
      %gather3A_1991 = tpu.vector_load_idx %arg17[%add3A_1576, %add3A_1990] : memref<256x128xf32, #tpu.memory_space<vmem>>[vector<16xi32>, vector<16xi32>], vector<16xf32>,
      %mul3A_1992 = arith.mulf %gather3A_1987, %gather3A_1989 : vector<16xf32>
      %add3A_1993 = arith.addf %add3A_1977, %mul3A_1992 : vector<16xf32>
      %mul3A_1994 = arith.mulf %gather3A_1987, %gather3A_1991 : vector<16xf32>
      %add3A_1995 = arith.addf %add3A_1979, %mul3A_1994 : vector<16xf32>
      %add3A_1996 = arith.constant 24 : i32
      %add3A_1997 = vector.broadcast %add3A_1996 : i32 to vector<16xi32>
      %add3A_1998 = arith.addi %iota3A, %add3A_1997 : vector<16xi32>
      %and3A_1999 = arith.constant 31 : i32
      %and3A_2000 = vector.broadcast %and3A_1999 : i32 to vector<16xi32>
      %and3A_2001 = arith.andi %add3A_1998, %and3A_2000 : vector<16xi32>
      %add3A_2002 = arith.addi %shift_left3A_1587, %and3A_2001 : vector<16xi32>
      %gather3A_2003 = tpu.vector_load_idx %arg15[%add3A_1576, %add3A_2002] : memref<256x128xf32, #tpu.memory_space<vmem>>[vector<16xi32>, vector<16xi32>], vector<16xf32>,
      %add3A_2004 = arith.addi %shift_left3A_1598, %and3A_2001 : vector<16xi32>
      %gather3A_2005 = tpu.vector_load_idx %arg16[%add3A_1576, %add3A_2004] : memref<256x128xf32, #tpu.memory_space<vmem>>[vector<16xi32>, vector<16xi32>], vector<16xf32>,
      %add3A_2006 = arith.addi %shift_left3A_1609, %and3A_2001 : vector<16xi32>
      %gather3A_2007 = tpu.vector_load_idx %arg17[%add3A_1576, %add3A_2006] : memref<256x128xf32, #tpu.memory_space<vmem>>[vector<16xi32>, vector<16xi32>], vector<16xf32>,
      %mul3A_2008 = arith.mulf %gather3A_2003, %gather3A_2005 : vector<16xf32>
      %add3A_2009 = arith.addf %add3A_1993, %mul3A_2008 : vector<16xf32>
      %mul3A_2010 = arith.mulf %gather3A_2003, %gather3A_2007 : vector<16xf32>
      %add3A_2011 = arith.addf %add3A_1995, %mul3A_2010 : vector<16xf32>
      %add3A_2012 = arith.constant 25 : i32
      %add3A_2013 = vector.broadcast %add3A_2012 : i32 to vector<16xi32>
      %add3A_2014 = arith.addi %iota3A, %add3A_2013 : vector<16xi32>
      %and3A_2015 = arith.constant 31 : i32
      %and3A_2016 = vector.broadcast %and3A_2015 : i32 to vector<16xi32>
      %and3A_2017 = arith.andi %add3A_2014, %and3A_2016 : vector<16xi32>
      %add3A_2018 = arith.addi %shift_left3A_1587, %and3A_2017 : vector<16xi32>
      %gather3A_2019 = tpu.vector_load_idx %arg15[%add3A_1576, %add3A_2018] : memref<256x128xf32, #tpu.memory_space<vmem>>[vector<16xi32>, vector<16xi32>], vector<16xf32>,
      %add3A_2020 = arith.addi %shift_left3A_1598, %and3A_2017 : vector<16xi32>
      %gather3A_2021 = tpu.vector_load_idx %arg16[%add3A_1576, %add3A_2020] : memref<256x128xf32, #tpu.memory_space<vmem>>[vector<16xi32>, vector<16xi32>], vector<16xf32>,
      %add3A_2022 = arith.addi %shift_left3A_1609, %and3A_2017 : vector<16xi32>
      %gather3A_2023 = tpu.vector_load_idx %arg17[%add3A_1576, %add3A_2022] : memref<256x128xf32, #tpu.memory_space<vmem>>[vector<16xi32>, vector<16xi32>], vector<16xf32>,
      %mul3A_2024 = arith.mulf %gather3A_2019, %gather3A_2021 : vector<16xf32>
      %add3A_2025 = arith.addf %add3A_2009, %mul3A_2024 : vector<16xf32>
      %mul3A_2026 = arith.mulf %gather3A_2019, %gather3A_2023 : vector<16xf32>
      %add3A_2027 = arith.addf %add3A_2011, %mul3A_2026 : vector<16xf32>
      %add3A_2028 = arith.constant 26 : i32
      %add3A_2029 = vector.broadcast %add3A_2028 : i32 to vector<16xi32>
      %add3A_2030 = arith.addi %iota3A, %add3A_2029 : vector<16xi32>
      %and3A_2031 = arith.constant 31 : i32
      %and3A_2032 = vector.broadcast %and3A_2031 : i32 to vector<16xi32>
      %and3A_2033 = arith.andi %add3A_2030, %and3A_2032 : vector<16xi32>
      %add3A_2034 = arith.addi %shift_left3A_1587, %and3A_2033 : vector<16xi32>
      %gather3A_2035 = tpu.vector_load_idx %arg15[%add3A_1576, %add3A_2034] : memref<256x128xf32, #tpu.memory_space<vmem>>[vector<16xi32>, vector<16xi32>], vector<16xf32>,
      %add3A_2036 = arith.addi %shift_left3A_1598, %and3A_2033 : vector<16xi32>
      %gather3A_2037 = tpu.vector_load_idx %arg16[%add3A_1576, %add3A_2036] : memref<256x128xf32, #tpu.memory_space<vmem>>[vector<16xi32>, vector<16xi32>], vector<16xf32>,
      %add3A_2038 = arith.addi %shift_left3A_1609, %and3A_2033 : vector<16xi32>
      %gather3A_2039 = tpu.vector_load_idx %arg17[%add3A_1576, %add3A_2038] : memref<256x128xf32, #tpu.memory_space<vmem>>[vector<16xi32>, vector<16xi32>], vector<16xf32>,
      %mul3A_2040 = arith.mulf %gather3A_2035, %gather3A_2037 : vector<16xf32>
      %add3A_2041 = arith.addf %add3A_2025, %mul3A_2040 : vector<16xf32>
      %mul3A_2042 = arith.mulf %gather3A_2035, %gather3A_2039 : vector<16xf32>
      %add3A_2043 = arith.addf %add3A_2027, %mul3A_2042 : vector<16xf32>
      %add3A_2044 = arith.constant 27 : i32
      %add3A_2045 = vector.broadcast %add3A_2044 : i32 to vector<16xi32>
      %add3A_2046 = arith.addi %iota3A, %add3A_2045 : vector<16xi32>
      %and3A_2047 = arith.constant 31 : i32
      %and3A_2048 = vector.broadcast %and3A_2047 : i32 to vector<16xi32>
      %and3A_2049 = arith.andi %add3A_2046, %and3A_2048 : vector<16xi32>
      %add3A_2050 = arith.addi %shift_left3A_1587, %and3A_2049 : vector<16xi32>
      %gather3A_2051 = tpu.vector_load_idx %arg15[%add3A_1576, %add3A_2050] : memref<256x128xf32, #tpu.memory_space<vmem>>[vector<16xi32>, vector<16xi32>], vector<16xf32>,
      %add3A_2052 = arith.addi %shift_left3A_1598, %and3A_2049 : vector<16xi32>
      %gather3A_2053 = tpu.vector_load_idx %arg16[%add3A_1576, %add3A_2052] : memref<256x128xf32, #tpu.memory_space<vmem>>[vector<16xi32>, vector<16xi32>], vector<16xf32>,
      %add3A_2054 = arith.addi %shift_left3A_1609, %and3A_2049 : vector<16xi32>
      %gather3A_2055 = tpu.vector_load_idx %arg17[%add3A_1576, %add3A_2054] : memref<256x128xf32, #tpu.memory_space<vmem>>[vector<16xi32>, vector<16xi32>], vector<16xf32>,
      %mul3A_2056 = arith.mulf %gather3A_2051, %gather3A_2053 : vector<16xf32>
      %add3A_2057 = arith.addf %add3A_2041, %mul3A_2056 : vector<16xf32>
      %mul3A_2058 = arith.mulf %gather3A_2051, %gather3A_2055 : vector<16xf32>
      %add3A_2059 = arith.addf %add3A_2043, %mul3A_2058 : vector<16xf32>
      %add3A_2060 = arith.constant 28 : i32
      %add3A_2061 = vector.broadcast %add3A_2060 : i32 to vector<16xi32>
      %add3A_2062 = arith.addi %iota3A, %add3A_2061 : vector<16xi32>
      %and3A_2063 = arith.constant 31 : i32
      %and3A_2064 = vector.broadcast %and3A_2063 : i32 to vector<16xi32>
      %and3A_2065 = arith.andi %add3A_2062, %and3A_2064 : vector<16xi32>
      %add3A_2066 = arith.addi %shift_left3A_1587, %and3A_2065 : vector<16xi32>
      %gather3A_2067 = tpu.vector_load_idx %arg15[%add3A_1576, %add3A_2066] : memref<256x128xf32, #tpu.memory_space<vmem>>[vector<16xi32>, vector<16xi32>], vector<16xf32>,
      %add3A_2068 = arith.addi %shift_left3A_1598, %and3A_2065 : vector<16xi32>
      %gather3A_2069 = tpu.vector_load_idx %arg16[%add3A_1576, %add3A_2068] : memref<256x128xf32, #tpu.memory_space<vmem>>[vector<16xi32>, vector<16xi32>], vector<16xf32>,
      %add3A_2070 = arith.addi %shift_left3A_1609, %and3A_2065 : vector<16xi32>
      %gather3A_2071 = tpu.vector_load_idx %arg17[%add3A_1576, %add3A_2070] : memref<256x128xf32, #tpu.memory_space<vmem>>[vector<16xi32>, vector<16xi32>], vector<16xf32>,
      %mul3A_2072 = arith.mulf %gather3A_2067, %gather3A_2069 : vector<16xf32>
      %add3A_2073 = arith.addf %add3A_2057, %mul3A_2072 : vector<16xf32>
      %mul3A_2074 = arith.mulf %gather3A_2067, %gather3A_2071 : vector<16xf32>
      %add3A_2075 = arith.addf %add3A_2059, %mul3A_2074 : vector<16xf32>
      %add3A_2076 = arith.constant 29 : i32
      %add3A_2077 = vector.broadcast %add3A_2076 : i32 to vector<16xi32>
      %add3A_2078 = arith.addi %iota3A, %add3A_2077 : vector<16xi32>
      %and3A_2079 = arith.constant 31 : i32
      %and3A_2080 = vector.broadcast %and3A_2079 : i32 to vector<16xi32>
      %and3A_2081 = arith.andi %add3A_2078, %and3A_2080 : vector<16xi32>
      %add3A_2082 = arith.addi %shift_left3A_1587, %and3A_2081 : vector<16xi32>
      %gather3A_2083 = tpu.vector_load_idx %arg15[%add3A_1576, %add3A_2082] : memref<256x128xf32, #tpu.memory_space<vmem>>[vector<16xi32>, vector<16xi32>], vector<16xf32>,
      %add3A_2084 = arith.addi %shift_left3A_1598, %and3A_2081 : vector<16xi32>
      %gather3A_2085 = tpu.vector_load_idx %arg16[%add3A_1576, %add3A_2084] : memref<256x128xf32, #tpu.memory_space<vmem>>[vector<16xi32>, vector<16xi32>], vector<16xf32>,
      %add3A_2086 = arith.addi %shift_left3A_1609, %and3A_2081 : vector<16xi32>
      %gather3A_2087 = tpu.vector_load_idx %arg17[%add3A_1576, %add3A_2086] : memref<256x128xf32, #tpu.memory_space<vmem>>[vector<16xi32>, vector<16xi32>], vector<16xf32>,
      %mul3A_2088 = arith.mulf %gather3A_2083, %gather3A_2085 : vector<16xf32>
      %add3A_2089 = arith.addf %add3A_2073, %mul3A_2088 : vector<16xf32>
      %mul3A_2090 = arith.mulf %gather3A_2083, %gather3A_2087 : vector<16xf32>
      %add3A_2091 = arith.addf %add3A_2075, %mul3A_2090 : vector<16xf32>
      %add3A_2092 = arith.constant 30 : i32
      %add3A_2093 = vector.broadcast %add3A_2092 : i32 to vector<16xi32>
      %add3A_2094 = arith.addi %iota3A, %add3A_2093 : vector<16xi32>
      %and3A_2095 = arith.constant 31 : i32
      %and3A_2096 = vector.broadcast %and3A_2095 : i32 to vector<16xi32>
      %and3A_2097 = arith.andi %add3A_2094, %and3A_2096 : vector<16xi32>
      %add3A_2098 = arith.addi %shift_left3A_1587, %and3A_2097 : vector<16xi32>
      %gather3A_2099 = tpu.vector_load_idx %arg15[%add3A_1576, %add3A_2098] : memref<256x128xf32, #tpu.memory_space<vmem>>[vector<16xi32>, vector<16xi32>], vector<16xf32>,
      %add3A_2100 = arith.addi %shift_left3A_1598, %and3A_2097 : vector<16xi32>
      %gather3A_2101 = tpu.vector_load_idx %arg16[%add3A_1576, %add3A_2100] : memref<256x128xf32, #tpu.memory_space<vmem>>[vector<16xi32>, vector<16xi32>], vector<16xf32>,
      %add3A_2102 = arith.addi %shift_left3A_1609, %and3A_2097 : vector<16xi32>
      %gather3A_2103 = tpu.vector_load_idx %arg17[%add3A_1576, %add3A_2102] : memref<256x128xf32, #tpu.memory_space<vmem>>[vector<16xi32>, vector<16xi32>], vector<16xf32>,
      %mul3A_2104 = arith.mulf %gather3A_2099, %gather3A_2101 : vector<16xf32>
      %add3A_2105 = arith.addf %add3A_2089, %mul3A_2104 : vector<16xf32>
      %mul3A_2106 = arith.mulf %gather3A_2099, %gather3A_2103 : vector<16xf32>
      %add3A_2107 = arith.addf %add3A_2091, %mul3A_2106 : vector<16xf32>
      %add3A_2108 = arith.constant 31 : i32
      %add3A_2109 = vector.broadcast %add3A_2108 : i32 to vector<16xi32>
      %add3A_2110 = arith.addi %iota3A, %add3A_2109 : vector<16xi32>
      %and3A_2111 = arith.constant 31 : i32
      %and3A_2112 = vector.broadcast %and3A_2111 : i32 to vector<16xi32>
      %and3A_2113 = arith.andi %add3A_2110, %and3A_2112 : vector<16xi32>
      %add3A_2114 = arith.addi %shift_left3A_1587, %and3A_2113 : vector<16xi32>
      %gather3A_2115 = tpu.vector_load_idx %arg15[%add3A_1576, %add3A_2114] : memref<256x128xf32, #tpu.memory_space<vmem>>[vector<16xi32>, vector<16xi32>], vector<16xf32>,
      %add3A_2116 = arith.addi %shift_left3A_1598, %and3A_2113 : vector<16xi32>
      %gather3A_2117 = tpu.vector_load_idx %arg16[%add3A_1576, %add3A_2116] : memref<256x128xf32, #tpu.memory_space<vmem>>[vector<16xi32>, vector<16xi32>], vector<16xf32>,
      %add3A_2118 = arith.addi %shift_left3A_1609, %and3A_2113 : vector<16xi32>
      %gather3A_2119 = tpu.vector_load_idx %arg17[%add3A_1576, %add3A_2118] : memref<256x128xf32, #tpu.memory_space<vmem>>[vector<16xi32>, vector<16xi32>], vector<16xf32>,
      %mul3A_2120 = arith.mulf %gather3A_2115, %gather3A_2117 : vector<16xf32>
      %add3A_2121 = arith.addf %add3A_2105, %mul3A_2120 : vector<16xf32>
      %mul3A_2122 = arith.mulf %gather3A_2115, %gather3A_2119 : vector<16xf32>
      %add3A_2123 = arith.addf %add3A_2107, %mul3A_2122 : vector<16xf32>
      %mul3A_2124 = arith.constant 16 : i32
      %mul3A_2125 = arith.muli %scan3A_1570, %mul3A_2124 : i32
      %add3A_2126 = arith.constant 0 : i32
      %add3A_2127 = arith.addi %add3A_2126, %mul3A_2125 : i32
      %swap3A_2128 = arith.index_cast %add3A_2127 : i32 to index
      %swap3A_2129 = tpu.vector_load %arg18[%swap3A_2128] {strides = array<i32>} : memref<512xf32, #tpu.memory_space<vmem>>, vector<16xf32>,
      tpu.vector_store %arg18[%swap3A_2128], %add3A_2121 {strides = array<i32>} : memref<512xf32, #tpu.memory_space<vmem>>, vector<16xf32>,
      %swap3A_2130 = arith.index_cast %add3A_2127 : i32 to index
      %swap3A_2131 = tpu.vector_load %arg19[%swap3A_2130] {strides = array<i32>} : memref<512xf32, #tpu.memory_space<vmem>>, vector<16xf32>,
      tpu.vector_store %arg19[%swap3A_2130], %add3A_2123 {strides = array<i32>} : memref<512xf32, #tpu.memory_space<vmem>>, vector<16xf32>,
    }
    %scan3A_781 = arith.constant 16 : i32
    %add3A_782 = arith.constant 256 : i32
    %add3A_783 = arith.addi %mul3A_2, %add3A_782 : i32
    %dma_start3A_784 = tpu.memref_slice %arg2[%add3A_783] : memref<16384xi32, #tpu.memory_space<hbm>> -> memref<256xi32, #tpu.memory_space<hbm>>
    %dma_start3A_785 = tpu.memref_slice %arg2[%add3A_783] : memref<16384xi32, #tpu.memory_space<hbm>> -> memref<256xi32, #tpu.memory_space<hbm>>
    tpu.enqueue_dma source(%dma_start3A_785 : memref<256xi32, #tpu.memory_space<hbm>>) target(%arg9 : memref<256xi32, #tpu.memory_space<vmem>>) target_semaphore(%arg20 : memref<!tpu.dma_semaphore, #tpu.memory_space<semaphore_mem>>)
    %dma_start3A_786 = tpu.memref_slice %arg3[%add3A_783] : memref<16384xi32, #tpu.memory_space<hbm>> -> memref<256xi32, #tpu.memory_space<hbm>>
    %dma_start3A_787 = tpu.memref_slice %arg3[%add3A_783] : memref<16384xi32, #tpu.memory_space<hbm>> -> memref<256xi32, #tpu.memory_space<hbm>>
    tpu.enqueue_dma source(%dma_start3A_787 : memref<256xi32, #tpu.memory_space<hbm>>) target(%arg10 : memref<256xi32, #tpu.memory_space<vmem>>) target_semaphore(%arg20 : memref<!tpu.dma_semaphore, #tpu.memory_space<semaphore_mem>>)
    %dma_start3A_788 = tpu.memref_slice %arg4[%add3A_783] : memref<16384xi32, #tpu.memory_space<hbm>> -> memref<256xi32, #tpu.memory_space<hbm>>
    %dma_start3A_789 = tpu.memref_slice %arg4[%add3A_783] : memref<16384xi32, #tpu.memory_space<hbm>> -> memref<256xi32, #tpu.memory_space<hbm>>
    tpu.enqueue_dma source(%dma_start3A_789 : memref<256xi32, #tpu.memory_space<hbm>>) target(%arg11 : memref<256xi32, #tpu.memory_space<vmem>>) target_semaphore(%arg20 : memref<!tpu.dma_semaphore, #tpu.memory_space<semaphore_mem>>)
    %dma_wait3A_790 = tpu.memref_slice %arg2[%add3A_783] : memref<16384xi32, #tpu.memory_space<hbm>> -> memref<256xi32, #tpu.memory_space<hbm>>
    %dma_wait3A_791 = tpu.memref_slice %arg2[%add3A_783] : memref<16384xi32, #tpu.memory_space<hbm>> -> memref<256xi32, #tpu.memory_space<hbm>>
    tpu.wait_dma2 semaphore(%arg20 : memref<!tpu.dma_semaphore, #tpu.memory_space<semaphore_mem>>) src(%dma_wait3A_791 : memref<256xi32, #tpu.memory_space<hbm>>) dst(%arg9 : memref<256xi32, #tpu.memory_space<vmem>>)
    %dma_wait3A_792 = tpu.memref_slice %arg3[%add3A_783] : memref<16384xi32, #tpu.memory_space<hbm>> -> memref<256xi32, #tpu.memory_space<hbm>>
    %dma_wait3A_793 = tpu.memref_slice %arg3[%add3A_783] : memref<16384xi32, #tpu.memory_space<hbm>> -> memref<256xi32, #tpu.memory_space<hbm>>
    tpu.wait_dma2 semaphore(%arg20 : memref<!tpu.dma_semaphore, #tpu.memory_space<semaphore_mem>>) src(%dma_wait3A_793 : memref<256xi32, #tpu.memory_space<hbm>>) dst(%arg10 : memref<256xi32, #tpu.memory_space<vmem>>)
    %dma_wait3A_794 = tpu.memref_slice %arg4[%add3A_783] : memref<16384xi32, #tpu.memory_space<hbm>> -> memref<256xi32, #tpu.memory_space<hbm>>
    %dma_wait3A_795 = tpu.memref_slice %arg4[%add3A_783] : memref<16384xi32, #tpu.memory_space<hbm>> -> memref<256xi32, #tpu.memory_space<hbm>>
    tpu.wait_dma2 semaphore(%arg20 : memref<!tpu.dma_semaphore, #tpu.memory_space<semaphore_mem>>) src(%dma_wait3A_795 : memref<256xi32, #tpu.memory_space<hbm>>) dst(%arg11 : memref<256xi32, #tpu.memory_space<vmem>>)
    %get3A_796 = arith.constant 0 : index
    %get3A_797 = tpu.vector_load %arg9[%get3A_796] {strides = array<i32>} : memref<256xi32, #tpu.memory_space<vmem>>, vector<16xi32>,
    %shift_right_logical3A_798 = arith.constant 15 : i32
    %shift_right_logical3A_799 = vector.broadcast %shift_right_logical3A_798 : i32 to vector<16xi32>
    %shift_right_logical3A_800 = arith.shrui %get3A_797, %shift_right_logical3A_799 : vector<16xi32>
    %shift_left3A_801 = arith.constant 13 : i32
    %shift_left3A_802 = vector.broadcast %shift_left3A_801 : i32 to vector<16xi32>
    %shift_left3A_803 = arith.shli %shift_right_logical3A_800, %shift_left3A_802 : vector<16xi32>
    %and3A_804 = arith.constant 8191 : i32
    %and3A_805 = vector.broadcast %and3A_804 : i32 to vector<16xi32>
    %and3A_806 = arith.andi %get3A_797, %and3A_805 : vector<16xi32>
    %or3A_807 = arith.ori %shift_left3A_803, %and3A_806 : vector<16xi32>
    %swap3A_808 = arith.constant 0 : index
    %swap3A_809 = tpu.vector_load %arg12[%swap3A_808] {strides = array<i32>} : memref<256xi32, #tpu.memory_space<vmem>>, vector<16xi32>,
    tpu.vector_store %arg12[%swap3A_808], %or3A_807 {strides = array<i32>} : memref<256xi32, #tpu.memory_space<vmem>>, vector<16xi32>,
    %get3A_810 = arith.constant 16 : index
    %get3A_811 = tpu.vector_load %arg9[%get3A_810] {strides = array<i32>} : memref<256xi32, #tpu.memory_space<vmem>>, vector<16xi32>,
    %shift_right_logical3A_812 = arith.constant 15 : i32
    %shift_right_logical3A_813 = vector.broadcast %shift_right_logical3A_812 : i32 to vector<16xi32>
    %shift_right_logical3A_814 = arith.shrui %get3A_811, %shift_right_logical3A_813 : vector<16xi32>
    %shift_left3A_815 = arith.constant 13 : i32
    %shift_left3A_816 = vector.broadcast %shift_left3A_815 : i32 to vector<16xi32>
    %shift_left3A_817 = arith.shli %shift_right_logical3A_814, %shift_left3A_816 : vector<16xi32>
    %and3A_818 = arith.constant 8191 : i32
    %and3A_819 = vector.broadcast %and3A_818 : i32 to vector<16xi32>
    %and3A_820 = arith.andi %get3A_811, %and3A_819 : vector<16xi32>
    %or3A_821 = arith.ori %shift_left3A_817, %and3A_820 : vector<16xi32>
    %swap3A_822 = arith.constant 16 : index
    %swap3A_823 = tpu.vector_load %arg12[%swap3A_822] {strides = array<i32>} : memref<256xi32, #tpu.memory_space<vmem>>, vector<16xi32>,
    tpu.vector_store %arg12[%swap3A_822], %or3A_821 {strides = array<i32>} : memref<256xi32, #tpu.memory_space<vmem>>, vector<16xi32>,
    %get3A_824 = arith.constant 32 : index
    %get3A_825 = tpu.vector_load %arg9[%get3A_824] {strides = array<i32>} : memref<256xi32, #tpu.memory_space<vmem>>, vector<16xi32>,
    %shift_right_logical3A_826 = arith.constant 15 : i32
    %shift_right_logical3A_827 = vector.broadcast %shift_right_logical3A_826 : i32 to vector<16xi32>
    %shift_right_logical3A_828 = arith.shrui %get3A_825, %shift_right_logical3A_827 : vector<16xi32>
    %shift_left3A_829 = arith.constant 13 : i32
    %shift_left3A_830 = vector.broadcast %shift_left3A_829 : i32 to vector<16xi32>
    %shift_left3A_831 = arith.shli %shift_right_logical3A_828, %shift_left3A_830 : vector<16xi32>
    %and3A_832 = arith.constant 8191 : i32
    %and3A_833 = vector.broadcast %and3A_832 : i32 to vector<16xi32>
    %and3A_834 = arith.andi %get3A_825, %and3A_833 : vector<16xi32>
    %or3A_835 = arith.ori %shift_left3A_831, %and3A_834 : vector<16xi32>
    %swap3A_836 = arith.constant 32 : index
    %swap3A_837 = tpu.vector_load %arg12[%swap3A_836] {strides = array<i32>} : memref<256xi32, #tpu.memory_space<vmem>>, vector<16xi32>,
    tpu.vector_store %arg12[%swap3A_836], %or3A_835 {strides = array<i32>} : memref<256xi32, #tpu.memory_space<vmem>>, vector<16xi32>,
    %get3A_838 = arith.constant 48 : index
    %get3A_839 = tpu.vector_load %arg9[%get3A_838] {strides = array<i32>} : memref<256xi32, #tpu.memory_space<vmem>>, vector<16xi32>,
    %shift_right_logical3A_840 = arith.constant 15 : i32
    %shift_right_logical3A_841 = vector.broadcast %shift_right_logical3A_840 : i32 to vector<16xi32>
    %shift_right_logical3A_842 = arith.shrui %get3A_839, %shift_right_logical3A_841 : vector<16xi32>
    %shift_left3A_843 = arith.constant 13 : i32
    %shift_left3A_844 = vector.broadcast %shift_left3A_843 : i32 to vector<16xi32>
    %shift_left3A_845 = arith.shli %shift_right_logical3A_842, %shift_left3A_844 : vector<16xi32>
    %and3A_846 = arith.constant 8191 : i32
    %and3A_847 = vector.broadcast %and3A_846 : i32 to vector<16xi32>
    %and3A_848 = arith.andi %get3A_839, %and3A_847 : vector<16xi32>
    %or3A_849 = arith.ori %shift_left3A_845, %and3A_848 : vector<16xi32>
    %swap3A_850 = arith.constant 48 : index
    %swap3A_851 = tpu.vector_load %arg12[%swap3A_850] {strides = array<i32>} : memref<256xi32, #tpu.memory_space<vmem>>, vector<16xi32>,
    tpu.vector_store %arg12[%swap3A_850], %or3A_849 {strides = array<i32>} : memref<256xi32, #tpu.memory_space<vmem>>, vector<16xi32>,
    %get3A_852 = arith.constant 64 : index
    %get3A_853 = tpu.vector_load %arg9[%get3A_852] {strides = array<i32>} : memref<256xi32, #tpu.memory_space<vmem>>, vector<16xi32>,
    %shift_right_logical3A_854 = arith.constant 15 : i32
    %shift_right_logical3A_855 = vector.broadcast %shift_right_logical3A_854 : i32 to vector<16xi32>
    %shift_right_logical3A_856 = arith.shrui %get3A_853, %shift_right_logical3A_855 : vector<16xi32>
    %shift_left3A_857 = arith.constant 13 : i32
    %shift_left3A_858 = vector.broadcast %shift_left3A_857 : i32 to vector<16xi32>
    %shift_left3A_859 = arith.shli %shift_right_logical3A_856, %shift_left3A_858 : vector<16xi32>
    %and3A_860 = arith.constant 8191 : i32
    %and3A_861 = vector.broadcast %and3A_860 : i32 to vector<16xi32>
    %and3A_862 = arith.andi %get3A_853, %and3A_861 : vector<16xi32>
    %or3A_863 = arith.ori %shift_left3A_859, %and3A_862 : vector<16xi32>
    %swap3A_864 = arith.constant 64 : index
    %swap3A_865 = tpu.vector_load %arg12[%swap3A_864] {strides = array<i32>} : memref<256xi32, #tpu.memory_space<vmem>>, vector<16xi32>,
    tpu.vector_store %arg12[%swap3A_864], %or3A_863 {strides = array<i32>} : memref<256xi32, #tpu.memory_space<vmem>>, vector<16xi32>,
    %get3A_866 = arith.constant 80 : index
    %get3A_867 = tpu.vector_load %arg9[%get3A_866] {strides = array<i32>} : memref<256xi32, #tpu.memory_space<vmem>>, vector<16xi32>,
    %shift_right_logical3A_868 = arith.constant 15 : i32
    %shift_right_logical3A_869 = vector.broadcast %shift_right_logical3A_868 : i32 to vector<16xi32>
    %shift_right_logical3A_870 = arith.shrui %get3A_867, %shift_right_logical3A_869 : vector<16xi32>
    %shift_left3A_871 = arith.constant 13 : i32
    %shift_left3A_872 = vector.broadcast %shift_left3A_871 : i32 to vector<16xi32>
    %shift_left3A_873 = arith.shli %shift_right_logical3A_870, %shift_left3A_872 : vector<16xi32>
    %and3A_874 = arith.constant 8191 : i32
    %and3A_875 = vector.broadcast %and3A_874 : i32 to vector<16xi32>
    %and3A_876 = arith.andi %get3A_867, %and3A_875 : vector<16xi32>
    %or3A_877 = arith.ori %shift_left3A_873, %and3A_876 : vector<16xi32>
    %swap3A_878 = arith.constant 80 : index
    %swap3A_879 = tpu.vector_load %arg12[%swap3A_878] {strides = array<i32>} : memref<256xi32, #tpu.memory_space<vmem>>, vector<16xi32>,
    tpu.vector_store %arg12[%swap3A_878], %or3A_877 {strides = array<i32>} : memref<256xi32, #tpu.memory_space<vmem>>, vector<16xi32>,
    %get3A_880 = arith.constant 96 : index
    %get3A_881 = tpu.vector_load %arg9[%get3A_880] {strides = array<i32>} : memref<256xi32, #tpu.memory_space<vmem>>, vector<16xi32>,
    %shift_right_logical3A_882 = arith.constant 15 : i32
    %shift_right_logical3A_883 = vector.broadcast %shift_right_logical3A_882 : i32 to vector<16xi32>
    %shift_right_logical3A_884 = arith.shrui %get3A_881, %shift_right_logical3A_883 : vector<16xi32>
    %shift_left3A_885 = arith.constant 13 : i32
    %shift_left3A_886 = vector.broadcast %shift_left3A_885 : i32 to vector<16xi32>
    %shift_left3A_887 = arith.shli %shift_right_logical3A_884, %shift_left3A_886 : vector<16xi32>
    %and3A_888 = arith.constant 8191 : i32
    %and3A_889 = vector.broadcast %and3A_888 : i32 to vector<16xi32>
    %and3A_890 = arith.andi %get3A_881, %and3A_889 : vector<16xi32>
    %or3A_891 = arith.ori %shift_left3A_887, %and3A_890 : vector<16xi32>
    %swap3A_892 = arith.constant 96 : index
    %swap3A_893 = tpu.vector_load %arg12[%swap3A_892] {strides = array<i32>} : memref<256xi32, #tpu.memory_space<vmem>>, vector<16xi32>,
    tpu.vector_store %arg12[%swap3A_892], %or3A_891 {strides = array<i32>} : memref<256xi32, #tpu.memory_space<vmem>>, vector<16xi32>,
    %get3A_894 = arith.constant 112 : index
    %get3A_895 = tpu.vector_load %arg9[%get3A_894] {strides = array<i32>} : memref<256xi32, #tpu.memory_space<vmem>>, vector<16xi32>,
    %shift_right_logical3A_896 = arith.constant 15 : i32
    %shift_right_logical3A_897 = vector.broadcast %shift_right_logical3A_896 : i32 to vector<16xi32>
    %shift_right_logical3A_898 = arith.shrui %get3A_895, %shift_right_logical3A_897 : vector<16xi32>
    %shift_left3A_899 = arith.constant 13 : i32
    %shift_left3A_900 = vector.broadcast %shift_left3A_899 : i32 to vector<16xi32>
    %shift_left3A_901 = arith.shli %shift_right_logical3A_898, %shift_left3A_900 : vector<16xi32>
    %and3A_902 = arith.constant 8191 : i32
    %and3A_903 = vector.broadcast %and3A_902 : i32 to vector<16xi32>
    %and3A_904 = arith.andi %get3A_895, %and3A_903 : vector<16xi32>
    %or3A_905 = arith.ori %shift_left3A_901, %and3A_904 : vector<16xi32>
    %swap3A_906 = arith.constant 112 : index
    %swap3A_907 = tpu.vector_load %arg12[%swap3A_906] {strides = array<i32>} : memref<256xi32, #tpu.memory_space<vmem>>, vector<16xi32>,
    tpu.vector_store %arg12[%swap3A_906], %or3A_905 {strides = array<i32>} : memref<256xi32, #tpu.memory_space<vmem>>, vector<16xi32>,
    %get3A_908 = arith.constant 128 : index
    %get3A_909 = tpu.vector_load %arg9[%get3A_908] {strides = array<i32>} : memref<256xi32, #tpu.memory_space<vmem>>, vector<16xi32>,
    %shift_right_logical3A_910 = arith.constant 15 : i32
    %shift_right_logical3A_911 = vector.broadcast %shift_right_logical3A_910 : i32 to vector<16xi32>
    %shift_right_logical3A_912 = arith.shrui %get3A_909, %shift_right_logical3A_911 : vector<16xi32>
    %shift_left3A_913 = arith.constant 13 : i32
    %shift_left3A_914 = vector.broadcast %shift_left3A_913 : i32 to vector<16xi32>
    %shift_left3A_915 = arith.shli %shift_right_logical3A_912, %shift_left3A_914 : vector<16xi32>
    %and3A_916 = arith.constant 8191 : i32
    %and3A_917 = vector.broadcast %and3A_916 : i32 to vector<16xi32>
    %and3A_918 = arith.andi %get3A_909, %and3A_917 : vector<16xi32>
    %or3A_919 = arith.ori %shift_left3A_915, %and3A_918 : vector<16xi32>
    %swap3A_920 = arith.constant 128 : index
    %swap3A_921 = tpu.vector_load %arg12[%swap3A_920] {strides = array<i32>} : memref<256xi32, #tpu.memory_space<vmem>>, vector<16xi32>,
    tpu.vector_store %arg12[%swap3A_920], %or3A_919 {strides = array<i32>} : memref<256xi32, #tpu.memory_space<vmem>>, vector<16xi32>,
    %get3A_922 = arith.constant 144 : index
    %get3A_923 = tpu.vector_load %arg9[%get3A_922] {strides = array<i32>} : memref<256xi32, #tpu.memory_space<vmem>>, vector<16xi32>,
    %shift_right_logical3A_924 = arith.constant 15 : i32
    %shift_right_logical3A_925 = vector.broadcast %shift_right_logical3A_924 : i32 to vector<16xi32>
    %shift_right_logical3A_926 = arith.shrui %get3A_923, %shift_right_logical3A_925 : vector<16xi32>
    %shift_left3A_927 = arith.constant 13 : i32
    %shift_left3A_928 = vector.broadcast %shift_left3A_927 : i32 to vector<16xi32>
    %shift_left3A_929 = arith.shli %shift_right_logical3A_926, %shift_left3A_928 : vector<16xi32>
    %and3A_930 = arith.constant 8191 : i32
    %and3A_931 = vector.broadcast %and3A_930 : i32 to vector<16xi32>
    %and3A_932 = arith.andi %get3A_923, %and3A_931 : vector<16xi32>
    %or3A_933 = arith.ori %shift_left3A_929, %and3A_932 : vector<16xi32>
    %swap3A_934 = arith.constant 144 : index
    %swap3A_935 = tpu.vector_load %arg12[%swap3A_934] {strides = array<i32>} : memref<256xi32, #tpu.memory_space<vmem>>, vector<16xi32>,
    tpu.vector_store %arg12[%swap3A_934], %or3A_933 {strides = array<i32>} : memref<256xi32, #tpu.memory_space<vmem>>, vector<16xi32>,
    %get3A_936 = arith.constant 160 : index
    %get3A_937 = tpu.vector_load %arg9[%get3A_936] {strides = array<i32>} : memref<256xi32, #tpu.memory_space<vmem>>, vector<16xi32>,
    %shift_right_logical3A_938 = arith.constant 15 : i32
    %shift_right_logical3A_939 = vector.broadcast %shift_right_logical3A_938 : i32 to vector<16xi32>
    %shift_right_logical3A_940 = arith.shrui %get3A_937, %shift_right_logical3A_939 : vector<16xi32>
    %shift_left3A_941 = arith.constant 13 : i32
    %shift_left3A_942 = vector.broadcast %shift_left3A_941 : i32 to vector<16xi32>
    %shift_left3A_943 = arith.shli %shift_right_logical3A_940, %shift_left3A_942 : vector<16xi32>
    %and3A_944 = arith.constant 8191 : i32
    %and3A_945 = vector.broadcast %and3A_944 : i32 to vector<16xi32>
    %and3A_946 = arith.andi %get3A_937, %and3A_945 : vector<16xi32>
    %or3A_947 = arith.ori %shift_left3A_943, %and3A_946 : vector<16xi32>
    %swap3A_948 = arith.constant 160 : index
    %swap3A_949 = tpu.vector_load %arg12[%swap3A_948] {strides = array<i32>} : memref<256xi32, #tpu.memory_space<vmem>>, vector<16xi32>,
    tpu.vector_store %arg12[%swap3A_948], %or3A_947 {strides = array<i32>} : memref<256xi32, #tpu.memory_space<vmem>>, vector<16xi32>,
    %get3A_950 = arith.constant 176 : index
    %get3A_951 = tpu.vector_load %arg9[%get3A_950] {strides = array<i32>} : memref<256xi32, #tpu.memory_space<vmem>>, vector<16xi32>,
    %shift_right_logical3A_952 = arith.constant 15 : i32
    %shift_right_logical3A_953 = vector.broadcast %shift_right_logical3A_952 : i32 to vector<16xi32>
    %shift_right_logical3A_954 = arith.shrui %get3A_951, %shift_right_logical3A_953 : vector<16xi32>
    %shift_left3A_955 = arith.constant 13 : i32
    %shift_left3A_956 = vector.broadcast %shift_left3A_955 : i32 to vector<16xi32>
    %shift_left3A_957 = arith.shli %shift_right_logical3A_954, %shift_left3A_956 : vector<16xi32>
    %and3A_958 = arith.constant 8191 : i32
    %and3A_959 = vector.broadcast %and3A_958 : i32 to vector<16xi32>
    %and3A_960 = arith.andi %get3A_951, %and3A_959 : vector<16xi32>
    %or3A_961 = arith.ori %shift_left3A_957, %and3A_960 : vector<16xi32>
    %swap3A_962 = arith.constant 176 : index
    %swap3A_963 = tpu.vector_load %arg12[%swap3A_962] {strides = array<i32>} : memref<256xi32, #tpu.memory_space<vmem>>, vector<16xi32>,
    tpu.vector_store %arg12[%swap3A_962], %or3A_961 {strides = array<i32>} : memref<256xi32, #tpu.memory_space<vmem>>, vector<16xi32>,
    %get3A_964 = arith.constant 192 : index
    %get3A_965 = tpu.vector_load %arg9[%get3A_964] {strides = array<i32>} : memref<256xi32, #tpu.memory_space<vmem>>, vector<16xi32>,
    %shift_right_logical3A_966 = arith.constant 15 : i32
    %shift_right_logical3A_967 = vector.broadcast %shift_right_logical3A_966 : i32 to vector<16xi32>
    %shift_right_logical3A_968 = arith.shrui %get3A_965, %shift_right_logical3A_967 : vector<16xi32>
    %shift_left3A_969 = arith.constant 13 : i32
    %shift_left3A_970 = vector.broadcast %shift_left3A_969 : i32 to vector<16xi32>
    %shift_left3A_971 = arith.shli %shift_right_logical3A_968, %shift_left3A_970 : vector<16xi32>
    %and3A_972 = arith.constant 8191 : i32
    %and3A_973 = vector.broadcast %and3A_972 : i32 to vector<16xi32>
    %and3A_974 = arith.andi %get3A_965, %and3A_973 : vector<16xi32>
    %or3A_975 = arith.ori %shift_left3A_971, %and3A_974 : vector<16xi32>
    %swap3A_976 = arith.constant 192 : index
    %swap3A_977 = tpu.vector_load %arg12[%swap3A_976] {strides = array<i32>} : memref<256xi32, #tpu.memory_space<vmem>>, vector<16xi32>,
    tpu.vector_store %arg12[%swap3A_976], %or3A_975 {strides = array<i32>} : memref<256xi32, #tpu.memory_space<vmem>>, vector<16xi32>,
    %get3A_978 = arith.constant 208 : index
    %get3A_979 = tpu.vector_load %arg9[%get3A_978] {strides = array<i32>} : memref<256xi32, #tpu.memory_space<vmem>>, vector<16xi32>,
    %shift_right_logical3A_980 = arith.constant 15 : i32
    %shift_right_logical3A_981 = vector.broadcast %shift_right_logical3A_980 : i32 to vector<16xi32>
    %shift_right_logical3A_982 = arith.shrui %get3A_979, %shift_right_logical3A_981 : vector<16xi32>
    %shift_left3A_983 = arith.constant 13 : i32
    %shift_left3A_984 = vector.broadcast %shift_left3A_983 : i32 to vector<16xi32>
    %shift_left3A_985 = arith.shli %shift_right_logical3A_982, %shift_left3A_984 : vector<16xi32>
    %and3A_986 = arith.constant 8191 : i32
    %and3A_987 = vector.broadcast %and3A_986 : i32 to vector<16xi32>
    %and3A_988 = arith.andi %get3A_979, %and3A_987 : vector<16xi32>
    %or3A_989 = arith.ori %shift_left3A_985, %and3A_988 : vector<16xi32>
    %swap3A_990 = arith.constant 208 : index
    %swap3A_991 = tpu.vector_load %arg12[%swap3A_990] {strides = array<i32>} : memref<256xi32, #tpu.memory_space<vmem>>, vector<16xi32>,
    tpu.vector_store %arg12[%swap3A_990], %or3A_989 {strides = array<i32>} : memref<256xi32, #tpu.memory_space<vmem>>, vector<16xi32>,
    %get3A_992 = arith.constant 224 : index
    %get3A_993 = tpu.vector_load %arg9[%get3A_992] {strides = array<i32>} : memref<256xi32, #tpu.memory_space<vmem>>, vector<16xi32>,
    %shift_right_logical3A_994 = arith.constant 15 : i32
    %shift_right_logical3A_995 = vector.broadcast %shift_right_logical3A_994 : i32 to vector<16xi32>
    %shift_right_logical3A_996 = arith.shrui %get3A_993, %shift_right_logical3A_995 : vector<16xi32>
    %shift_left3A_997 = arith.constant 13 : i32
    %shift_left3A_998 = vector.broadcast %shift_left3A_997 : i32 to vector<16xi32>
    %shift_left3A_999 = arith.shli %shift_right_logical3A_996, %shift_left3A_998 : vector<16xi32>
    %and3A_1000 = arith.constant 8191 : i32
    %and3A_1001 = vector.broadcast %and3A_1000 : i32 to vector<16xi32>
    %and3A_1002 = arith.andi %get3A_993, %and3A_1001 : vector<16xi32>
    %or3A_1003 = arith.ori %shift_left3A_999, %and3A_1002 : vector<16xi32>
    %swap3A_1004 = arith.constant 224 : index
    %swap3A_1005 = tpu.vector_load %arg12[%swap3A_1004] {strides = array<i32>} : memref<256xi32, #tpu.memory_space<vmem>>, vector<16xi32>,
    tpu.vector_store %arg12[%swap3A_1004], %or3A_1003 {strides = array<i32>} : memref<256xi32, #tpu.memory_space<vmem>>, vector<16xi32>,
    %get3A_1006 = arith.constant 240 : index
    %get3A_1007 = tpu.vector_load %arg9[%get3A_1006] {strides = array<i32>} : memref<256xi32, #tpu.memory_space<vmem>>, vector<16xi32>,
    %shift_right_logical3A_1008 = arith.constant 15 : i32
    %shift_right_logical3A_1009 = vector.broadcast %shift_right_logical3A_1008 : i32 to vector<16xi32>
    %shift_right_logical3A_1010 = arith.shrui %get3A_1007, %shift_right_logical3A_1009 : vector<16xi32>
    %shift_left3A_1011 = arith.constant 13 : i32
    %shift_left3A_1012 = vector.broadcast %shift_left3A_1011 : i32 to vector<16xi32>
    %shift_left3A_1013 = arith.shli %shift_right_logical3A_1010, %shift_left3A_1012 : vector<16xi32>
    %and3A_1014 = arith.constant 8191 : i32
    %and3A_1015 = vector.broadcast %and3A_1014 : i32 to vector<16xi32>
    %and3A_1016 = arith.andi %get3A_1007, %and3A_1015 : vector<16xi32>
    %or3A_1017 = arith.ori %shift_left3A_1013, %and3A_1016 : vector<16xi32>
    %swap3A_1018 = arith.constant 240 : index
    %swap3A_1019 = tpu.vector_load %arg12[%swap3A_1018] {strides = array<i32>} : memref<256xi32, #tpu.memory_space<vmem>>, vector<16xi32>,
    tpu.vector_store %arg12[%swap3A_1018], %or3A_1017 {strides = array<i32>} : memref<256xi32, #tpu.memory_space<vmem>>, vector<16xi32>,
    %get3A_1020 = arith.constant 0 : index
    %get3A_1021 = tpu.vector_load %arg10[%get3A_1020] {strides = array<i32>} : memref<256xi32, #tpu.memory_space<vmem>>, vector<16xi32>,
    %shift_right_logical3A_1022 = arith.constant 15 : i32
    %shift_right_logical3A_1023 = vector.broadcast %shift_right_logical3A_1022 : i32 to vector<16xi32>
    %shift_right_logical3A_1024 = arith.shrui %get3A_1021, %shift_right_logical3A_1023 : vector<16xi32>
    %shift_left3A_1025 = arith.constant 13 : i32
    %shift_left3A_1026 = vector.broadcast %shift_left3A_1025 : i32 to vector<16xi32>
    %shift_left3A_1027 = arith.shli %shift_right_logical3A_1024, %shift_left3A_1026 : vector<16xi32>
    %and3A_1028 = arith.constant 8191 : i32
    %and3A_1029 = vector.broadcast %and3A_1028 : i32 to vector<16xi32>
    %and3A_1030 = arith.andi %get3A_1021, %and3A_1029 : vector<16xi32>
    %or3A_1031 = arith.ori %shift_left3A_1027, %and3A_1030 : vector<16xi32>
    %swap3A_1032 = arith.constant 0 : index
    %swap3A_1033 = tpu.vector_load %arg13[%swap3A_1032] {strides = array<i32>} : memref<256xi32, #tpu.memory_space<vmem>>, vector<16xi32>,
    tpu.vector_store %arg13[%swap3A_1032], %or3A_1031 {strides = array<i32>} : memref<256xi32, #tpu.memory_space<vmem>>, vector<16xi32>,
    %get3A_1034 = arith.constant 16 : index
    %get3A_1035 = tpu.vector_load %arg10[%get3A_1034] {strides = array<i32>} : memref<256xi32, #tpu.memory_space<vmem>>, vector<16xi32>,
    %shift_right_logical3A_1036 = arith.constant 15 : i32
    %shift_right_logical3A_1037 = vector.broadcast %shift_right_logical3A_1036 : i32 to vector<16xi32>
    %shift_right_logical3A_1038 = arith.shrui %get3A_1035, %shift_right_logical3A_1037 : vector<16xi32>
    %shift_left3A_1039 = arith.constant 13 : i32
    %shift_left3A_1040 = vector.broadcast %shift_left3A_1039 : i32 to vector<16xi32>
    %shift_left3A_1041 = arith.shli %shift_right_logical3A_1038, %shift_left3A_1040 : vector<16xi32>
    %and3A_1042 = arith.constant 8191 : i32
    %and3A_1043 = vector.broadcast %and3A_1042 : i32 to vector<16xi32>
    %and3A_1044 = arith.andi %get3A_1035, %and3A_1043 : vector<16xi32>
    %or3A_1045 = arith.ori %shift_left3A_1041, %and3A_1044 : vector<16xi32>
    %swap3A_1046 = arith.constant 16 : index
    %swap3A_1047 = tpu.vector_load %arg13[%swap3A_1046] {strides = array<i32>} : memref<256xi32, #tpu.memory_space<vmem>>, vector<16xi32>,
    tpu.vector_store %arg13[%swap3A_1046], %or3A_1045 {strides = array<i32>} : memref<256xi32, #tpu.memory_space<vmem>>, vector<16xi32>,
    %get3A_1048 = arith.constant 32 : index
    %get3A_1049 = tpu.vector_load %arg10[%get3A_1048] {strides = array<i32>} : memref<256xi32, #tpu.memory_space<vmem>>, vector<16xi32>,
    %shift_right_logical3A_1050 = arith.constant 15 : i32
    %shift_right_logical3A_1051 = vector.broadcast %shift_right_logical3A_1050 : i32 to vector<16xi32>
    %shift_right_logical3A_1052 = arith.shrui %get3A_1049, %shift_right_logical3A_1051 : vector<16xi32>
    %shift_left3A_1053 = arith.constant 13 : i32
    %shift_left3A_1054 = vector.broadcast %shift_left3A_1053 : i32 to vector<16xi32>
    %shift_left3A_1055 = arith.shli %shift_right_logical3A_1052, %shift_left3A_1054 : vector<16xi32>
    %and3A_1056 = arith.constant 8191 : i32
    %and3A_1057 = vector.broadcast %and3A_1056 : i32 to vector<16xi32>
    %and3A_1058 = arith.andi %get3A_1049, %and3A_1057 : vector<16xi32>
    %or3A_1059 = arith.ori %shift_left3A_1055, %and3A_1058 : vector<16xi32>
    %swap3A_1060 = arith.constant 32 : index
    %swap3A_1061 = tpu.vector_load %arg13[%swap3A_1060] {strides = array<i32>} : memref<256xi32, #tpu.memory_space<vmem>>, vector<16xi32>,
    tpu.vector_store %arg13[%swap3A_1060], %or3A_1059 {strides = array<i32>} : memref<256xi32, #tpu.memory_space<vmem>>, vector<16xi32>,
    %get3A_1062 = arith.constant 48 : index
    %get3A_1063 = tpu.vector_load %arg10[%get3A_1062] {strides = array<i32>} : memref<256xi32, #tpu.memory_space<vmem>>, vector<16xi32>,
    %shift_right_logical3A_1064 = arith.constant 15 : i32
    %shift_right_logical3A_1065 = vector.broadcast %shift_right_logical3A_1064 : i32 to vector<16xi32>
    %shift_right_logical3A_1066 = arith.shrui %get3A_1063, %shift_right_logical3A_1065 : vector<16xi32>
    %shift_left3A_1067 = arith.constant 13 : i32
    %shift_left3A_1068 = vector.broadcast %shift_left3A_1067 : i32 to vector<16xi32>
    %shift_left3A_1069 = arith.shli %shift_right_logical3A_1066, %shift_left3A_1068 : vector<16xi32>
    %and3A_1070 = arith.constant 8191 : i32
    %and3A_1071 = vector.broadcast %and3A_1070 : i32 to vector<16xi32>
    %and3A_1072 = arith.andi %get3A_1063, %and3A_1071 : vector<16xi32>
    %or3A_1073 = arith.ori %shift_left3A_1069, %and3A_1072 : vector<16xi32>
    %swap3A_1074 = arith.constant 48 : index
    %swap3A_1075 = tpu.vector_load %arg13[%swap3A_1074] {strides = array<i32>} : memref<256xi32, #tpu.memory_space<vmem>>, vector<16xi32>,
    tpu.vector_store %arg13[%swap3A_1074], %or3A_1073 {strides = array<i32>} : memref<256xi32, #tpu.memory_space<vmem>>, vector<16xi32>,
    %get3A_1076 = arith.constant 64 : index
    %get3A_1077 = tpu.vector_load %arg10[%get3A_1076] {strides = array<i32>} : memref<256xi32, #tpu.memory_space<vmem>>, vector<16xi32>,
    %shift_right_logical3A_1078 = arith.constant 15 : i32
    %shift_right_logical3A_1079 = vector.broadcast %shift_right_logical3A_1078 : i32 to vector<16xi32>
    %shift_right_logical3A_1080 = arith.shrui %get3A_1077, %shift_right_logical3A_1079 : vector<16xi32>
    %shift_left3A_1081 = arith.constant 13 : i32
    %shift_left3A_1082 = vector.broadcast %shift_left3A_1081 : i32 to vector<16xi32>
    %shift_left3A_1083 = arith.shli %shift_right_logical3A_1080, %shift_left3A_1082 : vector<16xi32>
    %and3A_1084 = arith.constant 8191 : i32
    %and3A_1085 = vector.broadcast %and3A_1084 : i32 to vector<16xi32>
    %and3A_1086 = arith.andi %get3A_1077, %and3A_1085 : vector<16xi32>
    %or3A_1087 = arith.ori %shift_left3A_1083, %and3A_1086 : vector<16xi32>
    %swap3A_1088 = arith.constant 64 : index
    %swap3A_1089 = tpu.vector_load %arg13[%swap3A_1088] {strides = array<i32>} : memref<256xi32, #tpu.memory_space<vmem>>, vector<16xi32>,
    tpu.vector_store %arg13[%swap3A_1088], %or3A_1087 {strides = array<i32>} : memref<256xi32, #tpu.memory_space<vmem>>, vector<16xi32>,
    %get3A_1090 = arith.constant 80 : index
    %get3A_1091 = tpu.vector_load %arg10[%get3A_1090] {strides = array<i32>} : memref<256xi32, #tpu.memory_space<vmem>>, vector<16xi32>,
    %shift_right_logical3A_1092 = arith.constant 15 : i32
    %shift_right_logical3A_1093 = vector.broadcast %shift_right_logical3A_1092 : i32 to vector<16xi32>
    %shift_right_logical3A_1094 = arith.shrui %get3A_1091, %shift_right_logical3A_1093 : vector<16xi32>
    %shift_left3A_1095 = arith.constant 13 : i32
    %shift_left3A_1096 = vector.broadcast %shift_left3A_1095 : i32 to vector<16xi32>
    %shift_left3A_1097 = arith.shli %shift_right_logical3A_1094, %shift_left3A_1096 : vector<16xi32>
    %and3A_1098 = arith.constant 8191 : i32
    %and3A_1099 = vector.broadcast %and3A_1098 : i32 to vector<16xi32>
    %and3A_1100 = arith.andi %get3A_1091, %and3A_1099 : vector<16xi32>
    %or3A_1101 = arith.ori %shift_left3A_1097, %and3A_1100 : vector<16xi32>
    %swap3A_1102 = arith.constant 80 : index
    %swap3A_1103 = tpu.vector_load %arg13[%swap3A_1102] {strides = array<i32>} : memref<256xi32, #tpu.memory_space<vmem>>, vector<16xi32>,
    tpu.vector_store %arg13[%swap3A_1102], %or3A_1101 {strides = array<i32>} : memref<256xi32, #tpu.memory_space<vmem>>, vector<16xi32>,
    %get3A_1104 = arith.constant 96 : index
    %get3A_1105 = tpu.vector_load %arg10[%get3A_1104] {strides = array<i32>} : memref<256xi32, #tpu.memory_space<vmem>>, vector<16xi32>,
    %shift_right_logical3A_1106 = arith.constant 15 : i32
    %shift_right_logical3A_1107 = vector.broadcast %shift_right_logical3A_1106 : i32 to vector<16xi32>
    %shift_right_logical3A_1108 = arith.shrui %get3A_1105, %shift_right_logical3A_1107 : vector<16xi32>
    %shift_left3A_1109 = arith.constant 13 : i32
    %shift_left3A_1110 = vector.broadcast %shift_left3A_1109 : i32 to vector<16xi32>
    %shift_left3A_1111 = arith.shli %shift_right_logical3A_1108, %shift_left3A_1110 : vector<16xi32>
    %and3A_1112 = arith.constant 8191 : i32
    %and3A_1113 = vector.broadcast %and3A_1112 : i32 to vector<16xi32>
    %and3A_1114 = arith.andi %get3A_1105, %and3A_1113 : vector<16xi32>
    %or3A_1115 = arith.ori %shift_left3A_1111, %and3A_1114 : vector<16xi32>
    %swap3A_1116 = arith.constant 96 : index
    %swap3A_1117 = tpu.vector_load %arg13[%swap3A_1116] {strides = array<i32>} : memref<256xi32, #tpu.memory_space<vmem>>, vector<16xi32>,
    tpu.vector_store %arg13[%swap3A_1116], %or3A_1115 {strides = array<i32>} : memref<256xi32, #tpu.memory_space<vmem>>, vector<16xi32>,
    %get3A_1118 = arith.constant 112 : index
    %get3A_1119 = tpu.vector_load %arg10[%get3A_1118] {strides = array<i32>} : memref<256xi32, #tpu.memory_space<vmem>>, vector<16xi32>,
    %shift_right_logical3A_1120 = arith.constant 15 : i32
    %shift_right_logical3A_1121 = vector.broadcast %shift_right_logical3A_1120 : i32 to vector<16xi32>
    %shift_right_logical3A_1122 = arith.shrui %get3A_1119, %shift_right_logical3A_1121 : vector<16xi32>
    %shift_left3A_1123 = arith.constant 13 : i32
    %shift_left3A_1124 = vector.broadcast %shift_left3A_1123 : i32 to vector<16xi32>
    %shift_left3A_1125 = arith.shli %shift_right_logical3A_1122, %shift_left3A_1124 : vector<16xi32>
    %and3A_1126 = arith.constant 8191 : i32
    %and3A_1127 = vector.broadcast %and3A_1126 : i32 to vector<16xi32>
    %and3A_1128 = arith.andi %get3A_1119, %and3A_1127 : vector<16xi32>
    %or3A_1129 = arith.ori %shift_left3A_1125, %and3A_1128 : vector<16xi32>
    %swap3A_1130 = arith.constant 112 : index
    %swap3A_1131 = tpu.vector_load %arg13[%swap3A_1130] {strides = array<i32>} : memref<256xi32, #tpu.memory_space<vmem>>, vector<16xi32>,
    tpu.vector_store %arg13[%swap3A_1130], %or3A_1129 {strides = array<i32>} : memref<256xi32, #tpu.memory_space<vmem>>, vector<16xi32>,
    %get3A_1132 = arith.constant 128 : index
    %get3A_1133 = tpu.vector_load %arg10[%get3A_1132] {strides = array<i32>} : memref<256xi32, #tpu.memory_space<vmem>>, vector<16xi32>,
    %shift_right_logical3A_1134 = arith.constant 15 : i32
    %shift_right_logical3A_1135 = vector.broadcast %shift_right_logical3A_1134 : i32 to vector<16xi32>
    %shift_right_logical3A_1136 = arith.shrui %get3A_1133, %shift_right_logical3A_1135 : vector<16xi32>
    %shift_left3A_1137 = arith.constant 13 : i32
    %shift_left3A_1138 = vector.broadcast %shift_left3A_1137 : i32 to vector<16xi32>
    %shift_left3A_1139 = arith.shli %shift_right_logical3A_1136, %shift_left3A_1138 : vector<16xi32>
    %and3A_1140 = arith.constant 8191 : i32
    %and3A_1141 = vector.broadcast %and3A_1140 : i32 to vector<16xi32>
    %and3A_1142 = arith.andi %get3A_1133, %and3A_1141 : vector<16xi32>
    %or3A_1143 = arith.ori %shift_left3A_1139, %and3A_1142 : vector<16xi32>
    %swap3A_1144 = arith.constant 128 : index
    %swap3A_1145 = tpu.vector_load %arg13[%swap3A_1144] {strides = array<i32>} : memref<256xi32, #tpu.memory_space<vmem>>, vector<16xi32>,
    tpu.vector_store %arg13[%swap3A_1144], %or3A_1143 {strides = array<i32>} : memref<256xi32, #tpu.memory_space<vmem>>, vector<16xi32>,
    %get3A_1146 = arith.constant 144 : index
    %get3A_1147 = tpu.vector_load %arg10[%get3A_1146] {strides = array<i32>} : memref<256xi32, #tpu.memory_space<vmem>>, vector<16xi32>,
    %shift_right_logical3A_1148 = arith.constant 15 : i32
    %shift_right_logical3A_1149 = vector.broadcast %shift_right_logical3A_1148 : i32 to vector<16xi32>
    %shift_right_logical3A_1150 = arith.shrui %get3A_1147, %shift_right_logical3A_1149 : vector<16xi32>
    %shift_left3A_1151 = arith.constant 13 : i32
    %shift_left3A_1152 = vector.broadcast %shift_left3A_1151 : i32 to vector<16xi32>
    %shift_left3A_1153 = arith.shli %shift_right_logical3A_1150, %shift_left3A_1152 : vector<16xi32>
    %and3A_1154 = arith.constant 8191 : i32
    %and3A_1155 = vector.broadcast %and3A_1154 : i32 to vector<16xi32>
    %and3A_1156 = arith.andi %get3A_1147, %and3A_1155 : vector<16xi32>
    %or3A_1157 = arith.ori %shift_left3A_1153, %and3A_1156 : vector<16xi32>
    %swap3A_1158 = arith.constant 144 : index
    %swap3A_1159 = tpu.vector_load %arg13[%swap3A_1158] {strides = array<i32>} : memref<256xi32, #tpu.memory_space<vmem>>, vector<16xi32>,
    tpu.vector_store %arg13[%swap3A_1158], %or3A_1157 {strides = array<i32>} : memref<256xi32, #tpu.memory_space<vmem>>, vector<16xi32>,
    %get3A_1160 = arith.constant 160 : index
    %get3A_1161 = tpu.vector_load %arg10[%get3A_1160] {strides = array<i32>} : memref<256xi32, #tpu.memory_space<vmem>>, vector<16xi32>,
    %shift_right_logical3A_1162 = arith.constant 15 : i32
    %shift_right_logical3A_1163 = vector.broadcast %shift_right_logical3A_1162 : i32 to vector<16xi32>
    %shift_right_logical3A_1164 = arith.shrui %get3A_1161, %shift_right_logical3A_1163 : vector<16xi32>
    %shift_left3A_1165 = arith.constant 13 : i32
    %shift_left3A_1166 = vector.broadcast %shift_left3A_1165 : i32 to vector<16xi32>
    %shift_left3A_1167 = arith.shli %shift_right_logical3A_1164, %shift_left3A_1166 : vector<16xi32>
    %and3A_1168 = arith.constant 8191 : i32
    %and3A_1169 = vector.broadcast %and3A_1168 : i32 to vector<16xi32>
    %and3A_1170 = arith.andi %get3A_1161, %and3A_1169 : vector<16xi32>
    %or3A_1171 = arith.ori %shift_left3A_1167, %and3A_1170 : vector<16xi32>
    %swap3A_1172 = arith.constant 160 : index
    %swap3A_1173 = tpu.vector_load %arg13[%swap3A_1172] {strides = array<i32>} : memref<256xi32, #tpu.memory_space<vmem>>, vector<16xi32>,
    tpu.vector_store %arg13[%swap3A_1172], %or3A_1171 {strides = array<i32>} : memref<256xi32, #tpu.memory_space<vmem>>, vector<16xi32>,
    %get3A_1174 = arith.constant 176 : index
    %get3A_1175 = tpu.vector_load %arg10[%get3A_1174] {strides = array<i32>} : memref<256xi32, #tpu.memory_space<vmem>>, vector<16xi32>,
    %shift_right_logical3A_1176 = arith.constant 15 : i32
    %shift_right_logical3A_1177 = vector.broadcast %shift_right_logical3A_1176 : i32 to vector<16xi32>
    %shift_right_logical3A_1178 = arith.shrui %get3A_1175, %shift_right_logical3A_1177 : vector<16xi32>
    %shift_left3A_1179 = arith.constant 13 : i32
    %shift_left3A_1180 = vector.broadcast %shift_left3A_1179 : i32 to vector<16xi32>
    %shift_left3A_1181 = arith.shli %shift_right_logical3A_1178, %shift_left3A_1180 : vector<16xi32>
    %and3A_1182 = arith.constant 8191 : i32
    %and3A_1183 = vector.broadcast %and3A_1182 : i32 to vector<16xi32>
    %and3A_1184 = arith.andi %get3A_1175, %and3A_1183 : vector<16xi32>
    %or3A_1185 = arith.ori %shift_left3A_1181, %and3A_1184 : vector<16xi32>
    %swap3A_1186 = arith.constant 176 : index
    %swap3A_1187 = tpu.vector_load %arg13[%swap3A_1186] {strides = array<i32>} : memref<256xi32, #tpu.memory_space<vmem>>, vector<16xi32>,
    tpu.vector_store %arg13[%swap3A_1186], %or3A_1185 {strides = array<i32>} : memref<256xi32, #tpu.memory_space<vmem>>, vector<16xi32>,
    %get3A_1188 = arith.constant 192 : index
    %get3A_1189 = tpu.vector_load %arg10[%get3A_1188] {strides = array<i32>} : memref<256xi32, #tpu.memory_space<vmem>>, vector<16xi32>,
    %shift_right_logical3A_1190 = arith.constant 15 : i32
    %shift_right_logical3A_1191 = vector.broadcast %shift_right_logical3A_1190 : i32 to vector<16xi32>
    %shift_right_logical3A_1192 = arith.shrui %get3A_1189, %shift_right_logical3A_1191 : vector<16xi32>
    %shift_left3A_1193 = arith.constant 13 : i32
    %shift_left3A_1194 = vector.broadcast %shift_left3A_1193 : i32 to vector<16xi32>
    %shift_left3A_1195 = arith.shli %shift_right_logical3A_1192, %shift_left3A_1194 : vector<16xi32>
    %and3A_1196 = arith.constant 8191 : i32
    %and3A_1197 = vector.broadcast %and3A_1196 : i32 to vector<16xi32>
    %and3A_1198 = arith.andi %get3A_1189, %and3A_1197 : vector<16xi32>
    %or3A_1199 = arith.ori %shift_left3A_1195, %and3A_1198 : vector<16xi32>
    %swap3A_1200 = arith.constant 192 : index
    %swap3A_1201 = tpu.vector_load %arg13[%swap3A_1200] {strides = array<i32>} : memref<256xi32, #tpu.memory_space<vmem>>, vector<16xi32>,
    tpu.vector_store %arg13[%swap3A_1200], %or3A_1199 {strides = array<i32>} : memref<256xi32, #tpu.memory_space<vmem>>, vector<16xi32>,
    %get3A_1202 = arith.constant 208 : index
    %get3A_1203 = tpu.vector_load %arg10[%get3A_1202] {strides = array<i32>} : memref<256xi32, #tpu.memory_space<vmem>>, vector<16xi32>,
    %shift_right_logical3A_1204 = arith.constant 15 : i32
    %shift_right_logical3A_1205 = vector.broadcast %shift_right_logical3A_1204 : i32 to vector<16xi32>
    %shift_right_logical3A_1206 = arith.shrui %get3A_1203, %shift_right_logical3A_1205 : vector<16xi32>
    %shift_left3A_1207 = arith.constant 13 : i32
    %shift_left3A_1208 = vector.broadcast %shift_left3A_1207 : i32 to vector<16xi32>
    %shift_left3A_1209 = arith.shli %shift_right_logical3A_1206, %shift_left3A_1208 : vector<16xi32>
    %and3A_1210 = arith.constant 8191 : i32
    %and3A_1211 = vector.broadcast %and3A_1210 : i32 to vector<16xi32>
    %and3A_1212 = arith.andi %get3A_1203, %and3A_1211 : vector<16xi32>
    %or3A_1213 = arith.ori %shift_left3A_1209, %and3A_1212 : vector<16xi32>
    %swap3A_1214 = arith.constant 208 : index
    %swap3A_1215 = tpu.vector_load %arg13[%swap3A_1214] {strides = array<i32>} : memref<256xi32, #tpu.memory_space<vmem>>, vector<16xi32>,
    tpu.vector_store %arg13[%swap3A_1214], %or3A_1213 {strides = array<i32>} : memref<256xi32, #tpu.memory_space<vmem>>, vector<16xi32>,
    %get3A_1216 = arith.constant 224 : index
    %get3A_1217 = tpu.vector_load %arg10[%get3A_1216] {strides = array<i32>} : memref<256xi32, #tpu.memory_space<vmem>>, vector<16xi32>,
    %shift_right_logical3A_1218 = arith.constant 15 : i32
    %shift_right_logical3A_1219 = vector.broadcast %shift_right_logical3A_1218 : i32 to vector<16xi32>
    %shift_right_logical3A_1220 = arith.shrui %get3A_1217, %shift_right_logical3A_1219 : vector<16xi32>
    %shift_left3A_1221 = arith.constant 13 : i32
    %shift_left3A_1222 = vector.broadcast %shift_left3A_1221 : i32 to vector<16xi32>
    %shift_left3A_1223 = arith.shli %shift_right_logical3A_1220, %shift_left3A_1222 : vector<16xi32>
    %and3A_1224 = arith.constant 8191 : i32
    %and3A_1225 = vector.broadcast %and3A_1224 : i32 to vector<16xi32>
    %and3A_1226 = arith.andi %get3A_1217, %and3A_1225 : vector<16xi32>
    %or3A_1227 = arith.ori %shift_left3A_1223, %and3A_1226 : vector<16xi32>
    %swap3A_1228 = arith.constant 224 : index
    %swap3A_1229 = tpu.vector_load %arg13[%swap3A_1228] {strides = array<i32>} : memref<256xi32, #tpu.memory_space<vmem>>, vector<16xi32>,
    tpu.vector_store %arg13[%swap3A_1228], %or3A_1227 {strides = array<i32>} : memref<256xi32, #tpu.memory_space<vmem>>, vector<16xi32>,
    %get3A_1230 = arith.constant 240 : index
    %get3A_1231 = tpu.vector_load %arg10[%get3A_1230] {strides = array<i32>} : memref<256xi32, #tpu.memory_space<vmem>>, vector<16xi32>,
    %shift_right_logical3A_1232 = arith.constant 15 : i32
    %shift_right_logical3A_1233 = vector.broadcast %shift_right_logical3A_1232 : i32 to vector<16xi32>
    %shift_right_logical3A_1234 = arith.shrui %get3A_1231, %shift_right_logical3A_1233 : vector<16xi32>
    %shift_left3A_1235 = arith.constant 13 : i32
    %shift_left3A_1236 = vector.broadcast %shift_left3A_1235 : i32 to vector<16xi32>
    %shift_left3A_1237 = arith.shli %shift_right_logical3A_1234, %shift_left3A_1236 : vector<16xi32>
    %and3A_1238 = arith.constant 8191 : i32
    %and3A_1239 = vector.broadcast %and3A_1238 : i32 to vector<16xi32>
    %and3A_1240 = arith.andi %get3A_1231, %and3A_1239 : vector<16xi32>
    %or3A_1241 = arith.ori %shift_left3A_1237, %and3A_1240 : vector<16xi32>
    %swap3A_1242 = arith.constant 240 : index
    %swap3A_1243 = tpu.vector_load %arg13[%swap3A_1242] {strides = array<i32>} : memref<256xi32, #tpu.memory_space<vmem>>, vector<16xi32>,
    tpu.vector_store %arg13[%swap3A_1242], %or3A_1241 {strides = array<i32>} : memref<256xi32, #tpu.memory_space<vmem>>, vector<16xi32>,
    %get3A_1244 = arith.constant 0 : index
    %get3A_1245 = tpu.vector_load %arg11[%get3A_1244] {strides = array<i32>} : memref<256xi32, #tpu.memory_space<vmem>>, vector<16xi32>,
    %shift_right_logical3A_1246 = arith.constant 15 : i32
    %shift_right_logical3A_1247 = vector.broadcast %shift_right_logical3A_1246 : i32 to vector<16xi32>
    %shift_right_logical3A_1248 = arith.shrui %get3A_1245, %shift_right_logical3A_1247 : vector<16xi32>
    %shift_left3A_1249 = arith.constant 13 : i32
    %shift_left3A_1250 = vector.broadcast %shift_left3A_1249 : i32 to vector<16xi32>
    %shift_left3A_1251 = arith.shli %shift_right_logical3A_1248, %shift_left3A_1250 : vector<16xi32>
    %and3A_1252 = arith.constant 8191 : i32
    %and3A_1253 = vector.broadcast %and3A_1252 : i32 to vector<16xi32>
    %and3A_1254 = arith.andi %get3A_1245, %and3A_1253 : vector<16xi32>
    %or3A_1255 = arith.ori %shift_left3A_1251, %and3A_1254 : vector<16xi32>
    %swap3A_1256 = arith.constant 0 : index
    %swap3A_1257 = tpu.vector_load %arg14[%swap3A_1256] {strides = array<i32>} : memref<256xi32, #tpu.memory_space<vmem>>, vector<16xi32>,
    tpu.vector_store %arg14[%swap3A_1256], %or3A_1255 {strides = array<i32>} : memref<256xi32, #tpu.memory_space<vmem>>, vector<16xi32>,
    %get3A_1258 = arith.constant 16 : index
    %get3A_1259 = tpu.vector_load %arg11[%get3A_1258] {strides = array<i32>} : memref<256xi32, #tpu.memory_space<vmem>>, vector<16xi32>,
    %shift_right_logical3A_1260 = arith.constant 15 : i32
    %shift_right_logical3A_1261 = vector.broadcast %shift_right_logical3A_1260 : i32 to vector<16xi32>
    %shift_right_logical3A_1262 = arith.shrui %get3A_1259, %shift_right_logical3A_1261 : vector<16xi32>
    %shift_left3A_1263 = arith.constant 13 : i32
    %shift_left3A_1264 = vector.broadcast %shift_left3A_1263 : i32 to vector<16xi32>
    %shift_left3A_1265 = arith.shli %shift_right_logical3A_1262, %shift_left3A_1264 : vector<16xi32>
    %and3A_1266 = arith.constant 8191 : i32
    %and3A_1267 = vector.broadcast %and3A_1266 : i32 to vector<16xi32>
    %and3A_1268 = arith.andi %get3A_1259, %and3A_1267 : vector<16xi32>
    %or3A_1269 = arith.ori %shift_left3A_1265, %and3A_1268 : vector<16xi32>
    %swap3A_1270 = arith.constant 16 : index
    %swap3A_1271 = tpu.vector_load %arg14[%swap3A_1270] {strides = array<i32>} : memref<256xi32, #tpu.memory_space<vmem>>, vector<16xi32>,
    tpu.vector_store %arg14[%swap3A_1270], %or3A_1269 {strides = array<i32>} : memref<256xi32, #tpu.memory_space<vmem>>, vector<16xi32>,
    %get3A_1272 = arith.constant 32 : index
    %get3A_1273 = tpu.vector_load %arg11[%get3A_1272] {strides = array<i32>} : memref<256xi32, #tpu.memory_space<vmem>>, vector<16xi32>,
    %shift_right_logical3A_1274 = arith.constant 15 : i32
    %shift_right_logical3A_1275 = vector.broadcast %shift_right_logical3A_1274 : i32 to vector<16xi32>
    %shift_right_logical3A_1276 = arith.shrui %get3A_1273, %shift_right_logical3A_1275 : vector<16xi32>
    %shift_left3A_1277 = arith.constant 13 : i32
    %shift_left3A_1278 = vector.broadcast %shift_left3A_1277 : i32 to vector<16xi32>
    %shift_left3A_1279 = arith.shli %shift_right_logical3A_1276, %shift_left3A_1278 : vector<16xi32>
    %and3A_1280 = arith.constant 8191 : i32
    %and3A_1281 = vector.broadcast %and3A_1280 : i32 to vector<16xi32>
    %and3A_1282 = arith.andi %get3A_1273, %and3A_1281 : vector<16xi32>
    %or3A_1283 = arith.ori %shift_left3A_1279, %and3A_1282 : vector<16xi32>
    %swap3A_1284 = arith.constant 32 : index
    %swap3A_1285 = tpu.vector_load %arg14[%swap3A_1284] {strides = array<i32>} : memref<256xi32, #tpu.memory_space<vmem>>, vector<16xi32>,
    tpu.vector_store %arg14[%swap3A_1284], %or3A_1283 {strides = array<i32>} : memref<256xi32, #tpu.memory_space<vmem>>, vector<16xi32>,
    %get3A_1286 = arith.constant 48 : index
    %get3A_1287 = tpu.vector_load %arg11[%get3A_1286] {strides = array<i32>} : memref<256xi32, #tpu.memory_space<vmem>>, vector<16xi32>,
    %shift_right_logical3A_1288 = arith.constant 15 : i32
    %shift_right_logical3A_1289 = vector.broadcast %shift_right_logical3A_1288 : i32 to vector<16xi32>
    %shift_right_logical3A_1290 = arith.shrui %get3A_1287, %shift_right_logical3A_1289 : vector<16xi32>
    %shift_left3A_1291 = arith.constant 13 : i32
    %shift_left3A_1292 = vector.broadcast %shift_left3A_1291 : i32 to vector<16xi32>
    %shift_left3A_1293 = arith.shli %shift_right_logical3A_1290, %shift_left3A_1292 : vector<16xi32>
    %and3A_1294 = arith.constant 8191 : i32
    %and3A_1295 = vector.broadcast %and3A_1294 : i32 to vector<16xi32>
    %and3A_1296 = arith.andi %get3A_1287, %and3A_1295 : vector<16xi32>
    %or3A_1297 = arith.ori %shift_left3A_1293, %and3A_1296 : vector<16xi32>
    %swap3A_1298 = arith.constant 48 : index
    %swap3A_1299 = tpu.vector_load %arg14[%swap3A_1298] {strides = array<i32>} : memref<256xi32, #tpu.memory_space<vmem>>, vector<16xi32>,
    tpu.vector_store %arg14[%swap3A_1298], %or3A_1297 {strides = array<i32>} : memref<256xi32, #tpu.memory_space<vmem>>, vector<16xi32>,
    %get3A_1300 = arith.constant 64 : index
    %get3A_1301 = tpu.vector_load %arg11[%get3A_1300] {strides = array<i32>} : memref<256xi32, #tpu.memory_space<vmem>>, vector<16xi32>,
    %shift_right_logical3A_1302 = arith.constant 15 : i32
    %shift_right_logical3A_1303 = vector.broadcast %shift_right_logical3A_1302 : i32 to vector<16xi32>
    %shift_right_logical3A_1304 = arith.shrui %get3A_1301, %shift_right_logical3A_1303 : vector<16xi32>
    %shift_left3A_1305 = arith.constant 13 : i32
    %shift_left3A_1306 = vector.broadcast %shift_left3A_1305 : i32 to vector<16xi32>
    %shift_left3A_1307 = arith.shli %shift_right_logical3A_1304, %shift_left3A_1306 : vector<16xi32>
    %and3A_1308 = arith.constant 8191 : i32
    %and3A_1309 = vector.broadcast %and3A_1308 : i32 to vector<16xi32>
    %and3A_1310 = arith.andi %get3A_1301, %and3A_1309 : vector<16xi32>
    %or3A_1311 = arith.ori %shift_left3A_1307, %and3A_1310 : vector<16xi32>
    %swap3A_1312 = arith.constant 64 : index
    %swap3A_1313 = tpu.vector_load %arg14[%swap3A_1312] {strides = array<i32>} : memref<256xi32, #tpu.memory_space<vmem>>, vector<16xi32>,
    tpu.vector_store %arg14[%swap3A_1312], %or3A_1311 {strides = array<i32>} : memref<256xi32, #tpu.memory_space<vmem>>, vector<16xi32>,
    %get3A_1314 = arith.constant 80 : index
    %get3A_1315 = tpu.vector_load %arg11[%get3A_1314] {strides = array<i32>} : memref<256xi32, #tpu.memory_space<vmem>>, vector<16xi32>,
    %shift_right_logical3A_1316 = arith.constant 15 : i32
    %shift_right_logical3A_1317 = vector.broadcast %shift_right_logical3A_1316 : i32 to vector<16xi32>
    %shift_right_logical3A_1318 = arith.shrui %get3A_1315, %shift_right_logical3A_1317 : vector<16xi32>
    %shift_left3A_1319 = arith.constant 13 : i32
    %shift_left3A_1320 = vector.broadcast %shift_left3A_1319 : i32 to vector<16xi32>
    %shift_left3A_1321 = arith.shli %shift_right_logical3A_1318, %shift_left3A_1320 : vector<16xi32>
    %and3A_1322 = arith.constant 8191 : i32
    %and3A_1323 = vector.broadcast %and3A_1322 : i32 to vector<16xi32>
    %and3A_1324 = arith.andi %get3A_1315, %and3A_1323 : vector<16xi32>
    %or3A_1325 = arith.ori %shift_left3A_1321, %and3A_1324 : vector<16xi32>
    %swap3A_1326 = arith.constant 80 : index
    %swap3A_1327 = tpu.vector_load %arg14[%swap3A_1326] {strides = array<i32>} : memref<256xi32, #tpu.memory_space<vmem>>, vector<16xi32>,
    tpu.vector_store %arg14[%swap3A_1326], %or3A_1325 {strides = array<i32>} : memref<256xi32, #tpu.memory_space<vmem>>, vector<16xi32>,
    %get3A_1328 = arith.constant 96 : index
    %get3A_1329 = tpu.vector_load %arg11[%get3A_1328] {strides = array<i32>} : memref<256xi32, #tpu.memory_space<vmem>>, vector<16xi32>,
    %shift_right_logical3A_1330 = arith.constant 15 : i32
    %shift_right_logical3A_1331 = vector.broadcast %shift_right_logical3A_1330 : i32 to vector<16xi32>
    %shift_right_logical3A_1332 = arith.shrui %get3A_1329, %shift_right_logical3A_1331 : vector<16xi32>
    %shift_left3A_1333 = arith.constant 13 : i32
    %shift_left3A_1334 = vector.broadcast %shift_left3A_1333 : i32 to vector<16xi32>
    %shift_left3A_1335 = arith.shli %shift_right_logical3A_1332, %shift_left3A_1334 : vector<16xi32>
    %and3A_1336 = arith.constant 8191 : i32
    %and3A_1337 = vector.broadcast %and3A_1336 : i32 to vector<16xi32>
    %and3A_1338 = arith.andi %get3A_1329, %and3A_1337 : vector<16xi32>
    %or3A_1339 = arith.ori %shift_left3A_1335, %and3A_1338 : vector<16xi32>
    %swap3A_1340 = arith.constant 96 : index
    %swap3A_1341 = tpu.vector_load %arg14[%swap3A_1340] {strides = array<i32>} : memref<256xi32, #tpu.memory_space<vmem>>, vector<16xi32>,
    tpu.vector_store %arg14[%swap3A_1340], %or3A_1339 {strides = array<i32>} : memref<256xi32, #tpu.memory_space<vmem>>, vector<16xi32>,
    %get3A_1342 = arith.constant 112 : index
    %get3A_1343 = tpu.vector_load %arg11[%get3A_1342] {strides = array<i32>} : memref<256xi32, #tpu.memory_space<vmem>>, vector<16xi32>,
    %shift_right_logical3A_1344 = arith.constant 15 : i32
    %shift_right_logical3A_1345 = vector.broadcast %shift_right_logical3A_1344 : i32 to vector<16xi32>
    %shift_right_logical3A_1346 = arith.shrui %get3A_1343, %shift_right_logical3A_1345 : vector<16xi32>
    %shift_left3A_1347 = arith.constant 13 : i32
    %shift_left3A_1348 = vector.broadcast %shift_left3A_1347 : i32 to vector<16xi32>
    %shift_left3A_1349 = arith.shli %shift_right_logical3A_1346, %shift_left3A_1348 : vector<16xi32>
    %and3A_1350 = arith.constant 8191 : i32
    %and3A_1351 = vector.broadcast %and3A_1350 : i32 to vector<16xi32>
    %and3A_1352 = arith.andi %get3A_1343, %and3A_1351 : vector<16xi32>
    %or3A_1353 = arith.ori %shift_left3A_1349, %and3A_1352 : vector<16xi32>
    %swap3A_1354 = arith.constant 112 : index
    %swap3A_1355 = tpu.vector_load %arg14[%swap3A_1354] {strides = array<i32>} : memref<256xi32, #tpu.memory_space<vmem>>, vector<16xi32>,
    tpu.vector_store %arg14[%swap3A_1354], %or3A_1353 {strides = array<i32>} : memref<256xi32, #tpu.memory_space<vmem>>, vector<16xi32>,
    %get3A_1356 = arith.constant 128 : index
    %get3A_1357 = tpu.vector_load %arg11[%get3A_1356] {strides = array<i32>} : memref<256xi32, #tpu.memory_space<vmem>>, vector<16xi32>,
    %shift_right_logical3A_1358 = arith.constant 15 : i32
    %shift_right_logical3A_1359 = vector.broadcast %shift_right_logical3A_1358 : i32 to vector<16xi32>
    %shift_right_logical3A_1360 = arith.shrui %get3A_1357, %shift_right_logical3A_1359 : vector<16xi32>
    %shift_left3A_1361 = arith.constant 13 : i32
    %shift_left3A_1362 = vector.broadcast %shift_left3A_1361 : i32 to vector<16xi32>
    %shift_left3A_1363 = arith.shli %shift_right_logical3A_1360, %shift_left3A_1362 : vector<16xi32>
    %and3A_1364 = arith.constant 8191 : i32
    %and3A_1365 = vector.broadcast %and3A_1364 : i32 to vector<16xi32>
    %and3A_1366 = arith.andi %get3A_1357, %and3A_1365 : vector<16xi32>
    %or3A_1367 = arith.ori %shift_left3A_1363, %and3A_1366 : vector<16xi32>
    %swap3A_1368 = arith.constant 128 : index
    %swap3A_1369 = tpu.vector_load %arg14[%swap3A_1368] {strides = array<i32>} : memref<256xi32, #tpu.memory_space<vmem>>, vector<16xi32>,
    tpu.vector_store %arg14[%swap3A_1368], %or3A_1367 {strides = array<i32>} : memref<256xi32, #tpu.memory_space<vmem>>, vector<16xi32>,
    %get3A_1370 = arith.constant 144 : index
    %get3A_1371 = tpu.vector_load %arg11[%get3A_1370] {strides = array<i32>} : memref<256xi32, #tpu.memory_space<vmem>>, vector<16xi32>,
    %shift_right_logical3A_1372 = arith.constant 15 : i32
    %shift_right_logical3A_1373 = vector.broadcast %shift_right_logical3A_1372 : i32 to vector<16xi32>
    %shift_right_logical3A_1374 = arith.shrui %get3A_1371, %shift_right_logical3A_1373 : vector<16xi32>
    %shift_left3A_1375 = arith.constant 13 : i32
    %shift_left3A_1376 = vector.broadcast %shift_left3A_1375 : i32 to vector<16xi32>
    %shift_left3A_1377 = arith.shli %shift_right_logical3A_1374, %shift_left3A_1376 : vector<16xi32>
    %and3A_1378 = arith.constant 8191 : i32
    %and3A_1379 = vector.broadcast %and3A_1378 : i32 to vector<16xi32>
    %and3A_1380 = arith.andi %get3A_1371, %and3A_1379 : vector<16xi32>
    %or3A_1381 = arith.ori %shift_left3A_1377, %and3A_1380 : vector<16xi32>
    %swap3A_1382 = arith.constant 144 : index
    %swap3A_1383 = tpu.vector_load %arg14[%swap3A_1382] {strides = array<i32>} : memref<256xi32, #tpu.memory_space<vmem>>, vector<16xi32>,
    tpu.vector_store %arg14[%swap3A_1382], %or3A_1381 {strides = array<i32>} : memref<256xi32, #tpu.memory_space<vmem>>, vector<16xi32>,
    %get3A_1384 = arith.constant 160 : index
    %get3A_1385 = tpu.vector_load %arg11[%get3A_1384] {strides = array<i32>} : memref<256xi32, #tpu.memory_space<vmem>>, vector<16xi32>,
    %shift_right_logical3A_1386 = arith.constant 15 : i32
    %shift_right_logical3A_1387 = vector.broadcast %shift_right_logical3A_1386 : i32 to vector<16xi32>
    %shift_right_logical3A_1388 = arith.shrui %get3A_1385, %shift_right_logical3A_1387 : vector<16xi32>
    %shift_left3A_1389 = arith.constant 13 : i32
    %shift_left3A_1390 = vector.broadcast %shift_left3A_1389 : i32 to vector<16xi32>
    %shift_left3A_1391 = arith.shli %shift_right_logical3A_1388, %shift_left3A_1390 : vector<16xi32>
    %and3A_1392 = arith.constant 8191 : i32
    %and3A_1393 = vector.broadcast %and3A_1392 : i32 to vector<16xi32>
    %and3A_1394 = arith.andi %get3A_1385, %and3A_1393 : vector<16xi32>
    %or3A_1395 = arith.ori %shift_left3A_1391, %and3A_1394 : vector<16xi32>
    %swap3A_1396 = arith.constant 160 : index
    %swap3A_1397 = tpu.vector_load %arg14[%swap3A_1396] {strides = array<i32>} : memref<256xi32, #tpu.memory_space<vmem>>, vector<16xi32>,
    tpu.vector_store %arg14[%swap3A_1396], %or3A_1395 {strides = array<i32>} : memref<256xi32, #tpu.memory_space<vmem>>, vector<16xi32>,
    %get3A_1398 = arith.constant 176 : index
    %get3A_1399 = tpu.vector_load %arg11[%get3A_1398] {strides = array<i32>} : memref<256xi32, #tpu.memory_space<vmem>>, vector<16xi32>,
    %shift_right_logical3A_1400 = arith.constant 15 : i32
    %shift_right_logical3A_1401 = vector.broadcast %shift_right_logical3A_1400 : i32 to vector<16xi32>
    %shift_right_logical3A_1402 = arith.shrui %get3A_1399, %shift_right_logical3A_1401 : vector<16xi32>
    %shift_left3A_1403 = arith.constant 13 : i32
    %shift_left3A_1404 = vector.broadcast %shift_left3A_1403 : i32 to vector<16xi32>
    %shift_left3A_1405 = arith.shli %shift_right_logical3A_1402, %shift_left3A_1404 : vector<16xi32>
    %and3A_1406 = arith.constant 8191 : i32
    %and3A_1407 = vector.broadcast %and3A_1406 : i32 to vector<16xi32>
    %and3A_1408 = arith.andi %get3A_1399, %and3A_1407 : vector<16xi32>
    %or3A_1409 = arith.ori %shift_left3A_1405, %and3A_1408 : vector<16xi32>
    %swap3A_1410 = arith.constant 176 : index
    %swap3A_1411 = tpu.vector_load %arg14[%swap3A_1410] {strides = array<i32>} : memref<256xi32, #tpu.memory_space<vmem>>, vector<16xi32>,
    tpu.vector_store %arg14[%swap3A_1410], %or3A_1409 {strides = array<i32>} : memref<256xi32, #tpu.memory_space<vmem>>, vector<16xi32>,
    %get3A_1412 = arith.constant 192 : index
    %get3A_1413 = tpu.vector_load %arg11[%get3A_1412] {strides = array<i32>} : memref<256xi32, #tpu.memory_space<vmem>>, vector<16xi32>,
    %shift_right_logical3A_1414 = arith.constant 15 : i32
    %shift_right_logical3A_1415 = vector.broadcast %shift_right_logical3A_1414 : i32 to vector<16xi32>
    %shift_right_logical3A_1416 = arith.shrui %get3A_1413, %shift_right_logical3A_1415 : vector<16xi32>
    %shift_left3A_1417 = arith.constant 13 : i32
    %shift_left3A_1418 = vector.broadcast %shift_left3A_1417 : i32 to vector<16xi32>
    %shift_left3A_1419 = arith.shli %shift_right_logical3A_1416, %shift_left3A_1418 : vector<16xi32>
    %and3A_1420 = arith.constant 8191 : i32
    %and3A_1421 = vector.broadcast %and3A_1420 : i32 to vector<16xi32>
    %and3A_1422 = arith.andi %get3A_1413, %and3A_1421 : vector<16xi32>
    %or3A_1423 = arith.ori %shift_left3A_1419, %and3A_1422 : vector<16xi32>
    %swap3A_1424 = arith.constant 192 : index
    %swap3A_1425 = tpu.vector_load %arg14[%swap3A_1424] {strides = array<i32>} : memref<256xi32, #tpu.memory_space<vmem>>, vector<16xi32>,
    tpu.vector_store %arg14[%swap3A_1424], %or3A_1423 {strides = array<i32>} : memref<256xi32, #tpu.memory_space<vmem>>, vector<16xi32>,
    %get3A_1426 = arith.constant 208 : index
    %get3A_1427 = tpu.vector_load %arg11[%get3A_1426] {strides = array<i32>} : memref<256xi32, #tpu.memory_space<vmem>>, vector<16xi32>,
    %shift_right_logical3A_1428 = arith.constant 15 : i32
    %shift_right_logical3A_1429 = vector.broadcast %shift_right_logical3A_1428 : i32 to vector<16xi32>
    %shift_right_logical3A_1430 = arith.shrui %get3A_1427, %shift_right_logical3A_1429 : vector<16xi32>
    %shift_left3A_1431 = arith.constant 13 : i32
    %shift_left3A_1432 = vector.broadcast %shift_left3A_1431 : i32 to vector<16xi32>
    %shift_left3A_1433 = arith.shli %shift_right_logical3A_1430, %shift_left3A_1432 : vector<16xi32>
    %and3A_1434 = arith.constant 8191 : i32
    %and3A_1435 = vector.broadcast %and3A_1434 : i32 to vector<16xi32>
    %and3A_1436 = arith.andi %get3A_1427, %and3A_1435 : vector<16xi32>
    %or3A_1437 = arith.ori %shift_left3A_1433, %and3A_1436 : vector<16xi32>
    %swap3A_1438 = arith.constant 208 : index
    %swap3A_1439 = tpu.vector_load %arg14[%swap3A_1438] {strides = array<i32>} : memref<256xi32, #tpu.memory_space<vmem>>, vector<16xi32>,
    tpu.vector_store %arg14[%swap3A_1438], %or3A_1437 {strides = array<i32>} : memref<256xi32, #tpu.memory_space<vmem>>, vector<16xi32>,
    %get3A_1440 = arith.constant 224 : index
    %get3A_1441 = tpu.vector_load %arg11[%get3A_1440] {strides = array<i32>} : memref<256xi32, #tpu.memory_space<vmem>>, vector<16xi32>,
    %shift_right_logical3A_1442 = arith.constant 15 : i32
    %shift_right_logical3A_1443 = vector.broadcast %shift_right_logical3A_1442 : i32 to vector<16xi32>
    %shift_right_logical3A_1444 = arith.shrui %get3A_1441, %shift_right_logical3A_1443 : vector<16xi32>
    %shift_left3A_1445 = arith.constant 13 : i32
    %shift_left3A_1446 = vector.broadcast %shift_left3A_1445 : i32 to vector<16xi32>
    %shift_left3A_1447 = arith.shli %shift_right_logical3A_1444, %shift_left3A_1446 : vector<16xi32>
    %and3A_1448 = arith.constant 8191 : i32
    %and3A_1449 = vector.broadcast %and3A_1448 : i32 to vector<16xi32>
    %and3A_1450 = arith.andi %get3A_1441, %and3A_1449 : vector<16xi32>
    %or3A_1451 = arith.ori %shift_left3A_1447, %and3A_1450 : vector<16xi32>
    %swap3A_1452 = arith.constant 224 : index
    %swap3A_1453 = tpu.vector_load %arg14[%swap3A_1452] {strides = array<i32>} : memref<256xi32, #tpu.memory_space<vmem>>, vector<16xi32>,
    tpu.vector_store %arg14[%swap3A_1452], %or3A_1451 {strides = array<i32>} : memref<256xi32, #tpu.memory_space<vmem>>, vector<16xi32>,
    %get3A_1454 = arith.constant 240 : index
    %get3A_1455 = tpu.vector_load %arg11[%get3A_1454] {strides = array<i32>} : memref<256xi32, #tpu.memory_space<vmem>>, vector<16xi32>,
    %shift_right_logical3A_1456 = arith.constant 15 : i32
    %shift_right_logical3A_1457 = vector.broadcast %shift_right_logical3A_1456 : i32 to vector<16xi32>
    %shift_right_logical3A_1458 = arith.shrui %get3A_1455, %shift_right_logical3A_1457 : vector<16xi32>
    %shift_left3A_1459 = arith.constant 13 : i32
    %shift_left3A_1460 = vector.broadcast %shift_left3A_1459 : i32 to vector<16xi32>
    %shift_left3A_1461 = arith.shli %shift_right_logical3A_1458, %shift_left3A_1460 : vector<16xi32>
    %and3A_1462 = arith.constant 8191 : i32
    %and3A_1463 = vector.broadcast %and3A_1462 : i32 to vector<16xi32>
    %and3A_1464 = arith.andi %get3A_1455, %and3A_1463 : vector<16xi32>
    %or3A_1465 = arith.ori %shift_left3A_1461, %and3A_1464 : vector<16xi32>
    %swap3A_1466 = arith.constant 240 : index
    %swap3A_1467 = tpu.vector_load %arg14[%swap3A_1466] {strides = array<i32>} : memref<256xi32, #tpu.memory_space<vmem>>, vector<16xi32>,
    tpu.vector_store %arg14[%swap3A_1466], %or3A_1465 {strides = array<i32>} : memref<256xi32, #tpu.memory_space<vmem>>, vector<16xi32>,
    %dma_start3A_1468 = arith.constant 0 : i32
    %dma_start3A_1469 = arith.constant 0 : i32
    %dma_start3A_1470 = tpu.memref_slice %arg15[%dma_start3A_1468, %dma_start3A_1469] : memref<256x128xf32, #tpu.memory_space<vmem>> -> memref<128x128xf32, #tpu.memory_space<vmem>>
    %dma_start3A_1471 = arith.constant 0 : i32
    %dma_start3A_1472 = tpu.memref_slice %arg12[%dma_start3A_1471] : memref<256xi32, #tpu.memory_space<vmem>> -> memref<128xi32, #tpu.memory_space<vmem>>
    %dma_start3A_1473 = arith.constant 0 : i32
    %dma_start3A_1474 = arith.constant 0 : i32
    %dma_start3A_1475 = tpu.memref_slice %arg5[%dma_start3A_1473, %dma_start3A_1474] : memref<253952x128xf32, #tpu.memory_space<hbm>> -> memref<253952x128xf32, #tpu.memory_space<hbm>>
    tpu.enqueue_indirect_dma source(%dma_start3A_1475 : memref<253952x128xf32, #tpu.memory_space<hbm>>) target(%dma_start3A_1470 : memref<128x128xf32, #tpu.memory_space<vmem>>) offsets(%dma_start3A_1472 : memref<128xi32, #tpu.memory_space<vmem>>) semaphore(%arg20 : memref<!tpu.dma_semaphore, #tpu.memory_space<semaphore_mem>>)
    %dma_start3A_1476 = arith.constant 0 : i32
    %dma_start3A_1477 = arith.constant 0 : i32
    %dma_start3A_1478 = tpu.memref_slice %arg16[%dma_start3A_1476, %dma_start3A_1477] : memref<256x128xf32, #tpu.memory_space<vmem>> -> memref<128x128xf32, #tpu.memory_space<vmem>>
    %dma_start3A_1479 = arith.constant 0 : i32
    %dma_start3A_1480 = tpu.memref_slice %arg13[%dma_start3A_1479] : memref<256xi32, #tpu.memory_space<vmem>> -> memref<128xi32, #tpu.memory_space<vmem>>
    %dma_start3A_1481 = arith.constant 0 : i32
    %dma_start3A_1482 = arith.constant 0 : i32
    %dma_start3A_1483 = tpu.memref_slice %arg6[%dma_start3A_1481, %dma_start3A_1482] : memref<253952x128xf32, #tpu.memory_space<hbm>> -> memref<253952x128xf32, #tpu.memory_space<hbm>>
    tpu.enqueue_indirect_dma source(%dma_start3A_1483 : memref<253952x128xf32, #tpu.memory_space<hbm>>) target(%dma_start3A_1478 : memref<128x128xf32, #tpu.memory_space<vmem>>) offsets(%dma_start3A_1480 : memref<128xi32, #tpu.memory_space<vmem>>) semaphore(%arg20 : memref<!tpu.dma_semaphore, #tpu.memory_space<semaphore_mem>>)
    %dma_start3A_1484 = arith.constant 0 : i32
    %dma_start3A_1485 = arith.constant 0 : i32
    %dma_start3A_1486 = tpu.memref_slice %arg17[%dma_start3A_1484, %dma_start3A_1485] : memref<256x128xf32, #tpu.memory_space<vmem>> -> memref<128x128xf32, #tpu.memory_space<vmem>>
    %dma_start3A_1487 = arith.constant 0 : i32
    %dma_start3A_1488 = tpu.memref_slice %arg14[%dma_start3A_1487] : memref<256xi32, #tpu.memory_space<vmem>> -> memref<128xi32, #tpu.memory_space<vmem>>
    %dma_start3A_1489 = arith.constant 0 : i32
    %dma_start3A_1490 = arith.constant 0 : i32
    %dma_start3A_1491 = tpu.memref_slice %arg6[%dma_start3A_1489, %dma_start3A_1490] : memref<253952x128xf32, #tpu.memory_space<hbm>> -> memref<253952x128xf32, #tpu.memory_space<hbm>>
    tpu.enqueue_indirect_dma source(%dma_start3A_1491 : memref<253952x128xf32, #tpu.memory_space<hbm>>) target(%dma_start3A_1486 : memref<128x128xf32, #tpu.memory_space<vmem>>) offsets(%dma_start3A_1488 : memref<128xi32, #tpu.memory_space<vmem>>) semaphore(%arg20 : memref<!tpu.dma_semaphore, #tpu.memory_space<semaphore_mem>>)
    %dma_start3A_1492 = arith.constant 128 : i32
    %dma_start3A_1493 = arith.constant 0 : i32
    %dma_start3A_1494 = tpu.memref_slice %arg15[%dma_start3A_1492, %dma_start3A_1493] : memref<256x128xf32, #tpu.memory_space<vmem>> -> memref<128x128xf32, #tpu.memory_space<vmem>>
    %dma_start3A_1495 = arith.constant 128 : i32
    %dma_start3A_1496 = tpu.memref_slice %arg12[%dma_start3A_1495] : memref<256xi32, #tpu.memory_space<vmem>> -> memref<128xi32, #tpu.memory_space<vmem>>
    %dma_start3A_1497 = arith.constant 0 : i32
    %dma_start3A_1498 = arith.constant 0 : i32
    %dma_start3A_1499 = tpu.memref_slice %arg5[%dma_start3A_1497, %dma_start3A_1498] : memref<253952x128xf32, #tpu.memory_space<hbm>> -> memref<253952x128xf32, #tpu.memory_space<hbm>>
    tpu.enqueue_indirect_dma source(%dma_start3A_1499 : memref<253952x128xf32, #tpu.memory_space<hbm>>) target(%dma_start3A_1494 : memref<128x128xf32, #tpu.memory_space<vmem>>) offsets(%dma_start3A_1496 : memref<128xi32, #tpu.memory_space<vmem>>) semaphore(%arg20 : memref<!tpu.dma_semaphore, #tpu.memory_space<semaphore_mem>>)
    %dma_start3A_1500 = arith.constant 128 : i32
    %dma_start3A_1501 = arith.constant 0 : i32
    %dma_start3A_1502 = tpu.memref_slice %arg16[%dma_start3A_1500, %dma_start3A_1501] : memref<256x128xf32, #tpu.memory_space<vmem>> -> memref<128x128xf32, #tpu.memory_space<vmem>>
    %dma_start3A_1503 = arith.constant 128 : i32
    %dma_start3A_1504 = tpu.memref_slice %arg13[%dma_start3A_1503] : memref<256xi32, #tpu.memory_space<vmem>> -> memref<128xi32, #tpu.memory_space<vmem>>
    %dma_start3A_1505 = arith.constant 0 : i32
    %dma_start3A_1506 = arith.constant 0 : i32
    %dma_start3A_1507 = tpu.memref_slice %arg6[%dma_start3A_1505, %dma_start3A_1506] : memref<253952x128xf32, #tpu.memory_space<hbm>> -> memref<253952x128xf32, #tpu.memory_space<hbm>>
    tpu.enqueue_indirect_dma source(%dma_start3A_1507 : memref<253952x128xf32, #tpu.memory_space<hbm>>) target(%dma_start3A_1502 : memref<128x128xf32, #tpu.memory_space<vmem>>) offsets(%dma_start3A_1504 : memref<128xi32, #tpu.memory_space<vmem>>) semaphore(%arg20 : memref<!tpu.dma_semaphore, #tpu.memory_space<semaphore_mem>>)
    %dma_start3A_1508 = arith.constant 128 : i32
    %dma_start3A_1509 = arith.constant 0 : i32
    %dma_start3A_1510 = tpu.memref_slice %arg17[%dma_start3A_1508, %dma_start3A_1509] : memref<256x128xf32, #tpu.memory_space<vmem>> -> memref<128x128xf32, #tpu.memory_space<vmem>>
    %dma_start3A_1511 = arith.constant 128 : i32
    %dma_start3A_1512 = tpu.memref_slice %arg14[%dma_start3A_1511] : memref<256xi32, #tpu.memory_space<vmem>> -> memref<128xi32, #tpu.memory_space<vmem>>
    %dma_start3A_1513 = arith.constant 0 : i32
    %dma_start3A_1514 = arith.constant 0 : i32
    %dma_start3A_1515 = tpu.memref_slice %arg6[%dma_start3A_1513, %dma_start3A_1514] : memref<253952x128xf32, #tpu.memory_space<hbm>> -> memref<253952x128xf32, #tpu.memory_space<hbm>>
    tpu.enqueue_indirect_dma source(%dma_start3A_1515 : memref<253952x128xf32, #tpu.memory_space<hbm>>) target(%dma_start3A_1510 : memref<128x128xf32, #tpu.memory_space<vmem>>) offsets(%dma_start3A_1512 : memref<128xi32, #tpu.memory_space<vmem>>) semaphore(%arg20 : memref<!tpu.dma_semaphore, #tpu.memory_space<semaphore_mem>>)
    %dma_wait3A_1516 = arith.constant 0 : i32
    %dma_wait3A_1517 = arith.constant 0 : i32
    %dma_wait3A_1518 = tpu.memref_slice %arg15[%dma_wait3A_1516, %dma_wait3A_1517] : memref<256x128xf32, #tpu.memory_space<vmem>> -> memref<128x128xf32, #tpu.memory_space<vmem>>
    %dma_wait3A_1519 = arith.constant 0 : i32
    %dma_wait3A_1520 = tpu.memref_slice %arg12[%dma_wait3A_1519] : memref<256xi32, #tpu.memory_space<vmem>> -> memref<128xi32, #tpu.memory_space<vmem>>
    %dma_wait3A_1521 = arith.constant 0 : i32
    %dma_wait3A_1522 = arith.constant 0 : i32
    %dma_wait3A_1523 = tpu.memref_slice %arg5[%dma_wait3A_1521, %dma_wait3A_1522] : memref<253952x128xf32, #tpu.memory_space<hbm>> -> memref<253952x128xf32, #tpu.memory_space<hbm>>
    tpu.wait_indirect_dma semaphore(%arg20 : memref<!tpu.dma_semaphore, #tpu.memory_space<semaphore_mem>>) src(%dma_wait3A_1523 : memref<253952x128xf32, #tpu.memory_space<hbm>>) dst(%dma_wait3A_1518 : memref<128x128xf32, #tpu.memory_space<vmem>>)
    %dma_wait3A_1524 = arith.constant 0 : i32
    %dma_wait3A_1525 = arith.constant 0 : i32
    %dma_wait3A_1526 = tpu.memref_slice %arg16[%dma_wait3A_1524, %dma_wait3A_1525] : memref<256x128xf32, #tpu.memory_space<vmem>> -> memref<128x128xf32, #tpu.memory_space<vmem>>
    %dma_wait3A_1527 = arith.constant 0 : i32
    %dma_wait3A_1528 = tpu.memref_slice %arg13[%dma_wait3A_1527] : memref<256xi32, #tpu.memory_space<vmem>> -> memref<128xi32, #tpu.memory_space<vmem>>
    %dma_wait3A_1529 = arith.constant 0 : i32
    %dma_wait3A_1530 = arith.constant 0 : i32
    %dma_wait3A_1531 = tpu.memref_slice %arg6[%dma_wait3A_1529, %dma_wait3A_1530] : memref<253952x128xf32, #tpu.memory_space<hbm>> -> memref<253952x128xf32, #tpu.memory_space<hbm>>
    tpu.wait_indirect_dma semaphore(%arg20 : memref<!tpu.dma_semaphore, #tpu.memory_space<semaphore_mem>>) src(%dma_wait3A_1531 : memref<253952x128xf32, #tpu.memory_space<hbm>>) dst(%dma_wait3A_1526 : memref<128x128xf32, #tpu.memory_space<vmem>>)
    %dma_wait3A_1532 = arith.constant 0 : i32
    %dma_wait3A_1533 = arith.constant 0 : i32
    %dma_wait3A_1534 = tpu.memref_slice %arg17[%dma_wait3A_1532, %dma_wait3A_1533] : memref<256x128xf32, #tpu.memory_space<vmem>> -> memref<128x128xf32, #tpu.memory_space<vmem>>
    %dma_wait3A_1535 = arith.constant 0 : i32
    %dma_wait3A_1536 = tpu.memref_slice %arg14[%dma_wait3A_1535] : memref<256xi32, #tpu.memory_space<vmem>> -> memref<128xi32, #tpu.memory_space<vmem>>
    %dma_wait3A_1537 = arith.constant 0 : i32
    %dma_wait3A_1538 = arith.constant 0 : i32
    %dma_wait3A_1539 = tpu.memref_slice %arg6[%dma_wait3A_1537, %dma_wait3A_1538] : memref<253952x128xf32, #tpu.memory_space<hbm>> -> memref<253952x128xf32, #tpu.memory_space<hbm>>
    tpu.wait_indirect_dma semaphore(%arg20 : memref<!tpu.dma_semaphore, #tpu.memory_space<semaphore_mem>>) src(%dma_wait3A_1539 : memref<253952x128xf32, #tpu.memory_space<hbm>>) dst(%dma_wait3A_1534 : memref<128x128xf32, #tpu.memory_space<vmem>>)
    %dma_wait3A_1540 = arith.constant 128 : i32
    %dma_wait3A_1541 = arith.constant 0 : i32
    %dma_wait3A_1542 = tpu.memref_slice %arg15[%dma_wait3A_1540, %dma_wait3A_1541] : memref<256x128xf32, #tpu.memory_space<vmem>> -> memref<128x128xf32, #tpu.memory_space<vmem>>
    %dma_wait3A_1543 = arith.constant 128 : i32
    %dma_wait3A_1544 = tpu.memref_slice %arg12[%dma_wait3A_1543] : memref<256xi32, #tpu.memory_space<vmem>> -> memref<128xi32, #tpu.memory_space<vmem>>
    %dma_wait3A_1545 = arith.constant 0 : i32
    %dma_wait3A_1546 = arith.constant 0 : i32
    %dma_wait3A_1547 = tpu.memref_slice %arg5[%dma_wait3A_1545, %dma_wait3A_1546] : memref<253952x128xf32, #tpu.memory_space<hbm>> -> memref<253952x128xf32, #tpu.memory_space<hbm>>
    tpu.wait_indirect_dma semaphore(%arg20 : memref<!tpu.dma_semaphore, #tpu.memory_space<semaphore_mem>>) src(%dma_wait3A_1547 : memref<253952x128xf32, #tpu.memory_space<hbm>>) dst(%dma_wait3A_1542 : memref<128x128xf32, #tpu.memory_space<vmem>>)
    %dma_wait3A_1548 = arith.constant 128 : i32
    %dma_wait3A_1549 = arith.constant 0 : i32
    %dma_wait3A_1550 = tpu.memref_slice %arg16[%dma_wait3A_1548, %dma_wait3A_1549] : memref<256x128xf32, #tpu.memory_space<vmem>> -> memref<128x128xf32, #tpu.memory_space<vmem>>
    %dma_wait3A_1551 = arith.constant 128 : i32
    %dma_wait3A_1552 = tpu.memref_slice %arg13[%dma_wait3A_1551] : memref<256xi32, #tpu.memory_space<vmem>> -> memref<128xi32, #tpu.memory_space<vmem>>
    %dma_wait3A_1553 = arith.constant 0 : i32
    %dma_wait3A_1554 = arith.constant 0 : i32
    %dma_wait3A_1555 = tpu.memref_slice %arg6[%dma_wait3A_1553, %dma_wait3A_1554] : memref<253952x128xf32, #tpu.memory_space<hbm>> -> memref<253952x128xf32, #tpu.memory_space<hbm>>
    tpu.wait_indirect_dma semaphore(%arg20 : memref<!tpu.dma_semaphore, #tpu.memory_space<semaphore_mem>>) src(%dma_wait3A_1555 : memref<253952x128xf32, #tpu.memory_space<hbm>>) dst(%dma_wait3A_1550 : memref<128x128xf32, #tpu.memory_space<vmem>>)
    %dma_wait3A_1556 = arith.constant 128 : i32
    %dma_wait3A_1557 = arith.constant 0 : i32
    %dma_wait3A_1558 = tpu.memref_slice %arg17[%dma_wait3A_1556, %dma_wait3A_1557] : memref<256x128xf32, #tpu.memory_space<vmem>> -> memref<128x128xf32, #tpu.memory_space<vmem>>
    %dma_wait3A_1559 = arith.constant 128 : i32
    %dma_wait3A_1560 = tpu.memref_slice %arg14[%dma_wait3A_1559] : memref<256xi32, #tpu.memory_space<vmem>> -> memref<128xi32, #tpu.memory_space<vmem>>
    %dma_wait3A_1561 = arith.constant 0 : i32
    %dma_wait3A_1562 = arith.constant 0 : i32
    %dma_wait3A_1563 = tpu.memref_slice %arg6[%dma_wait3A_1561, %dma_wait3A_1562] : memref<253952x128xf32, #tpu.memory_space<hbm>> -> memref<253952x128xf32, #tpu.memory_space<hbm>>
    tpu.wait_indirect_dma semaphore(%arg20 : memref<!tpu.dma_semaphore, #tpu.memory_space<semaphore_mem>>) src(%dma_wait3A_1563 : memref<253952x128xf32, #tpu.memory_space<hbm>>) dst(%dma_wait3A_1558 : memref<128x128xf32, #tpu.memory_space<vmem>>)
    %scan3A_1564 = arith.constant 0 : i32
    %scan3A_1565 = arith.constant 0 : i32
    %scan3A_1566 = arith.constant 16 : i32
    %scan3A_1567 = arith.addi %scan3A_1565, %scan3A_1566 : i32
    %scan3A_1568 = arith.constant 1 : i32
    scf.for %scan3A_1570 = %scan3A_1565 to %scan3A_1567 step %scan3A_1568  : i32 {
      %mul3A_1571 = arith.constant 16 : i32
      %mul3A_1572 = arith.muli %scan3A_1570, %mul3A_1571 : i32
      %mul3A_1573 = arith.constant 16 : i32
      %mul3A_1574 = arith.muli %scan3A_1570, %mul3A_1573 : i32
      %add3A_1575 = vector.broadcast %mul3A_1574 : i32 to vector<16xi32>
      %add3A_1576 = arith.addi %add3A_1575, %iota3A : vector<16xi32>
      %get3A_1577 = arith.index_cast %mul3A_1572 : i32 to index
      %get3A_1578 = tpu.vector_load %arg9[%get3A_1577] {strides = array<i32>} : memref<256xi32, #tpu.memory_space<vmem>>, vector<16xi32>,
      %shift_right_logical3A_1579 = arith.constant 13 : i32
      %shift_right_logical3A_1580 = vector.broadcast %shift_right_logical3A_1579 : i32 to vector<16xi32>
      %shift_right_logical3A_1581 = arith.shrui %get3A_1578, %shift_right_logical3A_1580 : vector<16xi32>
      %and3A_1582 = arith.constant 3 : i32
      %and3A_1583 = vector.broadcast %and3A_1582 : i32 to vector<16xi32>
      %and3A_1584 = arith.andi %shift_right_logical3A_1581, %and3A_1583 : vector<16xi32>
      %shift_left3A_1585 = arith.constant 5 : i32
      %shift_left3A_1586 = vector.broadcast %shift_left3A_1585 : i32 to vector<16xi32>
      %shift_left3A_1587 = arith.shli %and3A_1584, %shift_left3A_1586 : vector<16xi32>
      %get3A_1588 = arith.index_cast %mul3A_1572 : i32 to index
      %get3A_1589 = tpu.vector_load %arg10[%get3A_1588] {strides = array<i32>} : memref<256xi32, #tpu.memory_space<vmem>>, vector<16xi32>,
      %shift_right_logical3A_1590 = arith.constant 13 : i32
      %shift_right_logical3A_1591 = vector.broadcast %shift_right_logical3A_1590 : i32 to vector<16xi32>
      %shift_right_logical3A_1592 = arith.shrui %get3A_1589, %shift_right_logical3A_1591 : vector<16xi32>
      %and3A_1593 = arith.constant 3 : i32
      %and3A_1594 = vector.broadcast %and3A_1593 : i32 to vector<16xi32>
      %and3A_1595 = arith.andi %shift_right_logical3A_1592, %and3A_1594 : vector<16xi32>
      %shift_left3A_1596 = arith.constant 5 : i32
      %shift_left3A_1597 = vector.broadcast %shift_left3A_1596 : i32 to vector<16xi32>
      %shift_left3A_1598 = arith.shli %and3A_1595, %shift_left3A_1597 : vector<16xi32>
      %get3A_1599 = arith.index_cast %mul3A_1572 : i32 to index
      %get3A_1600 = tpu.vector_load %arg11[%get3A_1599] {strides = array<i32>} : memref<256xi32, #tpu.memory_space<vmem>>, vector<16xi32>,
      %shift_right_logical3A_1601 = arith.constant 13 : i32
      %shift_right_logical3A_1602 = vector.broadcast %shift_right_logical3A_1601 : i32 to vector<16xi32>
      %shift_right_logical3A_1603 = arith.shrui %get3A_1600, %shift_right_logical3A_1602 : vector<16xi32>
      %and3A_1604 = arith.constant 3 : i32
      %and3A_1605 = vector.broadcast %and3A_1604 : i32 to vector<16xi32>
      %and3A_1606 = arith.andi %shift_right_logical3A_1603, %and3A_1605 : vector<16xi32>
      %shift_left3A_1607 = arith.constant 5 : i32
      %shift_left3A_1608 = vector.broadcast %shift_left3A_1607 : i32 to vector<16xi32>
      %shift_left3A_1609 = arith.shli %and3A_1606, %shift_left3A_1608 : vector<16xi32>
      %broadcast_in_dim3A = arith.constant 0.000000e+00 : f32
      %broadcast_in_dim3A_1610 = vector.broadcast %broadcast_in_dim3A : f32 to vector<16xf32>
      %broadcast_in_dim3A_1611 = arith.constant 0.000000e+00 : f32
      %broadcast_in_dim3A_1612 = vector.broadcast %broadcast_in_dim3A_1611 : f32 to vector<16xf32>
      %add3A_1613 = arith.constant 0 : i32
      %add3A_1614 = vector.broadcast %add3A_1613 : i32 to vector<16xi32>
      %add3A_1615 = arith.addi %iota3A, %add3A_1614 : vector<16xi32>
      %and3A_1616 = arith.constant 31 : i32
      %and3A_1617 = vector.broadcast %and3A_1616 : i32 to vector<16xi32>
      %and3A_1618 = arith.andi %add3A_1615, %and3A_1617 : vector<16xi32>
      %add3A_1619 = arith.addi %shift_left3A_1587, %and3A_1618 : vector<16xi32>
      %gather3A = tpu.vector_load_idx %arg15[%add3A_1576, %add3A_1619] : memref<256x128xf32, #tpu.memory_space<vmem>>[vector<16xi32>, vector<16xi32>], vector<16xf32>,
      %add3A_1620 = arith.addi %shift_left3A_1598, %and3A_1618 : vector<16xi32>
      %gather3A_1621 = tpu.vector_load_idx %arg16[%add3A_1576, %add3A_1620] : memref<256x128xf32, #tpu.memory_space<vmem>>[vector<16xi32>, vector<16xi32>], vector<16xf32>,
      %add3A_1622 = arith.addi %shift_left3A_1609, %and3A_1618 : vector<16xi32>
      %gather3A_1623 = tpu.vector_load_idx %arg17[%add3A_1576, %add3A_1622] : memref<256x128xf32, #tpu.memory_space<vmem>>[vector<16xi32>, vector<16xi32>], vector<16xf32>,
      %mul3A_1624 = arith.mulf %gather3A, %gather3A_1621 : vector<16xf32>
      %add3A_1625 = arith.addf %broadcast_in_dim3A_1610, %mul3A_1624 : vector<16xf32>
      %mul3A_1626 = arith.mulf %gather3A, %gather3A_1623 : vector<16xf32>
      %add3A_1627 = arith.addf %broadcast_in_dim3A_1612, %mul3A_1626 : vector<16xf32>
      %add3A_1628 = arith.constant 1 : i32
      %add3A_1629 = vector.broadcast %add3A_1628 : i32 to vector<16xi32>
      %add3A_1630 = arith.addi %iota3A, %add3A_1629 : vector<16xi32>
      %and3A_1631 = arith.constant 31 : i32
      %and3A_1632 = vector.broadcast %and3A_1631 : i32 to vector<16xi32>
      %and3A_1633 = arith.andi %add3A_1630, %and3A_1632 : vector<16xi32>
      %add3A_1634 = arith.addi %shift_left3A_1587, %and3A_1633 : vector<16xi32>
      %gather3A_1635 = tpu.vector_load_idx %arg15[%add3A_1576, %add3A_1634] : memref<256x128xf32, #tpu.memory_space<vmem>>[vector<16xi32>, vector<16xi32>], vector<16xf32>,
      %add3A_1636 = arith.addi %shift_left3A_1598, %and3A_1633 : vector<16xi32>
      %gather3A_1637 = tpu.vector_load_idx %arg16[%add3A_1576, %add3A_1636] : memref<256x128xf32, #tpu.memory_space<vmem>>[vector<16xi32>, vector<16xi32>], vector<16xf32>,
      %add3A_1638 = arith.addi %shift_left3A_1609, %and3A_1633 : vector<16xi32>
      %gather3A_1639 = tpu.vector_load_idx %arg17[%add3A_1576, %add3A_1638] : memref<256x128xf32, #tpu.memory_space<vmem>>[vector<16xi32>, vector<16xi32>], vector<16xf32>,
      %mul3A_1640 = arith.mulf %gather3A_1635, %gather3A_1637 : vector<16xf32>
      %add3A_1641 = arith.addf %add3A_1625, %mul3A_1640 : vector<16xf32>
      %mul3A_1642 = arith.mulf %gather3A_1635, %gather3A_1639 : vector<16xf32>
      %add3A_1643 = arith.addf %add3A_1627, %mul3A_1642 : vector<16xf32>
      %add3A_1644 = arith.constant 2 : i32
      %add3A_1645 = vector.broadcast %add3A_1644 : i32 to vector<16xi32>
      %add3A_1646 = arith.addi %iota3A, %add3A_1645 : vector<16xi32>
      %and3A_1647 = arith.constant 31 : i32
      %and3A_1648 = vector.broadcast %and3A_1647 : i32 to vector<16xi32>
      %and3A_1649 = arith.andi %add3A_1646, %and3A_1648 : vector<16xi32>
      %add3A_1650 = arith.addi %shift_left3A_1587, %and3A_1649 : vector<16xi32>
      %gather3A_1651 = tpu.vector_load_idx %arg15[%add3A_1576, %add3A_1650] : memref<256x128xf32, #tpu.memory_space<vmem>>[vector<16xi32>, vector<16xi32>], vector<16xf32>,
      %add3A_1652 = arith.addi %shift_left3A_1598, %and3A_1649 : vector<16xi32>
      %gather3A_1653 = tpu.vector_load_idx %arg16[%add3A_1576, %add3A_1652] : memref<256x128xf32, #tpu.memory_space<vmem>>[vector<16xi32>, vector<16xi32>], vector<16xf32>,
      %add3A_1654 = arith.addi %shift_left3A_1609, %and3A_1649 : vector<16xi32>
      %gather3A_1655 = tpu.vector_load_idx %arg17[%add3A_1576, %add3A_1654] : memref<256x128xf32, #tpu.memory_space<vmem>>[vector<16xi32>, vector<16xi32>], vector<16xf32>,
      %mul3A_1656 = arith.mulf %gather3A_1651, %gather3A_1653 : vector<16xf32>
      %add3A_1657 = arith.addf %add3A_1641, %mul3A_1656 : vector<16xf32>
      %mul3A_1658 = arith.mulf %gather3A_1651, %gather3A_1655 : vector<16xf32>
      %add3A_1659 = arith.addf %add3A_1643, %mul3A_1658 : vector<16xf32>
      %add3A_1660 = arith.constant 3 : i32
      %add3A_1661 = vector.broadcast %add3A_1660 : i32 to vector<16xi32>
      %add3A_1662 = arith.addi %iota3A, %add3A_1661 : vector<16xi32>
      %and3A_1663 = arith.constant 31 : i32
      %and3A_1664 = vector.broadcast %and3A_1663 : i32 to vector<16xi32>
      %and3A_1665 = arith.andi %add3A_1662, %and3A_1664 : vector<16xi32>
      %add3A_1666 = arith.addi %shift_left3A_1587, %and3A_1665 : vector<16xi32>
      %gather3A_1667 = tpu.vector_load_idx %arg15[%add3A_1576, %add3A_1666] : memref<256x128xf32, #tpu.memory_space<vmem>>[vector<16xi32>, vector<16xi32>], vector<16xf32>,
      %add3A_1668 = arith.addi %shift_left3A_1598, %and3A_1665 : vector<16xi32>
      %gather3A_1669 = tpu.vector_load_idx %arg16[%add3A_1576, %add3A_1668] : memref<256x128xf32, #tpu.memory_space<vmem>>[vector<16xi32>, vector<16xi32>], vector<16xf32>,
      %add3A_1670 = arith.addi %shift_left3A_1609, %and3A_1665 : vector<16xi32>
      %gather3A_1671 = tpu.vector_load_idx %arg17[%add3A_1576, %add3A_1670] : memref<256x128xf32, #tpu.memory_space<vmem>>[vector<16xi32>, vector<16xi32>], vector<16xf32>,
      %mul3A_1672 = arith.mulf %gather3A_1667, %gather3A_1669 : vector<16xf32>
      %add3A_1673 = arith.addf %add3A_1657, %mul3A_1672 : vector<16xf32>
      %mul3A_1674 = arith.mulf %gather3A_1667, %gather3A_1671 : vector<16xf32>
      %add3A_1675 = arith.addf %add3A_1659, %mul3A_1674 : vector<16xf32>
      %add3A_1676 = arith.constant 4 : i32
      %add3A_1677 = vector.broadcast %add3A_1676 : i32 to vector<16xi32>
      %add3A_1678 = arith.addi %iota3A, %add3A_1677 : vector<16xi32>
      %and3A_1679 = arith.constant 31 : i32
      %and3A_1680 = vector.broadcast %and3A_1679 : i32 to vector<16xi32>
      %and3A_1681 = arith.andi %add3A_1678, %and3A_1680 : vector<16xi32>
      %add3A_1682 = arith.addi %shift_left3A_1587, %and3A_1681 : vector<16xi32>
      %gather3A_1683 = tpu.vector_load_idx %arg15[%add3A_1576, %add3A_1682] : memref<256x128xf32, #tpu.memory_space<vmem>>[vector<16xi32>, vector<16xi32>], vector<16xf32>,
      %add3A_1684 = arith.addi %shift_left3A_1598, %and3A_1681 : vector<16xi32>
      %gather3A_1685 = tpu.vector_load_idx %arg16[%add3A_1576, %add3A_1684] : memref<256x128xf32, #tpu.memory_space<vmem>>[vector<16xi32>, vector<16xi32>], vector<16xf32>,
      %add3A_1686 = arith.addi %shift_left3A_1609, %and3A_1681 : vector<16xi32>
      %gather3A_1687 = tpu.vector_load_idx %arg17[%add3A_1576, %add3A_1686] : memref<256x128xf32, #tpu.memory_space<vmem>>[vector<16xi32>, vector<16xi32>], vector<16xf32>,
      %mul3A_1688 = arith.mulf %gather3A_1683, %gather3A_1685 : vector<16xf32>
      %add3A_1689 = arith.addf %add3A_1673, %mul3A_1688 : vector<16xf32>
      %mul3A_1690 = arith.mulf %gather3A_1683, %gather3A_1687 : vector<16xf32>
      %add3A_1691 = arith.addf %add3A_1675, %mul3A_1690 : vector<16xf32>
      %add3A_1692 = arith.constant 5 : i32
      %add3A_1693 = vector.broadcast %add3A_1692 : i32 to vector<16xi32>
      %add3A_1694 = arith.addi %iota3A, %add3A_1693 : vector<16xi32>
      %and3A_1695 = arith.constant 31 : i32
      %and3A_1696 = vector.broadcast %and3A_1695 : i32 to vector<16xi32>
      %and3A_1697 = arith.andi %add3A_1694, %and3A_1696 : vector<16xi32>
      %add3A_1698 = arith.addi %shift_left3A_1587, %and3A_1697 : vector<16xi32>
      %gather3A_1699 = tpu.vector_load_idx %arg15[%add3A_1576, %add3A_1698] : memref<256x128xf32, #tpu.memory_space<vmem>>[vector<16xi32>, vector<16xi32>], vector<16xf32>,
      %add3A_1700 = arith.addi %shift_left3A_1598, %and3A_1697 : vector<16xi32>
      %gather3A_1701 = tpu.vector_load_idx %arg16[%add3A_1576, %add3A_1700] : memref<256x128xf32, #tpu.memory_space<vmem>>[vector<16xi32>, vector<16xi32>], vector<16xf32>,
      %add3A_1702 = arith.addi %shift_left3A_1609, %and3A_1697 : vector<16xi32>
      %gather3A_1703 = tpu.vector_load_idx %arg17[%add3A_1576, %add3A_1702] : memref<256x128xf32, #tpu.memory_space<vmem>>[vector<16xi32>, vector<16xi32>], vector<16xf32>,
      %mul3A_1704 = arith.mulf %gather3A_1699, %gather3A_1701 : vector<16xf32>
      %add3A_1705 = arith.addf %add3A_1689, %mul3A_1704 : vector<16xf32>
      %mul3A_1706 = arith.mulf %gather3A_1699, %gather3A_1703 : vector<16xf32>
      %add3A_1707 = arith.addf %add3A_1691, %mul3A_1706 : vector<16xf32>
      %add3A_1708 = arith.constant 6 : i32
      %add3A_1709 = vector.broadcast %add3A_1708 : i32 to vector<16xi32>
      %add3A_1710 = arith.addi %iota3A, %add3A_1709 : vector<16xi32>
      %and3A_1711 = arith.constant 31 : i32
      %and3A_1712 = vector.broadcast %and3A_1711 : i32 to vector<16xi32>
      %and3A_1713 = arith.andi %add3A_1710, %and3A_1712 : vector<16xi32>
      %add3A_1714 = arith.addi %shift_left3A_1587, %and3A_1713 : vector<16xi32>
      %gather3A_1715 = tpu.vector_load_idx %arg15[%add3A_1576, %add3A_1714] : memref<256x128xf32, #tpu.memory_space<vmem>>[vector<16xi32>, vector<16xi32>], vector<16xf32>,
      %add3A_1716 = arith.addi %shift_left3A_1598, %and3A_1713 : vector<16xi32>
      %gather3A_1717 = tpu.vector_load_idx %arg16[%add3A_1576, %add3A_1716] : memref<256x128xf32, #tpu.memory_space<vmem>>[vector<16xi32>, vector<16xi32>], vector<16xf32>,
      %add3A_1718 = arith.addi %shift_left3A_1609, %and3A_1713 : vector<16xi32>
      %gather3A_1719 = tpu.vector_load_idx %arg17[%add3A_1576, %add3A_1718] : memref<256x128xf32, #tpu.memory_space<vmem>>[vector<16xi32>, vector<16xi32>], vector<16xf32>,
      %mul3A_1720 = arith.mulf %gather3A_1715, %gather3A_1717 : vector<16xf32>
      %add3A_1721 = arith.addf %add3A_1705, %mul3A_1720 : vector<16xf32>
      %mul3A_1722 = arith.mulf %gather3A_1715, %gather3A_1719 : vector<16xf32>
      %add3A_1723 = arith.addf %add3A_1707, %mul3A_1722 : vector<16xf32>
      %add3A_1724 = arith.constant 7 : i32
      %add3A_1725 = vector.broadcast %add3A_1724 : i32 to vector<16xi32>
      %add3A_1726 = arith.addi %iota3A, %add3A_1725 : vector<16xi32>
      %and3A_1727 = arith.constant 31 : i32
      %and3A_1728 = vector.broadcast %and3A_1727 : i32 to vector<16xi32>
      %and3A_1729 = arith.andi %add3A_1726, %and3A_1728 : vector<16xi32>
      %add3A_1730 = arith.addi %shift_left3A_1587, %and3A_1729 : vector<16xi32>
      %gather3A_1731 = tpu.vector_load_idx %arg15[%add3A_1576, %add3A_1730] : memref<256x128xf32, #tpu.memory_space<vmem>>[vector<16xi32>, vector<16xi32>], vector<16xf32>,
      %add3A_1732 = arith.addi %shift_left3A_1598, %and3A_1729 : vector<16xi32>
      %gather3A_1733 = tpu.vector_load_idx %arg16[%add3A_1576, %add3A_1732] : memref<256x128xf32, #tpu.memory_space<vmem>>[vector<16xi32>, vector<16xi32>], vector<16xf32>,
      %add3A_1734 = arith.addi %shift_left3A_1609, %and3A_1729 : vector<16xi32>
      %gather3A_1735 = tpu.vector_load_idx %arg17[%add3A_1576, %add3A_1734] : memref<256x128xf32, #tpu.memory_space<vmem>>[vector<16xi32>, vector<16xi32>], vector<16xf32>,
      %mul3A_1736 = arith.mulf %gather3A_1731, %gather3A_1733 : vector<16xf32>
      %add3A_1737 = arith.addf %add3A_1721, %mul3A_1736 : vector<16xf32>
      %mul3A_1738 = arith.mulf %gather3A_1731, %gather3A_1735 : vector<16xf32>
      %add3A_1739 = arith.addf %add3A_1723, %mul3A_1738 : vector<16xf32>
      %add3A_1740 = arith.constant 8 : i32
      %add3A_1741 = vector.broadcast %add3A_1740 : i32 to vector<16xi32>
      %add3A_1742 = arith.addi %iota3A, %add3A_1741 : vector<16xi32>
      %and3A_1743 = arith.constant 31 : i32
      %and3A_1744 = vector.broadcast %and3A_1743 : i32 to vector<16xi32>
      %and3A_1745 = arith.andi %add3A_1742, %and3A_1744 : vector<16xi32>
      %add3A_1746 = arith.addi %shift_left3A_1587, %and3A_1745 : vector<16xi32>
      %gather3A_1747 = tpu.vector_load_idx %arg15[%add3A_1576, %add3A_1746] : memref<256x128xf32, #tpu.memory_space<vmem>>[vector<16xi32>, vector<16xi32>], vector<16xf32>,
      %add3A_1748 = arith.addi %shift_left3A_1598, %and3A_1745 : vector<16xi32>
      %gather3A_1749 = tpu.vector_load_idx %arg16[%add3A_1576, %add3A_1748] : memref<256x128xf32, #tpu.memory_space<vmem>>[vector<16xi32>, vector<16xi32>], vector<16xf32>,
      %add3A_1750 = arith.addi %shift_left3A_1609, %and3A_1745 : vector<16xi32>
      %gather3A_1751 = tpu.vector_load_idx %arg17[%add3A_1576, %add3A_1750] : memref<256x128xf32, #tpu.memory_space<vmem>>[vector<16xi32>, vector<16xi32>], vector<16xf32>,
      %mul3A_1752 = arith.mulf %gather3A_1747, %gather3A_1749 : vector<16xf32>
      %add3A_1753 = arith.addf %add3A_1737, %mul3A_1752 : vector<16xf32>
      %mul3A_1754 = arith.mulf %gather3A_1747, %gather3A_1751 : vector<16xf32>
      %add3A_1755 = arith.addf %add3A_1739, %mul3A_1754 : vector<16xf32>
      %add3A_1756 = arith.constant 9 : i32
      %add3A_1757 = vector.broadcast %add3A_1756 : i32 to vector<16xi32>
      %add3A_1758 = arith.addi %iota3A, %add3A_1757 : vector<16xi32>
      %and3A_1759 = arith.constant 31 : i32
      %and3A_1760 = vector.broadcast %and3A_1759 : i32 to vector<16xi32>
      %and3A_1761 = arith.andi %add3A_1758, %and3A_1760 : vector<16xi32>
      %add3A_1762 = arith.addi %shift_left3A_1587, %and3A_1761 : vector<16xi32>
      %gather3A_1763 = tpu.vector_load_idx %arg15[%add3A_1576, %add3A_1762] : memref<256x128xf32, #tpu.memory_space<vmem>>[vector<16xi32>, vector<16xi32>], vector<16xf32>,
      %add3A_1764 = arith.addi %shift_left3A_1598, %and3A_1761 : vector<16xi32>
      %gather3A_1765 = tpu.vector_load_idx %arg16[%add3A_1576, %add3A_1764] : memref<256x128xf32, #tpu.memory_space<vmem>>[vector<16xi32>, vector<16xi32>], vector<16xf32>,
      %add3A_1766 = arith.addi %shift_left3A_1609, %and3A_1761 : vector<16xi32>
      %gather3A_1767 = tpu.vector_load_idx %arg17[%add3A_1576, %add3A_1766] : memref<256x128xf32, #tpu.memory_space<vmem>>[vector<16xi32>, vector<16xi32>], vector<16xf32>,
      %mul3A_1768 = arith.mulf %gather3A_1763, %gather3A_1765 : vector<16xf32>
      %add3A_1769 = arith.addf %add3A_1753, %mul3A_1768 : vector<16xf32>
      %mul3A_1770 = arith.mulf %gather3A_1763, %gather3A_1767 : vector<16xf32>
      %add3A_1771 = arith.addf %add3A_1755, %mul3A_1770 : vector<16xf32>
      %add3A_1772 = arith.constant 10 : i32
      %add3A_1773 = vector.broadcast %add3A_1772 : i32 to vector<16xi32>
      %add3A_1774 = arith.addi %iota3A, %add3A_1773 : vector<16xi32>
      %and3A_1775 = arith.constant 31 : i32
      %and3A_1776 = vector.broadcast %and3A_1775 : i32 to vector<16xi32>
      %and3A_1777 = arith.andi %add3A_1774, %and3A_1776 : vector<16xi32>
      %add3A_1778 = arith.addi %shift_left3A_1587, %and3A_1777 : vector<16xi32>
      %gather3A_1779 = tpu.vector_load_idx %arg15[%add3A_1576, %add3A_1778] : memref<256x128xf32, #tpu.memory_space<vmem>>[vector<16xi32>, vector<16xi32>], vector<16xf32>,
      %add3A_1780 = arith.addi %shift_left3A_1598, %and3A_1777 : vector<16xi32>
      %gather3A_1781 = tpu.vector_load_idx %arg16[%add3A_1576, %add3A_1780] : memref<256x128xf32, #tpu.memory_space<vmem>>[vector<16xi32>, vector<16xi32>], vector<16xf32>,
      %add3A_1782 = arith.addi %shift_left3A_1609, %and3A_1777 : vector<16xi32>
      %gather3A_1783 = tpu.vector_load_idx %arg17[%add3A_1576, %add3A_1782] : memref<256x128xf32, #tpu.memory_space<vmem>>[vector<16xi32>, vector<16xi32>], vector<16xf32>,
      %mul3A_1784 = arith.mulf %gather3A_1779, %gather3A_1781 : vector<16xf32>
      %add3A_1785 = arith.addf %add3A_1769, %mul3A_1784 : vector<16xf32>
      %mul3A_1786 = arith.mulf %gather3A_1779, %gather3A_1783 : vector<16xf32>
      %add3A_1787 = arith.addf %add3A_1771, %mul3A_1786 : vector<16xf32>
      %add3A_1788 = arith.constant 11 : i32
      %add3A_1789 = vector.broadcast %add3A_1788 : i32 to vector<16xi32>
      %add3A_1790 = arith.addi %iota3A, %add3A_1789 : vector<16xi32>
      %and3A_1791 = arith.constant 31 : i32
      %and3A_1792 = vector.broadcast %and3A_1791 : i32 to vector<16xi32>
      %and3A_1793 = arith.andi %add3A_1790, %and3A_1792 : vector<16xi32>
      %add3A_1794 = arith.addi %shift_left3A_1587, %and3A_1793 : vector<16xi32>
      %gather3A_1795 = tpu.vector_load_idx %arg15[%add3A_1576, %add3A_1794] : memref<256x128xf32, #tpu.memory_space<vmem>>[vector<16xi32>, vector<16xi32>], vector<16xf32>,
      %add3A_1796 = arith.addi %shift_left3A_1598, %and3A_1793 : vector<16xi32>
      %gather3A_1797 = tpu.vector_load_idx %arg16[%add3A_1576, %add3A_1796] : memref<256x128xf32, #tpu.memory_space<vmem>>[vector<16xi32>, vector<16xi32>], vector<16xf32>,
      %add3A_1798 = arith.addi %shift_left3A_1609, %and3A_1793 : vector<16xi32>
      %gather3A_1799 = tpu.vector_load_idx %arg17[%add3A_1576, %add3A_1798] : memref<256x128xf32, #tpu.memory_space<vmem>>[vector<16xi32>, vector<16xi32>], vector<16xf32>,
      %mul3A_1800 = arith.mulf %gather3A_1795, %gather3A_1797 : vector<16xf32>
      %add3A_1801 = arith.addf %add3A_1785, %mul3A_1800 : vector<16xf32>
      %mul3A_1802 = arith.mulf %gather3A_1795, %gather3A_1799 : vector<16xf32>
      %add3A_1803 = arith.addf %add3A_1787, %mul3A_1802 : vector<16xf32>
      %add3A_1804 = arith.constant 12 : i32
      %add3A_1805 = vector.broadcast %add3A_1804 : i32 to vector<16xi32>
      %add3A_1806 = arith.addi %iota3A, %add3A_1805 : vector<16xi32>
      %and3A_1807 = arith.constant 31 : i32
      %and3A_1808 = vector.broadcast %and3A_1807 : i32 to vector<16xi32>
      %and3A_1809 = arith.andi %add3A_1806, %and3A_1808 : vector<16xi32>
      %add3A_1810 = arith.addi %shift_left3A_1587, %and3A_1809 : vector<16xi32>
      %gather3A_1811 = tpu.vector_load_idx %arg15[%add3A_1576, %add3A_1810] : memref<256x128xf32, #tpu.memory_space<vmem>>[vector<16xi32>, vector<16xi32>], vector<16xf32>,
      %add3A_1812 = arith.addi %shift_left3A_1598, %and3A_1809 : vector<16xi32>
      %gather3A_1813 = tpu.vector_load_idx %arg16[%add3A_1576, %add3A_1812] : memref<256x128xf32, #tpu.memory_space<vmem>>[vector<16xi32>, vector<16xi32>], vector<16xf32>,
      %add3A_1814 = arith.addi %shift_left3A_1609, %and3A_1809 : vector<16xi32>
      %gather3A_1815 = tpu.vector_load_idx %arg17[%add3A_1576, %add3A_1814] : memref<256x128xf32, #tpu.memory_space<vmem>>[vector<16xi32>, vector<16xi32>], vector<16xf32>,
      %mul3A_1816 = arith.mulf %gather3A_1811, %gather3A_1813 : vector<16xf32>
      %add3A_1817 = arith.addf %add3A_1801, %mul3A_1816 : vector<16xf32>
      %mul3A_1818 = arith.mulf %gather3A_1811, %gather3A_1815 : vector<16xf32>
      %add3A_1819 = arith.addf %add3A_1803, %mul3A_1818 : vector<16xf32>
      %add3A_1820 = arith.constant 13 : i32
      %add3A_1821 = vector.broadcast %add3A_1820 : i32 to vector<16xi32>
      %add3A_1822 = arith.addi %iota3A, %add3A_1821 : vector<16xi32>
      %and3A_1823 = arith.constant 31 : i32
      %and3A_1824 = vector.broadcast %and3A_1823 : i32 to vector<16xi32>
      %and3A_1825 = arith.andi %add3A_1822, %and3A_1824 : vector<16xi32>
      %add3A_1826 = arith.addi %shift_left3A_1587, %and3A_1825 : vector<16xi32>
      %gather3A_1827 = tpu.vector_load_idx %arg15[%add3A_1576, %add3A_1826] : memref<256x128xf32, #tpu.memory_space<vmem>>[vector<16xi32>, vector<16xi32>], vector<16xf32>,
      %add3A_1828 = arith.addi %shift_left3A_1598, %and3A_1825 : vector<16xi32>
      %gather3A_1829 = tpu.vector_load_idx %arg16[%add3A_1576, %add3A_1828] : memref<256x128xf32, #tpu.memory_space<vmem>>[vector<16xi32>, vector<16xi32>], vector<16xf32>,
      %add3A_1830 = arith.addi %shift_left3A_1609, %and3A_1825 : vector<16xi32>
      %gather3A_1831 = tpu.vector_load_idx %arg17[%add3A_1576, %add3A_1830] : memref<256x128xf32, #tpu.memory_space<vmem>>[vector<16xi32>, vector<16xi32>], vector<16xf32>,
      %mul3A_1832 = arith.mulf %gather3A_1827, %gather3A_1829 : vector<16xf32>
      %add3A_1833 = arith.addf %add3A_1817, %mul3A_1832 : vector<16xf32>
      %mul3A_1834 = arith.mulf %gather3A_1827, %gather3A_1831 : vector<16xf32>
      %add3A_1835 = arith.addf %add3A_1819, %mul3A_1834 : vector<16xf32>
      %add3A_1836 = arith.constant 14 : i32
      %add3A_1837 = vector.broadcast %add3A_1836 : i32 to vector<16xi32>
      %add3A_1838 = arith.addi %iota3A, %add3A_1837 : vector<16xi32>
      %and3A_1839 = arith.constant 31 : i32
      %and3A_1840 = vector.broadcast %and3A_1839 : i32 to vector<16xi32>
      %and3A_1841 = arith.andi %add3A_1838, %and3A_1840 : vector<16xi32>
      %add3A_1842 = arith.addi %shift_left3A_1587, %and3A_1841 : vector<16xi32>
      %gather3A_1843 = tpu.vector_load_idx %arg15[%add3A_1576, %add3A_1842] : memref<256x128xf32, #tpu.memory_space<vmem>>[vector<16xi32>, vector<16xi32>], vector<16xf32>,
      %add3A_1844 = arith.addi %shift_left3A_1598, %and3A_1841 : vector<16xi32>
      %gather3A_1845 = tpu.vector_load_idx %arg16[%add3A_1576, %add3A_1844] : memref<256x128xf32, #tpu.memory_space<vmem>>[vector<16xi32>, vector<16xi32>], vector<16xf32>,
      %add3A_1846 = arith.addi %shift_left3A_1609, %and3A_1841 : vector<16xi32>
      %gather3A_1847 = tpu.vector_load_idx %arg17[%add3A_1576, %add3A_1846] : memref<256x128xf32, #tpu.memory_space<vmem>>[vector<16xi32>, vector<16xi32>], vector<16xf32>,
      %mul3A_1848 = arith.mulf %gather3A_1843, %gather3A_1845 : vector<16xf32>
      %add3A_1849 = arith.addf %add3A_1833, %mul3A_1848 : vector<16xf32>
      %mul3A_1850 = arith.mulf %gather3A_1843, %gather3A_1847 : vector<16xf32>
      %add3A_1851 = arith.addf %add3A_1835, %mul3A_1850 : vector<16xf32>
      %add3A_1852 = arith.constant 15 : i32
      %add3A_1853 = vector.broadcast %add3A_1852 : i32 to vector<16xi32>
      %add3A_1854 = arith.addi %iota3A, %add3A_1853 : vector<16xi32>
      %and3A_1855 = arith.constant 31 : i32
      %and3A_1856 = vector.broadcast %and3A_1855 : i32 to vector<16xi32>
      %and3A_1857 = arith.andi %add3A_1854, %and3A_1856 : vector<16xi32>
      %add3A_1858 = arith.addi %shift_left3A_1587, %and3A_1857 : vector<16xi32>
      %gather3A_1859 = tpu.vector_load_idx %arg15[%add3A_1576, %add3A_1858] : memref<256x128xf32, #tpu.memory_space<vmem>>[vector<16xi32>, vector<16xi32>], vector<16xf32>,
      %add3A_1860 = arith.addi %shift_left3A_1598, %and3A_1857 : vector<16xi32>
      %gather3A_1861 = tpu.vector_load_idx %arg16[%add3A_1576, %add3A_1860] : memref<256x128xf32, #tpu.memory_space<vmem>>[vector<16xi32>, vector<16xi32>], vector<16xf32>,
      %add3A_1862 = arith.addi %shift_left3A_1609, %and3A_1857 : vector<16xi32>
      %gather3A_1863 = tpu.vector_load_idx %arg17[%add3A_1576, %add3A_1862] : memref<256x128xf32, #tpu.memory_space<vmem>>[vector<16xi32>, vector<16xi32>], vector<16xf32>,
      %mul3A_1864 = arith.mulf %gather3A_1859, %gather3A_1861 : vector<16xf32>
      %add3A_1865 = arith.addf %add3A_1849, %mul3A_1864 : vector<16xf32>
      %mul3A_1866 = arith.mulf %gather3A_1859, %gather3A_1863 : vector<16xf32>
      %add3A_1867 = arith.addf %add3A_1851, %mul3A_1866 : vector<16xf32>
      %add3A_1868 = arith.constant 16 : i32
      %add3A_1869 = vector.broadcast %add3A_1868 : i32 to vector<16xi32>
      %add3A_1870 = arith.addi %iota3A, %add3A_1869 : vector<16xi32>
      %and3A_1871 = arith.constant 31 : i32
      %and3A_1872 = vector.broadcast %and3A_1871 : i32 to vector<16xi32>
      %and3A_1873 = arith.andi %add3A_1870, %and3A_1872 : vector<16xi32>
      %add3A_1874 = arith.addi %shift_left3A_1587, %and3A_1873 : vector<16xi32>
      %gather3A_1875 = tpu.vector_load_idx %arg15[%add3A_1576, %add3A_1874] : memref<256x128xf32, #tpu.memory_space<vmem>>[vector<16xi32>, vector<16xi32>], vector<16xf32>,
      %add3A_1876 = arith.addi %shift_left3A_1598, %and3A_1873 : vector<16xi32>
      %gather3A_1877 = tpu.vector_load_idx %arg16[%add3A_1576, %add3A_1876] : memref<256x128xf32, #tpu.memory_space<vmem>>[vector<16xi32>, vector<16xi32>], vector<16xf32>,
      %add3A_1878 = arith.addi %shift_left3A_1609, %and3A_1873 : vector<16xi32>
      %gather3A_1879 = tpu.vector_load_idx %arg17[%add3A_1576, %add3A_1878] : memref<256x128xf32, #tpu.memory_space<vmem>>[vector<16xi32>, vector<16xi32>], vector<16xf32>,
      %mul3A_1880 = arith.mulf %gather3A_1875, %gather3A_1877 : vector<16xf32>
      %add3A_1881 = arith.addf %add3A_1865, %mul3A_1880 : vector<16xf32>
      %mul3A_1882 = arith.mulf %gather3A_1875, %gather3A_1879 : vector<16xf32>
      %add3A_1883 = arith.addf %add3A_1867, %mul3A_1882 : vector<16xf32>
      %add3A_1884 = arith.constant 17 : i32
      %add3A_1885 = vector.broadcast %add3A_1884 : i32 to vector<16xi32>
      %add3A_1886 = arith.addi %iota3A, %add3A_1885 : vector<16xi32>
      %and3A_1887 = arith.constant 31 : i32
      %and3A_1888 = vector.broadcast %and3A_1887 : i32 to vector<16xi32>
      %and3A_1889 = arith.andi %add3A_1886, %and3A_1888 : vector<16xi32>
      %add3A_1890 = arith.addi %shift_left3A_1587, %and3A_1889 : vector<16xi32>
      %gather3A_1891 = tpu.vector_load_idx %arg15[%add3A_1576, %add3A_1890] : memref<256x128xf32, #tpu.memory_space<vmem>>[vector<16xi32>, vector<16xi32>], vector<16xf32>,
      %add3A_1892 = arith.addi %shift_left3A_1598, %and3A_1889 : vector<16xi32>
      %gather3A_1893 = tpu.vector_load_idx %arg16[%add3A_1576, %add3A_1892] : memref<256x128xf32, #tpu.memory_space<vmem>>[vector<16xi32>, vector<16xi32>], vector<16xf32>,
      %add3A_1894 = arith.addi %shift_left3A_1609, %and3A_1889 : vector<16xi32>
      %gather3A_1895 = tpu.vector_load_idx %arg17[%add3A_1576, %add3A_1894] : memref<256x128xf32, #tpu.memory_space<vmem>>[vector<16xi32>, vector<16xi32>], vector<16xf32>,
      %mul3A_1896 = arith.mulf %gather3A_1891, %gather3A_1893 : vector<16xf32>
      %add3A_1897 = arith.addf %add3A_1881, %mul3A_1896 : vector<16xf32>
      %mul3A_1898 = arith.mulf %gather3A_1891, %gather3A_1895 : vector<16xf32>
      %add3A_1899 = arith.addf %add3A_1883, %mul3A_1898 : vector<16xf32>
      %add3A_1900 = arith.constant 18 : i32
      %add3A_1901 = vector.broadcast %add3A_1900 : i32 to vector<16xi32>
      %add3A_1902 = arith.addi %iota3A, %add3A_1901 : vector<16xi32>
      %and3A_1903 = arith.constant 31 : i32
      %and3A_1904 = vector.broadcast %and3A_1903 : i32 to vector<16xi32>
      %and3A_1905 = arith.andi %add3A_1902, %and3A_1904 : vector<16xi32>
      %add3A_1906 = arith.addi %shift_left3A_1587, %and3A_1905 : vector<16xi32>
      %gather3A_1907 = tpu.vector_load_idx %arg15[%add3A_1576, %add3A_1906] : memref<256x128xf32, #tpu.memory_space<vmem>>[vector<16xi32>, vector<16xi32>], vector<16xf32>,
      %add3A_1908 = arith.addi %shift_left3A_1598, %and3A_1905 : vector<16xi32>
      %gather3A_1909 = tpu.vector_load_idx %arg16[%add3A_1576, %add3A_1908] : memref<256x128xf32, #tpu.memory_space<vmem>>[vector<16xi32>, vector<16xi32>], vector<16xf32>,
      %add3A_1910 = arith.addi %shift_left3A_1609, %and3A_1905 : vector<16xi32>
      %gather3A_1911 = tpu.vector_load_idx %arg17[%add3A_1576, %add3A_1910] : memref<256x128xf32, #tpu.memory_space<vmem>>[vector<16xi32>, vector<16xi32>], vector<16xf32>,
      %mul3A_1912 = arith.mulf %gather3A_1907, %gather3A_1909 : vector<16xf32>
      %add3A_1913 = arith.addf %add3A_1897, %mul3A_1912 : vector<16xf32>
      %mul3A_1914 = arith.mulf %gather3A_1907, %gather3A_1911 : vector<16xf32>
      %add3A_1915 = arith.addf %add3A_1899, %mul3A_1914 : vector<16xf32>
      %add3A_1916 = arith.constant 19 : i32
      %add3A_1917 = vector.broadcast %add3A_1916 : i32 to vector<16xi32>
      %add3A_1918 = arith.addi %iota3A, %add3A_1917 : vector<16xi32>
      %and3A_1919 = arith.constant 31 : i32
      %and3A_1920 = vector.broadcast %and3A_1919 : i32 to vector<16xi32>
      %and3A_1921 = arith.andi %add3A_1918, %and3A_1920 : vector<16xi32>
      %add3A_1922 = arith.addi %shift_left3A_1587, %and3A_1921 : vector<16xi32>
      %gather3A_1923 = tpu.vector_load_idx %arg15[%add3A_1576, %add3A_1922] : memref<256x128xf32, #tpu.memory_space<vmem>>[vector<16xi32>, vector<16xi32>], vector<16xf32>,
      %add3A_1924 = arith.addi %shift_left3A_1598, %and3A_1921 : vector<16xi32>
      %gather3A_1925 = tpu.vector_load_idx %arg16[%add3A_1576, %add3A_1924] : memref<256x128xf32, #tpu.memory_space<vmem>>[vector<16xi32>, vector<16xi32>], vector<16xf32>,
      %add3A_1926 = arith.addi %shift_left3A_1609, %and3A_1921 : vector<16xi32>
      %gather3A_1927 = tpu.vector_load_idx %arg17[%add3A_1576, %add3A_1926] : memref<256x128xf32, #tpu.memory_space<vmem>>[vector<16xi32>, vector<16xi32>], vector<16xf32>,
      %mul3A_1928 = arith.mulf %gather3A_1923, %gather3A_1925 : vector<16xf32>
      %add3A_1929 = arith.addf %add3A_1913, %mul3A_1928 : vector<16xf32>
      %mul3A_1930 = arith.mulf %gather3A_1923, %gather3A_1927 : vector<16xf32>
      %add3A_1931 = arith.addf %add3A_1915, %mul3A_1930 : vector<16xf32>
      %add3A_1932 = arith.constant 20 : i32
      %add3A_1933 = vector.broadcast %add3A_1932 : i32 to vector<16xi32>
      %add3A_1934 = arith.addi %iota3A, %add3A_1933 : vector<16xi32>
      %and3A_1935 = arith.constant 31 : i32
      %and3A_1936 = vector.broadcast %and3A_1935 : i32 to vector<16xi32>
      %and3A_1937 = arith.andi %add3A_1934, %and3A_1936 : vector<16xi32>
      %add3A_1938 = arith.addi %shift_left3A_1587, %and3A_1937 : vector<16xi32>
      %gather3A_1939 = tpu.vector_load_idx %arg15[%add3A_1576, %add3A_1938] : memref<256x128xf32, #tpu.memory_space<vmem>>[vector<16xi32>, vector<16xi32>], vector<16xf32>,
      %add3A_1940 = arith.addi %shift_left3A_1598, %and3A_1937 : vector<16xi32>
      %gather3A_1941 = tpu.vector_load_idx %arg16[%add3A_1576, %add3A_1940] : memref<256x128xf32, #tpu.memory_space<vmem>>[vector<16xi32>, vector<16xi32>], vector<16xf32>,
      %add3A_1942 = arith.addi %shift_left3A_1609, %and3A_1937 : vector<16xi32>
      %gather3A_1943 = tpu.vector_load_idx %arg17[%add3A_1576, %add3A_1942] : memref<256x128xf32, #tpu.memory_space<vmem>>[vector<16xi32>, vector<16xi32>], vector<16xf32>,
      %mul3A_1944 = arith.mulf %gather3A_1939, %gather3A_1941 : vector<16xf32>
      %add3A_1945 = arith.addf %add3A_1929, %mul3A_1944 : vector<16xf32>
      %mul3A_1946 = arith.mulf %gather3A_1939, %gather3A_1943 : vector<16xf32>
      %add3A_1947 = arith.addf %add3A_1931, %mul3A_1946 : vector<16xf32>
      %add3A_1948 = arith.constant 21 : i32
      %add3A_1949 = vector.broadcast %add3A_1948 : i32 to vector<16xi32>
      %add3A_1950 = arith.addi %iota3A, %add3A_1949 : vector<16xi32>
      %and3A_1951 = arith.constant 31 : i32
      %and3A_1952 = vector.broadcast %and3A_1951 : i32 to vector<16xi32>
      %and3A_1953 = arith.andi %add3A_1950, %and3A_1952 : vector<16xi32>
      %add3A_1954 = arith.addi %shift_left3A_1587, %and3A_1953 : vector<16xi32>
      %gather3A_1955 = tpu.vector_load_idx %arg15[%add3A_1576, %add3A_1954] : memref<256x128xf32, #tpu.memory_space<vmem>>[vector<16xi32>, vector<16xi32>], vector<16xf32>,
      %add3A_1956 = arith.addi %shift_left3A_1598, %and3A_1953 : vector<16xi32>
      %gather3A_1957 = tpu.vector_load_idx %arg16[%add3A_1576, %add3A_1956] : memref<256x128xf32, #tpu.memory_space<vmem>>[vector<16xi32>, vector<16xi32>], vector<16xf32>,
      %add3A_1958 = arith.addi %shift_left3A_1609, %and3A_1953 : vector<16xi32>
      %gather3A_1959 = tpu.vector_load_idx %arg17[%add3A_1576, %add3A_1958] : memref<256x128xf32, #tpu.memory_space<vmem>>[vector<16xi32>, vector<16xi32>], vector<16xf32>,
      %mul3A_1960 = arith.mulf %gather3A_1955, %gather3A_1957 : vector<16xf32>
      %add3A_1961 = arith.addf %add3A_1945, %mul3A_1960 : vector<16xf32>
      %mul3A_1962 = arith.mulf %gather3A_1955, %gather3A_1959 : vector<16xf32>
      %add3A_1963 = arith.addf %add3A_1947, %mul3A_1962 : vector<16xf32>
      %add3A_1964 = arith.constant 22 : i32
      %add3A_1965 = vector.broadcast %add3A_1964 : i32 to vector<16xi32>
      %add3A_1966 = arith.addi %iota3A, %add3A_1965 : vector<16xi32>
      %and3A_1967 = arith.constant 31 : i32
      %and3A_1968 = vector.broadcast %and3A_1967 : i32 to vector<16xi32>
      %and3A_1969 = arith.andi %add3A_1966, %and3A_1968 : vector<16xi32>
      %add3A_1970 = arith.addi %shift_left3A_1587, %and3A_1969 : vector<16xi32>
      %gather3A_1971 = tpu.vector_load_idx %arg15[%add3A_1576, %add3A_1970] : memref<256x128xf32, #tpu.memory_space<vmem>>[vector<16xi32>, vector<16xi32>], vector<16xf32>,
      %add3A_1972 = arith.addi %shift_left3A_1598, %and3A_1969 : vector<16xi32>
      %gather3A_1973 = tpu.vector_load_idx %arg16[%add3A_1576, %add3A_1972] : memref<256x128xf32, #tpu.memory_space<vmem>>[vector<16xi32>, vector<16xi32>], vector<16xf32>,
      %add3A_1974 = arith.addi %shift_left3A_1609, %and3A_1969 : vector<16xi32>
      %gather3A_1975 = tpu.vector_load_idx %arg17[%add3A_1576, %add3A_1974] : memref<256x128xf32, #tpu.memory_space<vmem>>[vector<16xi32>, vector<16xi32>], vector<16xf32>,
      %mul3A_1976 = arith.mulf %gather3A_1971, %gather3A_1973 : vector<16xf32>
      %add3A_1977 = arith.addf %add3A_1961, %mul3A_1976 : vector<16xf32>
      %mul3A_1978 = arith.mulf %gather3A_1971, %gather3A_1975 : vector<16xf32>
      %add3A_1979 = arith.addf %add3A_1963, %mul3A_1978 : vector<16xf32>
      %add3A_1980 = arith.constant 23 : i32
      %add3A_1981 = vector.broadcast %add3A_1980 : i32 to vector<16xi32>
      %add3A_1982 = arith.addi %iota3A, %add3A_1981 : vector<16xi32>
      %and3A_1983 = arith.constant 31 : i32
      %and3A_1984 = vector.broadcast %and3A_1983 : i32 to vector<16xi32>
      %and3A_1985 = arith.andi %add3A_1982, %and3A_1984 : vector<16xi32>
      %add3A_1986 = arith.addi %shift_left3A_1587, %and3A_1985 : vector<16xi32>
      %gather3A_1987 = tpu.vector_load_idx %arg15[%add3A_1576, %add3A_1986] : memref<256x128xf32, #tpu.memory_space<vmem>>[vector<16xi32>, vector<16xi32>], vector<16xf32>,
      %add3A_1988 = arith.addi %shift_left3A_1598, %and3A_1985 : vector<16xi32>
      %gather3A_1989 = tpu.vector_load_idx %arg16[%add3A_1576, %add3A_1988] : memref<256x128xf32, #tpu.memory_space<vmem>>[vector<16xi32>, vector<16xi32>], vector<16xf32>,
      %add3A_1990 = arith.addi %shift_left3A_1609, %and3A_1985 : vector<16xi32>
      %gather3A_1991 = tpu.vector_load_idx %arg17[%add3A_1576, %add3A_1990] : memref<256x128xf32, #tpu.memory_space<vmem>>[vector<16xi32>, vector<16xi32>], vector<16xf32>,
      %mul3A_1992 = arith.mulf %gather3A_1987, %gather3A_1989 : vector<16xf32>
      %add3A_1993 = arith.addf %add3A_1977, %mul3A_1992 : vector<16xf32>
      %mul3A_1994 = arith.mulf %gather3A_1987, %gather3A_1991 : vector<16xf32>
      %add3A_1995 = arith.addf %add3A_1979, %mul3A_1994 : vector<16xf32>
      %add3A_1996 = arith.constant 24 : i32
      %add3A_1997 = vector.broadcast %add3A_1996 : i32 to vector<16xi32>
      %add3A_1998 = arith.addi %iota3A, %add3A_1997 : vector<16xi32>
      %and3A_1999 = arith.constant 31 : i32
      %and3A_2000 = vector.broadcast %and3A_1999 : i32 to vector<16xi32>
      %and3A_2001 = arith.andi %add3A_1998, %and3A_2000 : vector<16xi32>
      %add3A_2002 = arith.addi %shift_left3A_1587, %and3A_2001 : vector<16xi32>
      %gather3A_2003 = tpu.vector_load_idx %arg15[%add3A_1576, %add3A_2002] : memref<256x128xf32, #tpu.memory_space<vmem>>[vector<16xi32>, vector<16xi32>], vector<16xf32>,
      %add3A_2004 = arith.addi %shift_left3A_1598, %and3A_2001 : vector<16xi32>
      %gather3A_2005 = tpu.vector_load_idx %arg16[%add3A_1576, %add3A_2004] : memref<256x128xf32, #tpu.memory_space<vmem>>[vector<16xi32>, vector<16xi32>], vector<16xf32>,
      %add3A_2006 = arith.addi %shift_left3A_1609, %and3A_2001 : vector<16xi32>
      %gather3A_2007 = tpu.vector_load_idx %arg17[%add3A_1576, %add3A_2006] : memref<256x128xf32, #tpu.memory_space<vmem>>[vector<16xi32>, vector<16xi32>], vector<16xf32>,
      %mul3A_2008 = arith.mulf %gather3A_2003, %gather3A_2005 : vector<16xf32>
      %add3A_2009 = arith.addf %add3A_1993, %mul3A_2008 : vector<16xf32>
      %mul3A_2010 = arith.mulf %gather3A_2003, %gather3A_2007 : vector<16xf32>
      %add3A_2011 = arith.addf %add3A_1995, %mul3A_2010 : vector<16xf32>
      %add3A_2012 = arith.constant 25 : i32
      %add3A_2013 = vector.broadcast %add3A_2012 : i32 to vector<16xi32>
      %add3A_2014 = arith.addi %iota3A, %add3A_2013 : vector<16xi32>
      %and3A_2015 = arith.constant 31 : i32
      %and3A_2016 = vector.broadcast %and3A_2015 : i32 to vector<16xi32>
      %and3A_2017 = arith.andi %add3A_2014, %and3A_2016 : vector<16xi32>
      %add3A_2018 = arith.addi %shift_left3A_1587, %and3A_2017 : vector<16xi32>
      %gather3A_2019 = tpu.vector_load_idx %arg15[%add3A_1576, %add3A_2018] : memref<256x128xf32, #tpu.memory_space<vmem>>[vector<16xi32>, vector<16xi32>], vector<16xf32>,
      %add3A_2020 = arith.addi %shift_left3A_1598, %and3A_2017 : vector<16xi32>
      %gather3A_2021 = tpu.vector_load_idx %arg16[%add3A_1576, %add3A_2020] : memref<256x128xf32, #tpu.memory_space<vmem>>[vector<16xi32>, vector<16xi32>], vector<16xf32>,
      %add3A_2022 = arith.addi %shift_left3A_1609, %and3A_2017 : vector<16xi32>
      %gather3A_2023 = tpu.vector_load_idx %arg17[%add3A_1576, %add3A_2022] : memref<256x128xf32, #tpu.memory_space<vmem>>[vector<16xi32>, vector<16xi32>], vector<16xf32>,
      %mul3A_2024 = arith.mulf %gather3A_2019, %gather3A_2021 : vector<16xf32>
      %add3A_2025 = arith.addf %add3A_2009, %mul3A_2024 : vector<16xf32>
      %mul3A_2026 = arith.mulf %gather3A_2019, %gather3A_2023 : vector<16xf32>
      %add3A_2027 = arith.addf %add3A_2011, %mul3A_2026 : vector<16xf32>
      %add3A_2028 = arith.constant 26 : i32
      %add3A_2029 = vector.broadcast %add3A_2028 : i32 to vector<16xi32>
      %add3A_2030 = arith.addi %iota3A, %add3A_2029 : vector<16xi32>
      %and3A_2031 = arith.constant 31 : i32
      %and3A_2032 = vector.broadcast %and3A_2031 : i32 to vector<16xi32>
      %and3A_2033 = arith.andi %add3A_2030, %and3A_2032 : vector<16xi32>
      %add3A_2034 = arith.addi %shift_left3A_1587, %and3A_2033 : vector<16xi32>
      %gather3A_2035 = tpu.vector_load_idx %arg15[%add3A_1576, %add3A_2034] : memref<256x128xf32, #tpu.memory_space<vmem>>[vector<16xi32>, vector<16xi32>], vector<16xf32>,
      %add3A_2036 = arith.addi %shift_left3A_1598, %and3A_2033 : vector<16xi32>
      %gather3A_2037 = tpu.vector_load_idx %arg16[%add3A_1576, %add3A_2036] : memref<256x128xf32, #tpu.memory_space<vmem>>[vector<16xi32>, vector<16xi32>], vector<16xf32>,
      %add3A_2038 = arith.addi %shift_left3A_1609, %and3A_2033 : vector<16xi32>
      %gather3A_2039 = tpu.vector_load_idx %arg17[%add3A_1576, %add3A_2038] : memref<256x128xf32, #tpu.memory_space<vmem>>[vector<16xi32>, vector<16xi32>], vector<16xf32>,
      %mul3A_2040 = arith.mulf %gather3A_2035, %gather3A_2037 : vector<16xf32>
      %add3A_2041 = arith.addf %add3A_2025, %mul3A_2040 : vector<16xf32>
      %mul3A_2042 = arith.mulf %gather3A_2035, %gather3A_2039 : vector<16xf32>
      %add3A_2043 = arith.addf %add3A_2027, %mul3A_2042 : vector<16xf32>
      %add3A_2044 = arith.constant 27 : i32
      %add3A_2045 = vector.broadcast %add3A_2044 : i32 to vector<16xi32>
      %add3A_2046 = arith.addi %iota3A, %add3A_2045 : vector<16xi32>
      %and3A_2047 = arith.constant 31 : i32
      %and3A_2048 = vector.broadcast %and3A_2047 : i32 to vector<16xi32>
      %and3A_2049 = arith.andi %add3A_2046, %and3A_2048 : vector<16xi32>
      %add3A_2050 = arith.addi %shift_left3A_1587, %and3A_2049 : vector<16xi32>
      %gather3A_2051 = tpu.vector_load_idx %arg15[%add3A_1576, %add3A_2050] : memref<256x128xf32, #tpu.memory_space<vmem>>[vector<16xi32>, vector<16xi32>], vector<16xf32>,
      %add3A_2052 = arith.addi %shift_left3A_1598, %and3A_2049 : vector<16xi32>
      %gather3A_2053 = tpu.vector_load_idx %arg16[%add3A_1576, %add3A_2052] : memref<256x128xf32, #tpu.memory_space<vmem>>[vector<16xi32>, vector<16xi32>], vector<16xf32>,
      %add3A_2054 = arith.addi %shift_left3A_1609, %and3A_2049 : vector<16xi32>
      %gather3A_2055 = tpu.vector_load_idx %arg17[%add3A_1576, %add3A_2054] : memref<256x128xf32, #tpu.memory_space<vmem>>[vector<16xi32>, vector<16xi32>], vector<16xf32>,
      %mul3A_2056 = arith.mulf %gather3A_2051, %gather3A_2053 : vector<16xf32>
      %add3A_2057 = arith.addf %add3A_2041, %mul3A_2056 : vector<16xf32>
      %mul3A_2058 = arith.mulf %gather3A_2051, %gather3A_2055 : vector<16xf32>
      %add3A_2059 = arith.addf %add3A_2043, %mul3A_2058 : vector<16xf32>
      %add3A_2060 = arith.constant 28 : i32
      %add3A_2061 = vector.broadcast %add3A_2060 : i32 to vector<16xi32>
      %add3A_2062 = arith.addi %iota3A, %add3A_2061 : vector<16xi32>
      %and3A_2063 = arith.constant 31 : i32
      %and3A_2064 = vector.broadcast %and3A_2063 : i32 to vector<16xi32>
      %and3A_2065 = arith.andi %add3A_2062, %and3A_2064 : vector<16xi32>
      %add3A_2066 = arith.addi %shift_left3A_1587, %and3A_2065 : vector<16xi32>
      %gather3A_2067 = tpu.vector_load_idx %arg15[%add3A_1576, %add3A_2066] : memref<256x128xf32, #tpu.memory_space<vmem>>[vector<16xi32>, vector<16xi32>], vector<16xf32>,
      %add3A_2068 = arith.addi %shift_left3A_1598, %and3A_2065 : vector<16xi32>
      %gather3A_2069 = tpu.vector_load_idx %arg16[%add3A_1576, %add3A_2068] : memref<256x128xf32, #tpu.memory_space<vmem>>[vector<16xi32>, vector<16xi32>], vector<16xf32>,
      %add3A_2070 = arith.addi %shift_left3A_1609, %and3A_2065 : vector<16xi32>
      %gather3A_2071 = tpu.vector_load_idx %arg17[%add3A_1576, %add3A_2070] : memref<256x128xf32, #tpu.memory_space<vmem>>[vector<16xi32>, vector<16xi32>], vector<16xf32>,
      %mul3A_2072 = arith.mulf %gather3A_2067, %gather3A_2069 : vector<16xf32>
      %add3A_2073 = arith.addf %add3A_2057, %mul3A_2072 : vector<16xf32>
      %mul3A_2074 = arith.mulf %gather3A_2067, %gather3A_2071 : vector<16xf32>
      %add3A_2075 = arith.addf %add3A_2059, %mul3A_2074 : vector<16xf32>
      %add3A_2076 = arith.constant 29 : i32
      %add3A_2077 = vector.broadcast %add3A_2076 : i32 to vector<16xi32>
      %add3A_2078 = arith.addi %iota3A, %add3A_2077 : vector<16xi32>
      %and3A_2079 = arith.constant 31 : i32
      %and3A_2080 = vector.broadcast %and3A_2079 : i32 to vector<16xi32>
      %and3A_2081 = arith.andi %add3A_2078, %and3A_2080 : vector<16xi32>
      %add3A_2082 = arith.addi %shift_left3A_1587, %and3A_2081 : vector<16xi32>
      %gather3A_2083 = tpu.vector_load_idx %arg15[%add3A_1576, %add3A_2082] : memref<256x128xf32, #tpu.memory_space<vmem>>[vector<16xi32>, vector<16xi32>], vector<16xf32>,
      %add3A_2084 = arith.addi %shift_left3A_1598, %and3A_2081 : vector<16xi32>
      %gather3A_2085 = tpu.vector_load_idx %arg16[%add3A_1576, %add3A_2084] : memref<256x128xf32, #tpu.memory_space<vmem>>[vector<16xi32>, vector<16xi32>], vector<16xf32>,
      %add3A_2086 = arith.addi %shift_left3A_1609, %and3A_2081 : vector<16xi32>
      %gather3A_2087 = tpu.vector_load_idx %arg17[%add3A_1576, %add3A_2086] : memref<256x128xf32, #tpu.memory_space<vmem>>[vector<16xi32>, vector<16xi32>], vector<16xf32>,
      %mul3A_2088 = arith.mulf %gather3A_2083, %gather3A_2085 : vector<16xf32>
      %add3A_2089 = arith.addf %add3A_2073, %mul3A_2088 : vector<16xf32>
      %mul3A_2090 = arith.mulf %gather3A_2083, %gather3A_2087 : vector<16xf32>
      %add3A_2091 = arith.addf %add3A_2075, %mul3A_2090 : vector<16xf32>
      %add3A_2092 = arith.constant 30 : i32
      %add3A_2093 = vector.broadcast %add3A_2092 : i32 to vector<16xi32>
      %add3A_2094 = arith.addi %iota3A, %add3A_2093 : vector<16xi32>
      %and3A_2095 = arith.constant 31 : i32
      %and3A_2096 = vector.broadcast %and3A_2095 : i32 to vector<16xi32>
      %and3A_2097 = arith.andi %add3A_2094, %and3A_2096 : vector<16xi32>
      %add3A_2098 = arith.addi %shift_left3A_1587, %and3A_2097 : vector<16xi32>
      %gather3A_2099 = tpu.vector_load_idx %arg15[%add3A_1576, %add3A_2098] : memref<256x128xf32, #tpu.memory_space<vmem>>[vector<16xi32>, vector<16xi32>], vector<16xf32>,
      %add3A_2100 = arith.addi %shift_left3A_1598, %and3A_2097 : vector<16xi32>
      %gather3A_2101 = tpu.vector_load_idx %arg16[%add3A_1576, %add3A_2100] : memref<256x128xf32, #tpu.memory_space<vmem>>[vector<16xi32>, vector<16xi32>], vector<16xf32>,
      %add3A_2102 = arith.addi %shift_left3A_1609, %and3A_2097 : vector<16xi32>
      %gather3A_2103 = tpu.vector_load_idx %arg17[%add3A_1576, %add3A_2102] : memref<256x128xf32, #tpu.memory_space<vmem>>[vector<16xi32>, vector<16xi32>], vector<16xf32>,
      %mul3A_2104 = arith.mulf %gather3A_2099, %gather3A_2101 : vector<16xf32>
      %add3A_2105 = arith.addf %add3A_2089, %mul3A_2104 : vector<16xf32>
      %mul3A_2106 = arith.mulf %gather3A_2099, %gather3A_2103 : vector<16xf32>
      %add3A_2107 = arith.addf %add3A_2091, %mul3A_2106 : vector<16xf32>
      %add3A_2108 = arith.constant 31 : i32
      %add3A_2109 = vector.broadcast %add3A_2108 : i32 to vector<16xi32>
      %add3A_2110 = arith.addi %iota3A, %add3A_2109 : vector<16xi32>
      %and3A_2111 = arith.constant 31 : i32
      %and3A_2112 = vector.broadcast %and3A_2111 : i32 to vector<16xi32>
      %and3A_2113 = arith.andi %add3A_2110, %and3A_2112 : vector<16xi32>
      %add3A_2114 = arith.addi %shift_left3A_1587, %and3A_2113 : vector<16xi32>
      %gather3A_2115 = tpu.vector_load_idx %arg15[%add3A_1576, %add3A_2114] : memref<256x128xf32, #tpu.memory_space<vmem>>[vector<16xi32>, vector<16xi32>], vector<16xf32>,
      %add3A_2116 = arith.addi %shift_left3A_1598, %and3A_2113 : vector<16xi32>
      %gather3A_2117 = tpu.vector_load_idx %arg16[%add3A_1576, %add3A_2116] : memref<256x128xf32, #tpu.memory_space<vmem>>[vector<16xi32>, vector<16xi32>], vector<16xf32>,
      %add3A_2118 = arith.addi %shift_left3A_1609, %and3A_2113 : vector<16xi32>
      %gather3A_2119 = tpu.vector_load_idx %arg17[%add3A_1576, %add3A_2118] : memref<256x128xf32, #tpu.memory_space<vmem>>[vector<16xi32>, vector<16xi32>], vector<16xf32>,
      %mul3A_2120 = arith.mulf %gather3A_2115, %gather3A_2117 : vector<16xf32>
      %add3A_2121 = arith.addf %add3A_2105, %mul3A_2120 : vector<16xf32>
      %mul3A_2122 = arith.mulf %gather3A_2115, %gather3A_2119 : vector<16xf32>
      %add3A_2123 = arith.addf %add3A_2107, %mul3A_2122 : vector<16xf32>
      %mul3A_2124 = arith.constant 16 : i32
      %mul3A_2125 = arith.muli %scan3A_1570, %mul3A_2124 : i32
      %add3A_2126 = arith.constant 256 : i32
      %add3A_2127 = arith.addi %add3A_2126, %mul3A_2125 : i32
      %swap3A_2128 = arith.index_cast %add3A_2127 : i32 to index
      %swap3A_2129 = tpu.vector_load %arg18[%swap3A_2128] {strides = array<i32>} : memref<512xf32, #tpu.memory_space<vmem>>, vector<16xf32>,
      tpu.vector_store %arg18[%swap3A_2128], %add3A_2121 {strides = array<i32>} : memref<512xf32, #tpu.memory_space<vmem>>, vector<16xf32>,
      %swap3A_2130 = arith.index_cast %add3A_2127 : i32 to index
      %swap3A_2131 = tpu.vector_load %arg19[%swap3A_2130] {strides = array<i32>} : memref<512xf32, #tpu.memory_space<vmem>>, vector<16xf32>,
      tpu.vector_store %arg19[%swap3A_2130], %add3A_2123 {strides = array<i32>} : memref<512xf32, #tpu.memory_space<vmem>>, vector<16xf32>,
    }
    %scan3A_1569 = arith.constant 16 : i32
    "tpu.region"() ({
      %run_scoped3A = tpu.sem_alloc : memref<!tpu.dma_semaphore, #tpu.memory_space<semaphore_mem>>
      %dma_start3A_1570 = tpu.memref_slice %arg7[%mul3A_2] : memref<16384xf32, #tpu.memory_space<hbm>> -> memref<512xf32, #tpu.memory_space<hbm>>
      %dma_start3A_1571 = tpu.memref_slice %arg7[%mul3A_2] : memref<16384xf32, #tpu.memory_space<hbm>> -> memref<512xf32, #tpu.memory_space<hbm>>
      tpu.enqueue_dma source(%arg18 : memref<512xf32, #tpu.memory_space<vmem>>) target(%dma_start3A_1571 : memref<512xf32, #tpu.memory_space<hbm>>) target_semaphore(%run_scoped3A : memref<!tpu.dma_semaphore, #tpu.memory_space<semaphore_mem>>)
      %dma_wait3A_1572 = tpu.memref_slice %arg7[%mul3A_2] : memref<16384xf32, #tpu.memory_space<hbm>> -> memref<512xf32, #tpu.memory_space<hbm>>
      %dma_wait3A_1573 = tpu.memref_slice %arg7[%mul3A_2] : memref<16384xf32, #tpu.memory_space<hbm>> -> memref<512xf32, #tpu.memory_space<hbm>>
      tpu.wait_dma2 semaphore(%run_scoped3A : memref<!tpu.dma_semaphore, #tpu.memory_space<semaphore_mem>>) src(%arg18 : memref<512xf32, #tpu.memory_space<vmem>>) dst(%dma_wait3A_1573 : memref<512xf32, #tpu.memory_space<hbm>>)
      tpu.yield
    }) : () -> ()
    "tpu.region"() ({
      %run_scoped3A = tpu.sem_alloc : memref<!tpu.dma_semaphore, #tpu.memory_space<semaphore_mem>>
      %dma_start3A_1570 = tpu.memref_slice %arg8[%mul3A_2] : memref<16384xf32, #tpu.memory_space<hbm>> -> memref<512xf32, #tpu.memory_space<hbm>>
      %dma_start3A_1571 = tpu.memref_slice %arg8[%mul3A_2] : memref<16384xf32, #tpu.memory_space<hbm>> -> memref<512xf32, #tpu.memory_space<hbm>>
      tpu.enqueue_dma source(%arg19 : memref<512xf32, #tpu.memory_space<vmem>>) target(%dma_start3A_1571 : memref<512xf32, #tpu.memory_space<hbm>>) target_semaphore(%run_scoped3A : memref<!tpu.dma_semaphore, #tpu.memory_space<semaphore_mem>>)
      %dma_wait3A_1572 = tpu.memref_slice %arg8[%mul3A_2] : memref<16384xf32, #tpu.memory_space<hbm>> -> memref<512xf32, #tpu.memory_space<hbm>>
      %dma_wait3A_1573 = tpu.memref_slice %arg8[%mul3A_2] : memref<16384xf32, #tpu.memory_space<hbm>> -> memref<512xf32, #tpu.memory_space<hbm>>
      tpu.wait_dma2 semaphore(%run_scoped3A : memref<!tpu.dma_semaphore, #tpu.memory_space<semaphore_mem>>) src(%arg19 : memref<512xf32, #tpu.memory_space<vmem>>) dst(%dma_wait3A_1573 : memref<512xf32, #tpu.memory_space<hbm>>)
      tpu.yield
    }) : () -> ()
    return
  }
}

</mosaic_0001>

<sc_bundles>
// kernel: _mf.3.cloned.1.call-start
scs
__scs_entry_jumppad:
0x0: {  	(pc) =	sbr.rel $0x88, $3  }
0x1: {  	(tag) =	ssettag $0x0;
	lr =	simm.s32 $0x1  }
0x2: {  	[smem:$0x3F9C] =	sst lr;
	_ =	strace $0xD0000000  }
0x3: {  	_ = 	snop  }
0x4: {  	_ = 	snop  }
0x5: {  	_ = 	snop  }
0x6: {  	_ = 	snop  }
0x7: {  	_ = 	snop  }
__scs_overlays_trampoline_lowered:
0x8: {  	[smem:$0x3FAB] =	sst s0  }
0x9: {  	[smem:$0x3FAC] =	sst s1  }
0xa: {  	[smem:$0x3FAD] =	sst s2  }
0xb: {  	[smem:$0x3FAE] =	sst s3  }
0xc: {  	[smem:$0x3FAF] =	sst s4  }
0xd: {  	[smem:$0x3FB0] =	sst s5  }
0xe: {  	[smem:$0x3FB1] =	sst s6  }
0xf: {  	[smem:$0x3FB2] =	sst s7  }
0x10: {  	[smem:$0x3FB3] =	sst s8  }
0x11: {  	[smem:$0x3FB4] =	sst s9;
	s0 =	simm.s32 @!p0 $0x0  }
0x12: {  	s1 =	sld [smem:$0x3F9A];
	s0 =	simm.s32 @p0 $0x1  }
0x13: {  	[smem:$0x3FB5] =	sst s0;
	s0 =	simm.s32 @!p1 $0x0  }
0x14: {  	s2 =	sld [smem:$0x3F99];
	s0 =	simm.s32 @p1 $0x1  }
0x15: {  	[smem:$0x3FB6] =	sst s0;
	s0 =	simm.s32 @!p2 $0x0  }
0x16: {  	s3 =	sld [smem:$0x3FDB];
	s0 =	simm.s32 @p2 $0x1  }
0x17: {  	s4 =	simm.s32 $0x1BF5;
	[smem:$0x3FB8] =	sst s0  }
0x18: {  	s0 =	sld [smem:$0x3F9B];
	_ =	swait.ge [sflag:s4], $0x0  }
0x19: {  	s7 =	sld [smem:$0x3F9C]  }
0x1a: {  	s8 =	sadd.s32 $0xFFFFE003, lr  }
0x1b: {  	s9 =	sadd.s32 $0xFFFFFEF7, lr;
	s5 =	simm.s32 $0xFFFFFFFF;
	p2 =	slt.u32 s8, $0xFFFFF086  }
0x1c: {  	p1 =	slt.u32 s9, $0xF7A;
	s5 =	simm.s32 @!p2 $0x0  }
0x1d: {  	s5 =	simm.s32 @p1 $0x1;
	p0 =	seq.s32 s7, s2  }
0x1e: {  	s7 =	smul.u32 @!p0 $0xF7A, s2;
	p2 =	seq.s32 @!p0 s5, $0x0  }
0x1f: {  	s9 =	smul.u32 $0xF7A, s1;
	s8 =	simm.s32 @!p0 $0x1BF5;
	p2 =	por !p2, p0  }
0x20: {  	[sflag:s8] =	ssyncset.s32 @!p0 $0xFFFFF086;
	s6 =	sadd.s32 @!p0 s3, s7;
	s7 =	simm.s32 @!p0 $0x108  }
0x21: {  	s3 =	sadd.s32 s3, s9;
	s6 =	sadd.s32 @!p0 $0x88, s6;
	s7 =	simm.s32 @p2 $0x1082  }
0x22: {  	[simem:s7], [sflag:s8] =	dma.local @!p0 [hbm:s6], $0xF7A  }
0x23: {  	s9 =	sor.u32 $0xD0000000, s2;
	s6 =	simm.s32 $0x108;
	_ =	swait.ge @!p0 [sflag:s8], $0x0  }
0x24: {  	s3 =	sadd.s32 $0x88, s3;
	s6 =	simm.s32 @!p1 $0x1082;
	[sflag:s4] =	ssyncset.s32 $0xFFFFF086  }
0x25: {  	[simem:s6], [sflag:s4] =	dma.local [hbm:s3], $0xF7A  }
0x26: {  	[smem:$0x3F9C] =	sst s1;
	(tag) =	ssettag s2;
	_ =	strace s9  }
0x27: {  	s1 =	sld [smem:$0x3FAC]  }
0x28: {  	s2 =	sld [smem:$0x3FAD]  }
0x29: {  	s4 =	sld [smem:$0x3FAF]  }
0x2a: {  	p0 =	seq.s32 s5, $0x0;
	s5 =	sld [smem:$0x3FB0]  }
0x2b: {  	s6 =	sld [smem:$0x3FB1]  }
0x2c: {  	s7 =	sld [smem:$0x3FB2]  }
0x2d: {  	s3 =	simm.s32 $0x108;
	s8 =	sld [smem:$0x3FB3]  }
0x2e: {  	s3 =	simm.s32 @!p0 $0x1082;
	s9 =	sld [smem:$0x3FB4]  }
0x2f: {  	lr =	sadd.s32 s0, s3;
	s0 =	sld [smem:$0x3FAB]  }
0x30: {  	s3 =	sld [smem:$0x3FAE]  }
0x31: {  	[smem:$0x3FB7] =	sst s10  }
0x32: {  	s10 =	sld [smem:$0x3FB5];
	_ =	sdelay $0x3  }
0x33: {  	p0 =	seq.s32 s10, $0x1;
	s10 =	sld [smem:$0x3FB7];
	_ =	sdelay $0x3  }
0x34: {  	[smem:$0x3FB7] =	sst s10  }
0x35: {  	s10 =	sld [smem:$0x3FB6];
	_ =	sdelay $0x3  }
0x36: {  	p1 =	seq.s32 s10, $0x1;
	s10 =	sld [smem:$0x3FB7];
	_ =	sdelay $0x3  }
0x37: {  	[smem:$0x3FB7] =	sst s10  }
0x38: {  	s10 =	sld [smem:$0x3FB8]  }
0x39: {  	_ = 	snop;
	(pc) =	sbr.ind lr, $3  }
0x3a: {  	_ = 	snop  }
0x3b: {  	_ = 	snop  }
0x3c: {  	p2 =	seq.s32 s10, $0x1;
	s10 =	sld [smem:$0x3FB7]  }
0x3d: {  	_ =	shalt  }
0x3e: {  	_ =	shalt  }
0x3f: {  	_ =	shalt  }
0x40: {  	_ =	shalt  }
0x41: {  	_ =	shalt  }
0x42: {  	_ =	shalt  }
0x43: {  	_ =	shalt  }
0x44: {  	_ =	shalt  }
0x45: {  	_ =	shalt  }
0x46: {  	_ =	shalt  }
0x47: {  	_ =	shalt  }
0x48: {  	_ =	shalt  }
0x49: {  	_ =	shalt  }
0x4a: {  	_ =	shalt  }
0x4b: {  	_ =	shalt  }
0x4c: {  	_ =	shalt  }
0x4d: {  	_ =	shalt  }
0x4e: {  	_ =	shalt  }
0x4f: {  	_ =	shalt  }
0x50: {  	_ =	shalt  }
0x51: {  	_ =	shalt  }
0x52: {  	_ =	shalt  }
0x53: {  	_ =	shalt  }
0x54: {  	_ =	shalt  }
0x55: {  	_ =	shalt  }
0x56: {  	_ =	shalt  }
0x57: {  	_ =	shalt  }
0x58: {  	_ =	shalt  }
0x59: {  	_ =	shalt  }
0x5a: {  	_ =	shalt  }
0x5b: {  	_ =	shalt  }
0x5c: {  	_ =	shalt  }
0x5d: {  	_ =	shalt  }
0x5e: {  	_ =	shalt  }
0x5f: {  	_ =	shalt  }
0x60: {  	_ =	shalt  }
0x61: {  	_ =	shalt  }
0x62: {  	_ =	shalt  }
0x63: {  	_ =	shalt  }
0x64: {  	_ =	shalt  }
0x65: {  	_ =	shalt  }
0x66: {  	_ =	shalt  }
0x67: {  	_ =	shalt  }
0x68: {  	_ =	shalt  }
0x69: {  	_ =	shalt  }
0x6a: {  	_ =	shalt  }
0x6b: {  	_ =	shalt  }
0x6c: {  	_ =	shalt  }
0x6d: {  	_ =	shalt  }
0x6e: {  	_ =	shalt  }
0x6f: {  	_ =	shalt  }
0x70: {  	_ =	shalt  }
0x71: {  	_ =	shalt  }
0x72: {  	_ =	shalt  }
0x73: {  	_ =	shalt  }
0x74: {  	_ =	shalt  }
0x75: {  	_ =	shalt  }
0x76: {  	_ =	shalt  }
0x77: {  	_ =	shalt  }
0x78: {  	_ =	shalt  }
0x79: {  	_ =	shalt  }
0x7a: {  	_ =	shalt  }
0x7b: {  	_ =	shalt  }
0x7c: {  	_ =	shalt  }
0x7d: {  	_ =	shalt  }
0x7e: {  	_ =	shalt  }
0x7f: {  	_ =	shalt  }
0x80: {  	_ =	shalt  }
0x81: {  	_ =	shalt  }
0x82: {  	_ =	shalt  }
0x83: {  	_ =	shalt  }
0x84: {  	_ =	shalt  }
0x85: {  	_ =	shalt  }
0x86: {  	_ =	shalt  }
0x87: {  	_ =	shalt  }
.Lfunc_end0:
.L_simem_size_0:
called_computation_lowered:
.L_overlay_start_0:
0x88: {  	s2 =	sld [smem:$0x3FD9]  }
0x89: {  	s3 =	sld [smem:$0x3FFE];
	_ =	sdelay $0x1  }
0x8a: {  	s1 =	srdreg.scid  }
0x8b: {  	s0 =	sand.u32 $0x1, s1  }
0x8c: {  	s15 =	sshll.u32 s0, $0xA;
	s2 =	sadd.s32 s3, s2  }
0x8d: {  	s2 =	sadd.s32 s2, s15  }
0x8e: {  	[smem:$0x3FC3] =	sst s2  }
0x8f: {  	_ = 	snop  }
0x90: {  	s2 =	sld [smem:$0x3FC9]  }
0x91: {  	s16 =	sld [smem:$0x3FC8]  }
0x92: {  	s4 =	sld [smem:$0x3FD0]  }
0x93: {  	s5 =	sld [smem:$0x3FC7]  }
0x94: {  	s6 =	sld [smem:$0x3FC6]  }
0x95: {  	s8 =	simm.s32 $0xA;
	s9 =	simm.s32 $0x10;
	s7 =	sld [smem:$0x3FC5]  }
0x96: {  	[smem:s9], [sflag:s8] =	dma.local [hbm:s4], $0x1  }
0x97: {  	_ =	swait.eq [sflag:s8], $0x1  }
0x98: {  	[sflag:s8] =	ssyncset.done $0x0  }
0x99: {  	s17 =	sld [smem:$0x10];
	[sflag:s8] =	ssyncadd.s32 $0xFFFFFFFF  }
0x9a: {  	s18 =	sld [smem:$0x11];
	(tm) =	ssettm $0x1  }
0x9b: {  	s19 =	sld [smem:$0x3FFB];
	_ =	sdelay $0x3  }
0x9c: {  	_ =	strace s19  }
0x9d: {  	s9 =	sld [smem:$0x3FFC];
	_ =	sdelay $0x3  }
0x9e: {  	_ =	strace s9  }
0x9f: {  	s9 =	sld [smem:$0x3FFD];
	_ =	sdelay $0x3  }
0xa0: {  	_ =	strace s9  }
0xa1: {  	_ =	strace $0x8FFFFFFF  }
0xa2: {  	s20 =	sld [smem:$0x3FDB];
	_ =	sdelay $0x1  }
0xa3: {  	s10 =	simm.s32 $_scs_section_size  }
0xa4: {  	s11 =	simm.s32 $_size__tile_overlayer_lowered;
	s12 =	simm.s32 $_tile_overlayer_lowered  }
0xa5: {  	s23 =	simm.s32 $0x1BFF;
	s22 =	sshll.u32 s12, $0x1;
	s9 =	sadd.s32 s10, s20  }
0xa6: {  	s13 =	simm.s32 $0x0;
	s21 =	sshll.u32 s11, $0x1;
	s11 =	sadd.s32 s22, s9  }
0xa7: {  	[timem:s13], [sflag:s23] =	dma.local [hbm:s11], s21  }
0xa8: {  	_ =	swait.ge [sflag:s23], s21  }
0xa9: {  	s10 =	ssub.s32 $0x0, s21;
	[sflag:s23] =	ssyncset.done $0x0  }
0xaa: {  	[sflag:s23] =	ssyncadd.s32 s10;
	_ =	sdelay $0x1  }
0xab: {  	s24 =	simm.s32 $0x1B8B  }
0xac: {  	_ =	swait.ge [sflag:s24], $0x1  }
0xad: {  	[sflag:s24] =	ssyncset.done $0x0  }
0xae: {  	s25 =	simm.s32 $0x1B8E;
	[sflag:s24] =	ssyncadd.s32 $0xFFFFFFFF  }
0xaf: {  	s26 =	simm.s32 $execute0_lowered;
	[smem:$0x3FD2] =	sst s25  }
0xb0: {  	s10 =	sshll.u32 s26, $0x1;
	_ =	strace $0x80000046;
	[dreg:$0x1] =	wrdreg $0xFFFFFFFF  }
0xb1: {  	s28 =	simm.s32 $_size_execute0_lowered;
	s9 =	sadd.s32 s9, s10;
	[dreg:$0x0] =	wrdreg $0x0  }
0xb2: {  	s10 =	sshll.u32 s28, $0x1;
	[dreg:$0x2] =	wrdreg s9  }
0xb3: {  	[dreg:$0x3] =	wrdreg s10  }
0xb4: {  	[dreg:$0x4] =	wrdreg $0xC0  }
0xb5: {  	_ =	task [dreg:s13], $0x5FFFF  }
0xb6: {  	[dreg:$0x1] =	wrdreg $0xFFFFFFFF  }
0xb7: {  	[dreg:$0x0] =	wrdreg $0x60  }
0xb8: {  	[dreg:$0x2] =	wrdreg s2  }
0xb9: {  	[dreg:$0x3] =	wrdreg s16  }
0xba: {  	[dreg:$0x4] =	wrdreg s5  }
0xbb: {  	[dreg:$0x5] =	wrdreg s6  }
0xbc: {  	[dreg:$0x6] =	wrdreg s7  }
0xbd: {  	[dreg:$0x7] =	wrdreg s17  }
0xbe: {  	[dreg:$0x8] =	wrdreg s18  }
0xbf: {  	[dreg:$0x9] =	wrdreg $0x9  }
0xc0: {  	_ =	task.clear_ibuf [dreg:s13], $0xAFFFF;
	_ =	strace $0x90000046  }
0xc1: {  	s29 =	simm.s32 $0x9;
	_ =	strace $0x80000048  }
0xc2: {  	_ =	swait.ge [sflag:s29], $0x1  }
0xc3: {  	[sflag:s29] =	ssyncadd.s32 $0xFFFFFFFF  }
0xc4: {  	_ =	strace $0x90000048  }
0xc5: {  	_ =	sfence  }
0xc6: {  	s30 =	sld [smem:$0x0];
	_ =	sdelay $0x2  }
0xc7: {  	s31 =	sshll.u32 s1, $0xD;
	s1 =	sshrl.u32 s1, $0x2  }
0xc8: {  	s3 =	sand.u32 $0x4000, s31;
	s1 =	sadd.s32 s1, s30  }
0xc9: {  	s0 =	sor.u32 s3, s0;
	s1 =	sshll.u32 s1, $0x11  }
0xca: {  	s0 =	sor.u32 s1, s0  }
0xcb: {  	s0 =	sadd.s32 $0x8F2B, s0  }
0xcc: {  	[sflag:s0] =	ssyncadd.remote.s32 $0x1  }
0xcd: {  	_ =	sfence.sel $0xFFFF  }
0xce: {  	[dreg:$0x0] =	wrdreg $0xFFFFFFFF;
	(pc) =	sbr.abs _section_cstart, $3  }
0xcf: {  	[dreg:$0x1] =	wrdreg $0xFFFFFFFF  }
0xd0: {  	_ =	task.clear_ibuf [dreg:s13], $0x2FFFF;
	_ =	strace $0x9FFFFFFF  }
0xd1: {  	(tm) =	ssettm $0x7FFFFFFF  }
tec
execute0_lowered:
.L_overlay_start_1:
0x0: {  	(tag) =	ssettag $0x1  }
0x1: {  	v0 =	vlaneseq.u32  }
0x2: {  	v13 =	vimm.s32 $0x14131211;
	v14 =	vimm.s32 $0x18171615;
	vm0 =	vcmask $0x1F10  }
0x3: {  	v18 =	vimm.s32 $0x1C1B1A19;
	v19 =	vimm.s32 $0x1F1E1D;
	v20 =	vimm.s32 $0x15141312  }
0x4: {  	v21 =	vimm.s32 $0x16151413;
	v23 =	vimm.s32 $0x1A191817;
	v24 =	vimm.s32 $0x1D1C1B1A  }
0x5: {  	v46 =	vimm.s32 $0x1001F1E;
	v26 =	vimm.s32 $0x3020100;
	v28 =	vimm.s32 $0x1E1D1C1B  }
0x6: {  	v47 =	vimm.s32 $0x1F1E1D1C;
	v27 =	vimm.s32 $0x17161514;
	v29 =	vimm.s32 $0x1B1A1918  }
0x7: {  	v31 =	vimm.s32 $0x201001F;
	v48 =	vimm.s32 $0x4030201;
	v17 =	vunpack.c.0.s8.s32 v13  }
0x8: {  	v35 =	vunpack.c.0.s8.s32 v14;
	v13 =	vadd.s32 $0xE, v0;
	v14 =	vunpack.c.0.s8.s32 v23  }
0x9: {  	v33 =	vimm.s32 $0x5040302;
	v34 =	vimm.s32 $0x32107654;
	v25 =	vunpack.c.0.s8.s32 v21;
	[tilespmem:$0x1FDB0] =	vst v13  }
0xa: {  	v22 =	vunpack.c.0.s8.s32 v20;
	v20 =	vimm.s32 $0x19181716;
	v13 =	vsel vm0, v35, v17;
	[tilespmem:$0x1FE10] =	vst v14  }
0xb: {  	vm2 =	vcmask $0x2F10;
	v17 =	vunpack.c.0.s8.s32 v20;
	v14 =	vsel vm0, v14, v25;
	[tilespmem:$0x1FDC0] =	vst v13  }
0xc: {  	v38 =	vimm.s32 $0xB0A0908;
	v39 =	vimm.s32 $0x54329876;
	v13 =	vunpack.c.0.s8.s32 v18;
	[tilespmem:$0x1FE20] =	vst v14  }
0xd: {  	vm1 =	vcmask $0x3F30;
	v1 =	vadd.s32 $0xD, v0;
	v30 =	vunpack.c.0.s8.s32 v26;
	[tilespmem:$0x1FDE0] =	vst v17  }
0xe: {  	v32 =	vunpack.c.0.s8.s32 v27;
	v18 =	vunpack.c.0.s8.s32 v29;
	v17 =	vsel vm0, v17, v22;
	[tilespmem:$0x1FDD0] =	vst v13  }
0xf: {  	v14 =	vunpack.c.0.s8.s32 v47;
	v13 =	vunpack.c.0.s8.s32 v19;
	[tilespmem:$0x1FDF0] =	vst v17;
	v19 =	vunpack.c.0.s8.s32 v28  }
0x10: {  	s2 =	rddreg [dreg:$0x0];
	v34 =	vunpack.c.l.s4.s8 v34;
	v39 =	vunpack.c.l.s4.s8 v39;
	v17 =	vunpack.c.0.s8.s32 v24;
	[tilespmem:$0x1FE40] =	vst v18  }
0x11: {  	s3 =	rddreg [dreg:$0x1];
	v30 =	vsel vm0, v30, v14;
	[tilespmem:$0x1FE30] =	vst v19;
	v19 =	vunpack.c.0.s8.s32 v31;
	v31 =	vsel vm0, v18, v32  }
0x12: {  	s5 =	rddreg [dreg:$0x2];
	v34 =	vunpack.c.0.s8.s32 v34;
	[tilespmem:$0x1FE80] =	vst v14;
	v32 =	vunpack.c.0.s8.s32 v48;
	v18 =	vcombine.low v31, v30  }
0x13: {  	s0 =	rddreg [dreg:$0x3];
	v33 =	vunpack.c.0.s8.s32 v33;
	v38 =	vunpack.c.0.s8.s32 v38;
	[tilespmem:$0x1FE00] =	vst v17;
	v17 =	vunpack.c.0.s8.s32 v46  }
0x14: {  	s1 =	rddreg [dreg:$0x4];
	v55 =	vunpack.c.0.s8.s32 v39;
	v34 =	vand.u32 $0xF, v34;
	v30 =	vmovc v1;
	v1 =	vsel vm0, v32, v13;
	[tilespmem:$0x1FE50] =	vst v18  }
0x15: {  	s6 =	rddreg [dreg:$0x5];
	s4 =	simm.s32 $0x0;
	v41 =	vimm.s32 $0xD0C0B0A;
	v34 =	vsel vm2, v34, v14;
	[tilespmem:$0x1FE60] =	vst v1;
	v1 =	vsel vm0, v33, v17  }
0x16: {  	[smem:$0x7FF] =	sst s4;
	v41 =	vunpack.c.0.s8.s32 v41;
	v62 =	vsel vm1, v38, v34;
	v38 =	vand.u32 $0xF, v55;
	[tilespmem:$0x1FE70] =	vst v1  }
0x17: {  	s12 =	rddreg [dreg:$0x6];
	v57 =	vsel vm2, v38, v17;
	_ =	strace $0x80000047;
	[tilespmem:$0x1FE90] =	vst v13  }
0x18: {  	v1 =	vsel vm1, v41, v57;
	[tilespmem:$0x1FEA0] =	vst v17  }
0x19: {  	v2 =	vmul.u32 $0x80, v0;
	[tilespmem:$0x1FEB0] =	vst v1  }
0x1a: {  	[tilespmem:$0x1FEC0] =	vst v19  }
0x1b: {  	v3 =	vadd.s32 $0x1, v0;
	[tilespmem:$0x1FF20] =	vst v2  }
0x1c: {  	v5 =	vadd.s32 $0x3, v0;
	[tilespmem:$0x1FF30] =	vst v3  }
0x1d: {  	v4 =	vadd.s32 $0x2, v0;
	[tilespmem:$0x1FF40] =	vst v5  }
0x1e: {  	v49 =	vimm.s32 $0x6050403;
	v7 =	vadd.s32 $0x5, v0;
	[tilespmem:$0x1FF50] =	vst v4  }
0x1f: {  	v50 =	vimm.s32 $0x76543210;
	v51 =	vimm.s32 $0x43218765;
	v9 =	vadd.s32 $0x7, v0;
	[tilespmem:$0x1FF60] =	vst v7  }
0x20: {  	v52 =	vimm.s32 $0x87654321;
	v54 =	vimm.s32 $0xC0B0A09;
	v8 =	vadd.s32 $0x6, v0;
	[tilespmem:$0x1FF70] =	vst v9  }
0x21: {  	v56 =	vimm.s32 $0x6543A987;
	v59 =	vimm.s32 $0x98765432;
	v6 =	vadd.s32 $0x4, v0;
	[tilespmem:$0x1FF80] =	vst v8  }
0x22: {  	s7 =	srdreg.scid;
	s9 =	stileid.u32;
	s15 =	simm.s32 $0x80;
	v60 =	vimm.s32 $0xA9876543;
	v11 =	vadd.s32 $0x9, v0;
	v39 =	vunpack.c.l.s4.s8 v56;
	[tilespmem:$0x1FFA0] =	vst v6  }
0x23: {  	s17 =	simm.s32 $0x600;
	s18 =	simm.s32 $0x400;
	s19 =	simm.s32 $0x8600;
	v12 =	vadd.s32 $0xA, v0;
	v36 =	vunpack.c.0.s8.s32 v49;
	[tilespmem:$0x1FFB0] =	vst v11  }
0x24: {  	s20 =	simm.s32 $0x500;
	s21 =	simm.s32 $0x10600;
	s22 =	simm.s32 $0x380;
	v37 =	vunpack.c.l.s4.s8 v50;
	v40 =	vunpack.c.l.s4.s8 v52;
	v58 =	vunpack.c.0.s8.s32 v39;
	[tilespmem:$0x1FFC0] =	vst v12  }
0x25: {  	s23 =	simm.s32 $0x4600;
	s24 =	simm.s32 $0x480;
	s25 =	simm.s32 $0xC600;
	v39 =	vunpack.c.l.s4.s8 v59;
	v18 =	vmovc v35;
	v35 =	vunpack.c.l.s4.s8 v51;
	v1 =	vsel vm0, v36, v19;
	[tilespmem:$0x1FFD0] =	vst v62  }
0x26: {  	s26 =	simm.s32 $0x580;
	s28 =	simm.s32 $0x14600;
	s7 =	sand.u32 $0x1, s7;
	v40 =	vunpack.c.0.s8.s32 v40;
	v41 =	vunpack.c.l.s4.s8 v60;
	[tilespmem:$0x1FED0] =	vst v1;
	v1 =	vunpack.c.0.s8.s32 v37  }
0x27: {  	v61 =	vimm.s32 $0xE0D0C0B;
	s9 =	sshll.u32 s9, $0x7;
	s8 =	ssub.s32 $0x2, s7;
	s7 =	sshll.u32 s7, $0x6;
	v39 =	vunpack.c.0.s8.s32 v39;
	[tilespmem:$0x1FF90] =	vst v18;
	v35 =	vunpack.c.0.s8.s32 v35  }
0x28: {  	s30 =	simm.s32 $0x2;
	v43 =	vunpack.c.0.s8.s32 v61;
	s10 =	sshrl.u32 s8, $0x1;
	s13 =	sor.u32 s7, s9;
	v41 =	vunpack.c.0.s8.s32 v41;
	[tilespmem:$0x1FEE0] =	vst v1;
	v1 =	vand.u32 $0xF, v40  }
0x29: {  	s14 =	ssub.s32 s8, s10;
	s7 =	sadd.s32 s2, s13;
	s29 =	sadd.s32 s3, s13;
	v53 =	vand.u32 $0xF, v35;
	v35 =	vunpack.c.0.s8.s32 v54;
	[tilespmem:$0x1FEF0] =	vst v1;
	v1 =	vand.u32 $0xF, v39  }
0x2a: {  	s31 =	sor.u32 $0x20, s13;
	s11 =	sadd.s32 s6, s13;
	s12 =	sadd.s32 s12, s13;
	v38 =	vand.u32 $0xF, v58;
	v34 =	vsel vm2, v53, v13;
	[tilespmem:$0x1FF00] =	vst v1;
	v1 =	vand.u32 $0xF, v41  }
0x2b: {  	s8 =	sadd.s32 s2, s31;
	s9 =	sadd.s32 s3, s31;
	v42 =	vsel vm2, v38, v19;
	[dreg:$0x8] =	wrdreg s7;
	v63 =	vsel vm1, v35, v34;
	[tilespmem:$0x1FF10] =	vst v1  }
0x2c: {  	s10 =	sadd.s32 s5, s31;
	s2 =	simm.s32 $0x0;
	[dreg:$0x9] =	wrdreg s29;
	v1 =	vsel vm1, v43, v42;
	[tilespmem:$0x1FFE0] =	vst v63  }
0x2d: {  	v10 =	vadd.s32 $0x8, v0;
	v15 =	vadd.s32 $0xB, v0;
	v16 =	vadd.s32 $0xC, v0;
	s7 =	sadd.s32 s5, s13;
	s13 =	smax.u32 s14, $0x1;
	s14 =	simm.s32 $0x1;
	[tilespmem:$0x1FFF0] =	vst v1  }
.LBB2_1:
0x2e: {  	s3 =	rddreg [dreg:$0x8]  }
0x2f: {  	[tilespmem:s4], [sflag:$0x1] =	stream.linear.gather [hbm4b:s3+s4], $0x100, $0x38;
	[tilespmem:$0x18A00] =	vst v63  }
0x30: {  	s5 =	rddreg [dreg:$0x9];
	s3 =	simm.s32 $0x100  }
0x31: {  	[tilespmem:s3], [sflag:$0x1] =	stream.linear.gather [hbm4b:s5+s4], $0x100, $0x38;
	[tilespmem:$0x18A00] =	vst v63  }
0x32: {  	s29 =	simm.s32 $0x200  }
0x33: {  	[tilespmem:s29], [sflag:$0x1] =	stream.linear.gather [hbm4b:s7+s4], $0x100, $0x38;
	[tilespmem:$0x18A00] =	vst v63  }
0x34: {  	_ =	swait.ge [sflag:s14], $0x100  }
0x35: {  	[sflag:s14] =	ssyncset.done $0x0  }
0x36: {  	[sflag:s14] =	ssyncadd.s32 $0xFFFFFF00  }
0x37: {  	_ =	swait.ge [sflag:s14], $0x100  }
0x38: {  	[sflag:s14] =	ssyncset.done $0x0  }
0x39: {  	[sflag:s14] =	ssyncadd.s32 $0xFFFFFF00  }
0x3a: {  	_ =	swait.ge [sflag:s14], $0x100  }
0x3b: {  	[sflag:s14] =	ssyncset.done $0x0  }
0x3c: {  	[sflag:s14] =	ssyncadd.s32 $0xFFFFFF00  }
0x3d: {  	v42 =	vld [tilespmem:$0x0]  }
0x3e: {  	v43 =	vld [tilespmem:$0x10]  }
0x3f: {  	v44 =	vld [tilespmem:$0x20]  }
0x40: {  	v45 =	vld [tilespmem:$0x30]  }
0x41: {  	v47 =	vld [tilespmem:$0x40]  }
0x42: {  	v48 =	vld [tilespmem:$0x50]  }
0x43: {  	v50 =	vld [tilespmem:$0x60]  }
0x44: {  	v51 =	vld [tilespmem:$0x70]  }
0x45: {  	v41 =	vld [tilespmem:$0x80]  }
0x46: {  	v53 =	vld [tilespmem:$0x90]  }
0x47: {  	v54 =	vld [tilespmem:$0xA0];
	v46 =	vshrl.u32 v42, $0x2;
	v42 =	vand.u32 $0x1FFF, v42  }
0x48: {  	v56 =	vld [tilespmem:$0xC0];
	v37 =	vshrl.u32 v43, $0x2;
	v43 =	vand.u32 $0x1FFF, v43;
	v49 =	vshrl.u32 v44, $0x2  }
0x49: {  	v21 =	vld [tilespmem:$0xE0];
	v39 =	vshrl.u32 v45, $0x2;
	v44 =	vand.u32 $0x1FFF, v44;
	v45 =	vand.u32 $0x1FFF, v45  }
0x4a: {  	v25 =	vld [tilespmem:$0x110];
	v40 =	vshrl.u32 v47, $0x2;
	v47 =	vand.u32 $0x1FFF, v47;
	v52 =	vshrl.u32 v48, $0x2  }
0x4b: {  	v58 =	vshrl.u32 v50, $0x2;
	v48 =	vand.u32 $0x1FFF, v48;
	v50 =	vand.u32 $0x1FFF, v50  }
0x4c: {  	v59 =	vshrl.u32 v51, $0x2;
	v51 =	vand.u32 $0x1FFF, v51;
	v55 =	vshrl.u32 v41, $0x2  }
0x4d: {  	v60 =	vld [tilespmem:$0xB0];
	v62 =	vshrl.u32 v53, $0x2;
	v53 =	vand.u32 $0x1FFF, v53;
	v63 =	vshrl.u32 v54, $0x2  }
0x4e: {  	v54 =	vand.u32 $0x1FFF, v54;
	v23 =	vshrl.u32 v56, $0x2;
	v56 =	vand.u32 $0x1FFF, v56  }
0x4f: {  	v33 =	vshrl.u32 v21, $0x2;
	v36 =	vand.u32 $0x1FFF, v21;
	v21 =	vshrl.u32 v25, $0x2  }
0x50: {  	v25 =	vand.u32 $0x1FFF, v25;
	v46 =	vand.u32 $0x3FFFE000, v46;
	v38 =	vand.u32 $0x3FFFE000, v49  }
0x51: {  	v49 =	vand.u32 $0x3FFFE000, v39;
	v57 =	vand.u32 $0x3FFFE000, v52;
	v52 =	vand.u32 $0x3FFFE000, v58  }
0x52: {  	v61 =	vand.u32 $0x3FFFE000, v55;
	v55 =	vand.u32 $0x3FFFE000, v62;
	v58 =	vshrl.u32 v60, $0x2  }
0x53: {  	v34 =	vand.u32 $0x3FFFE000, v33;
	v42 =	vor.u32 v42, v46;
	v46 =	vand.u32 $0x3FFFE000, v37  }
0x54: {  	v39 =	vld [tilespmem:$0x130];
	v44 =	vor.u32 v44, v38;
	v45 =	vor.u32 v45, v49;
	v49 =	vand.u32 $0x1FFF, v41  }
0x55: {  	v62 =	vld [tilespmem:$0x140];
	v22 =	vand.u32 $0x3FFFE000, v58;
	v43 =	vor.u32 v43, v46;
	v46 =	vand.u32 $0x3FFFE000, v40  }
0x56: {  	v58 =	vand.u32 $0x3FFFE000, v23;
	v46 =	vor.u32 v47, v46;
	v47 =	vor.u32 v48, v57;
	v57 =	vld [tilespmem:$0xD0]  }
0x57: {  	v23 =	vand.u32 $0x3FFFE000, v21;
	v48 =	vor.u32 v50, v52;
	v50 =	vand.u32 $0x3FFFE000, v59;
	v59 =	vld [tilespmem:$0xF0]  }
0x58: {  	v49 =	vor.u32 v49, v61;
	v52 =	vand.u32 $0x1FFF, v60;
	v60 =	vld [tilespmem:$0x100];
	[tilespmem:$0x310] =	vst v43;
	v43 =	vor.u32 v36, v34  }
0x59: {  	v34 =	vld [tilespmem:$0x170];
	v50 =	vor.u32 v51, v50;
	v51 =	vor.u32 v53, v55;
	v53 =	vand.u32 $0x3FFFE000, v63  }
0x5a: {  	v52 =	vor.u32 v52, v22;
	[tilespmem:$0x340] =	vst v46;
	v46 =	vor.u32 v25, v23;
	v53 =	vor.u32 v54, v53  }
0x5b: {  	[tilespmem:$0x300] =	vst v42;
	v61 =	vld [tilespmem:$0x120];
	v54 =	vor.u32 v56, v58;
	v33 =	vshrl.u32 v39, $0x2;
	v36 =	vshrl.u32 v62, $0x2  }
0x5c: {  	v22 =	vld [tilespmem:$0x150];
	[tilespmem:$0x360] =	vst v48;
	v40 =	vand.u32 $0x1FFF, v62;
	v48 =	vand.u32 $0x3FFFE000, v33;
	v24 =	vshrl.u32 v57, $0x2  }
0x5d: {  	[tilespmem:$0x320] =	vst v44;
	v32 =	vand.u32 $0x1FFF, v57;
	v35 =	vshrl.u32 v59, $0x2;
	v38 =	vand.u32 $0x1FFF, v59  }
0x5e: {  	[tilespmem:$0x330] =	vst v45;
	v59 =	vshrl.u32 v60, $0x2;
	v63 =	vand.u32 $0x1FFF, v60;
	v21 =	vshrl.u32 v34, $0x2  }
0x5f: {  	[tilespmem:$0x380] =	vst v49;
	v62 =	vld [tilespmem:$0x1A0];
	v25 =	vand.u32 $0x1FFF, v34;
	v26 =	vand.u32 $0x3FFFE000, v24;
	v37 =	vand.u32 $0x3FFFE000, v35  }
0x60: {  	[tilespmem:$0x350] =	vst v47;
	v60 =	vld [tilespmem:$0x190];
	v45 =	vand.u32 $0x3FFFE000, v59;
	v24 =	vshrl.u32 v61, $0x2;
	v35 =	vand.u32 $0x1FFF, v39  }
0x61: {  	[tilespmem:$0x3E0] =	vst v43;
	v39 =	vshrl.u32 v22, $0x2;
	v41 =	vand.u32 $0x1FFF, v22;
	v22 =	vld [tilespmem:$0x1B0];
	v23 =	vand.u32 $0x3FFFE000, v21  }
0x62: {  	[tilespmem:$0x370] =	vst v50;
	v59 =	vld [tilespmem:$0x1F0];
	v42 =	vor.u32 v32, v26;
	v44 =	vor.u32 v38, v37;
	v45 =	vor.u32 v63, v45  }
0x63: {  	[tilespmem:$0x390] =	vst v51;
	v47 =	vand.u32 $0x3FFFE000, v24;
	v26 =	vand.u32 $0x1FFF, v61;
	v32 =	vld [tilespmem:$0x160];
	v48 =	vor.u32 v35, v48  }
0x64: {  	[tilespmem:$0x3B0] =	vst v52;
	v37 =	vld [tilespmem:$0x180];
	v38 =	vand.u32 $0x3FFFE000, v36;
	v51 =	vand.u32 $0x3FFFE000, v39;
	v43 =	vor.u32 v25, v23  }
0x65: {  	[tilespmem:$0x410] =	vst v46;
	v57 =	vand.u32 $0x1FFF, v62;
	v49 =	vor.u32 v40, v38;
	v38 =	vshrl.u32 v62, $0x2  }
0x66: {  	[tilespmem:$0x3A0] =	vst v53;
	v35 =	vld [tilespmem:$0x1D0];
	v51 =	vor.u32 v41, v51;
	v41 =	vand.u32 $0x3FFFE000, v38;
	v34 =	vshrl.u32 v60, $0x2  }
0x67: {  	[tilespmem:$0x3C0] =	vst v54;
	v33 =	vld [tilespmem:$0x1C0];
	v47 =	vor.u32 v26, v47;
	v46 =	vor.u32 v57, v41;
	v36 =	vand.u32 $0x3FFFE000, v34  }
0x68: {  	v39 =	vld [tilespmem:$0x1E0];
	[tilespmem:$0x3D0] =	vst v42;
	v54 =	vshrl.u32 v22, $0x2;
	v58 =	vand.u32 $0x1FFF, v22;
	v34 =	vshrl.u32 v59, $0x2  }
0x69: {  	[tilespmem:$0x3F0] =	vst v44;
	v62 =	vld [tilespmem:$0x200];
	v61 =	vshrl.u32 v32, $0x2;
	v63 =	vand.u32 $0x1FFF, v32;
	v24 =	vshrl.u32 v37, $0x2  }
0x6a: {  	[tilespmem:$0x400] =	vst v45;
	v32 =	vand.u32 $0x1FFF, v37;
	v37 =	vand.u32 $0x1FFF, v60;
	v50 =	vand.u32 $0x3FFFE000, v54  }
0x6b: {  	[tilespmem:$0x430] =	vst v48;
	v21 =	vshrl.u32 v35, $0x2;
	v25 =	vand.u32 $0x1FFF, v35;
	v52 =	vand.u32 $0x3FFFE000, v61  }
0x6c: {  	[tilespmem:$0x470] =	vst v43;
	v26 =	vand.u32 $0x3FFFE000, v24;
	v45 =	vor.u32 v37, v36;
	v60 =	vor.u32 v58, v50  }
0x6d: {  	[tilespmem:$0x420] =	vst v47;
	v22 =	vld [tilespmem:$0x210];
	v61 =	vshrl.u32 v33, $0x2;
	v23 =	vand.u32 $0x3FFFE000, v21;
	v24 =	vshrl.u32 v39, $0x2  }
0x6e: {  	[tilespmem:$0x440] =	vst v49;
	v35 =	vld [tilespmem:$0x230];
	v36 =	vand.u32 $0x3FFFE000, v34;
	v37 =	vand.u32 $0x1FFF, v59;
	v38 =	vshrl.u32 v62, $0x2  }
0x6f: {  	[tilespmem:$0x450] =	vst v51;
	v56 =	vand.u32 $0x1FFF, v62;
	v58 =	vld [tilespmem:$0x250];
	v42 =	vor.u32 v63, v52;
	v44 =	vor.u32 v32, v26  }
0x70: {  	[tilespmem:$0x4A0] =	vst v46;
	v21 =	vld [tilespmem:$0x270];
	v48 =	vand.u32 $0x3FFFE000, v61;
	v63 =	vand.u32 $0x1FFF, v33;
	v51 =	vand.u32 $0x3FFFE000, v24  }
0x71: {  	v26 =	vand.u32 $0x1FFF, v39;
	v32 =	vld [tilespmem:$0x220];
	v41 =	vand.u32 $0x3FFFE000, v38;
	v48 =	vor.u32 v63, v48;
	[tilespmem:$0x460] =	vst v42  }
0x72: {  	v39 =	vld [tilespmem:$0x240];
	v42 =	vor.u32 v25, v23;
	v33 =	vor.u32 v26, v51;
	[tilespmem:$0x480] =	vst v44;
	v44 =	vor.u32 v37, v36  }
0x73: {  	[tilespmem:$0x490] =	vst v45;
	v45 =	vor.u32 v56, v41;
	v52 =	vshrl.u32 v22, $0x2;
	v57 =	vand.u32 $0x1FFF, v22  }
0x74: {  	[tilespmem:$0x4B0] =	vst v60;
	v61 =	vld [tilespmem:$0x260];
	v49 =	vand.u32 $0x3FFFE000, v52;
	v63 =	vshrl.u32 v35, $0x2;
	v25 =	vand.u32 $0x1FFF, v35  }
0x75: {  	[tilespmem:$0x4C0] =	vst v48;
	v59 =	vor.u32 v57, v49;
	v23 =	vand.u32 $0x3FFFE000, v63;
	v34 =	vshrl.u32 v58, $0x2  }
0x76: {  	[tilespmem:$0x4D0] =	vst v42;
	v37 =	vand.u32 $0x1FFF, v58;
	v55 =	vshrl.u32 v21, $0x2;
	v57 =	vand.u32 $0x1FFF, v21  }
0x77: {  	[tilespmem:$0x4E0] =	vst v33;
	v35 =	vld [tilespmem:$0x290];
	v60 =	vshrl.u32 v32, $0x2;
	v62 =	vand.u32 $0x1FFF, v32;
	v24 =	vshrl.u32 v39, $0x2  }
0x78: {  	[tilespmem:$0x4F0] =	vst v44;
	v58 =	vld [tilespmem:$0x2B0];
	v26 =	vand.u32 $0x1FFF, v39;
	v43 =	vor.u32 v25, v23;
	v36 =	vand.u32 $0x3FFFE000, v34  }
0x79: {  	[tilespmem:$0x500] =	vst v45;
	v32 =	vld [tilespmem:$0x280];
	v38 =	vshrl.u32 v61, $0x2;
	v56 =	vand.u32 $0x1FFF, v61;
	v47 =	vand.u32 $0x3FFFE000, v60  }
0x7a: {  	v39 =	vld [tilespmem:$0x2A0];
	[tilespmem:$0x510] =	vst v59;
	v48 =	vand.u32 $0x3FFFE000, v24;
	v45 =	vor.u32 v37, v36;
	v54 =	vand.u32 $0x3FFFE000, v38  }
0x7b: {  	v61 =	vld [tilespmem:$0x2C0];
	[tilespmem:$0x530] =	vst v43;
	v22 =	vor.u32 v62, v47;
	v33 =	vor.u32 v26, v48;
	v47 =	vand.u32 $0x3FFFE000, v55  }
0x7c: {  	v42 =	vor.u32 v56, v54;
	[tilespmem:$0x550] =	vst v45;
	v59 =	vor.u32 v57, v47;
	v21 =	vshrl.u32 v35, $0x2  }
0x7d: {  	[tilespmem:$0x520] =	vst v22;
	v25 =	vand.u32 $0x1FFF, v35;
	v23 =	vand.u32 $0x3FFFE000, v21;
	v34 =	vshrl.u32 v58, $0x2  }
0x7e: {  	[tilespmem:$0x540] =	vst v33;
	v22 =	vld [tilespmem:$0x2D0];
	v37 =	vand.u32 $0x1FFF, v58;
	v60 =	vshrl.u32 v32, $0x2;
	v63 =	vand.u32 $0x1FFF, v32  }
0x7f: {  	[tilespmem:$0x560] =	vst v42;
	v35 =	vld [tilespmem:$0x2F0];
	v24 =	vshrl.u32 v39, $0x2;
	v26 =	vand.u32 $0x1FFF, v39;
	v42 =	vor.u32 v25, v23  }
0x80: {  	[tilespmem:$0x570] =	vst v59;
	v32 =	vld [tilespmem:$0x2E0];
	v36 =	vand.u32 $0x3FFFE000, v34;
	v38 =	vshrl.u32 v61, $0x2;
	v53 =	vand.u32 $0x1FFF, v61  }
0x81: {  	v62 =	vand.u32 $0x3FFFE000, v60;
	v46 =	vand.u32 $0x3FFFE000, v24;
	[tilespmem:$0x590] =	vst v42;
	v39 =	vor.u32 v37, v36  }
0x82: {  	v50 =	vand.u32 $0x3FFFE000, v38;
	v44 =	vor.u32 v63, v62;
	v33 =	vor.u32 v26, v46;
	[tilespmem:$0x5B0] =	vst v39  }
0x83: {  	v55 =	vor.u32 v53, v50;
	[tilespmem:$0x580] =	vst v44;
	v52 =	vshrl.u32 v22, $0x2;
	v54 =	vand.u32 $0x1FFF, v22  }
0x84: {  	[tilespmem:$0x5A0] =	vst v33;
	v60 =	vshrl.u32 v35, $0x2;
	v62 =	vand.u32 $0x1FFF, v35;
	v45 =	vand.u32 $0x3FFFE000, v52  }
0x85: {  	[tilespmem:$0x5C0] =	vst v55;
	v61 =	vand.u32 $0x3FFFE000, v60;
	v56 =	vor.u32 v54, v45;
	v57 =	vshrl.u32 v32, $0x2  }
0x86: {  	v59 =	vand.u32 $0x1FFF, v32;
	v63 =	vor.u32 v62, v61;
	v58 =	vand.u32 $0x3FFFE000, v57;
	[tilespmem:$0x5D0] =	vst v56  }
0x87: {  	[tilespmem:$0x5F0] =	vst v63;
	v42 =	vor.u32 v59, v58  }
0x88: {  	s16 =	simm.s32 $0x300;
	[tilespmem:$0x5E0] =	vst v42  }
0x89: {  	[tilespmem:s17], [sflag:$0x1] =	stream.indirect.gather [hbm4b:s0+s15], $0x80, s16, s15, $0xb8;
	[tilespmem:$0x18A00] =	vst v63  }
0x8a: {  	_ = 	snop  }
0x8b: {  	[tilespmem:s19], [sflag:$0x1] =	stream.indirect.gather [hbm4b:s1+s15], $0x80, s18, s15, $0xb8;
	[tilespmem:$0x18A00] =	vst v63  }
0x8c: {  	_ = 	snop  }
0x8d: {  	[tilespmem:s21], [sflag:$0x1] =	stream.indirect.gather [hbm4b:s1+s15], $0x80, s20, s15, $0xb8;
	[tilespmem:$0x18A00] =	vst v63  }
0x8e: {  	_ = 	snop  }
0x8f: {  	[tilespmem:s23], [sflag:$0x1] =	stream.indirect.gather [hbm4b:s0+s15], $0x80, s22, s15, $0xb8;
	[tilespmem:$0x18A00] =	vst v63  }
0x90: {  	_ = 	snop  }
0x91: {  	[tilespmem:s25], [sflag:$0x1] =	stream.indirect.gather [hbm4b:s1+s15], $0x80, s24, s15, $0xb8;
	[tilespmem:$0x18A00] =	vst v63  }
0x92: {  	_ = 	snop  }
0x93: {  	[tilespmem:s28], [sflag:$0x1] =	stream.indirect.gather [hbm4b:s1+s15], $0x80, s26, s15, $0xb8;
	[tilespmem:$0x18A00] =	vst v63  }
0x94: {  	_ =	swait.ge [sflag:s14], $0x4000  }
0x95: {  	[sflag:s14] =	ssyncset.done $0x0  }
0x96: {  	[sflag:s14] =	ssyncadd.s32 $0xFFFFC000  }
0x97: {  	_ =	swait.ge [sflag:s14], $0x4000  }
0x98: {  	[sflag:s14] =	ssyncset.done $0x0  }
0x99: {  	[sflag:s14] =	ssyncadd.s32 $0xFFFFC000  }
0x9a: {  	_ =	swait.ge [sflag:s14], $0x4000  }
0x9b: {  	[sflag:s14] =	ssyncset.done $0x0  }
0x9c: {  	[sflag:s14] =	ssyncadd.s32 $0xFFFFC000  }
0x9d: {  	_ =	swait.ge [sflag:s14], $0x4000  }
0x9e: {  	[sflag:s14] =	ssyncset.done $0x0  }
0x9f: {  	[sflag:s14] =	ssyncadd.s32 $0xFFFFC000  }
0xa0: {  	_ =	swait.ge [sflag:s14], $0x4000  }
0xa1: {  	[sflag:s14] =	ssyncset.done $0x0  }
0xa2: {  	[sflag:s14] =	ssyncadd.s32 $0xFFFFC000  }
0xa3: {  	_ =	swait.ge [sflag:s14], $0x4000  }
0xa4: {  	v28 =	vld [tilespmem:$0x1FDB0]  }
0xa5: {  	v34 =	vld [tilespmem:$0x1FDD0]  }
0xa6: {  	v35 =	vld [tilespmem:$0x1FE00]  }
0xa7: {  	v14 =	vld [tilespmem:$0x1FE30]  }
0xa8: {  	s31 =	simm.s32 $0x18800;
	s6 =	simm.s32 $0x0;
	[sflag:s14] =	ssyncset.done $0x0;
	v40 =	vld [tilespmem:$0x1FE50]  }
0xa9: {  	s5 =	simm.s32 $0x18600;
	s16 =	simm.s32 $0x0;
	v41 =	vld [tilespmem:$0x1FF10];
	[sflag:s14] =	ssyncadd.s32 $0xFFFFC000  }
.LBB2_2:
0xaa: {  	v42 =	vld [tilespmem:s16+$0x0]  }
0xab: {  	v43 =	vld [tilespmem:s3+$0x0]  }
0xac: {  	v44 =	vld [tilespmem:s29+$0x0];
	_ =	sdelay $0x1  }
0xad: {  	v45 =	vmov s6  }
0xae: {  	v45 =	vshll.u32 v45, $0x7;
	v42 =	vshrl.u32 v42, $0x8  }
0xaf: {  	v45 =	vor.u32 v2, v45;
	v43 =	vshrl.u32 v43, $0x8;
	v42 =	vand.u32 $0x60, v42  }
0xb0: {  	v44 =	vshrl.u32 v44, $0x8;
	v43 =	vand.u32 $0x60, v43;
	v56 =	vor.u32 v45, v42  }
0xb1: {  	v24 =	vand.u32 $0x60, v44;
	v55 =	vor.u32 v45, v43;
	v25 =	vor.u32 v0, v56  }
0xb2: {  	v54 =	vor.u32 v45, v24;
	v43 =	vor.u32 v0, v55  }
0xb3: {  	v42 =	vor.u32 v0, v54  }
0xb4: {  	v26 =	vor.u32 v3, v56  }
0xb5: {  	v1 =	vld [tilespmem:$0x1FE90];
	v46 =	vor.u32 v3, v55  }
0xb6: {  	v47 =	vor.u32 v3, v54;
	v44 =	vld.idx.msk [tilespmem:v25+s17+$0x0], $0xffff  }
0xb7: {  	v48 =	vor.u32 v4, v56;
	v43 =	vld.idx.msk [tilespmem:v43+s19+$0x0], $0xffff  }
0xb8: {  	v49 =	vor.u32 v4, v55;
	v42 =	vld.idx.msk [tilespmem:v42+s21+$0x0], $0xffff  }
0xb9: {  	v50 =	vor.u32 v4, v54;
	v45 =	vld.idx.msk [tilespmem:v26+s17+$0x0], $0xffff  }
0xba: {  	v51 =	vor.u32 v5, v56;
	v46 =	vld.idx.msk [tilespmem:v46+s19+$0x0], $0xffff  }
0xbb: {  	v52 =	vor.u32 v5, v55;
	v47 =	vld.idx.msk [tilespmem:v47+s21+$0x0], $0xffff  }
0xbc: {  	v53 =	vor.u32 v5, v54;
	v48 =	vld.idx.msk [tilespmem:v48+s17+$0x0], $0xffff  }
0xbd: {  	v57 =	vor.u32 v6, v56;
	v49 =	vld.idx.msk [tilespmem:v49+s19+$0x0], $0xffff  }
0xbe: {  	v58 =	vor.u32 v6, v55;
	v50 =	vld.idx.msk [tilespmem:v50+s21+$0x0], $0xffff  }
0xbf: {  	v59 =	vor.u32 v6, v54;
	v51 =	vld.idx.msk [tilespmem:v51+s17+$0x0], $0xffff  }
0xc0: {  	v60 =	vor.u32 v7, v56;
	v52 =	vld.idx.msk [tilespmem:v52+s19+$0x0], $0xffff  }
0xc1: {  	v61 =	vor.u32 v7, v55;
	v53 =	vld.idx.msk [tilespmem:v53+s21+$0x0], $0xffff  }
0xc2: {  	v62 =	vor.u32 v7, v54;
	v57 =	vld.idx.msk [tilespmem:v57+s17+$0x0], $0xffff  }
0xc3: {  	v63 =	vor.u32 v8, v56;
	v58 =	vld.idx.msk [tilespmem:v58+s19+$0x0], $0xffff;
	v43 =	vmul.f32 v43, v44  }
0xc4: {  	v13 =	vor.u32 v8, v55;
	v17 =	vor.u32 v8, v54;
	v59 =	vld.idx.msk [tilespmem:v59+s21+$0x0], $0xffff  }
0xc5: {  	v60 =	vld.idx.msk [tilespmem:v60+s17+$0x0], $0xffff;
	v42 =	vmul.f32 v42, v44;
	v46 =	vmul.f32 v46, v45;
	v43 =	vadd.f32 $0.0e+00, v43  }
0xc6: {  	v19 =	vor.u32 v9, v56;
	v20 =	vor.u32 v9, v55;
	v61 =	vld.idx.msk [tilespmem:v61+s19+$0x0], $0xffff;
	v45 =	vmul.f32 v47, v45  }
0xc7: {  	v62 =	vld.idx.msk [tilespmem:v62+s21+$0x0], $0xffff;
	v36 =	vmul.f32 v49, v48;
	v42 =	vadd.f32 $0.0e+00, v42;
	v43 =	vadd.f32 v46, v43  }
0xc8: {  	v22 =	vor.u32 v9, v54;
	v21 =	vor.u32 v10, v56;
	v63 =	vld.idx.msk [tilespmem:v63+s17+$0x0], $0xffff;
	v37 =	vmul.f32 v50, v48  }
0xc9: {  	v13 =	vld.idx.msk [tilespmem:v13+s19+$0x0], $0xffff;
	v38 =	vmul.f32 v52, v51;
	v42 =	vadd.f32 v45, v42;
	v43 =	vadd.f32 v36, v43  }
0xca: {  	v24 =	vor.u32 v10, v54;
	v27 =	vor.u32 v11, v55;
	v17 =	vld.idx.msk [tilespmem:v17+s21+$0x0], $0xffff  }
0xcb: {  	v19 =	vld.idx.msk [tilespmem:v19+s17+$0x0], $0xffff;
	v39 =	vmul.f32 v53, v51;
	v42 =	vadd.f32 v37, v42;
	v43 =	vadd.f32 v38, v43  }
0xcc: {  	v20 =	vld.idx.msk [tilespmem:v20+s19+$0x0], $0xffff;
	v38 =	vmul.f32 v61, v60;
	v60 =	vmul.f32 v62, v60;
	v62 =	vor.u32 v30, v55  }
0xcd: {  	v22 =	vld.idx.msk [tilespmem:v22+s21+$0x0], $0xffff;
	v36 =	vmul.f32 v59, v57;
	v42 =	vadd.f32 v39, v42  }
0xce: {  	v29 =	vor.u32 v12, v56;
	v21 =	vld.idx.msk [tilespmem:v21+s17+$0x0], $0xffff  }
0xcf: {  	v25 =	vor.u32 v10, v55;
	v24 =	vld.idx.msk [tilespmem:v24+s21+$0x0], $0xffff;
	v42 =	vadd.f32 v36, v42  }
0xd0: {  	v32 =	vor.u32 v11, v54;
	v27 =	vld.idx.msk [tilespmem:v27+s19+$0x0], $0xffff  }
0xd1: {  	v44 =	vor.u32 v15, v55;
	v42 =	vadd.f32 v60, v42;
	v60 =	vld.idx.msk [tilespmem:v62+s19+$0x0], $0xffff  }
0xd2: {  	v62 =	vsel vm0, v1, v34;
	v1 =	vld [tilespmem:$0x1FDC0]  }
0xd3: {  	v26 =	vor.u32 v11, v56;
	v29 =	vld.idx.msk [tilespmem:v29+s17+$0x0], $0xffff  }
0xd4: {  	v33 =	vor.u32 v12, v55;
	v25 =	vld.idx.msk [tilespmem:v25+s19+$0x0], $0xffff  }
0xd5: {  	v23 =	vor.u32 v15, v54;
	v50 =	vld.idx.msk [tilespmem:v32+s21+$0x0], $0xffff  }
0xd6: {  	v49 =	vor.u32 v12, v54;
	v32 =	vmul.f32 v58, v57;
	v58 =	vld.idx.msk [tilespmem:v44+s19+$0x0], $0xffff  }
0xd7: {  	v44 =	vcombine.low v1, v62;
	v1 =	vld [tilespmem:$0x1FEA0]  }
0xd8: {  	v26 =	vld.idx.msk [tilespmem:v26+s17+$0x0], $0xffff;
	v48 =	vor.u32 v15, v56  }
0xd9: {  	v47 =	vld.idx.msk [tilespmem:v33+s19+$0x0], $0xffff;
	v33 =	vor.u32 v16, v56  }
0xda: {  	v51 =	vld.idx.msk [tilespmem:v23+s21+$0x0], $0xffff;
	v37 =	vor.u32 v16, v55  }
0xdb: {  	v13 =	vmul.f32 v13, v63;
	v49 =	vld.idx.msk [tilespmem:v49+s21+$0x0], $0xffff;
	v39 =	vor.u32 v16, v54  }
0xdc: {  	v17 =	vmul.f32 v17, v63;
	v43 =	vadd.f32 v32, v43;
	v31 =	vsel vm0, v1, v35;
	v1 =	vld [tilespmem:$0x1FDF0]  }
0xdd: {  	v20 =	vmul.f32 v20, v19;
	v19 =	vmul.f32 v22, v19;
	v48 =	vld.idx.msk [tilespmem:v48+s17+$0x0], $0xffff;
	v61 =	vor.u32 v30, v56  }
0xde: {  	v52 =	vld.idx.msk [tilespmem:v33+s17+$0x0], $0xffff;
	v33 =	vor.u32 v28, v56;
	v43 =	vadd.f32 v38, v43;
	v17 =	vadd.f32 v17, v42  }
0xdf: {  	v25 =	vmul.f32 v25, v21;
	v21 =	vmul.f32 v24, v21;
	v32 =	vor.u32 v30, v54;
	v53 =	vld.idx.msk [tilespmem:v37+s19+$0x0], $0xffff  }
0xe0: {  	v37 =	vor.u32 v28, v54;
	v57 =	vld.idx.msk [tilespmem:v39+s21+$0x0], $0xffff;
	v13 =	vadd.f32 v13, v43;
	v17 =	vadd.f32 v19, v17  }
0xe1: {  	v47 =	vmul.f32 v47, v29;
	v36 =	vor.u32 v28, v55;
	v45 =	vcombine.low v1, v31;
	v1 =	vld [tilespmem:$0x1FEC0]  }
0xe2: {  	v22 =	vld.idx.msk [tilespmem:v61+s17+$0x0], $0xffff;
	v42 =	vadd.s32 $0xF, v0;
	v13 =	vadd.f32 v20, v13;
	v17 =	vadd.f32 v21, v17  }
0xe3: {  	v61 =	vld.idx.msk [tilespmem:v33+s17+$0x0], $0xffff;
	v21 =	vmul.f32 v27, v26;
	v26 =	vmul.f32 v50, v26;
	v50 =	vor.u32 v44, v56  }
0xe4: {  	v29 =	vmul.f32 v49, v29;
	v43 =	vor.u32 $0x10, v0;
	v38 =	vor.u32 v42, v56;
	v19 =	vld.idx.msk [tilespmem:v32+s21+$0x0], $0xffff  }
0xe5: {  	v46 =	vor.u32 v43, v54;
	v13 =	vadd.f32 v25, v13;
	v25 =	vld.idx.msk [tilespmem:v37+s21+$0x0], $0xffff;
	v17 =	vadd.f32 v26, v17  }
0xe6: {  	v37 =	vsel vm0, v1, v14;
	v1 =	vld [tilespmem:$0x1FE20]  }
0xe7: {  	v24 =	vld.idx.msk [tilespmem:v36+s19+$0x0], $0xffff;
	v17 =	vadd.f32 v29, v17;
	v29 =	vmul.f32 v51, v48  }
0xe8: {  	v23 =	vmul.f32 v58, v48;
	v58 =	vld.idx.msk [tilespmem:v50+s17+$0x0], $0xffff;
	v50 =	vor.u32 v40, v55  }
0xe9: {  	v27 =	vld.idx.msk [tilespmem:v38+s17+$0x0], $0xffff;
	v17 =	vadd.f32 v29, v17;
	v29 =	vmul.f32 v53, v52;
	v52 =	vmul.f32 v57, v52  }
0xea: {  	v13 =	vadd.f32 v21, v13;
	v38 =	vld.idx.msk [tilespmem:v46+s21+$0x0], $0xffff;
	v49 =	vor.u32 v45, v55  }
0xeb: {  	v19 =	vmul.f32 v19, v22;
	v17 =	vadd.f32 v52, v17;
	v46 =	vcombine.low v1, v37;
	v1 =	vld [tilespmem:$0x1FE60]  }
0xec: {  	v13 =	vadd.f32 v47, v13;
	v25 =	vmul.f32 v25, v61;
	v33 =	vor.u32 v45, v54  }
0xed: {  	v17 =	vadd.f32 v19, v17;
	v19 =	vmul.f32 v24, v61;
	v61 =	vld.idx.msk [tilespmem:v50+s19+$0x0], $0xffff;
	v51 =	vor.u32 v46, v55  }
0xee: {  	v39 =	vor.u32 v42, v54;
	v50 =	vld [tilespmem:$0x1FED0]  }
0xef: {  	v59 =	vor.u32 v43, v56;
	v13 =	vadd.f32 v23, v13;
	v23 =	vsel vm0, v34, v18;
	v57 =	vld.idx.msk [tilespmem:v49+s19+$0x0], $0xffff  }
0xf0: {  	v49 =	vor.u32 v40, v56;
	v47 =	vcombine.low v23, v1;
	v23 =	vld [tilespmem:$0x1FE10]  }
0xf1: {  	v13 =	vadd.f32 v29, v13;
	v29 =	vld.idx.msk [tilespmem:v33+s21+$0x0], $0xffff  }
0xf2: {  	v33 =	vmul.f32 v60, v22;
	v22 =	vld.idx.msk [tilespmem:v51+s19+$0x0], $0xffff;
	v51 =	vor.u32 v47, v56  }
0xf3: {  	v32 =	vld.idx.msk [tilespmem:v39+s21+$0x0], $0xffff  }
0xf4: {  	v20 =	vor.u32 v42, v55;
	v21 =	vld.idx.msk [tilespmem:v59+s17+$0x0], $0xffff  }
0xf5: {  	v63 =	vor.u32 v43, v55;
	v13 =	vadd.f32 v33, v13;
	v24 =	vld.idx.msk [tilespmem:v49+s17+$0x0], $0xffff;
	v49 =	vsel vm0, v14, v23  }
0xf6: {  	v49 =	vcombine.low v49, v50;
	v50 =	vld [tilespmem:$0x1FE80]  }
0xf7: {  	v36 =	vor.u32 v44, v55;
	v13 =	vadd.f32 v19, v13;
	v19 =	vld.idx.msk [tilespmem:v51+s17+$0x0], $0xffff  }
0xf8: {  	v51 =	vld [tilespmem:$0x1FE40]  }
0xf9: {  	v20 =	vld.idx.msk [tilespmem:v20+s19+$0x0], $0xffff;
	v39 =	vor.u32 v46, v56  }
0xfa: {  	v59 =	vld.idx.msk [tilespmem:v63+s19+$0x0], $0xffff;
	v52 =	vor.u32 v47, v55  }
0xfb: {  	v1 =	vld [tilespmem:$0x1FDE0]  }
0xfc: {  	v36 =	vld.idx.msk [tilespmem:v36+s19+$0x0], $0xffff;
	v63 =	vor.u32 v45, v56  }
0xfd: {  	v50 =	vsel vm0, v50, v51;
	v51 =	vld [tilespmem:$0x1FEE0]  }
0xfe: {  	v26 =	vor.u32 v44, v54;
	v20 =	vmul.f32 v20, v27;
	v60 =	vld.idx.msk [tilespmem:v39+s17+$0x0], $0xffff  }
0xff: {  	v27 =	vmul.f32 v32, v27;
	v17 =	vadd.f32 v25, v17;
	v23 =	vld.idx.msk [tilespmem:v52+s19+$0x0], $0xffff;
	v52 =	vor.u32 v49, v56  }
0x100: {  	v39 =	vor.u32 v40, v54;
	v40 =	vsel vm0, v35, v1;
	v1 =	vld [tilespmem:$0x1FE70]  }
0x101: {  	v17 =	vadd.f32 v27, v17;
	v27 =	vmul.f32 v59, v21;
	v53 =	vld.idx.msk [tilespmem:v63+s17+$0x0], $0xffff  }
0x102: {  	v63 =	vor.u32 v46, v54;
	v13 =	vadd.f32 v20, v13;
	v50 =	vcombine.low v50, v51;
	v51 =	vld [tilespmem:$0x1FEF0]  }
0x103: {  	v26 =	vld.idx.msk [tilespmem:v26+s21+$0x0], $0xffff  }
0x104: {  	v13 =	vadd.f32 v27, v13;
	v20 =	vor.u32 v49, v54;
	v27 =	vld.idx.msk [tilespmem:v52+s17+$0x0], $0xffff  }
0x105: {  	v48 =	vcombine.low v40, v1;
	v40 =	vor.u32 v47, v54;
	v52 =	vld [tilespmem:$0x1FF00]  }
0x106: {  	v21 =	vmul.f32 v38, v21;
	v59 =	vor.u32 v50, v56  }
0x107: {  	v63 =	vld.idx.msk [tilespmem:v63+s21+$0x0], $0xffff;
	v51 =	vcombine.low v62, v51;
	v62 =	vor.u32 v50, v54  }
0x108: {  	v26 =	vmul.f32 v26, v58;
	v17 =	vadd.f32 v21, v17;
	v39 =	vld.idx.msk [tilespmem:v39+s21+$0x0], $0xffff;
	v1 =	vor.u32 v48, v56  }
0x109: {  	v21 =	vmul.f32 v36, v58;
	v33 =	vmov v18;
	v18 =	vor.u32 v48, v55;
	v20 =	vld.idx.msk [tilespmem:v20+s21+$0x0], $0xffff  }
0x10a: {  	v17 =	vadd.f32 v26, v17;
	v25 =	vor.u32 v48, v54;
	v32 =	vld.idx.msk [tilespmem:v40+s21+$0x0], $0xffff;
	v52 =	vcombine.low v31, v52  }
0x10b: {  	v26 =	vmul.f32 v57, v53;
	v13 =	vadd.f32 v21, v13;
	v40 =	vor.u32 v49, v55;
	v21 =	vld.idx.msk [tilespmem:v59+s17+$0x0], $0xffff  }
0x10c: {  	v29 =	vmul.f32 v29, v53;
	v59 =	vld.idx.msk [tilespmem:v62+s21+$0x0], $0xffff;
	v62 =	vor.u32 v52, v55  }
0x10d: {  	v53 =	vcombine.low v37, v41;
	v13 =	vadd.f32 v26, v13;
	v22 =	vmul.f32 v22, v60;
	v1 =	vld.idx.msk [tilespmem:v1+s17+$0x0], $0xffff  }
0x10e: {  	v17 =	vadd.f32 v29, v17;
	v29 =	vmul.f32 v63, v60;
	v18 =	vld.idx.msk [tilespmem:v18+s19+$0x0], $0xffff  }
0x10f: {  	v60 =	vor.u32 v53, v55;
	v13 =	vadd.f32 v22, v13;
	v22 =	vmul.f32 v61, v24;
	v25 =	vld.idx.msk [tilespmem:v25+s21+$0x0], $0xffff  }
0x110: {  	v17 =	vadd.f32 v29, v17;
	v24 =	vmul.f32 v39, v24;
	v36 =	vld.idx.msk [tilespmem:v40+s19+$0x0], $0xffff;
	v40 =	vor.u32 v51, v56  }
0x111: {  	v13 =	vadd.f32 v22, v13;
	v22 =	vmul.f32 v23, v19;
	v31 =	vor.u32 v51, v54;
	v23 =	vld.idx.msk [tilespmem:v62+s19+$0x0], $0xffff  }
0x112: {  	v17 =	vadd.f32 v24, v17;
	v38 =	vor.u32 v50, v55;
	v19 =	vmul.f32 v32, v19;
	v62 =	vld [tilespmem:$0x1FFD0]  }
0x113: {  	v63 =	vld [tilespmem:$0x1FFE0];
	v57 =	vor.u32 v52, v56  }
0x114: {  	v37 =	vor.u32 v52, v54;
	v17 =	vadd.f32 v19, v17;
	v19 =	vld.idx.msk [tilespmem:v60+s19+$0x0], $0xffff  }
0x115: {  	v18 =	vmul.f32 v18, v1;
	v1 =	vmul.f32 v25, v1;
	v58 =	vor.u32 v51, v55;
	v26 =	vld.idx.msk [tilespmem:v40+s17+$0x0], $0xffff  }
0x116: {  	v31 =	vld.idx.msk [tilespmem:v31+s21+$0x0], $0xffff  }
0x117: {  	v38 =	vld.idx.msk [tilespmem:v38+s19+$0x0], $0xffff;
	v1 =	vadd.f32 v1, v17;
	v17 =	vmul.f32 v20, v27;
	v61 =	vor.u32 v62, v56  }
0x118: {  	v29 =	vld.idx.msk [tilespmem:v57+s17+$0x0], $0xffff  }
0x119: {  	v39 =	vor.u32 v53, v54;
	v24 =	vld.idx.msk [tilespmem:v37+s21+$0x0], $0xffff;
	v1 =	vadd.f32 v17, v1;
	v17 =	vmul.f32 v59, v21  }
0x11a: {  	v25 =	vor.u32 v63, v56;
	v40 =	vld.idx.msk [tilespmem:v58+s19+$0x0], $0xffff  }
0x11b: {  	v1 =	vadd.f32 v17, v1;
	v17 =	vmul.f32 v31, v26;
	v31 =	vld [tilespmem:$0x1FFF0]  }
0x11c: {  	v13 =	vadd.f32 v22, v13;
	v58 =	vor.u32 v53, v56;
	v20 =	vld.idx.msk [tilespmem:v61+s17+$0x0], $0xffff  }
0x11d: {  	v60 =	vor.u32 v63, v55;
	v61 =	vld [tilespmem:$0x1FEB0]  }
0x11e: {  	v13 =	vadd.f32 v18, v13;
	v18 =	vmul.f32 v36, v27;
	v36 =	vld.idx.msk [tilespmem:v39+s21+$0x0], $0xffff;
	v27 =	vor.u32 v63, v54  }
0x11f: {  	v25 =	vld.idx.msk [tilespmem:v25+s17+$0x0], $0xffff;
	v32 =	vor.u32 v62, v55  }
0x120: {  	v59 =	vld [tilespmem:$0x1FFF0];
	v37 =	vor.u32 v62, v54  }
0x121: {  	v13 =	vadd.f32 v18, v13;
	v18 =	vmul.f32 v38, v21;
	v22 =	vld.idx.msk [tilespmem:v58+s17+$0x0], $0xffff;
	v31 =	vor.u32 v31, v56  }
0x122: {  	v58 =	vld.idx.msk [tilespmem:v60+s19+$0x0], $0xffff;
	v62 =	vor.u32 v61, v56  }
0x123: {  	v13 =	vadd.f32 v18, v13;
	v18 =	vmul.f32 v40, v26;
	v60 =	vld.idx.msk [tilespmem:v27+s21+$0x0], $0xffff;
	v63 =	vor.u32 v61, v55  }
0x124: {  	v32 =	vld.idx.msk [tilespmem:v32+s19+$0x0], $0xffff;
	v57 =	vor.u32 v61, v54  }
0x125: {  	v13 =	vadd.f32 v18, v13;
	v18 =	vmul.f32 v23, v29;
	v27 =	vor.u32 v59, v55;
	v21 =	vld.idx.msk [tilespmem:v37+s21+$0x0], $0xffff  }
0x126: {  	v1 =	vadd.f32 v17, v1;
	v17 =	vmul.f32 v24, v29;
	v29 =	vor.u32 v59, v54;
	v31 =	vld.idx.msk [tilespmem:v31+s17+$0x0], $0xffff  }
0x127: {  	v13 =	vadd.f32 v18, v13;
	v18 =	vmul.f32 v19, v22;
	v61 =	vld.idx.msk [tilespmem:v62+s17+$0x0], $0xffff  }
0x128: {  	v1 =	vadd.f32 v17, v1;
	v17 =	vmul.f32 v36, v22;
	v19 =	vld.idx.msk [tilespmem:v63+s19+$0x0], $0xffff  }
0x129: {  	v13 =	vadd.f32 v18, v13;
	v18 =	vmul.f32 v32, v20;
	v62 =	vld.idx.msk [tilespmem:v57+s21+$0x0], $0xffff  }
0x12a: {  	v1 =	vadd.f32 v17, v1;
	v17 =	vmul.f32 v21, v20;
	v20 =	vld.idx.msk [tilespmem:v27+s19+$0x0], $0xffff  }
0x12b: {  	v13 =	vadd.f32 v18, v13;
	v18 =	vmul.f32 v58, v25;
	v63 =	vld.idx.msk [tilespmem:v29+s21+$0x0], $0xffff  }
0x12c: {  	v1 =	vadd.f32 v17, v1;
	v17 =	vmul.f32 v60, v25  }
0x12d: {  	v13 =	vadd.f32 v18, v13;
	v18 =	vmul.f32 v19, v61  }
0x12e: {  	v1 =	vadd.f32 v17, v1;
	v17 =	vmul.f32 v62, v61  }
0x12f: {  	p0 =	sne.s32 s6, $0xF0;
	v13 =	vadd.f32 v18, v13;
	v18 =	vmul.f32 v20, v31  }
.Ltmp0:
0x130: {  	v1 =	vadd.f32 v17, v1;
	v17 =	vmul.f32 v63, v31;
	(pc) =	sbr.rel @p0 .LBB2_2-.Ltmp0, $4  }
0x131: {  	v13 =	vadd.f32 v18, v13  }
0x132: {  	v1 =	vadd.f32 v17, v1  }
0x133: {  	s16 =	sadd.s32 $0x10, s16;
	s3 =	sadd.s32 $0x10, s3;
	s29 =	sadd.s32 $0x10, s29;
	[tilespmem:s5+$0x0] =	vst v13  }
0x134: {  	s6 =	sadd.s32 $0x10, s6;
	v40 =	vld [tilespmem:$0x1FE50];
	v18 =	vmov v33;
	s5 =	sadd.s32 $0x10, s5;
	[tilespmem:s31+$0x0] =	vst v1;
	s31 =	sadd.s32 $0x10, s31  }
0x135: {  	s3 =	simm.s32 $0x0  }
0x136: {  	[tilespmem:s3], [sflag:$0x1] =	stream.linear.gather [hbm4b:s8+s3], $0x100, $0x38;
	[tilespmem:$0x18A00] =	vst v63  }
0x137: {  	s29 =	simm.s32 $0x100  }
0x138: {  	[tilespmem:s29], [sflag:$0x1] =	stream.linear.gather [hbm4b:s9+s3], $0x100, $0x38;
	[tilespmem:$0x18A00] =	vst v63  }
0x139: {  	s31 =	simm.s32 $0x200  }
0x13a: {  	[tilespmem:s31], [sflag:$0x1] =	stream.linear.gather [hbm4b:s10+s3], $0x100, $0x38;
	[tilespmem:$0x18A00] =	vst v63  }
0x13b: {  	_ =	swait.ge [sflag:s14], $0x100  }
0x13c: {  	[sflag:s14] =	ssyncset.done $0x0  }
0x13d: {  	[sflag:s14] =	ssyncadd.s32 $0xFFFFFF00  }
0x13e: {  	_ =	swait.ge [sflag:s14], $0x100  }
0x13f: {  	[sflag:s14] =	ssyncset.done $0x0  }
0x140: {  	[sflag:s14] =	ssyncadd.s32 $0xFFFFFF00  }
0x141: {  	_ =	swait.ge [sflag:s14], $0x100  }
0x142: {  	[sflag:s14] =	ssyncset.done $0x0  }
0x143: {  	[sflag:s14] =	ssyncadd.s32 $0xFFFFFF00  }
0x144: {  	v1 =	vld [tilespmem:$0x0]  }
0x145: {  	v17 =	vld [tilespmem:$0x20]  }
0x146: {  	v18 =	vld [tilespmem:$0x30]  }
0x147: {  	v21 =	vld [tilespmem:$0x50]  }
0x148: {  	v23 =	vld [tilespmem:$0x60]  }
0x149: {  	v24 =	vld [tilespmem:$0x70]  }
0x14a: {  	v39 =	vld [tilespmem:$0x80]  }
0x14b: {  	v27 =	vld [tilespmem:$0xA0]  }
0x14c: {  	v56 =	vld [tilespmem:$0xB0];
	v19 =	vshrl.u32 v1, $0x2  }
0x14d: {  	v31 =	vld [tilespmem:$0xC0];
	v1 =	vand.u32 $0x1FFF, v1;
	v22 =	vshrl.u32 v17, $0x2;
	v38 =	vshrl.u32 v18, $0x2  }
0x14e: {  	v17 =	vand.u32 $0x1FFF, v17;
	v18 =	vand.u32 $0x1FFF, v18;
	v25 =	vshrl.u32 v21, $0x2  }
0x14f: {  	v26 =	vld [tilespmem:$0x90];
	v41 =	vshrl.u32 v23, $0x2;
	v21 =	vand.u32 $0x1FFF, v21;
	v23 =	vand.u32 $0x1FFF, v23  }
0x150: {  	v13 =	vld [tilespmem:$0x10];
	v55 =	vshrl.u32 v24, $0x2;
	v24 =	vand.u32 $0x1FFF, v24;
	v29 =	vshrl.u32 v39, $0x2  }
0x151: {  	v58 =	vshrl.u32 v27, $0x2;
	v27 =	vand.u32 $0x1FFF, v27;
	v36 =	vshrl.u32 v56, $0x2  }
0x152: {  	v63 =	vld [tilespmem:$0x130];
	v60 =	vshrl.u32 v31, $0x2;
	v31 =	vand.u32 $0x1FFF, v31;
	v19 =	vand.u32 $0x3FFFE000, v19  }
0x153: {  	v40 =	vand.u32 $0x3FFFE000, v25;
	v25 =	vand.u32 $0x3FFFE000, v41;
	v57 =	vand.u32 $0x3FFFE000, v29  }
0x154: {  	v61 =	vld [tilespmem:$0x110];
	v29 =	vshrl.u32 v26, $0x2;
	v26 =	vand.u32 $0x1FFF, v26;
	v59 =	vand.u32 $0x3FFFE000, v36  }
0x155: {  	v36 =	vand.u32 $0x3FFFE000, v60;
	v1 =	vor.u32 v1, v19;
	v19 =	vshrl.u32 v13, $0x2  }
0x156: {  	v13 =	vand.u32 $0x1FFF, v13;
	v54 =	vor.u32 v23, v25;
	v23 =	vand.u32 $0x3FFFE000, v55  }
0x157: {  	v32 =	vld [tilespmem:$0xD0];
	v29 =	vand.u32 $0x3FFFE000, v29;
	v25 =	vand.u32 $0x1FFF, v56;
	v56 =	vshrl.u32 v63, $0x2  }
0x158: {  	v20 =	vld [tilespmem:$0x40];
	v19 =	vand.u32 $0x3FFFE000, v19;
	v23 =	vor.u32 v24, v23;
	v24 =	vor.u32 v26, v29  }
0x159: {  	v26 =	vand.u32 $0x3FFFE000, v58;
	v25 =	vor.u32 v25, v59;
	[tilespmem:$0x360] =	vst v54;
	v54 =	vand.u32 $0x1FFF, v61  }
0x15a: {  	v37 =	vld [tilespmem:$0xF0];
	v58 =	vand.u32 $0x1FFF, v63;
	v13 =	vor.u32 v13, v19;
	v19 =	vand.u32 $0x3FFFE000, v22  }
0x15b: {  	v55 =	vld [tilespmem:$0x160];
	v22 =	vand.u32 $0x3FFFE000, v38;
	v26 =	vor.u32 v27, v26;
	v27 =	vor.u32 v31, v36  }
0x15c: {  	v29 =	vld [tilespmem:$0xE0];
	v31 =	vshrl.u32 v32, $0x2;
	v17 =	vor.u32 v17, v19;
	v18 =	vor.u32 v18, v22  }
0x15d: {  	v19 =	vshrl.u32 v20, $0x2;
	v20 =	vand.u32 $0x1FFF, v20;
	v22 =	vand.u32 $0x1FFF, v39  }
0x15e: {  	[tilespmem:$0x300] =	vst v1;
	v38 =	vld [tilespmem:$0x100];
	v1 =	vand.u32 $0x3FFFE000, v31;
	v31 =	vand.u32 $0x1FFF, v32;
	v19 =	vand.u32 $0x3FFFE000, v19  }
0x15f: {  	[tilespmem:$0x3B0] =	vst v25;
	v22 =	vor.u32 v22, v57;
	v1 =	vor.u32 v31, v1;
	v31 =	vshrl.u32 v37, $0x2  }
0x160: {  	v35 =	vld [tilespmem:$0x1B0];
	[tilespmem:$0x310] =	vst v13;
	v19 =	vor.u32 v20, v19;
	v20 =	vor.u32 v21, v40;
	v21 =	vand.u32 $0x3FFFE000, v56  }
0x161: {  	v39 =	vld [tilespmem:$0x120];
	[tilespmem:$0x320] =	vst v17;
	v63 =	vshrl.u32 v55, $0x2;
	v34 =	vand.u32 $0x1FFF, v55;
	v62 =	vshrl.u32 v29, $0x2  }
0x162: {  	v59 =	vld [tilespmem:$0x180];
	[tilespmem:$0x330] =	vst v18;
	v17 =	vand.u32 $0x1FFF, v29;
	v29 =	vand.u32 $0x3FFFE000, v31;
	v31 =	vand.u32 $0x1FFF, v37  }
0x163: {  	v40 =	vld [tilespmem:$0x150];
	[tilespmem:$0x3D0] =	vst v1;
	v25 =	vand.u32 $0x3FFFE000, v63;
	v13 =	vand.u32 $0x3FFFE000, v62;
	v18 =	vshrl.u32 v38, $0x2  }
0x164: {  	v56 =	vld [tilespmem:$0x1D0];
	[tilespmem:$0x340] =	vst v19;
	v19 =	vand.u32 $0x1FFF, v38;
	v1 =	vor.u32 v34, v25;
	v13 =	vor.u32 v17, v13  }
0x165: {  	v17 =	vor.u32 v31, v29;
	v29 =	vld [tilespmem:$0x140];
	v18 =	vand.u32 $0x3FFFE000, v18;
	v31 =	vshrl.u32 v61, $0x2  }
0x166: {  	v41 =	vshrl.u32 v39, $0x2;
	v18 =	vor.u32 v19, v18;
	v19 =	vand.u32 $0x3FFFE000, v31  }
0x167: {  	[tilespmem:$0x350] =	vst v20;
	v20 =	vand.u32 $0x3FFFE000, v41;
	v31 =	vand.u32 $0x1FFF, v39;
	v19 =	vor.u32 v54, v19  }
0x168: {  	[tilespmem:$0x390] =	vst v24;
	v57 =	vld [tilespmem:$0x170];
	v20 =	vor.u32 v31, v20;
	v61 =	vshrl.u32 v40, $0x2;
	v54 =	vand.u32 $0x1FFF, v59  }
0x169: {  	v33 =	vld [tilespmem:$0x1A0];
	[tilespmem:$0x460] =	vst v1;
	v1 =	vand.u32 $0x1FFF, v56;
	v24 =	vand.u32 $0x3FFFE000, v61;
	v61 =	vand.u32 $0x1FFF, v35  }
0x16a: {  	[tilespmem:$0x370] =	vst v23;
	v31 =	vshrl.u32 v29, $0x2;
	v62 =	vand.u32 $0x1FFF, v29;
	v29 =	vand.u32 $0x1FFF, v40  }
0x16b: {  	[tilespmem:$0x3A0] =	vst v26;
	v40 =	vshrl.u32 v59, $0x2;
	v59 =	vshrl.u32 v35, $0x2;
	v35 =	vshrl.u32 v56, $0x2;
	v56 =	vld [tilespmem:$0x240]  }
0x16c: {  	[tilespmem:$0x380] =	vst v22;
	v21 =	vor.u32 v58, v21;
	v60 =	vand.u32 $0x3FFFE000, v31;
	v31 =	vld [tilespmem:$0x190]  }
0x16d: {  	[tilespmem:$0x430] =	vst v21;
	v24 =	vor.u32 v29, v24;
	v29 =	vshrl.u32 v57, $0x2;
	v23 =	vand.u32 $0x3FFFE000, v59;
	v59 =	vld [tilespmem:$0x250]  }
0x16e: {  	v58 =	vshrl.u32 v33, $0x2;
	[tilespmem:$0x3E0] =	vst v13;
	v39 =	vand.u32 $0x3FFFE000, v29;
	v29 =	vld [tilespmem:$0x1C0]  }
0x16f: {  	v13 =	vand.u32 $0x1FFF, v57;
	[tilespmem:$0x410] =	vst v19;
	v19 =	vand.u32 $0x3FFFE000, v58;
	v22 =	vor.u32 v62, v60;
	v62 =	vld [tilespmem:$0x1F0]  }
0x170: {  	[tilespmem:$0x3F0] =	vst v17;
	v41 =	vand.u32 $0x3FFFE000, v40;
	v36 =	vand.u32 $0x3FFFE000, v35;
	v60 =	vand.u32 $0x1FFF, v33;
	v33 =	vld [tilespmem:$0x200]  }
0x171: {  	[tilespmem:$0x400] =	vst v18;
	v17 =	vor.u32 v54, v41;
	v63 =	vor.u32 v61, v23;
	v1 =	vor.u32 v1, v36;
	v41 =	vld [tilespmem:$0x230]  }
0x172: {  	[tilespmem:$0x420] =	vst v20;
	v13 =	vor.u32 v13, v39;
	v19 =	vor.u32 v60, v19;
	v39 =	vld [tilespmem:$0x220];
	v55 =	vshrl.u32 v31, $0x2  }
0x173: {  	[tilespmem:$0x450] =	vst v24;
	v61 =	vld [tilespmem:$0x260];
	v35 =	vand.u32 $0x1FFF, v56;
	v57 =	vand.u32 $0x1FFF, v31;
	v18 =	vand.u32 $0x3FFFE000, v55  }
0x174: {  	[tilespmem:$0x440] =	vst v22;
	v32 =	vshrl.u32 v29, $0x2;
	v34 =	vand.u32 $0x1FFF, v29;
	v40 =	vshrl.u32 v62, $0x2  }
0x175: {  	[tilespmem:$0x4A0] =	vst v19;
	v54 =	vand.u32 $0x1FFF, v62;
	v55 =	vshrl.u32 v33, $0x2;
	v19 =	vand.u32 $0x1FFF, v33  }
0x176: {  	[tilespmem:$0x4B0] =	vst v63;
	v31 =	vld [tilespmem:$0x1E0];
	v63 =	vshrl.u32 v41, $0x2;
	v18 =	vor.u32 v57, v18;
	v21 =	vand.u32 $0x3FFFE000, v32  }
0x177: {  	[tilespmem:$0x480] =	vst v17;
	v17 =	vand.u32 $0x3FFFE000, v40;
	v60 =	vshrl.u32 v39, $0x2;
	v62 =	vand.u32 $0x1FFF, v39  }
0x178: {  	[tilespmem:$0x4D0] =	vst v1;
	v29 =	vld [tilespmem:$0x210];
	v33 =	vand.u32 $0x3FFFE000, v63;
	v39 =	vand.u32 $0x1FFF, v59;
	v40 =	vshrl.u32 v61, $0x2  }
0x179: {  	v21 =	vor.u32 v34, v21;
	[tilespmem:$0x490] =	vst v18;
	v17 =	vor.u32 v54, v17;
	v18 =	vand.u32 $0x3FFFE000, v55  }
0x17a: {  	v32 =	vld [tilespmem:$0x270];
	v20 =	vand.u32 $0x3FFFE000, v60;
	v34 =	vshrl.u32 v56, $0x2;
	v18 =	vor.u32 v19, v18;
	[tilespmem:$0x4C0] =	vst v21  }
0x17b: {  	v1 =	vor.u32 v62, v20;
	v21 =	vand.u32 $0x3FFFE000, v34;
	[tilespmem:$0x4F0] =	vst v17;
	v37 =	vshrl.u32 v31, $0x2  }
0x17c: {  	v38 =	vand.u32 $0x1FFF, v31;
	v17 =	vor.u32 v35, v21;
	[tilespmem:$0x520] =	vst v1;
	v1 =	vand.u32 $0x1FFF, v61  }
0x17d: {  	v36 =	vld [tilespmem:$0x280];
	[tilespmem:$0x470] =	vst v13;
	v24 =	vand.u32 $0x3FFFE000, v37;
	v57 =	vshrl.u32 v29, $0x2;
	v58 =	vand.u32 $0x1FFF, v29  }
0x17e: {  	[tilespmem:$0x500] =	vst v18;
	v37 =	vshrl.u32 v59, $0x2;
	v13 =	vor.u32 v38, v24;
	v22 =	vand.u32 $0x3FFFE000, v57;
	v38 =	vld [tilespmem:$0x290]  }
0x17f: {  	v18 =	vand.u32 $0x3FFFE000, v37;
	v54 =	vshrl.u32 v32, $0x2;
	[tilespmem:$0x4E0] =	vst v13;
	v13 =	vand.u32 $0x1FFF, v41;
	v41 =	vld [tilespmem:$0x2A0]  }
0x180: {  	[tilespmem:$0x3C0] =	vst v27;
	v55 =	vand.u32 $0x1FFF, v32;
	v19 =	vor.u32 v58, v22;
	v18 =	vor.u32 v39, v18  }
0x181: {  	v56 =	vld [tilespmem:$0x2B0];
	v20 =	vand.u32 $0x3FFFE000, v54;
	v13 =	vor.u32 v13, v33;
	[tilespmem:$0x510] =	vst v19;
	v19 =	vand.u32 $0x3FFFE000, v40  }
0x182: {  	v59 =	vld [tilespmem:$0x2D0];
	[tilespmem:$0x530] =	vst v13;
	v1 =	vor.u32 v1, v19;
	v13 =	vor.u32 v55, v20;
	v19 =	vshrl.u32 v36, $0x2  }
0x183: {  	[tilespmem:$0x540] =	vst v17;
	v57 =	vld [tilespmem:$0x2C0];
	v17 =	vand.u32 $0x3FFFE000, v19;
	v19 =	vand.u32 $0x1FFF, v36;
	v58 =	vshrl.u32 v38, $0x2  }
0x184: {  	[tilespmem:$0x560] =	vst v1;
	v17 =	vor.u32 v19, v17;
	v1 =	vand.u32 $0x1FFF, v38;
	v19 =	vshrl.u32 v41, $0x2  }
0x185: {  	v61 =	vld [tilespmem:$0x2E0];
	[tilespmem:$0x550] =	vst v18;
	v18 =	vand.u32 $0x3FFFE000, v58;
	v60 =	vand.u32 $0x1FFF, v41;
	v19 =	vand.u32 $0x3FFFE000, v19  }
0x186: {  	[tilespmem:$0x570] =	vst v13;
	v1 =	vor.u32 v1, v18;
	v18 =	vshrl.u32 v56, $0x2;
	v13 =	vor.u32 v60, v19;
	v19 =	vld [tilespmem:$0x2F0]  }
0x187: {  	v63 =	vand.u32 $0x1FFF, v59;
	[tilespmem:$0x580] =	vst v17;
	v17 =	vand.u32 $0x3FFFE000, v18;
	v18 =	vand.u32 $0x1FFF, v56  }
0x188: {  	v62 =	vshrl.u32 v57, $0x2;
	[tilespmem:$0x590] =	vst v1;
	v1 =	vor.u32 v18, v17;
	v18 =	vshrl.u32 v59, $0x2  }
0x189: {  	v17 =	vand.u32 $0x3FFFE000, v62;
	[tilespmem:$0x5A0] =	vst v13;
	v13 =	vand.u32 $0x1FFF, v57;
	v18 =	vand.u32 $0x3FFFE000, v18  }
0x18a: {  	[tilespmem:$0x5B0] =	vst v1;
	v1 =	vor.u32 v13, v17;
	v17 =	vshrl.u32 v61, $0x2;
	v13 =	vor.u32 v63, v18  }
0x18b: {  	[tilespmem:$0x5C0] =	vst v1;
	v1 =	vand.u32 $0x3FFFE000, v17;
	v17 =	vand.u32 $0x1FFF, v61;
	v18 =	vshrl.u32 v19, $0x2  }
0x18c: {  	[tilespmem:$0x5D0] =	vst v13;
	v1 =	vor.u32 v17, v1;
	v17 =	vand.u32 $0x1FFF, v19;
	v13 =	vand.u32 $0x3FFFE000, v18  }
0x18d: {  	[tilespmem:$0x5E0] =	vst v1;
	v1 =	vor.u32 v17, v13  }
0x18e: {  	s5 =	simm.s32 $0x300;
	[tilespmem:$0x5F0] =	vst v1  }
0x18f: {  	[tilespmem:s17], [sflag:$0x1] =	stream.indirect.gather [hbm4b:s0+s15], $0x80, s5, s15, $0xb8;
	[tilespmem:$0x18A00] =	vst v63  }
0x190: {  	_ = 	snop  }
0x191: {  	[tilespmem:s19], [sflag:$0x1] =	stream.indirect.gather [hbm4b:s1+s15], $0x80, s18, s15, $0xb8;
	[tilespmem:$0x18A00] =	vst v63  }
0x192: {  	_ = 	snop  }
0x193: {  	[tilespmem:s21], [sflag:$0x1] =	stream.indirect.gather [hbm4b:s1+s15], $0x80, s20, s15, $0xb8;
	[tilespmem:$0x18A00] =	vst v63  }
0x194: {  	_ = 	snop  }
0x195: {  	[tilespmem:s23], [sflag:$0x1] =	stream.indirect.gather [hbm4b:s0+s15], $0x80, s22, s15, $0xb8;
	[tilespmem:$0x18A00] =	vst v63  }
0x196: {  	_ = 	snop  }
0x197: {  	[tilespmem:s25], [sflag:$0x1] =	stream.indirect.gather [hbm4b:s1+s15], $0x80, s24, s15, $0xb8;
	[tilespmem:$0x18A00] =	vst v63  }
0x198: {  	_ = 	snop  }
0x199: {  	[tilespmem:s28], [sflag:$0x1] =	stream.indirect.gather [hbm4b:s1+s15], $0x80, s26, s15, $0xb8;
	[tilespmem:$0x18A00] =	vst v63  }
0x19a: {  	_ =	swait.ge [sflag:s14], $0x4000  }
0x19b: {  	[sflag:s14] =	ssyncset.done $0x0  }
0x19c: {  	[sflag:s14] =	ssyncadd.s32 $0xFFFFC000  }
0x19d: {  	_ =	swait.ge [sflag:s14], $0x4000  }
0x19e: {  	[sflag:s14] =	ssyncset.done $0x0  }
0x19f: {  	[sflag:s14] =	ssyncadd.s32 $0xFFFFC000  }
0x1a0: {  	_ =	swait.ge [sflag:s14], $0x4000  }
0x1a1: {  	[sflag:s14] =	ssyncset.done $0x0  }
0x1a2: {  	[sflag:s14] =	ssyncadd.s32 $0xFFFFC000  }
0x1a3: {  	_ =	swait.ge [sflag:s14], $0x4000  }
0x1a4: {  	[sflag:s14] =	ssyncset.done $0x0  }
0x1a5: {  	[sflag:s14] =	ssyncadd.s32 $0xFFFFC000  }
0x1a6: {  	_ =	swait.ge [sflag:s14], $0x4000  }
0x1a7: {  	[sflag:s14] =	ssyncset.done $0x0  }
0x1a8: {  	[sflag:s14] =	ssyncadd.s32 $0xFFFFC000  }
0x1a9: {  	_ =	swait.ge [sflag:s14], $0x4000  }
0x1aa: {  	s6 =	simm.s32 $0x18700;
	[sflag:s14] =	ssyncset.done $0x0  }
0x1ab: {  	s16 =	simm.s32 $0x0;
	v41 =	vmov v28;
	s5 =	simm.s32 $0x18900;
	[sflag:s14] =	ssyncadd.s32 $0xFFFFC000  }
.LBB2_4:
0x1ac: {  	v1 =	vld [tilespmem:s3+$0x0]  }
0x1ad: {  	v13 =	vld [tilespmem:s29+$0x0]  }
0x1ae: {  	v17 =	vld [tilespmem:s31+$0x0];
	_ =	sdelay $0x1  }
0x1af: {  	v18 =	vmov s16  }
0x1b0: {  	v18 =	vshll.u32 v18, $0x7;
	v1 =	vshrl.u32 v1, $0x8  }
0x1b1: {  	v18 =	vor.u32 v2, v18;
	v13 =	vshrl.u32 v13, $0x8;
	v1 =	vand.u32 $0x60, v1  }
0x1b2: {  	v17 =	vshrl.u32 v17, $0x8;
	v13 =	vand.u32 $0x60, v13;
	v56 =	vor.u32 v18, v1  }
0x1b3: {  	v1 =	vand.u32 $0x60, v17;
	v55 =	vor.u32 v18, v13;
	v17 =	vor.u32 v0, v56  }
0x1b4: {  	v13 =	vor.u32 v0, v55  }
0x1b5: {  	v54 =	vor.u32 v18, v1;
	v18 =	vor.u32 v3, v56  }
0x1b6: {  	v19 =	vor.u32 v3, v55  }
0x1b7: {  	v21 =	vor.u32 v4, v56  }
0x1b8: {  	v22 =	vor.u32 v4, v55;
	v17 =	vld.idx.msk [tilespmem:v17+s17+$0x0], $0xffff  }
0x1b9: {  	v24 =	vor.u32 v5, v56;
	v13 =	vld.idx.msk [tilespmem:v13+s19+$0x0], $0xffff  }
0x1ba: {  	v25 =	vor.u32 v5, v55;
	v18 =	vld.idx.msk [tilespmem:v18+s17+$0x0], $0xffff  }
0x1bb: {  	v27 =	vor.u32 v6, v56;
	v19 =	vld.idx.msk [tilespmem:v19+s19+$0x0], $0xffff  }
0x1bc: {  	v29 =	vor.u32 v6, v55;
	v21 =	vld.idx.msk [tilespmem:v21+s17+$0x0], $0xffff  }
0x1bd: {  	v32 =	vor.u32 v7, v56;
	v22 =	vld.idx.msk [tilespmem:v22+s19+$0x0], $0xffff  }
0x1be: {  	v36 =	vor.u32 v7, v55;
	v24 =	vld.idx.msk [tilespmem:v24+s17+$0x0], $0xffff  }
0x1bf: {  	v38 =	vor.u32 v8, v56;
	v25 =	vld.idx.msk [tilespmem:v25+s19+$0x0], $0xffff  }
0x1c0: {  	v39 =	vor.u32 v8, v55;
	v27 =	vld.idx.msk [tilespmem:v27+s17+$0x0], $0xffff  }
0x1c1: {  	v57 =	vor.u32 v9, v56;
	v29 =	vld.idx.msk [tilespmem:v29+s19+$0x0], $0xffff  }
0x1c2: {  	v58 =	vor.u32 v9, v55;
	v32 =	vld.idx.msk [tilespmem:v32+s17+$0x0], $0xffff  }
0x1c3: {  	v60 =	vor.u32 v10, v56;
	v36 =	vld.idx.msk [tilespmem:v36+s19+$0x0], $0xffff  }
0x1c4: {  	v61 =	vor.u32 v10, v55;
	v38 =	vld.idx.msk [tilespmem:v38+s17+$0x0], $0xffff  }
0x1c5: {  	v63 =	vor.u32 v11, v56;
	v39 =	vld.idx.msk [tilespmem:v39+s19+$0x0], $0xffff  }
0x1c6: {  	v28 =	vor.u32 v11, v55;
	v57 =	vld.idx.msk [tilespmem:v57+s17+$0x0], $0xffff  }
0x1c7: {  	v2 =	vor.u32 v12, v56;
	v58 =	vld.idx.msk [tilespmem:v58+s19+$0x0], $0xffff  }
0x1c8: {  	v1 =	vor.u32 v0, v54;
	v60 =	vld.idx.msk [tilespmem:v60+s17+$0x0], $0xffff  }
0x1c9: {  	v20 =	vor.u32 v3, v54;
	v61 =	vld.idx.msk [tilespmem:v61+s19+$0x0], $0xffff  }
0x1ca: {  	v23 =	vor.u32 v4, v54;
	v63 =	vld.idx.msk [tilespmem:v63+s17+$0x0], $0xffff  }
0x1cb: {  	v26 =	vor.u32 v5, v54;
	v28 =	vld.idx.msk [tilespmem:v28+s19+$0x0], $0xffff  }
0x1cc: {  	v31 =	vor.u32 v6, v54;
	v2 =	vld.idx.msk [tilespmem:v2+s17+$0x0], $0xffff  }
0x1cd: {  	v37 =	vor.u32 v7, v54;
	v1 =	vld.idx.msk [tilespmem:v1+s21+$0x0], $0xffff  }
0x1ce: {  	v40 =	vor.u32 v8, v54;
	v20 =	vld.idx.msk [tilespmem:v20+s21+$0x0], $0xffff  }
0x1cf: {  	v59 =	vor.u32 v9, v54;
	v23 =	vld.idx.msk [tilespmem:v23+s21+$0x0], $0xffff  }
0x1d0: {  	v62 =	vor.u32 v10, v54;
	v26 =	vld.idx.msk [tilespmem:v26+s21+$0x0], $0xffff  }
0x1d1: {  	v0 =	vor.u32 v11, v54;
	v31 =	vld.idx.msk [tilespmem:v31+s21+$0x0], $0xffff  }
0x1d2: {  	v3 =	vor.u32 v12, v55;
	v37 =	vld.idx.msk [tilespmem:v37+s21+$0x0], $0xffff  }
0x1d3: {  	v4 =	vor.u32 v12, v54;
	v40 =	vld.idx.msk [tilespmem:v40+s21+$0x0], $0xffff  }
0x1d4: {  	v5 =	vor.u32 v15, v56;
	v59 =	vld.idx.msk [tilespmem:v59+s21+$0x0], $0xffff  }
0x1d5: {  	v6 =	vor.u32 v15, v55;
	v62 =	vld.idx.msk [tilespmem:v62+s21+$0x0], $0xffff  }
0x1d6: {  	v7 =	vor.u32 v15, v54;
	v0 =	vld.idx.msk [tilespmem:v0+s21+$0x0], $0xffff  }
0x1d7: {  	v8 =	vor.u32 v16, v56;
	v3 =	vld.idx.msk [tilespmem:v3+s19+$0x0], $0xffff  }
0x1d8: {  	v9 =	vor.u32 v16, v55;
	v4 =	vld.idx.msk [tilespmem:v4+s21+$0x0], $0xffff  }
0x1d9: {  	v35 =	vmov v10;
	v10 =	vor.u32 v16, v54;
	v5 =	vld.idx.msk [tilespmem:v5+s17+$0x0], $0xffff  }
0x1da: {  	v11 =	vor.u32 v30, v56;
	v6 =	vld.idx.msk [tilespmem:v6+s19+$0x0], $0xffff  }
0x1db: {  	v12 =	vor.u32 v30, v55;
	v7 =	vld.idx.msk [tilespmem:v7+s21+$0x0], $0xffff  }
0x1dc: {  	v14 =	vor.u32 v30, v54;
	v8 =	vld.idx.msk [tilespmem:v8+s17+$0x0], $0xffff  }
0x1dd: {  	v34 =	vmov v15;
	v15 =	vor.u32 v41, v56;
	v9 =	vld.idx.msk [tilespmem:v9+s19+$0x0], $0xffff;
	v13 =	vmul.f32 v13, v17  }
0x1de: {  	v33 =	vmovc v30;
	v30 =	vmov v16;
	v16 =	vor.u32 v41, v54;
	v10 =	vld.idx.msk [tilespmem:v10+s21+$0x0], $0xffff;
	v1 =	vmul.f32 v1, v17  }
0x1df: {  	v11 =	vld.idx.msk [tilespmem:v11+s17+$0x0], $0xffff;
	v19 =	vmul.f32 v19, v18;
	v17 =	vor.u32 v41, v55;
	v13 =	vadd.f32 $0.0e+00, v13  }
0x1e0: {  	v12 =	vld.idx.msk [tilespmem:v12+s19+$0x0], $0xffff;
	v18 =	vmul.f32 v20, v18;
	v20 =	vor.u32 v42, v56;
	v1 =	vadd.f32 $0.0e+00, v1  }
0x1e1: {  	v14 =	vld.idx.msk [tilespmem:v14+s21+$0x0], $0xffff;
	v13 =	vadd.f32 v19, v13;
	v19 =	vmul.f32 v22, v21;
	v22 =	vor.u32 v42, v55  }
0x1e2: {  	v15 =	vld.idx.msk [tilespmem:v15+s17+$0x0], $0xffff;
	v1 =	vadd.f32 v18, v1;
	v18 =	vmul.f32 v23, v21;
	v21 =	vor.u32 v42, v54  }
0x1e3: {  	v16 =	vld.idx.msk [tilespmem:v16+s21+$0x0], $0xffff;
	v23 =	vor.u32 v43, v56  }
0x1e4: {  	v13 =	vadd.f32 v19, v13;
	v19 =	vmul.f32 v25, v24;
	v17 =	vld.idx.msk [tilespmem:v17+s19+$0x0], $0xffff;
	v25 =	vor.u32 v43, v54  }
0x1e5: {  	v20 =	vld.idx.msk [tilespmem:v20+s17+$0x0], $0xffff;
	v1 =	vadd.f32 v18, v1;
	v18 =	vmul.f32 v26, v24;
	v24 =	vor.u32 v43, v55  }
0x1e6: {  	v26 =	vor.u32 v44, v56;
	v22 =	vld.idx.msk [tilespmem:v22+s19+$0x0], $0xffff  }
0x1e7: {  	v13 =	vadd.f32 v19, v13;
	v19 =	vmul.f32 v29, v27;
	v21 =	vld.idx.msk [tilespmem:v21+s21+$0x0], $0xffff  }
0x1e8: {  	v29 =	vor.u32 v44, v54;
	v1 =	vadd.f32 v18, v1;
	v18 =	vmul.f32 v31, v27;
	v23 =	vld.idx.msk [tilespmem:v23+s17+$0x0], $0xffff  }
0x1e9: {  	v27 =	vor.u32 v44, v55;
	v13 =	vadd.f32 v19, v13;
	v19 =	vmul.f32 v36, v32;
	v25 =	vld.idx.msk [tilespmem:v25+s21+$0x0], $0xffff  }
0x1ea: {  	v31 =	vor.u32 v45, v56;
	v1 =	vadd.f32 v18, v1;
	v18 =	vmul.f32 v37, v32;
	v24 =	vld.idx.msk [tilespmem:v24+s19+$0x0], $0xffff  }
0x1eb: {  	v13 =	vadd.f32 v19, v13;
	v19 =	vmul.f32 v39, v38;
	v26 =	vld.idx.msk [tilespmem:v26+s17+$0x0], $0xffff  }
0x1ec: {  	v1 =	vadd.f32 v18, v1;
	v18 =	vmul.f32 v40, v38;
	v40 =	vld [tilespmem:$0x1FE50]  }
0x1ed: {  	v32 =	vor.u32 v45, v55;
	v29 =	vld.idx.msk [tilespmem:v29+s21+$0x0], $0xffff;
	v13 =	vadd.f32 v19, v13;
	v19 =	vmul.f32 v58, v57  }
0x1ee: {  	v27 =	vld.idx.msk [tilespmem:v27+s19+$0x0], $0xffff;
	v1 =	vadd.f32 v18, v1;
	v18 =	vmul.f32 v59, v57  }
0x1ef: {  	v36 =	vor.u32 v45, v54;
	v31 =	vld.idx.msk [tilespmem:v31+s17+$0x0], $0xffff;
	v13 =	vadd.f32 v19, v13;
	v19 =	vmul.f32 v61, v60  }
0x1f0: {  	v58 =	vor.u32 v46, v56;
	v57 =	vld [tilespmem:$0x1FEB0];
	v1 =	vadd.f32 v18, v1;
	v18 =	vmul.f32 v62, v60  }
0x1f1: {  	v38 =	vor.u32 v46, v55;
	v62 =	vld [tilespmem:$0x1FFD0];
	v13 =	vadd.f32 v19, v13;
	v19 =	vmul.f32 v28, v63  }
0x1f2: {  	v0 =	vmul.f32 v0, v63;
	v59 =	vor.u32 v46, v54;
	v28 =	vld.idx.msk [tilespmem:v32+s19+$0x0], $0xffff;
	v1 =	vadd.f32 v18, v1  }
0x1f3: {  	v3 =	vmul.f32 v3, v2;
	v32 =	vor.u32 v40, v56;
	v63 =	vld [tilespmem:$0x1FFE0];
	v13 =	vadd.f32 v19, v13  }
0x1f4: {  	v61 =	vor.u32 v40, v55;
	v18 =	vld.idx.msk [tilespmem:v36+s21+$0x0], $0xffff;
	v0 =	vadd.f32 v0, v1;
	v1 =	vmul.f32 v4, v2  }
0x1f5: {  	v6 =	vmul.f32 v6, v5;
	v19 =	vld.idx.msk [tilespmem:v58+s17+$0x0], $0xffff;
	v58 =	vor.u32 v40, v54;
	v3 =	vadd.f32 v3, v13  }
0x1f6: {  	v2 =	vld.idx.msk [tilespmem:v38+s19+$0x0], $0xffff;
	v4 =	vor.u32 v47, v56;
	v0 =	vadd.f32 v1, v0;
	v1 =	vmul.f32 v7, v5  }
0x1f7: {  	v13 =	vld.idx.msk [tilespmem:v59+s21+$0x0], $0xffff;
	v59 =	vor.u32 v47, v55;
	v3 =	vadd.f32 v6, v3;
	v6 =	vmul.f32 v9, v8  }
0x1f8: {  	v5 =	vld.idx.msk [tilespmem:v32+s17+$0x0], $0xffff;
	v7 =	vor.u32 v47, v54;
	v0 =	vadd.f32 v1, v0;
	v1 =	vmul.f32 v10, v8  }
0x1f9: {  	v60 =	vor.u32 v48, v56;
	v9 =	vld.idx.msk [tilespmem:v61+s19+$0x0], $0xffff;
	v3 =	vadd.f32 v6, v3;
	v6 =	vmul.f32 v12, v11  }
0x1fa: {  	v8 =	vld.idx.msk [tilespmem:v58+s21+$0x0], $0xffff;
	v10 =	vor.u32 v48, v55;
	v0 =	vadd.f32 v1, v0;
	v1 =	vmul.f32 v14, v11  }
0x1fb: {  	v61 =	vor.u32 v50, v56;
	v4 =	vld.idx.msk [tilespmem:v4+s17+$0x0], $0xffff;
	v3 =	vadd.f32 v6, v3;
	v6 =	vmul.f32 v17, v15  }
0x1fc: {  	v12 =	vor.u32 v48, v54;
	v11 =	vld.idx.msk [tilespmem:v59+s19+$0x0], $0xffff;
	v0 =	vadd.f32 v1, v0;
	v1 =	vmul.f32 v16, v15  }
0x1fd: {  	v32 =	vor.u32 v50, v55;
	v7 =	vld.idx.msk [tilespmem:v7+s21+$0x0], $0xffff;
	v3 =	vadd.f32 v6, v3;
	v6 =	vmul.f32 v22, v20  }
0x1fe: {  	v14 =	vor.u32 v49, v56;
	v15 =	vld.idx.msk [tilespmem:v60+s17+$0x0], $0xffff;
	v0 =	vadd.f32 v1, v0;
	v1 =	vmul.f32 v21, v20  }
0x1ff: {  	v17 =	vor.u32 v49, v55;
	v10 =	vld.idx.msk [tilespmem:v10+s19+$0x0], $0xffff;
	v3 =	vadd.f32 v6, v3;
	v6 =	vmul.f32 v24, v23  }
0x200: {  	v16 =	vor.u32 v49, v54;
	v22 =	vld.idx.msk [tilespmem:v61+s17+$0x0], $0xffff;
	v0 =	vadd.f32 v1, v0;
	v1 =	vmul.f32 v25, v23  }
0x201: {  	v36 =	vor.u32 v50, v54;
	v12 =	vld.idx.msk [tilespmem:v12+s21+$0x0], $0xffff;
	v3 =	vadd.f32 v6, v3;
	v6 =	vmul.f32 v27, v26  }
0x202: {  	v37 =	vor.u32 v51, v56;
	v20 =	vld.idx.msk [tilespmem:v32+s19+$0x0], $0xffff;
	v0 =	vadd.f32 v1, v0;
	v1 =	vmul.f32 v29, v26  }
0x203: {  	v38 =	vor.u32 v51, v55;
	v14 =	vld.idx.msk [tilespmem:v14+s17+$0x0], $0xffff;
	v3 =	vadd.f32 v6, v3;
	v6 =	vmul.f32 v28, v31  }
0x204: {  	v39 =	vor.u32 v51, v54;
	v17 =	vld.idx.msk [tilespmem:v17+s19+$0x0], $0xffff;
	v0 =	vadd.f32 v1, v0;
	v1 =	vmul.f32 v18, v31  }
0x205: {  	v40 =	vor.u32 v52, v56;
	v2 =	vmul.f32 v2, v19;
	v16 =	vld.idx.msk [tilespmem:v16+s21+$0x0], $0xffff;
	v3 =	vadd.f32 v6, v3  }
0x206: {  	v58 =	vor.u32 v52, v55;
	v18 =	vld.idx.msk [tilespmem:v36+s21+$0x0], $0xffff;
	v0 =	vadd.f32 v1, v0;
	v1 =	vmul.f32 v13, v19  }
0x207: {  	v59 =	vor.u32 v52, v54;
	v6 =	vld.idx.msk [tilespmem:v37+s17+$0x0], $0xffff;
	v2 =	vadd.f32 v2, v3;
	v3 =	vmul.f32 v9, v5  }
0x208: {  	v13 =	vld.idx.msk [tilespmem:v38+s19+$0x0], $0xffff;
	v19 =	vor.u32 v53, v56;
	v0 =	vadd.f32 v1, v0;
	v1 =	vmul.f32 v8, v5  }
0x209: {  	v60 =	vor.u32 v53, v55;
	v9 =	vld.idx.msk [tilespmem:v39+s21+$0x0], $0xffff;
	v2 =	vadd.f32 v3, v2;
	v3 =	vmul.f32 v11, v4  }
0x20a: {  	v5 =	vld.idx.msk [tilespmem:v40+s17+$0x0], $0xffff;
	v8 =	vor.u32 v53, v54;
	v0 =	vadd.f32 v1, v0;
	v1 =	vmul.f32 v7, v4  }
0x20b: {  	v61 =	vor.u32 v62, v56;
	v11 =	vld.idx.msk [tilespmem:v58+s19+$0x0], $0xffff;
	v2 =	vadd.f32 v3, v2;
	v3 =	vmul.f32 v10, v15  }
0x20c: {  	v4 =	vld.idx.msk [tilespmem:v59+s21+$0x0], $0xffff;
	v7 =	vor.u32 v62, v55;
	v0 =	vadd.f32 v1, v0;
	v1 =	vmul.f32 v12, v15  }
0x20d: {  	v10 =	vld.idx.msk [tilespmem:v19+s17+$0x0], $0xffff;
	v2 =	vadd.f32 v3, v2;
	v3 =	vmul.f32 v17, v14;
	v17 =	vor.u32 v63, v55  }
0x20e: {  	v12 =	vld.idx.msk [tilespmem:v60+s19+$0x0], $0xffff;
	v0 =	vadd.f32 v1, v0;
	v1 =	vmul.f32 v16, v14  }
0x20f: {  	v8 =	vld.idx.msk [tilespmem:v8+s21+$0x0], $0xffff;
	v2 =	vadd.f32 v3, v2;
	v3 =	vmul.f32 v20, v22  }
0x210: {  	v19 =	vor.u32 v62, v54;
	v14 =	vld.idx.msk [tilespmem:v61+s17+$0x0], $0xffff;
	v0 =	vadd.f32 v1, v0;
	v1 =	vmul.f32 v18, v22  }
0x211: {  	v15 =	vor.u32 v63, v56;
	v7 =	vld.idx.msk [tilespmem:v7+s19+$0x0], $0xffff;
	v2 =	vadd.f32 v3, v2  }
0x212: {  	v3 =	vmul.f32 v13, v6;
	v0 =	vadd.f32 v1, v0;
	v1 =	vmul.f32 v9, v6;
	v6 =	vld.idx.msk [tilespmem:v17+s19+$0x0], $0xffff  }
0x213: {  	v16 =	vor.u32 v63, v54;
	v9 =	vld [tilespmem:$0x1FFF0]  }
0x214: {  	v63 =	vor.u32 v57, v56;
	v17 =	vld [tilespmem:$0x1FFF0]  }
0x215: {  	v18 =	vld.idx.msk [tilespmem:v19+s21+$0x0], $0xffff;
	v19 =	vor.u32 v57, v55  }
0x216: {  	v13 =	vld.idx.msk [tilespmem:v15+s17+$0x0], $0xffff;
	v15 =	vor.u32 v57, v54;
	v2 =	vadd.f32 v3, v2;
	v3 =	vmul.f32 v11, v5;
	_ =	sdelay $0x1  }
0x217: {  	v11 =	vld.idx.msk [tilespmem:v16+s21+$0x0], $0xffff;
	v2 =	vadd.f32 v3, v2;
	v3 =	vmul.f32 v12, v10;
	v9 =	vor.u32 v9, v56  }
0x218: {  	v0 =	vadd.f32 v1, v0;
	v1 =	vmul.f32 v4, v5;
	v4 =	vld.idx.msk [tilespmem:v63+s17+$0x0], $0xffff;
	v16 =	vor.u32 v17, v55  }
0x219: {  	v12 =	vld.idx.msk [tilespmem:v19+s19+$0x0], $0xffff;
	v5 =	vor.u32 v17, v54;
	v2 =	vadd.f32 v3, v2;
	v3 =	vmul.f32 v7, v14  }
0x21a: {  	v0 =	vadd.f32 v1, v0;
	v1 =	vmul.f32 v8, v10;
	v8 =	vld.idx.msk [tilespmem:v15+s21+$0x0], $0xffff  }
0x21b: {  	v2 =	vadd.f32 v3, v2;
	v3 =	vmul.f32 v6, v13;
	v6 =	vld [tilespmem:$0x1FFA0]  }
0x21c: {  	v7 =	vld.idx.msk [tilespmem:v9+s17+$0x0], $0xffff  }
0x21d: {  	v0 =	vadd.f32 v1, v0;
	v1 =	vmul.f32 v18, v14;
	v9 =	vld.idx.msk [tilespmem:v16+s19+$0x0], $0xffff  }
0x21e: {  	v5 =	vld.idx.msk [tilespmem:v5+s21+$0x0], $0xffff  }
0x21f: {  	v0 =	vadd.f32 v1, v0;
	v1 =	vmul.f32 v11, v13;
	v11 =	vld [tilespmem:$0x1FFB0]  }
0x220: {  	v2 =	vadd.f32 v3, v2;
	v3 =	vmul.f32 v12, v4;
	v12 =	vld [tilespmem:$0x1FFC0]  }
0x221: {  	v0 =	vadd.f32 v1, v0;
	v1 =	vmul.f32 v8, v4;
	v8 =	vld [tilespmem:$0x1FF80]  }
0x222: {  	p0 =	sne.s32 s16, $0xF0;
	v4 =	vld [tilespmem:$0x1FF50];
	v2 =	vadd.f32 v3, v2;
	v3 =	vmul.f32 v9, v7  }
.Ltmp1:
0x223: {  	v0 =	vadd.f32 v1, v0;
	v9 =	vld [tilespmem:$0x1FF70];
	v1 =	vmul.f32 v5, v7;
	(pc) =	sbr.rel @p0 .LBB2_4-.Ltmp1, $4  }
0x224: {  	v7 =	vld [tilespmem:$0x1FF60];
	v2 =	vadd.f32 v3, v2  }
0x225: {  	v5 =	vld [tilespmem:$0x1FF40];
	v0 =	vadd.f32 v1, v0  }
0x226: {  	s3 =	sadd.s32 $0x10, s3;
	s29 =	sadd.s32 $0x10, s29;
	s31 =	sadd.s32 $0x10, s31;
	v3 =	vld [tilespmem:$0x1FF30];
	[tilespmem:s6+$0x0] =	vst v2  }
0x227: {  	s16 =	sadd.s32 $0x10, s16;
	v10 =	vmovc v35;
	v15 =	vmovc v34;
	v16 =	vmov v30;
	v30 =	vmov v33;
	v2 =	vld [tilespmem:$0x1FF20];
	s6 =	sadd.s32 $0x10, s6;
	[tilespmem:s5+$0x0] =	vst v0;
	v0 =	vlaneseq.u32;
	s5 =	sadd.s32 $0x10, s5  }
0x228: {  	s3 =	simm.s32 $0x18600  }
0x229: {  	[hbm4b:s11+s4] =	stream.linear.scatter [tilespmem:s3], [sflag:$0x2], $0x200, $0x38;
	[tilespmem:$0x18A00] =	vst v63  }
0x22a: {  	s2 =	sadd.s32 $0x1, s2;
	_ =	swait.ge [sflag:s30], $0x200  }
0x22b: {  	p0 =	sne.s32 s2, s13;
	[sflag:s30] =	ssyncset.done $0x0  }
.Ltmp2:
0x22c: {  	s31 =	simm.s32 $0x18800;
	[sflag:s30] =	ssyncadd.s32 $0xFFFFFE00;
	(pc) =	sbr.rel @p0 .LBB2_1-.Ltmp2, $4  }
0x22d: {  	[hbm4b:s12+s4] =	stream.linear.scatter [tilespmem:s31], [sflag:$0x2], $0x200, $0x38;
	[tilespmem:$0x18A00] =	vst v63  }
0x22e: {  	_ =	swait.ge [sflag:s30], $0x200  }
0x22f: {  	[sflag:s30] =	ssyncset.done $0x0  }
0x230: {  	v18 =	vld [tilespmem:$0x1FF90];
	[sflag:s30] =	ssyncadd.s32 $0xFFFFFE00  }
0x231: {  	_ =	sfence.sel $0x180000  }
0x232: {  	[bflag:$0x0] =	sbarrier.arrive $0xFFFF  }
0x233: {  	_ =	strace $0x90000047  }
0x234: {  	s0 =	stileid.u32;
	[bflag:$0x2] =	sbarrier.arrive $0xFFFF  }
0x235: {  	p0 =	sne.s32 s0, $0x0;
	s0 =	rddreg [dreg:$0x7]  }
0x236: {  	s0 =	sadd.s32 @!p0 $0x100000, s0  }
0x237: {  	[sflag:s0] =	ssyncadd.tile.s32 @!p0 $0x1;
	_ =	shalt  }
.Lfunc_end2:
_tile_overlayer_lowered:
.L_overlay_start_2:
0x238: {  	(tag) =	ssettag $0x2  }
0x239: {  	s0 =	rddreg [dreg:$0x0];
	s2 =	stileid.u32  }
0x23a: {  	s1 =	rddreg [dreg:$0x1];
	p0 =	sne.s32 s2, $0x0  }
0x23b: {  	s3 =	rddreg [dreg:$0x2];
	[bflag:$0x3] =	sbarrier.arrive $0xFFFF;
	s2 =	simm.s32 @!p0 $0x1C02  }
0x23c: {  	[timem:s3], [sflag:s2] =	dma.local @!p0 [hbm:s0], s1  }
0x23d: {  	s0 =	simm.s32 @!p0 $0x2  }
0x23e: {  	_ =	swait.ge @!p0 [sflag:s0], s1  }
0x23f: {  	s1 =	ssub.s32 @!p0 $0x0, s1;
	[sflag:s0] =	ssyncset.done @!p0 $0x0  }
0x240: {  	[sflag:s0] =	ssyncadd.s32 @!p0 s1  }
0x241: {  	[bflag:$0x3] =	sbarrier.arrive $0xFFFF  }
0x242: {  	_ =	shalt  }

</sc_bundles>
